<compile_context>
chip_gen: v7x
topology: tpu7x:2x2x1
jax: 0.10.2.dev20260603
libtpu: 0.0.44.dev20260713+nightly
codegen_flags: <defaults>
</compile_context>

<pallas_src>
import functools

import jax
import jax.numpy as jnp
from jax import lax
from jax.experimental import pallas as pl
from jax.experimental.pallas import tpu as pltpu
from jax.experimental.pallas import tpu_sc as plsc

_LANES = 16
_NC = 2
_NS = 16
_NW = _NC * _NS
_CHUNK = 128


@functools.lru_cache(maxsize=None)
def _build_sc_kernel(B, D):
    b_per_w = B // _NW
    n_chunks = b_per_w // _CHUNK
    groups_per_chunk = _CHUNK // _LANES
    n_sub = D // _LANES

    mesh = plsc.VectorSubcoreMesh(core_axis_name="c", subcore_axis_name="s")

    @functools.partial(
        pl.kernel,
        out_type=jax.ShapeDtypeStruct((B,), jnp.float32),
        mesh=mesh,
        compiler_params=pltpu.CompilerParams(needs_layout_passes=False,
                                             use_tc_tiling_on_sc=False),
        scratch_types=[
            pltpu.VMEM((n_chunks, _CHUNK), jnp.int32),
            pltpu.VMEM((n_chunks, _CHUNK), jnp.int32),
            pltpu.VMEM((2, _CHUNK, D), jnp.float32),
            pltpu.VMEM((2, _CHUNK, D), jnp.float32),
            pltpu.VMEM((n_chunks, _CHUNK), jnp.float32),
            pltpu.VMEM((n_chunks, _CHUNK), jnp.float32),
            pltpu.VMEM((b_per_w,), jnp.float32),
            pltpu.VMEM((_LANES,), jnp.float32),
            pltpu.SemaphoreType.DMA,
            pltpu.SemaphoreType.DMA,
            pltpu.SemaphoreType.DMA,
            pltpu.SemaphoreType.DMA,
        ],
    )
    def sc_kernel(p1_hbm, p2_hbm, table_hbm, pbias_hbm, bias_hbm, out_hbm,
                  idx1_v, idx2_v, rows1_v, rows2_v, b1_v, b2_v, out_v,
                  bias_v, sem0, sem1, semb, semi):
        wid = lax.axis_index("s") * _NC + lax.axis_index("c")
        base = wid * b_per_w

        idx_copies = []
        for c in range(n_chunks):
            idx_copies.append(
                pltpu.async_copy(p1_hbm.at[pl.ds(base + c * _CHUNK, _CHUNK)],
                                 idx1_v.at[c], semi))
            idx_copies.append(
                pltpu.async_copy(p2_hbm.at[pl.ds(base + c * _CHUNK, _CHUNK)],
                                 idx2_v.at[c], semi))
        pltpu.sync_copy(bias_hbm, bias_v)
        for cp in idx_copies:
            cp.wait()

        sems = [sem0, sem1]

        def fire(c):
            s = sems[c % 2]
            return (pltpu.async_copy(table_hbm.at[idx1_v.at[c]],
                                     rows1_v.at[c % 2], s),
                    pltpu.async_copy(table_hbm.at[idx2_v.at[c]],
                                     rows2_v.at[c % 2], s))

        in_flight = [fire(0), fire(1)]

        bias_copies = []
        for c in range(n_chunks):
            bias_copies.append((pltpu.async_copy(pbias_hbm.at[idx1_v.at[c]],
                                                 b1_v.at[c], semb),
                                pltpu.async_copy(pbias_hbm.at[idx2_v.at[c]],
                                                 b2_v.at[c], semb)))

        for c in range(n_chunks):
            for cp in bias_copies[c]:
                cp.wait()
            for cp in in_flight[0]:
                cp.wait()
            in_flight = in_flight[1:]
            slot = c % 2

            def group_body(g, carry, c=c, slot=slot):
                iota = lax.iota(jnp.int32, _LANES)
                bias_splat = bias_v[...]
                r0 = g * _LANES
                acc = jnp.zeros((_LANES,), jnp.float32)
                for j in range(_LANES):
                    r = r0 + j
                    t = None
                    for q in range(n_sub):
                        a = rows1_v[slot, r, pl.ds(q * _LANES, _LANES)]
                        b = rows2_v[slot, r, pl.ds(q * _LANES, _LANES)]
                        t = a * b if t is None else t + a * b
                    acc = jnp.where(iota == j, jnp.sum(t), acc)
                vb1 = b1_v[c, pl.ds(r0, _LANES)]
                vb2 = b2_v[c, pl.ds(r0, _LANES)]
                x = acc + vb1 + vb2 + bias_splat
                out_v[pl.ds(c * _CHUNK + r0, _LANES)] = (
                    1.0 / (1.0 + jnp.exp(-x)))
                return carry
            lax.fori_loop(0, groups_per_chunk, group_body, 0)

            if c + 2 < n_chunks:
                in_flight.append(fire(c + 2))

        pltpu.sync_copy(out_v, out_hbm.at[pl.ds(base, b_per_w)])

    return sc_kernel


def kernel(product1, product2, product_embedding, product_bias, bias):
    V, D = product_embedding.shape
    sc_kernel = _build_sc_kernel(product1.shape[0], D)
    pbias_flat = jnp.reshape(product_bias, (-1,))
    bias_vec = jnp.broadcast_to(bias, (_LANES,)).astype(jnp.float32)
    return sc_kernel(product1.astype(jnp.int32), product2.astype(jnp.int32),
                     product_embedding, pbias_flat, bias_vec)

# --- scband reference (transcript-rebuilt; emitter-appended) ---
"""Pipeline reference for scband-mfbias-5669356833709 (READ-ONLY COPY).

The authoritative reference and input builder live on the scoring server;
editing this copy changes nothing except your own understanding.
"""

import jax, jax.numpy as jnp
import numpy as np

EMB_SIZE = 100000
EMB_DIM = 64
BATCH = 16384


def setup_inputs(seed: int = 0) -> dict:
    key = jax.random.key(seed)
    k1, k2, k3, k4 = jax.random.split(key, 4)
    product1 = jax.random.randint(k1, (BATCH,), 0, EMB_SIZE, dtype=jnp.int64 if jax.config.jax_enable_x64 else jnp.int32)
    product2 = jax.random.randint(k2, (BATCH,), 0, EMB_SIZE, dtype=jnp.int64 if jax.config.jax_enable_x64 else jnp.int32)
    product_embedding = jax.random.normal(k3, (EMB_SIZE, EMB_DIM), dtype=jnp.float32)
    product_bias = jax.random.normal(k4, (EMB_SIZE, 1), dtype=jnp.float32)
    bias = jnp.ones((1,), dtype=jnp.float32)
    return {
        "product1": product1,
        "product2": product2,
        "product_embedding": product_embedding,
        "product_bias": product_bias,
        "bias": bias,
    }


def reference(product1, product2, product_embedding, product_bias, bias):
    emb_product1 = jnp.take(product_embedding, product1, axis=0)
    emb_product2 = jnp.take(product_embedding, product2, axis=0)
    interaction = jnp.sum(emb_product1 * emb_product2, axis=1).astype(jnp.float32)
    bias_product1 = jnp.take(product_bias, product1, axis=0).squeeze(-1)
    bias_product2 = jnp.take(product_bias, product2, axis=0).squeeze(-1)
    biases = bias + bias_product1 + bias_product2
    prediction = jax.nn.sigmoid(interaction + biases)
    return prediction

if __name__ == "__main__":
    import jax
    _d = setup_inputs()
    print(jax.jit(kernel)(*tuple(_d.values())))

</pallas_src>

<mosaic_0001>
#map = affine_map<(d0, d1) -> (0)>
#map1 = affine_map<(d0, d1) -> (0, 0)>
module attributes {stable_mosaic.version = 14 : i64} {
  func.func @sc_kernel(%arg0: i32, %arg1: i32, %arg2: memref<16384xi32, #tpu.memory_space<hbm>>, %arg3: memref<16384xi32, #tpu.memory_space<hbm>>, %arg4: memref<100000x64xf32, #tpu.memory_space<hbm>>, %arg5: memref<100000xf32, #tpu.memory_space<hbm>>, %arg6: memref<16xf32, #tpu.memory_space<hbm>>, %arg7: memref<16384xf32, #tpu.memory_space<hbm>>, %arg8: memref<4x128xi32, #tpu.memory_space<vmem>>, %arg9: memref<4x128xi32, #tpu.memory_space<vmem>>, %arg10: memref<2x128x64xf32, #tpu.memory_space<vmem>>, %arg11: memref<2x128x64xf32, #tpu.memory_space<vmem>>, %arg12: memref<4x128xf32, #tpu.memory_space<vmem>>, %arg13: memref<4x128xf32, #tpu.memory_space<vmem>>, %arg14: memref<512xf32, #tpu.memory_space<vmem>>, %arg15: memref<16xf32, #tpu.memory_space<vmem>>, %arg16: memref<!tpu.dma_semaphore, #tpu.memory_space<semaphore_mem>>, %arg17: memref<!tpu.dma_semaphore, #tpu.memory_space<semaphore_mem>>, %arg18: memref<!tpu.dma_semaphore, #tpu.memory_space<semaphore_mem>>, %arg19: memref<!tpu.dma_semaphore, #tpu.memory_space<semaphore_mem>>) attributes {dimension_semantics = [#tpu.dimension_semantics<core_parallel>, #tpu.dimension_semantics<subcore_parallel>], iteration_bounds = array<i64: 2, 16>, scalar_prefetch = 0 : i64, scratch_operands = 12 : i64, tpu.core_type = #tpu.core_type<sc_vector_subcore>, window_params = [{transform_indices = #map}, {transform_indices = #map}, {transform_indices = #map1}, {transform_indices = #map}, {transform_indices = #map}, {transform_indices = #map}]} {
    %mul3A = arith.constant 2 : i32
    %mul3A_0 = arith.muli %arg1, %mul3A : i32
    %add3A = arith.addi %mul3A_0, %arg0 : i32
    %mul3A_1 = arith.constant 512 : i32
    %mul3A_2 = arith.muli %add3A, %mul3A_1 : i32
    %add3A_3 = arith.constant 0 : i32
    %add3A_4 = arith.addi %mul3A_2, %add3A_3 : i32
    %dma_start3A = arith.constant 0 : i32
    %dma_start3A_5 = arith.constant 0 : i32
    %dma_start3A_6 = tpu.memref_slice %arg8[%dma_start3A, %dma_start3A_5] : memref<4x128xi32, #tpu.memory_space<vmem>> -> memref<1x128xi32, #tpu.memory_space<vmem>>
    %dma_start3A_7 = tpu.memref_squeeze %dma_start3A_6 : memref<1x128xi32, #tpu.memory_space<vmem>> -> memref<128xi32, #tpu.memory_space<vmem>>
    %dma_start3A_8 = tpu.memref_slice %arg2[%add3A_4] : memref<16384xi32, #tpu.memory_space<hbm>> -> memref<128xi32, #tpu.memory_space<hbm>>
    %dma_start3A_9 = arith.constant 0 : i32
    %dma_start3A_10 = tpu.memref_slice %arg8[%dma_start3A, %dma_start3A_9] : memref<4x128xi32, #tpu.memory_space<vmem>> -> memref<1x128xi32, #tpu.memory_space<vmem>>
    %dma_start3A_11 = tpu.memref_squeeze %dma_start3A_10 : memref<1x128xi32, #tpu.memory_space<vmem>> -> memref<128xi32, #tpu.memory_space<vmem>>
    %dma_start3A_12 = tpu.memref_slice %arg2[%add3A_4] : memref<16384xi32, #tpu.memory_space<hbm>> -> memref<128xi32, #tpu.memory_space<hbm>>
    tpu.enqueue_dma source(%dma_start3A_12 : memref<128xi32, #tpu.memory_space<hbm>>) target(%dma_start3A_11 : memref<128xi32, #tpu.memory_space<vmem>>) target_semaphore(%arg19 : memref<!tpu.dma_semaphore, #tpu.memory_space<semaphore_mem>>)
    %add3A_13 = arith.constant 0 : i32
    %add3A_14 = arith.addi %mul3A_2, %add3A_13 : i32
    %dma_start3A_15 = arith.constant 0 : i32
    %dma_start3A_16 = arith.constant 0 : i32
    %dma_start3A_17 = tpu.memref_slice %arg9[%dma_start3A_15, %dma_start3A_16] : memref<4x128xi32, #tpu.memory_space<vmem>> -> memref<1x128xi32, #tpu.memory_space<vmem>>
    %dma_start3A_18 = tpu.memref_squeeze %dma_start3A_17 : memref<1x128xi32, #tpu.memory_space<vmem>> -> memref<128xi32, #tpu.memory_space<vmem>>
    %dma_start3A_19 = tpu.memref_slice %arg3[%add3A_14] : memref<16384xi32, #tpu.memory_space<hbm>> -> memref<128xi32, #tpu.memory_space<hbm>>
    %dma_start3A_20 = arith.constant 0 : i32
    %dma_start3A_21 = tpu.memref_slice %arg9[%dma_start3A_15, %dma_start3A_20] : memref<4x128xi32, #tpu.memory_space<vmem>> -> memref<1x128xi32, #tpu.memory_space<vmem>>
    %dma_start3A_22 = tpu.memref_squeeze %dma_start3A_21 : memref<1x128xi32, #tpu.memory_space<vmem>> -> memref<128xi32, #tpu.memory_space<vmem>>
    %dma_start3A_23 = tpu.memref_slice %arg3[%add3A_14] : memref<16384xi32, #tpu.memory_space<hbm>> -> memref<128xi32, #tpu.memory_space<hbm>>
    tpu.enqueue_dma source(%dma_start3A_23 : memref<128xi32, #tpu.memory_space<hbm>>) target(%dma_start3A_22 : memref<128xi32, #tpu.memory_space<vmem>>) target_semaphore(%arg19 : memref<!tpu.dma_semaphore, #tpu.memory_space<semaphore_mem>>)
    %add3A_24 = arith.constant 128 : i32
    %add3A_25 = arith.addi %mul3A_2, %add3A_24 : i32
    %dma_start3A_26 = arith.constant 1 : i32
    %dma_start3A_27 = arith.constant 0 : i32
    %dma_start3A_28 = tpu.memref_slice %arg8[%dma_start3A_26, %dma_start3A_27] : memref<4x128xi32, #tpu.memory_space<vmem>> -> memref<1x128xi32, #tpu.memory_space<vmem>>
    %dma_start3A_29 = tpu.memref_squeeze %dma_start3A_28 : memref<1x128xi32, #tpu.memory_space<vmem>> -> memref<128xi32, #tpu.memory_space<vmem>>
    %dma_start3A_30 = tpu.memref_slice %arg2[%add3A_25] : memref<16384xi32, #tpu.memory_space<hbm>> -> memref<128xi32, #tpu.memory_space<hbm>>
    %dma_start3A_31 = arith.constant 0 : i32
    %dma_start3A_32 = tpu.memref_slice %arg8[%dma_start3A_26, %dma_start3A_31] : memref<4x128xi32, #tpu.memory_space<vmem>> -> memref<1x128xi32, #tpu.memory_space<vmem>>
    %dma_start3A_33 = tpu.memref_squeeze %dma_start3A_32 : memref<1x128xi32, #tpu.memory_space<vmem>> -> memref<128xi32, #tpu.memory_space<vmem>>
    %dma_start3A_34 = tpu.memref_slice %arg2[%add3A_25] : memref<16384xi32, #tpu.memory_space<hbm>> -> memref<128xi32, #tpu.memory_space<hbm>>
    tpu.enqueue_dma source(%dma_start3A_34 : memref<128xi32, #tpu.memory_space<hbm>>) target(%dma_start3A_33 : memref<128xi32, #tpu.memory_space<vmem>>) target_semaphore(%arg19 : memref<!tpu.dma_semaphore, #tpu.memory_space<semaphore_mem>>)
    %add3A_35 = arith.constant 128 : i32
    %add3A_36 = arith.addi %mul3A_2, %add3A_35 : i32
    %dma_start3A_37 = arith.constant 1 : i32
    %dma_start3A_38 = arith.constant 0 : i32
    %dma_start3A_39 = tpu.memref_slice %arg9[%dma_start3A_37, %dma_start3A_38] : memref<4x128xi32, #tpu.memory_space<vmem>> -> memref<1x128xi32, #tpu.memory_space<vmem>>
    %dma_start3A_40 = tpu.memref_squeeze %dma_start3A_39 : memref<1x128xi32, #tpu.memory_space<vmem>> -> memref<128xi32, #tpu.memory_space<vmem>>
    %dma_start3A_41 = tpu.memref_slice %arg3[%add3A_36] : memref<16384xi32, #tpu.memory_space<hbm>> -> memref<128xi32, #tpu.memory_space<hbm>>
    %dma_start3A_42 = arith.constant 0 : i32
    %dma_start3A_43 = tpu.memref_slice %arg9[%dma_start3A_37, %dma_start3A_42] : memref<4x128xi32, #tpu.memory_space<vmem>> -> memref<1x128xi32, #tpu.memory_space<vmem>>
    %dma_start3A_44 = tpu.memref_squeeze %dma_start3A_43 : memref<1x128xi32, #tpu.memory_space<vmem>> -> memref<128xi32, #tpu.memory_space<vmem>>
    %dma_start3A_45 = tpu.memref_slice %arg3[%add3A_36] : memref<16384xi32, #tpu.memory_space<hbm>> -> memref<128xi32, #tpu.memory_space<hbm>>
    tpu.enqueue_dma source(%dma_start3A_45 : memref<128xi32, #tpu.memory_space<hbm>>) target(%dma_start3A_44 : memref<128xi32, #tpu.memory_space<vmem>>) target_semaphore(%arg19 : memref<!tpu.dma_semaphore, #tpu.memory_space<semaphore_mem>>)
    %add3A_46 = arith.constant 256 : i32
    %add3A_47 = arith.addi %mul3A_2, %add3A_46 : i32
    %dma_start3A_48 = arith.constant 2 : i32
    %dma_start3A_49 = arith.constant 0 : i32
    %dma_start3A_50 = tpu.memref_slice %arg8[%dma_start3A_48, %dma_start3A_49] : memref<4x128xi32, #tpu.memory_space<vmem>> -> memref<1x128xi32, #tpu.memory_space<vmem>>
    %dma_start3A_51 = tpu.memref_squeeze %dma_start3A_50 : memref<1x128xi32, #tpu.memory_space<vmem>> -> memref<128xi32, #tpu.memory_space<vmem>>
    %dma_start3A_52 = tpu.memref_slice %arg2[%add3A_47] : memref<16384xi32, #tpu.memory_space<hbm>> -> memref<128xi32, #tpu.memory_space<hbm>>
    %dma_start3A_53 = arith.constant 0 : i32
    %dma_start3A_54 = tpu.memref_slice %arg8[%dma_start3A_48, %dma_start3A_53] : memref<4x128xi32, #tpu.memory_space<vmem>> -> memref<1x128xi32, #tpu.memory_space<vmem>>
    %dma_start3A_55 = tpu.memref_squeeze %dma_start3A_54 : memref<1x128xi32, #tpu.memory_space<vmem>> -> memref<128xi32, #tpu.memory_space<vmem>>
    %dma_start3A_56 = tpu.memref_slice %arg2[%add3A_47] : memref<16384xi32, #tpu.memory_space<hbm>> -> memref<128xi32, #tpu.memory_space<hbm>>
    tpu.enqueue_dma source(%dma_start3A_56 : memref<128xi32, #tpu.memory_space<hbm>>) target(%dma_start3A_55 : memref<128xi32, #tpu.memory_space<vmem>>) target_semaphore(%arg19 : memref<!tpu.dma_semaphore, #tpu.memory_space<semaphore_mem>>)
    %add3A_57 = arith.constant 256 : i32
    %add3A_58 = arith.addi %mul3A_2, %add3A_57 : i32
    %dma_start3A_59 = arith.constant 2 : i32
    %dma_start3A_60 = arith.constant 0 : i32
    %dma_start3A_61 = tpu.memref_slice %arg9[%dma_start3A_59, %dma_start3A_60] : memref<4x128xi32, #tpu.memory_space<vmem>> -> memref<1x128xi32, #tpu.memory_space<vmem>>
    %dma_start3A_62 = tpu.memref_squeeze %dma_start3A_61 : memref<1x128xi32, #tpu.memory_space<vmem>> -> memref<128xi32, #tpu.memory_space<vmem>>
    %dma_start3A_63 = tpu.memref_slice %arg3[%add3A_58] : memref<16384xi32, #tpu.memory_space<hbm>> -> memref<128xi32, #tpu.memory_space<hbm>>
    %dma_start3A_64 = arith.constant 0 : i32
    %dma_start3A_65 = tpu.memref_slice %arg9[%dma_start3A_59, %dma_start3A_64] : memref<4x128xi32, #tpu.memory_space<vmem>> -> memref<1x128xi32, #tpu.memory_space<vmem>>
    %dma_start3A_66 = tpu.memref_squeeze %dma_start3A_65 : memref<1x128xi32, #tpu.memory_space<vmem>> -> memref<128xi32, #tpu.memory_space<vmem>>
    %dma_start3A_67 = tpu.memref_slice %arg3[%add3A_58] : memref<16384xi32, #tpu.memory_space<hbm>> -> memref<128xi32, #tpu.memory_space<hbm>>
    tpu.enqueue_dma source(%dma_start3A_67 : memref<128xi32, #tpu.memory_space<hbm>>) target(%dma_start3A_66 : memref<128xi32, #tpu.memory_space<vmem>>) target_semaphore(%arg19 : memref<!tpu.dma_semaphore, #tpu.memory_space<semaphore_mem>>)
    %add3A_68 = arith.constant 384 : i32
    %add3A_69 = arith.addi %mul3A_2, %add3A_68 : i32
    %dma_start3A_70 = arith.constant 3 : i32
    %dma_start3A_71 = arith.constant 0 : i32
    %dma_start3A_72 = tpu.memref_slice %arg8[%dma_start3A_70, %dma_start3A_71] : memref<4x128xi32, #tpu.memory_space<vmem>> -> memref<1x128xi32, #tpu.memory_space<vmem>>
    %dma_start3A_73 = tpu.memref_squeeze %dma_start3A_72 : memref<1x128xi32, #tpu.memory_space<vmem>> -> memref<128xi32, #tpu.memory_space<vmem>>
    %dma_start3A_74 = tpu.memref_slice %arg2[%add3A_69] : memref<16384xi32, #tpu.memory_space<hbm>> -> memref<128xi32, #tpu.memory_space<hbm>>
    %dma_start3A_75 = arith.constant 0 : i32
    %dma_start3A_76 = tpu.memref_slice %arg8[%dma_start3A_70, %dma_start3A_75] : memref<4x128xi32, #tpu.memory_space<vmem>> -> memref<1x128xi32, #tpu.memory_space<vmem>>
    %dma_start3A_77 = tpu.memref_squeeze %dma_start3A_76 : memref<1x128xi32, #tpu.memory_space<vmem>> -> memref<128xi32, #tpu.memory_space<vmem>>
    %dma_start3A_78 = tpu.memref_slice %arg2[%add3A_69] : memref<16384xi32, #tpu.memory_space<hbm>> -> memref<128xi32, #tpu.memory_space<hbm>>
    tpu.enqueue_dma source(%dma_start3A_78 : memref<128xi32, #tpu.memory_space<hbm>>) target(%dma_start3A_77 : memref<128xi32, #tpu.memory_space<vmem>>) target_semaphore(%arg19 : memref<!tpu.dma_semaphore, #tpu.memory_space<semaphore_mem>>)
    %add3A_79 = arith.constant 384 : i32
    %add3A_80 = arith.addi %mul3A_2, %add3A_79 : i32
    %dma_start3A_81 = arith.constant 3 : i32
    %dma_start3A_82 = arith.constant 0 : i32
    %dma_start3A_83 = tpu.memref_slice %arg9[%dma_start3A_81, %dma_start3A_82] : memref<4x128xi32, #tpu.memory_space<vmem>> -> memref<1x128xi32, #tpu.memory_space<vmem>>
    %dma_start3A_84 = tpu.memref_squeeze %dma_start3A_83 : memref<1x128xi32, #tpu.memory_space<vmem>> -> memref<128xi32, #tpu.memory_space<vmem>>
    %dma_start3A_85 = tpu.memref_slice %arg3[%add3A_80] : memref<16384xi32, #tpu.memory_space<hbm>> -> memref<128xi32, #tpu.memory_space<hbm>>
    %dma_start3A_86 = arith.constant 0 : i32
    %dma_start3A_87 = tpu.memref_slice %arg9[%dma_start3A_81, %dma_start3A_86] : memref<4x128xi32, #tpu.memory_space<vmem>> -> memref<1x128xi32, #tpu.memory_space<vmem>>
    %dma_start3A_88 = tpu.memref_squeeze %dma_start3A_87 : memref<1x128xi32, #tpu.memory_space<vmem>> -> memref<128xi32, #tpu.memory_space<vmem>>
    %dma_start3A_89 = tpu.memref_slice %arg3[%add3A_80] : memref<16384xi32, #tpu.memory_space<hbm>> -> memref<128xi32, #tpu.memory_space<hbm>>
    tpu.enqueue_dma source(%dma_start3A_89 : memref<128xi32, #tpu.memory_space<hbm>>) target(%dma_start3A_88 : memref<128xi32, #tpu.memory_space<vmem>>) target_semaphore(%arg19 : memref<!tpu.dma_semaphore, #tpu.memory_space<semaphore_mem>>)
    "tpu.region"() ({
      %run_scoped3A = tpu.sem_alloc : memref<!tpu.dma_semaphore, #tpu.memory_space<semaphore_mem>>
      tpu.enqueue_dma source(%arg6 : memref<16xf32, #tpu.memory_space<hbm>>) target(%arg15 : memref<16xf32, #tpu.memory_space<vmem>>) target_semaphore(%run_scoped3A : memref<!tpu.dma_semaphore, #tpu.memory_space<semaphore_mem>>)
      tpu.wait_dma2 semaphore(%run_scoped3A : memref<!tpu.dma_semaphore, #tpu.memory_space<semaphore_mem>>) src(%arg6 : memref<16xf32, #tpu.memory_space<hbm>>) dst(%arg15 : memref<16xf32, #tpu.memory_space<vmem>>)
      tpu.yield
    }) : () -> ()
    %dma_wait3A = arith.constant 0 : i32
    %dma_wait3A_90 = arith.constant 0 : i32
    %dma_wait3A_91 = tpu.memref_slice %arg8[%dma_wait3A, %dma_wait3A_90] : memref<4x128xi32, #tpu.memory_space<vmem>> -> memref<1x128xi32, #tpu.memory_space<vmem>>
    %dma_wait3A_92 = tpu.memref_squeeze %dma_wait3A_91 : memref<1x128xi32, #tpu.memory_space<vmem>> -> memref<128xi32, #tpu.memory_space<vmem>>
    %dma_wait3A_93 = tpu.memref_slice %arg2[%add3A_4] : memref<16384xi32, #tpu.memory_space<hbm>> -> memref<128xi32, #tpu.memory_space<hbm>>
    %dma_wait3A_94 = arith.constant 0 : i32
    %dma_wait3A_95 = tpu.memref_slice %arg8[%dma_wait3A, %dma_wait3A_94] : memref<4x128xi32, #tpu.memory_space<vmem>> -> memref<1x128xi32, #tpu.memory_space<vmem>>
    %dma_wait3A_96 = tpu.memref_squeeze %dma_wait3A_95 : memref<1x128xi32, #tpu.memory_space<vmem>> -> memref<128xi32, #tpu.memory_space<vmem>>
    %dma_wait3A_97 = tpu.memref_slice %arg2[%add3A_4] : memref<16384xi32, #tpu.memory_space<hbm>> -> memref<128xi32, #tpu.memory_space<hbm>>
    tpu.wait_dma2 semaphore(%arg19 : memref<!tpu.dma_semaphore, #tpu.memory_space<semaphore_mem>>) src(%dma_wait3A_97 : memref<128xi32, #tpu.memory_space<hbm>>) dst(%dma_wait3A_96 : memref<128xi32, #tpu.memory_space<vmem>>)
    %dma_wait3A_98 = arith.constant 0 : i32
    %dma_wait3A_99 = arith.constant 0 : i32
    %dma_wait3A_100 = tpu.memref_slice %arg9[%dma_wait3A_98, %dma_wait3A_99] : memref<4x128xi32, #tpu.memory_space<vmem>> -> memref<1x128xi32, #tpu.memory_space<vmem>>
    %dma_wait3A_101 = tpu.memref_squeeze %dma_wait3A_100 : memref<1x128xi32, #tpu.memory_space<vmem>> -> memref<128xi32, #tpu.memory_space<vmem>>
    %dma_wait3A_102 = tpu.memref_slice %arg3[%add3A_14] : memref<16384xi32, #tpu.memory_space<hbm>> -> memref<128xi32, #tpu.memory_space<hbm>>
    %dma_wait3A_103 = arith.constant 0 : i32
    %dma_wait3A_104 = tpu.memref_slice %arg9[%dma_wait3A_98, %dma_wait3A_103] : memref<4x128xi32, #tpu.memory_space<vmem>> -> memref<1x128xi32, #tpu.memory_space<vmem>>
    %dma_wait3A_105 = tpu.memref_squeeze %dma_wait3A_104 : memref<1x128xi32, #tpu.memory_space<vmem>> -> memref<128xi32, #tpu.memory_space<vmem>>
    %dma_wait3A_106 = tpu.memref_slice %arg3[%add3A_14] : memref<16384xi32, #tpu.memory_space<hbm>> -> memref<128xi32, #tpu.memory_space<hbm>>
    tpu.wait_dma2 semaphore(%arg19 : memref<!tpu.dma_semaphore, #tpu.memory_space<semaphore_mem>>) src(%dma_wait3A_106 : memref<128xi32, #tpu.memory_space<hbm>>) dst(%dma_wait3A_105 : memref<128xi32, #tpu.memory_space<vmem>>)
    %dma_wait3A_107 = arith.constant 1 : i32
    %dma_wait3A_108 = arith.constant 0 : i32
    %dma_wait3A_109 = tpu.memref_slice %arg8[%dma_wait3A_107, %dma_wait3A_108] : memref<4x128xi32, #tpu.memory_space<vmem>> -> memref<1x128xi32, #tpu.memory_space<vmem>>
    %dma_wait3A_110 = tpu.memref_squeeze %dma_wait3A_109 : memref<1x128xi32, #tpu.memory_space<vmem>> -> memref<128xi32, #tpu.memory_space<vmem>>
    %dma_wait3A_111 = tpu.memref_slice %arg2[%add3A_25] : memref<16384xi32, #tpu.memory_space<hbm>> -> memref<128xi32, #tpu.memory_space<hbm>>
    %dma_wait3A_112 = arith.constant 0 : i32
    %dma_wait3A_113 = tpu.memref_slice %arg8[%dma_wait3A_107, %dma_wait3A_112] : memref<4x128xi32, #tpu.memory_space<vmem>> -> memref<1x128xi32, #tpu.memory_space<vmem>>
    %dma_wait3A_114 = tpu.memref_squeeze %dma_wait3A_113 : memref<1x128xi32, #tpu.memory_space<vmem>> -> memref<128xi32, #tpu.memory_space<vmem>>
    %dma_wait3A_115 = tpu.memref_slice %arg2[%add3A_25] : memref<16384xi32, #tpu.memory_space<hbm>> -> memref<128xi32, #tpu.memory_space<hbm>>
    tpu.wait_dma2 semaphore(%arg19 : memref<!tpu.dma_semaphore, #tpu.memory_space<semaphore_mem>>) src(%dma_wait3A_115 : memref<128xi32, #tpu.memory_space<hbm>>) dst(%dma_wait3A_114 : memref<128xi32, #tpu.memory_space<vmem>>)
    %dma_wait3A_116 = arith.constant 1 : i32
    %dma_wait3A_117 = arith.constant 0 : i32
    %dma_wait3A_118 = tpu.memref_slice %arg9[%dma_wait3A_116, %dma_wait3A_117] : memref<4x128xi32, #tpu.memory_space<vmem>> -> memref<1x128xi32, #tpu.memory_space<vmem>>
    %dma_wait3A_119 = tpu.memref_squeeze %dma_wait3A_118 : memref<1x128xi32, #tpu.memory_space<vmem>> -> memref<128xi32, #tpu.memory_space<vmem>>
    %dma_wait3A_120 = tpu.memref_slice %arg3[%add3A_36] : memref<16384xi32, #tpu.memory_space<hbm>> -> memref<128xi32, #tpu.memory_space<hbm>>
    %dma_wait3A_121 = arith.constant 0 : i32
    %dma_wait3A_122 = tpu.memref_slice %arg9[%dma_wait3A_116, %dma_wait3A_121] : memref<4x128xi32, #tpu.memory_space<vmem>> -> memref<1x128xi32, #tpu.memory_space<vmem>>
    %dma_wait3A_123 = tpu.memref_squeeze %dma_wait3A_122 : memref<1x128xi32, #tpu.memory_space<vmem>> -> memref<128xi32, #tpu.memory_space<vmem>>
    %dma_wait3A_124 = tpu.memref_slice %arg3[%add3A_36] : memref<16384xi32, #tpu.memory_space<hbm>> -> memref<128xi32, #tpu.memory_space<hbm>>
    tpu.wait_dma2 semaphore(%arg19 : memref<!tpu.dma_semaphore, #tpu.memory_space<semaphore_mem>>) src(%dma_wait3A_124 : memref<128xi32, #tpu.memory_space<hbm>>) dst(%dma_wait3A_123 : memref<128xi32, #tpu.memory_space<vmem>>)
    %dma_wait3A_125 = arith.constant 2 : i32
    %dma_wait3A_126 = arith.constant 0 : i32
    %dma_wait3A_127 = tpu.memref_slice %arg8[%dma_wait3A_125, %dma_wait3A_126] : memref<4x128xi32, #tpu.memory_space<vmem>> -> memref<1x128xi32, #tpu.memory_space<vmem>>
    %dma_wait3A_128 = tpu.memref_squeeze %dma_wait3A_127 : memref<1x128xi32, #tpu.memory_space<vmem>> -> memref<128xi32, #tpu.memory_space<vmem>>
    %dma_wait3A_129 = tpu.memref_slice %arg2[%add3A_47] : memref<16384xi32, #tpu.memory_space<hbm>> -> memref<128xi32, #tpu.memory_space<hbm>>
    %dma_wait3A_130 = arith.constant 0 : i32
    %dma_wait3A_131 = tpu.memref_slice %arg8[%dma_wait3A_125, %dma_wait3A_130] : memref<4x128xi32, #tpu.memory_space<vmem>> -> memref<1x128xi32, #tpu.memory_space<vmem>>
    %dma_wait3A_132 = tpu.memref_squeeze %dma_wait3A_131 : memref<1x128xi32, #tpu.memory_space<vmem>> -> memref<128xi32, #tpu.memory_space<vmem>>
    %dma_wait3A_133 = tpu.memref_slice %arg2[%add3A_47] : memref<16384xi32, #tpu.memory_space<hbm>> -> memref<128xi32, #tpu.memory_space<hbm>>
    tpu.wait_dma2 semaphore(%arg19 : memref<!tpu.dma_semaphore, #tpu.memory_space<semaphore_mem>>) src(%dma_wait3A_133 : memref<128xi32, #tpu.memory_space<hbm>>) dst(%dma_wait3A_132 : memref<128xi32, #tpu.memory_space<vmem>>)
    %dma_wait3A_134 = arith.constant 2 : i32
    %dma_wait3A_135 = arith.constant 0 : i32
    %dma_wait3A_136 = tpu.memref_slice %arg9[%dma_wait3A_134, %dma_wait3A_135] : memref<4x128xi32, #tpu.memory_space<vmem>> -> memref<1x128xi32, #tpu.memory_space<vmem>>
    %dma_wait3A_137 = tpu.memref_squeeze %dma_wait3A_136 : memref<1x128xi32, #tpu.memory_space<vmem>> -> memref<128xi32, #tpu.memory_space<vmem>>
    %dma_wait3A_138 = tpu.memref_slice %arg3[%add3A_58] : memref<16384xi32, #tpu.memory_space<hbm>> -> memref<128xi32, #tpu.memory_space<hbm>>
    %dma_wait3A_139 = arith.constant 0 : i32
    %dma_wait3A_140 = tpu.memref_slice %arg9[%dma_wait3A_134, %dma_wait3A_139] : memref<4x128xi32, #tpu.memory_space<vmem>> -> memref<1x128xi32, #tpu.memory_space<vmem>>
    %dma_wait3A_141 = tpu.memref_squeeze %dma_wait3A_140 : memref<1x128xi32, #tpu.memory_space<vmem>> -> memref<128xi32, #tpu.memory_space<vmem>>
    %dma_wait3A_142 = tpu.memref_slice %arg3[%add3A_58] : memref<16384xi32, #tpu.memory_space<hbm>> -> memref<128xi32, #tpu.memory_space<hbm>>
    tpu.wait_dma2 semaphore(%arg19 : memref<!tpu.dma_semaphore, #tpu.memory_space<semaphore_mem>>) src(%dma_wait3A_142 : memref<128xi32, #tpu.memory_space<hbm>>) dst(%dma_wait3A_141 : memref<128xi32, #tpu.memory_space<vmem>>)
    %dma_wait3A_143 = arith.constant 3 : i32
    %dma_wait3A_144 = arith.constant 0 : i32
    %dma_wait3A_145 = tpu.memref_slice %arg8[%dma_wait3A_143, %dma_wait3A_144] : memref<4x128xi32, #tpu.memory_space<vmem>> -> memref<1x128xi32, #tpu.memory_space<vmem>>
    %dma_wait3A_146 = tpu.memref_squeeze %dma_wait3A_145 : memref<1x128xi32, #tpu.memory_space<vmem>> -> memref<128xi32, #tpu.memory_space<vmem>>
    %dma_wait3A_147 = tpu.memref_slice %arg2[%add3A_69] : memref<16384xi32, #tpu.memory_space<hbm>> -> memref<128xi32, #tpu.memory_space<hbm>>
    %dma_wait3A_148 = arith.constant 0 : i32
    %dma_wait3A_149 = tpu.memref_slice %arg8[%dma_wait3A_143, %dma_wait3A_148] : memref<4x128xi32, #tpu.memory_space<vmem>> -> memref<1x128xi32, #tpu.memory_space<vmem>>
    %dma_wait3A_150 = tpu.memref_squeeze %dma_wait3A_149 : memref<1x128xi32, #tpu.memory_space<vmem>> -> memref<128xi32, #tpu.memory_space<vmem>>
    %dma_wait3A_151 = tpu.memref_slice %arg2[%add3A_69] : memref<16384xi32, #tpu.memory_space<hbm>> -> memref<128xi32, #tpu.memory_space<hbm>>
    tpu.wait_dma2 semaphore(%arg19 : memref<!tpu.dma_semaphore, #tpu.memory_space<semaphore_mem>>) src(%dma_wait3A_151 : memref<128xi32, #tpu.memory_space<hbm>>) dst(%dma_wait3A_150 : memref<128xi32, #tpu.memory_space<vmem>>)
    %dma_wait3A_152 = arith.constant 3 : i32
    %dma_wait3A_153 = arith.constant 0 : i32
    %dma_wait3A_154 = tpu.memref_slice %arg9[%dma_wait3A_152, %dma_wait3A_153] : memref<4x128xi32, #tpu.memory_space<vmem>> -> memref<1x128xi32, #tpu.memory_space<vmem>>
    %dma_wait3A_155 = tpu.memref_squeeze %dma_wait3A_154 : memref<1x128xi32, #tpu.memory_space<vmem>> -> memref<128xi32, #tpu.memory_space<vmem>>
    %dma_wait3A_156 = tpu.memref_slice %arg3[%add3A_80] : memref<16384xi32, #tpu.memory_space<hbm>> -> memref<128xi32, #tpu.memory_space<hbm>>
    %dma_wait3A_157 = arith.constant 0 : i32
    %dma_wait3A_158 = tpu.memref_slice %arg9[%dma_wait3A_152, %dma_wait3A_157] : memref<4x128xi32, #tpu.memory_space<vmem>> -> memref<1x128xi32, #tpu.memory_space<vmem>>
    %dma_wait3A_159 = tpu.memref_squeeze %dma_wait3A_158 : memref<1x128xi32, #tpu.memory_space<vmem>> -> memref<128xi32, #tpu.memory_space<vmem>>
    %dma_wait3A_160 = tpu.memref_slice %arg3[%add3A_80] : memref<16384xi32, #tpu.memory_space<hbm>> -> memref<128xi32, #tpu.memory_space<hbm>>
    tpu.wait_dma2 semaphore(%arg19 : memref<!tpu.dma_semaphore, #tpu.memory_space<semaphore_mem>>) src(%dma_wait3A_160 : memref<128xi32, #tpu.memory_space<hbm>>) dst(%dma_wait3A_159 : memref<128xi32, #tpu.memory_space<vmem>>)
    %dma_start3A_161 = arith.constant 0 : i32
    %dma_start3A_162 = arith.constant 0 : i32
    %dma_start3A_163 = arith.constant 0 : i32
    %dma_start3A_164 = arith.constant 0 : i32
    %dma_start3A_165 = tpu.memref_slice %arg10[%dma_start3A_162, %dma_start3A_163, %dma_start3A_164] : memref<2x128x64xf32, #tpu.memory_space<vmem>> -> memref<1x128x64xf32, #tpu.memory_space<vmem>>
    %dma_start3A_166 = tpu.memref_squeeze %dma_start3A_165 : memref<1x128x64xf32, #tpu.memory_space<vmem>> -> memref<128x64xf32, #tpu.memory_space<vmem>>
    %dma_start3A_167 = arith.constant 0 : i32
    %dma_start3A_168 = tpu.memref_slice %arg8[%dma_start3A_161, %dma_start3A_167] : memref<4x128xi32, #tpu.memory_space<vmem>> -> memref<1x128xi32, #tpu.memory_space<vmem>>
    %dma_start3A_169 = tpu.memref_squeeze %dma_start3A_168 : memref<1x128xi32, #tpu.memory_space<vmem>> -> memref<128xi32, #tpu.memory_space<vmem>>
    %dma_start3A_170 = arith.constant 0 : i32
    %dma_start3A_171 = arith.constant 0 : i32
    %dma_start3A_172 = tpu.memref_slice %arg4[%dma_start3A_170, %dma_start3A_171] : memref<100000x64xf32, #tpu.memory_space<hbm>> -> memref<100000x64xf32, #tpu.memory_space<hbm>>
    tpu.enqueue_indirect_dma source(%dma_start3A_172 : memref<100000x64xf32, #tpu.memory_space<hbm>>) target(%dma_start3A_166 : memref<128x64xf32, #tpu.memory_space<vmem>>) offsets(%dma_start3A_169 : memref<128xi32, #tpu.memory_space<vmem>>) semaphore(%arg16 : memref<!tpu.dma_semaphore, #tpu.memory_space<semaphore_mem>>)
    %dma_start3A_173 = arith.constant 0 : i32
    %dma_start3A_174 = arith.constant 0 : i32
    %dma_start3A_175 = arith.constant 0 : i32
    %dma_start3A_176 = arith.constant 0 : i32
    %dma_start3A_177 = tpu.memref_slice %arg11[%dma_start3A_174, %dma_start3A_175, %dma_start3A_176] : memref<2x128x64xf32, #tpu.memory_space<vmem>> -> memref<1x128x64xf32, #tpu.memory_space<vmem>>
    %dma_start3A_178 = tpu.memref_squeeze %dma_start3A_177 : memref<1x128x64xf32, #tpu.memory_space<vmem>> -> memref<128x64xf32, #tpu.memory_space<vmem>>
    %dma_start3A_179 = arith.constant 0 : i32
    %dma_start3A_180 = tpu.memref_slice %arg9[%dma_start3A_173, %dma_start3A_179] : memref<4x128xi32, #tpu.memory_space<vmem>> -> memref<1x128xi32, #tpu.memory_space<vmem>>
    %dma_start3A_181 = tpu.memref_squeeze %dma_start3A_180 : memref<1x128xi32, #tpu.memory_space<vmem>> -> memref<128xi32, #tpu.memory_space<vmem>>
    %dma_start3A_182 = arith.constant 0 : i32
    %dma_start3A_183 = arith.constant 0 : i32
    %dma_start3A_184 = tpu.memref_slice %arg4[%dma_start3A_182, %dma_start3A_183] : memref<100000x64xf32, #tpu.memory_space<hbm>> -> memref<100000x64xf32, #tpu.memory_space<hbm>>
    tpu.enqueue_indirect_dma source(%dma_start3A_184 : memref<100000x64xf32, #tpu.memory_space<hbm>>) target(%dma_start3A_178 : memref<128x64xf32, #tpu.memory_space<vmem>>) offsets(%dma_start3A_181 : memref<128xi32, #tpu.memory_space<vmem>>) semaphore(%arg16 : memref<!tpu.dma_semaphore, #tpu.memory_space<semaphore_mem>>)
    %dma_start3A_185 = arith.constant 1 : i32
    %dma_start3A_186 = arith.constant 1 : i32
    %dma_start3A_187 = arith.constant 0 : i32
    %dma_start3A_188 = arith.constant 0 : i32
    %dma_start3A_189 = tpu.memref_slice %arg10[%dma_start3A_186, %dma_start3A_187, %dma_start3A_188] : memref<2x128x64xf32, #tpu.memory_space<vmem>> -> memref<1x128x64xf32, #tpu.memory_space<vmem>>
    %dma_start3A_190 = tpu.memref_squeeze %dma_start3A_189 : memref<1x128x64xf32, #tpu.memory_space<vmem>> -> memref<128x64xf32, #tpu.memory_space<vmem>>
    %dma_start3A_191 = arith.constant 0 : i32
    %dma_start3A_192 = tpu.memref_slice %arg8[%dma_start3A_185, %dma_start3A_191] : memref<4x128xi32, #tpu.memory_space<vmem>> -> memref<1x128xi32, #tpu.memory_space<vmem>>
    %dma_start3A_193 = tpu.memref_squeeze %dma_start3A_192 : memref<1x128xi32, #tpu.memory_space<vmem>> -> memref<128xi32, #tpu.memory_space<vmem>>
    %dma_start3A_194 = arith.constant 0 : i32
    %dma_start3A_195 = arith.constant 0 : i32
    %dma_start3A_196 = tpu.memref_slice %arg4[%dma_start3A_194, %dma_start3A_195] : memref<100000x64xf32, #tpu.memory_space<hbm>> -> memref<100000x64xf32, #tpu.memory_space<hbm>>
    tpu.enqueue_indirect_dma source(%dma_start3A_196 : memref<100000x64xf32, #tpu.memory_space<hbm>>) target(%dma_start3A_190 : memref<128x64xf32, #tpu.memory_space<vmem>>) offsets(%dma_start3A_193 : memref<128xi32, #tpu.memory_space<vmem>>) semaphore(%arg17 : memref<!tpu.dma_semaphore, #tpu.memory_space<semaphore_mem>>)
    %dma_start3A_197 = arith.constant 1 : i32
    %dma_start3A_198 = arith.constant 1 : i32
    %dma_start3A_199 = arith.constant 0 : i32
    %dma_start3A_200 = arith.constant 0 : i32
    %dma_start3A_201 = tpu.memref_slice %arg11[%dma_start3A_198, %dma_start3A_199, %dma_start3A_200] : memref<2x128x64xf32, #tpu.memory_space<vmem>> -> memref<1x128x64xf32, #tpu.memory_space<vmem>>
    %dma_start3A_202 = tpu.memref_squeeze %dma_start3A_201 : memref<1x128x64xf32, #tpu.memory_space<vmem>> -> memref<128x64xf32, #tpu.memory_space<vmem>>
    %dma_start3A_203 = arith.constant 0 : i32
    %dma_start3A_204 = tpu.memref_slice %arg9[%dma_start3A_197, %dma_start3A_203] : memref<4x128xi32, #tpu.memory_space<vmem>> -> memref<1x128xi32, #tpu.memory_space<vmem>>
    %dma_start3A_205 = tpu.memref_squeeze %dma_start3A_204 : memref<1x128xi32, #tpu.memory_space<vmem>> -> memref<128xi32, #tpu.memory_space<vmem>>
    %dma_start3A_206 = arith.constant 0 : i32
    %dma_start3A_207 = arith.constant 0 : i32
    %dma_start3A_208 = tpu.memref_slice %arg4[%dma_start3A_206, %dma_start3A_207] : memref<100000x64xf32, #tpu.memory_space<hbm>> -> memref<100000x64xf32, #tpu.memory_space<hbm>>
    tpu.enqueue_indirect_dma source(%dma_start3A_208 : memref<100000x64xf32, #tpu.memory_space<hbm>>) target(%dma_start3A_202 : memref<128x64xf32, #tpu.memory_space<vmem>>) offsets(%dma_start3A_205 : memref<128xi32, #tpu.memory_space<vmem>>) semaphore(%arg17 : memref<!tpu.dma_semaphore, #tpu.memory_space<semaphore_mem>>)
    %dma_start3A_209 = arith.constant 0 : i32
    %dma_start3A_210 = arith.constant 0 : i32
    %dma_start3A_211 = arith.constant 0 : i32
    %dma_start3A_212 = tpu.memref_slice %arg12[%dma_start3A_210, %dma_start3A_211] : memref<4x128xf32, #tpu.memory_space<vmem>> -> memref<1x128xf32, #tpu.memory_space<vmem>>
    %dma_start3A_213 = tpu.memref_squeeze %dma_start3A_212 : memref<1x128xf32, #tpu.memory_space<vmem>> -> memref<128xf32, #tpu.memory_space<vmem>>
    %dma_start3A_214 = arith.constant 0 : i32
    %dma_start3A_215 = tpu.memref_slice %arg8[%dma_start3A_209, %dma_start3A_214] : memref<4x128xi32, #tpu.memory_space<vmem>> -> memref<1x128xi32, #tpu.memory_space<vmem>>
    %dma_start3A_216 = tpu.memref_squeeze %dma_start3A_215 : memref<1x128xi32, #tpu.memory_space<vmem>> -> memref<128xi32, #tpu.memory_space<vmem>>
    %dma_start3A_217 = arith.constant 0 : i32
    %dma_start3A_218 = tpu.memref_slice %arg5[%dma_start3A_217] : memref<100000xf32, #tpu.memory_space<hbm>> -> memref<100000xf32, #tpu.memory_space<hbm>>
    tpu.enqueue_indirect_dma source(%dma_start3A_218 : memref<100000xf32, #tpu.memory_space<hbm>>) target(%dma_start3A_213 : memref<128xf32, #tpu.memory_space<vmem>>) offsets(%dma_start3A_216 : memref<128xi32, #tpu.memory_space<vmem>>) semaphore(%arg18 : memref<!tpu.dma_semaphore, #tpu.memory_space<semaphore_mem>>)
    %dma_start3A_219 = arith.constant 0 : i32
    %dma_start3A_220 = arith.constant 0 : i32
    %dma_start3A_221 = arith.constant 0 : i32
    %dma_start3A_222 = tpu.memref_slice %arg13[%dma_start3A_220, %dma_start3A_221] : memref<4x128xf32, #tpu.memory_space<vmem>> -> memref<1x128xf32, #tpu.memory_space<vmem>>
    %dma_start3A_223 = tpu.memref_squeeze %dma_start3A_222 : memref<1x128xf32, #tpu.memory_space<vmem>> -> memref<128xf32, #tpu.memory_space<vmem>>
    %dma_start3A_224 = arith.constant 0 : i32
    %dma_start3A_225 = tpu.memref_slice %arg9[%dma_start3A_219, %dma_start3A_224] : memref<4x128xi32, #tpu.memory_space<vmem>> -> memref<1x128xi32, #tpu.memory_space<vmem>>
    %dma_start3A_226 = tpu.memref_squeeze %dma_start3A_225 : memref<1x128xi32, #tpu.memory_space<vmem>> -> memref<128xi32, #tpu.memory_space<vmem>>
    %dma_start3A_227 = arith.constant 0 : i32
    %dma_start3A_228 = tpu.memref_slice %arg5[%dma_start3A_227] : memref<100000xf32, #tpu.memory_space<hbm>> -> memref<100000xf32, #tpu.memory_space<hbm>>
    tpu.enqueue_indirect_dma source(%dma_start3A_228 : memref<100000xf32, #tpu.memory_space<hbm>>) target(%dma_start3A_223 : memref<128xf32, #tpu.memory_space<vmem>>) offsets(%dma_start3A_226 : memref<128xi32, #tpu.memory_space<vmem>>) semaphore(%arg18 : memref<!tpu.dma_semaphore, #tpu.memory_space<semaphore_mem>>)
    %dma_start3A_229 = arith.constant 1 : i32
    %dma_start3A_230 = arith.constant 1 : i32
    %dma_start3A_231 = arith.constant 0 : i32
    %dma_start3A_232 = tpu.memref_slice %arg12[%dma_start3A_230, %dma_start3A_231] : memref<4x128xf32, #tpu.memory_space<vmem>> -> memref<1x128xf32, #tpu.memory_space<vmem>>
    %dma_start3A_233 = tpu.memref_squeeze %dma_start3A_232 : memref<1x128xf32, #tpu.memory_space<vmem>> -> memref<128xf32, #tpu.memory_space<vmem>>
    %dma_start3A_234 = arith.constant 0 : i32
    %dma_start3A_235 = tpu.memref_slice %arg8[%dma_start3A_229, %dma_start3A_234] : memref<4x128xi32, #tpu.memory_space<vmem>> -> memref<1x128xi32, #tpu.memory_space<vmem>>
    %dma_start3A_236 = tpu.memref_squeeze %dma_start3A_235 : memref<1x128xi32, #tpu.memory_space<vmem>> -> memref<128xi32, #tpu.memory_space<vmem>>
    %dma_start3A_237 = arith.constant 0 : i32
    %dma_start3A_238 = tpu.memref_slice %arg5[%dma_start3A_237] : memref<100000xf32, #tpu.memory_space<hbm>> -> memref<100000xf32, #tpu.memory_space<hbm>>
    tpu.enqueue_indirect_dma source(%dma_start3A_238 : memref<100000xf32, #tpu.memory_space<hbm>>) target(%dma_start3A_233 : memref<128xf32, #tpu.memory_space<vmem>>) offsets(%dma_start3A_236 : memref<128xi32, #tpu.memory_space<vmem>>) semaphore(%arg18 : memref<!tpu.dma_semaphore, #tpu.memory_space<semaphore_mem>>)
    %dma_start3A_239 = arith.constant 1 : i32
    %dma_start3A_240 = arith.constant 1 : i32
    %dma_start3A_241 = arith.constant 0 : i32
    %dma_start3A_242 = tpu.memref_slice %arg13[%dma_start3A_240, %dma_start3A_241] : memref<4x128xf32, #tpu.memory_space<vmem>> -> memref<1x128xf32, #tpu.memory_space<vmem>>
    %dma_start3A_243 = tpu.memref_squeeze %dma_start3A_242 : memref<1x128xf32, #tpu.memory_space<vmem>> -> memref<128xf32, #tpu.memory_space<vmem>>
    %dma_start3A_244 = arith.constant 0 : i32
    %dma_start3A_245 = tpu.memref_slice %arg9[%dma_start3A_239, %dma_start3A_244] : memref<4x128xi32, #tpu.memory_space<vmem>> -> memref<1x128xi32, #tpu.memory_space<vmem>>
    %dma_start3A_246 = tpu.memref_squeeze %dma_start3A_245 : memref<1x128xi32, #tpu.memory_space<vmem>> -> memref<128xi32, #tpu.memory_space<vmem>>
    %dma_start3A_247 = arith.constant 0 : i32
    %dma_start3A_248 = tpu.memref_slice %arg5[%dma_start3A_247] : memref<100000xf32, #tpu.memory_space<hbm>> -> memref<100000xf32, #tpu.memory_space<hbm>>
    tpu.enqueue_indirect_dma source(%dma_start3A_248 : memref<100000xf32, #tpu.memory_space<hbm>>) target(%dma_start3A_243 : memref<128xf32, #tpu.memory_space<vmem>>) offsets(%dma_start3A_246 : memref<128xi32, #tpu.memory_space<vmem>>) semaphore(%arg18 : memref<!tpu.dma_semaphore, #tpu.memory_space<semaphore_mem>>)
    %dma_start3A_249 = arith.constant 2 : i32
    %dma_start3A_250 = arith.constant 2 : i32
    %dma_start3A_251 = arith.constant 0 : i32
    %dma_start3A_252 = tpu.memref_slice %arg12[%dma_start3A_250, %dma_start3A_251] : memref<4x128xf32, #tpu.memory_space<vmem>> -> memref<1x128xf32, #tpu.memory_space<vmem>>
    %dma_start3A_253 = tpu.memref_squeeze %dma_start3A_252 : memref<1x128xf32, #tpu.memory_space<vmem>> -> memref<128xf32, #tpu.memory_space<vmem>>
    %dma_start3A_254 = arith.constant 0 : i32
    %dma_start3A_255 = tpu.memref_slice %arg8[%dma_start3A_249, %dma_start3A_254] : memref<4x128xi32, #tpu.memory_space<vmem>> -> memref<1x128xi32, #tpu.memory_space<vmem>>
    %dma_start3A_256 = tpu.memref_squeeze %dma_start3A_255 : memref<1x128xi32, #tpu.memory_space<vmem>> -> memref<128xi32, #tpu.memory_space<vmem>>
    %dma_start3A_257 = arith.constant 0 : i32
    %dma_start3A_258 = tpu.memref_slice %arg5[%dma_start3A_257] : memref<100000xf32, #tpu.memory_space<hbm>> -> memref<100000xf32, #tpu.memory_space<hbm>>
    tpu.enqueue_indirect_dma source(%dma_start3A_258 : memref<100000xf32, #tpu.memory_space<hbm>>) target(%dma_start3A_253 : memref<128xf32, #tpu.memory_space<vmem>>) offsets(%dma_start3A_256 : memref<128xi32, #tpu.memory_space<vmem>>) semaphore(%arg18 : memref<!tpu.dma_semaphore, #tpu.memory_space<semaphore_mem>>)
    %dma_start3A_259 = arith.constant 2 : i32
    %dma_start3A_260 = arith.constant 2 : i32
    %dma_start3A_261 = arith.constant 0 : i32
    %dma_start3A_262 = tpu.memref_slice %arg13[%dma_start3A_260, %dma_start3A_261] : memref<4x128xf32, #tpu.memory_space<vmem>> -> memref<1x128xf32, #tpu.memory_space<vmem>>
    %dma_start3A_263 = tpu.memref_squeeze %dma_start3A_262 : memref<1x128xf32, #tpu.memory_space<vmem>> -> memref<128xf32, #tpu.memory_space<vmem>>
    %dma_start3A_264 = arith.constant 0 : i32
    %dma_start3A_265 = tpu.memref_slice %arg9[%dma_start3A_259, %dma_start3A_264] : memref<4x128xi32, #tpu.memory_space<vmem>> -> memref<1x128xi32, #tpu.memory_space<vmem>>
    %dma_start3A_266 = tpu.memref_squeeze %dma_start3A_265 : memref<1x128xi32, #tpu.memory_space<vmem>> -> memref<128xi32, #tpu.memory_space<vmem>>
    %dma_start3A_267 = arith.constant 0 : i32
    %dma_start3A_268 = tpu.memref_slice %arg5[%dma_start3A_267] : memref<100000xf32, #tpu.memory_space<hbm>> -> memref<100000xf32, #tpu.memory_space<hbm>>
    tpu.enqueue_indirect_dma source(%dma_start3A_268 : memref<100000xf32, #tpu.memory_space<hbm>>) target(%dma_start3A_263 : memref<128xf32, #tpu.memory_space<vmem>>) offsets(%dma_start3A_266 : memref<128xi32, #tpu.memory_space<vmem>>) semaphore(%arg18 : memref<!tpu.dma_semaphore, #tpu.memory_space<semaphore_mem>>)
    %dma_start3A_269 = arith.constant 3 : i32
    %dma_start3A_270 = arith.constant 3 : i32
    %dma_start3A_271 = arith.constant 0 : i32
    %dma_start3A_272 = tpu.memref_slice %arg12[%dma_start3A_270, %dma_start3A_271] : memref<4x128xf32, #tpu.memory_space<vmem>> -> memref<1x128xf32, #tpu.memory_space<vmem>>
    %dma_start3A_273 = tpu.memref_squeeze %dma_start3A_272 : memref<1x128xf32, #tpu.memory_space<vmem>> -> memref<128xf32, #tpu.memory_space<vmem>>
    %dma_start3A_274 = arith.constant 0 : i32
    %dma_start3A_275 = tpu.memref_slice %arg8[%dma_start3A_269, %dma_start3A_274] : memref<4x128xi32, #tpu.memory_space<vmem>> -> memref<1x128xi32, #tpu.memory_space<vmem>>
    %dma_start3A_276 = tpu.memref_squeeze %dma_start3A_275 : memref<1x128xi32, #tpu.memory_space<vmem>> -> memref<128xi32, #tpu.memory_space<vmem>>
    %dma_start3A_277 = arith.constant 0 : i32
    %dma_start3A_278 = tpu.memref_slice %arg5[%dma_start3A_277] : memref<100000xf32, #tpu.memory_space<hbm>> -> memref<100000xf32, #tpu.memory_space<hbm>>
    tpu.enqueue_indirect_dma source(%dma_start3A_278 : memref<100000xf32, #tpu.memory_space<hbm>>) target(%dma_start3A_273 : memref<128xf32, #tpu.memory_space<vmem>>) offsets(%dma_start3A_276 : memref<128xi32, #tpu.memory_space<vmem>>) semaphore(%arg18 : memref<!tpu.dma_semaphore, #tpu.memory_space<semaphore_mem>>)
    %dma_start3A_279 = arith.constant 3 : i32
    %dma_start3A_280 = arith.constant 3 : i32
    %dma_start3A_281 = arith.constant 0 : i32
    %dma_start3A_282 = tpu.memref_slice %arg13[%dma_start3A_280, %dma_start3A_281] : memref<4x128xf32, #tpu.memory_space<vmem>> -> memref<1x128xf32, #tpu.memory_space<vmem>>
    %dma_start3A_283 = tpu.memref_squeeze %dma_start3A_282 : memref<1x128xf32, #tpu.memory_space<vmem>> -> memref<128xf32, #tpu.memory_space<vmem>>
    %dma_start3A_284 = arith.constant 0 : i32
    %dma_start3A_285 = tpu.memref_slice %arg9[%dma_start3A_279, %dma_start3A_284] : memref<4x128xi32, #tpu.memory_space<vmem>> -> memref<1x128xi32, #tpu.memory_space<vmem>>
    %dma_start3A_286 = tpu.memref_squeeze %dma_start3A_285 : memref<1x128xi32, #tpu.memory_space<vmem>> -> memref<128xi32, #tpu.memory_space<vmem>>
    %dma_start3A_287 = arith.constant 0 : i32
    %dma_start3A_288 = tpu.memref_slice %arg5[%dma_start3A_287] : memref<100000xf32, #tpu.memory_space<hbm>> -> memref<100000xf32, #tpu.memory_space<hbm>>
    tpu.enqueue_indirect_dma source(%dma_start3A_288 : memref<100000xf32, #tpu.memory_space<hbm>>) target(%dma_start3A_283 : memref<128xf32, #tpu.memory_space<vmem>>) offsets(%dma_start3A_286 : memref<128xi32, #tpu.memory_space<vmem>>) semaphore(%arg18 : memref<!tpu.dma_semaphore, #tpu.memory_space<semaphore_mem>>)
    %dma_wait3A_289 = arith.constant 0 : i32
    %dma_wait3A_290 = arith.constant 0 : i32
    %dma_wait3A_291 = arith.constant 0 : i32
    %dma_wait3A_292 = tpu.memref_slice %arg12[%dma_wait3A_290, %dma_wait3A_291] : memref<4x128xf32, #tpu.memory_space<vmem>> -> memref<1x128xf32, #tpu.memory_space<vmem>>
    %dma_wait3A_293 = tpu.memref_squeeze %dma_wait3A_292 : memref<1x128xf32, #tpu.memory_space<vmem>> -> memref<128xf32, #tpu.memory_space<vmem>>
    %dma_wait3A_294 = arith.constant 0 : i32
    %dma_wait3A_295 = tpu.memref_slice %arg8[%dma_wait3A_289, %dma_wait3A_294] : memref<4x128xi32, #tpu.memory_space<vmem>> -> memref<1x128xi32, #tpu.memory_space<vmem>>
    %dma_wait3A_296 = tpu.memref_squeeze %dma_wait3A_295 : memref<1x128xi32, #tpu.memory_space<vmem>> -> memref<128xi32, #tpu.memory_space<vmem>>
    %dma_wait3A_297 = arith.constant 0 : i32
    %dma_wait3A_298 = tpu.memref_slice %arg5[%dma_wait3A_297] : memref<100000xf32, #tpu.memory_space<hbm>> -> memref<100000xf32, #tpu.memory_space<hbm>>
    tpu.wait_indirect_dma semaphore(%arg18 : memref<!tpu.dma_semaphore, #tpu.memory_space<semaphore_mem>>) src(%dma_wait3A_298 : memref<100000xf32, #tpu.memory_space<hbm>>) dst(%dma_wait3A_293 : memref<128xf32, #tpu.memory_space<vmem>>)
    %dma_wait3A_299 = arith.constant 0 : i32
    %dma_wait3A_300 = arith.constant 0 : i32
    %dma_wait3A_301 = arith.constant 0 : i32
    %dma_wait3A_302 = tpu.memref_slice %arg13[%dma_wait3A_300, %dma_wait3A_301] : memref<4x128xf32, #tpu.memory_space<vmem>> -> memref<1x128xf32, #tpu.memory_space<vmem>>
    %dma_wait3A_303 = tpu.memref_squeeze %dma_wait3A_302 : memref<1x128xf32, #tpu.memory_space<vmem>> -> memref<128xf32, #tpu.memory_space<vmem>>
    %dma_wait3A_304 = arith.constant 0 : i32
    %dma_wait3A_305 = tpu.memref_slice %arg9[%dma_wait3A_299, %dma_wait3A_304] : memref<4x128xi32, #tpu.memory_space<vmem>> -> memref<1x128xi32, #tpu.memory_space<vmem>>
    %dma_wait3A_306 = tpu.memref_squeeze %dma_wait3A_305 : memref<1x128xi32, #tpu.memory_space<vmem>> -> memref<128xi32, #tpu.memory_space<vmem>>
    %dma_wait3A_307 = arith.constant 0 : i32
    %dma_wait3A_308 = tpu.memref_slice %arg5[%dma_wait3A_307] : memref<100000xf32, #tpu.memory_space<hbm>> -> memref<100000xf32, #tpu.memory_space<hbm>>
    tpu.wait_indirect_dma semaphore(%arg18 : memref<!tpu.dma_semaphore, #tpu.memory_space<semaphore_mem>>) src(%dma_wait3A_308 : memref<100000xf32, #tpu.memory_space<hbm>>) dst(%dma_wait3A_303 : memref<128xf32, #tpu.memory_space<vmem>>)
    %dma_wait3A_309 = arith.constant 0 : i32
    %dma_wait3A_310 = arith.constant 0 : i32
    %dma_wait3A_311 = arith.constant 0 : i32
    %dma_wait3A_312 = arith.constant 0 : i32
    %dma_wait3A_313 = tpu.memref_slice %arg10[%dma_wait3A_310, %dma_wait3A_311, %dma_wait3A_312] : memref<2x128x64xf32, #tpu.memory_space<vmem>> -> memref<1x128x64xf32, #tpu.memory_space<vmem>>
    %dma_wait3A_314 = tpu.memref_squeeze %dma_wait3A_313 : memref<1x128x64xf32, #tpu.memory_space<vmem>> -> memref<128x64xf32, #tpu.memory_space<vmem>>
    %dma_wait3A_315 = arith.constant 0 : i32
    %dma_wait3A_316 = tpu.memref_slice %arg8[%dma_wait3A_309, %dma_wait3A_315] : memref<4x128xi32, #tpu.memory_space<vmem>> -> memref<1x128xi32, #tpu.memory_space<vmem>>
    %dma_wait3A_317 = tpu.memref_squeeze %dma_wait3A_316 : memref<1x128xi32, #tpu.memory_space<vmem>> -> memref<128xi32, #tpu.memory_space<vmem>>
    %dma_wait3A_318 = arith.constant 0 : i32
    %dma_wait3A_319 = arith.constant 0 : i32
    %dma_wait3A_320 = tpu.memref_slice %arg4[%dma_wait3A_318, %dma_wait3A_319] : memref<100000x64xf32, #tpu.memory_space<hbm>> -> memref<100000x64xf32, #tpu.memory_space<hbm>>
    tpu.wait_indirect_dma semaphore(%arg16 : memref<!tpu.dma_semaphore, #tpu.memory_space<semaphore_mem>>) src(%dma_wait3A_320 : memref<100000x64xf32, #tpu.memory_space<hbm>>) dst(%dma_wait3A_314 : memref<128x64xf32, #tpu.memory_space<vmem>>)
    %dma_wait3A_321 = arith.constant 0 : i32
    %dma_wait3A_322 = arith.constant 0 : i32
    %dma_wait3A_323 = arith.constant 0 : i32
    %dma_wait3A_324 = arith.constant 0 : i32
    %dma_wait3A_325 = tpu.memref_slice %arg11[%dma_wait3A_322, %dma_wait3A_323, %dma_wait3A_324] : memref<2x128x64xf32, #tpu.memory_space<vmem>> -> memref<1x128x64xf32, #tpu.memory_space<vmem>>
    %dma_wait3A_326 = tpu.memref_squeeze %dma_wait3A_325 : memref<1x128x64xf32, #tpu.memory_space<vmem>> -> memref<128x64xf32, #tpu.memory_space<vmem>>
    %dma_wait3A_327 = arith.constant 0 : i32
    %dma_wait3A_328 = tpu.memref_slice %arg9[%dma_wait3A_321, %dma_wait3A_327] : memref<4x128xi32, #tpu.memory_space<vmem>> -> memref<1x128xi32, #tpu.memory_space<vmem>>
    %dma_wait3A_329 = tpu.memref_squeeze %dma_wait3A_328 : memref<1x128xi32, #tpu.memory_space<vmem>> -> memref<128xi32, #tpu.memory_space<vmem>>
    %dma_wait3A_330 = arith.constant 0 : i32
    %dma_wait3A_331 = arith.constant 0 : i32
    %dma_wait3A_332 = tpu.memref_slice %arg4[%dma_wait3A_330, %dma_wait3A_331] : memref<100000x64xf32, #tpu.memory_space<hbm>> -> memref<100000x64xf32, #tpu.memory_space<hbm>>
    tpu.wait_indirect_dma semaphore(%arg16 : memref<!tpu.dma_semaphore, #tpu.memory_space<semaphore_mem>>) src(%dma_wait3A_332 : memref<100000x64xf32, #tpu.memory_space<hbm>>) dst(%dma_wait3A_326 : memref<128x64xf32, #tpu.memory_space<vmem>>)
    %scan3A = arith.constant 0 : i32
    %scan3A_333 = arith.constant 0 : i32
    %scan3A_334 = arith.constant 8 : i32
    %scan3A_335 = arith.addi %scan3A_333, %scan3A_334 : i32
    %scan3A_336 = arith.constant 1 : i32
    scf.for %scan3A_536 = %scan3A_333 to %scan3A_335 step %scan3A_336  : i32 {
      %iota3A = tpu.iota {dimensions = array<i32: 0>} : vector<16xi32>
      %get3A = arith.constant 0 : index
      %get3A_537 = tpu.vector_load %arg15[%get3A] {strides = array<i32>} : memref<16xf32, #tpu.memory_space<vmem>>, vector<16xf32>,
      %mul3A_538 = arith.constant 16 : i32
      %mul3A_539 = arith.muli %scan3A_536, %mul3A_538 : i32
      %broadcast_in_dim3A = arith.constant 0.000000e+00 : f32
      %broadcast_in_dim3A_540 = vector.broadcast %broadcast_in_dim3A : f32 to vector<16xf32>
      %add3A_541 = arith.constant 0 : i32
      %add3A_542 = arith.addi %mul3A_539, %add3A_541 : i32
      %get3A_543 = arith.constant 0 : i32
      %get3A_544 = arith.index_cast %get3A_543 : i32 to index
      %get3A_545 = arith.index_cast %add3A_542 : i32 to index
      %get3A_546 = arith.constant 0 : index
      %get3A_547 = tpu.vector_load %arg10[%get3A_544, %get3A_545, %get3A_546] {strides = array<i32>} : memref<2x128x64xf32, #tpu.memory_space<vmem>>, vector<16xf32>,
      %get3A_548 = arith.constant 0 : i32
      %get3A_549 = arith.index_cast %get3A_548 : i32 to index
      %get3A_550 = arith.index_cast %add3A_542 : i32 to index
      %get3A_551 = arith.constant 0 : index
      %get3A_552 = tpu.vector_load %arg11[%get3A_549, %get3A_550, %get3A_551] {strides = array<i32>} : memref<2x128x64xf32, #tpu.memory_space<vmem>>, vector<16xf32>,
      %mul3A_553 = arith.mulf %get3A_547, %get3A_552 : vector<16xf32>
      %get3A_554 = arith.constant 0 : i32
      %get3A_555 = arith.index_cast %get3A_554 : i32 to index
      %get3A_556 = arith.index_cast %add3A_542 : i32 to index
      %get3A_557 = arith.constant 16 : index
      %get3A_558 = tpu.vector_load %arg10[%get3A_555, %get3A_556, %get3A_557] {strides = array<i32>} : memref<2x128x64xf32, #tpu.memory_space<vmem>>, vector<16xf32>,
      %get3A_559 = arith.constant 0 : i32
      %get3A_560 = arith.index_cast %get3A_559 : i32 to index
      %get3A_561 = arith.index_cast %add3A_542 : i32 to index
      %get3A_562 = arith.constant 16 : index
      %get3A_563 = tpu.vector_load %arg11[%get3A_560, %get3A_561, %get3A_562] {strides = array<i32>} : memref<2x128x64xf32, #tpu.memory_space<vmem>>, vector<16xf32>,
      %mul3A_564 = arith.mulf %get3A_558, %get3A_563 : vector<16xf32>
      %add3A_565 = arith.addf %mul3A_553, %mul3A_564 : vector<16xf32>
      %get3A_566 = arith.constant 0 : i32
      %get3A_567 = arith.index_cast %get3A_566 : i32 to index
      %get3A_568 = arith.index_cast %add3A_542 : i32 to index
      %get3A_569 = arith.constant 32 : index
      %get3A_570 = tpu.vector_load %arg10[%get3A_567, %get3A_568, %get3A_569] {strides = array<i32>} : memref<2x128x64xf32, #tpu.memory_space<vmem>>, vector<16xf32>,
      %get3A_571 = arith.constant 0 : i32
      %get3A_572 = arith.index_cast %get3A_571 : i32 to index
      %get3A_573 = arith.index_cast %add3A_542 : i32 to index
      %get3A_574 = arith.constant 32 : index
      %get3A_575 = tpu.vector_load %arg11[%get3A_572, %get3A_573, %get3A_574] {strides = array<i32>} : memref<2x128x64xf32, #tpu.memory_space<vmem>>, vector<16xf32>,
      %mul3A_576 = arith.mulf %get3A_570, %get3A_575 : vector<16xf32>
      %add3A_577 = arith.addf %add3A_565, %mul3A_576 : vector<16xf32>
      %get3A_578 = arith.constant 0 : i32
      %get3A_579 = arith.index_cast %get3A_578 : i32 to index
      %get3A_580 = arith.index_cast %add3A_542 : i32 to index
      %get3A_581 = arith.constant 48 : index
      %get3A_582 = tpu.vector_load %arg10[%get3A_579, %get3A_580, %get3A_581] {strides = array<i32>} : memref<2x128x64xf32, #tpu.memory_space<vmem>>, vector<16xf32>,
      %get3A_583 = arith.constant 0 : i32
      %get3A_584 = arith.index_cast %get3A_583 : i32 to index
      %get3A_585 = arith.index_cast %add3A_542 : i32 to index
      %get3A_586 = arith.constant 48 : index
      %get3A_587 = tpu.vector_load %arg11[%get3A_584, %get3A_585, %get3A_586] {strides = array<i32>} : memref<2x128x64xf32, #tpu.memory_space<vmem>>, vector<16xf32>,
      %mul3A_588 = arith.mulf %get3A_582, %get3A_587 : vector<16xf32>
      %add3A_589 = arith.addf %add3A_577, %mul3A_588 : vector<16xf32>
      %eq3A = arith.constant 0 : i32
      %eq3A_590 = vector.broadcast %eq3A : i32 to vector<16xi32>
      %eq3A_591 = arith.cmpi eq, %iota3A, %eq3A_590 : vector<16xi32>
      %reduce_sum3A = arith.constant true
      %reduce_sum3A_592 = vector.broadcast %reduce_sum3A : i1 to vector<16xi1>
      %reduce_sum3A_593 = tpu.scan <sum>, %add3A_589 masked %reduce_sum3A_592 : vector<16xf32>, vector<16xi1> -> vector<16xf32>
      %reduce_sum3A_594 = vector.extract %reduce_sum3A_593[15] : f32 from vector<16xf32>
      %broadcast_in_dim3A_595 = vector.broadcast %reduce_sum3A_594 : f32 to vector<16xf32>
      %select_n3A = arith.select %eq3A_591, %broadcast_in_dim3A_595, %broadcast_in_dim3A_540 : vector<16xi1>, vector<16xf32>
      %add3A_596 = arith.constant 1 : i32
      %add3A_597 = arith.addi %mul3A_539, %add3A_596 : i32
      %get3A_598 = arith.constant 0 : i32
      %get3A_599 = arith.index_cast %get3A_598 : i32 to index
      %get3A_600 = arith.index_cast %add3A_597 : i32 to index
      %get3A_601 = arith.constant 0 : index
      %get3A_602 = tpu.vector_load %arg10[%get3A_599, %get3A_600, %get3A_601] {strides = array<i32>} : memref<2x128x64xf32, #tpu.memory_space<vmem>>, vector<16xf32>,
      %get3A_603 = arith.constant 0 : i32
      %get3A_604 = arith.index_cast %get3A_603 : i32 to index
      %get3A_605 = arith.index_cast %add3A_597 : i32 to index
      %get3A_606 = arith.constant 0 : index
      %get3A_607 = tpu.vector_load %arg11[%get3A_604, %get3A_605, %get3A_606] {strides = array<i32>} : memref<2x128x64xf32, #tpu.memory_space<vmem>>, vector<16xf32>,
      %mul3A_608 = arith.mulf %get3A_602, %get3A_607 : vector<16xf32>
      %get3A_609 = arith.constant 0 : i32
      %get3A_610 = arith.index_cast %get3A_609 : i32 to index
      %get3A_611 = arith.index_cast %add3A_597 : i32 to index
      %get3A_612 = arith.constant 16 : index
      %get3A_613 = tpu.vector_load %arg10[%get3A_610, %get3A_611, %get3A_612] {strides = array<i32>} : memref<2x128x64xf32, #tpu.memory_space<vmem>>, vector<16xf32>,
      %get3A_614 = arith.constant 0 : i32
      %get3A_615 = arith.index_cast %get3A_614 : i32 to index
      %get3A_616 = arith.index_cast %add3A_597 : i32 to index
      %get3A_617 = arith.constant 16 : index
      %get3A_618 = tpu.vector_load %arg11[%get3A_615, %get3A_616, %get3A_617] {strides = array<i32>} : memref<2x128x64xf32, #tpu.memory_space<vmem>>, vector<16xf32>,
      %mul3A_619 = arith.mulf %get3A_613, %get3A_618 : vector<16xf32>
      %add3A_620 = arith.addf %mul3A_608, %mul3A_619 : vector<16xf32>
      %get3A_621 = arith.constant 0 : i32
      %get3A_622 = arith.index_cast %get3A_621 : i32 to index
      %get3A_623 = arith.index_cast %add3A_597 : i32 to index
      %get3A_624 = arith.constant 32 : index
      %get3A_625 = tpu.vector_load %arg10[%get3A_622, %get3A_623, %get3A_624] {strides = array<i32>} : memref<2x128x64xf32, #tpu.memory_space<vmem>>, vector<16xf32>,
      %get3A_626 = arith.constant 0 : i32
      %get3A_627 = arith.index_cast %get3A_626 : i32 to index
      %get3A_628 = arith.index_cast %add3A_597 : i32 to index
      %get3A_629 = arith.constant 32 : index
      %get3A_630 = tpu.vector_load %arg11[%get3A_627, %get3A_628, %get3A_629] {strides = array<i32>} : memref<2x128x64xf32, #tpu.memory_space<vmem>>, vector<16xf32>,
      %mul3A_631 = arith.mulf %get3A_625, %get3A_630 : vector<16xf32>
      %add3A_632 = arith.addf %add3A_620, %mul3A_631 : vector<16xf32>
      %get3A_633 = arith.constant 0 : i32
      %get3A_634 = arith.index_cast %get3A_633 : i32 to index
      %get3A_635 = arith.index_cast %add3A_597 : i32 to index
      %get3A_636 = arith.constant 48 : index
      %get3A_637 = tpu.vector_load %arg10[%get3A_634, %get3A_635, %get3A_636] {strides = array<i32>} : memref<2x128x64xf32, #tpu.memory_space<vmem>>, vector<16xf32>,
      %get3A_638 = arith.constant 0 : i32
      %get3A_639 = arith.index_cast %get3A_638 : i32 to index
      %get3A_640 = arith.index_cast %add3A_597 : i32 to index
      %get3A_641 = arith.constant 48 : index
      %get3A_642 = tpu.vector_load %arg11[%get3A_639, %get3A_640, %get3A_641] {strides = array<i32>} : memref<2x128x64xf32, #tpu.memory_space<vmem>>, vector<16xf32>,
      %mul3A_643 = arith.mulf %get3A_637, %get3A_642 : vector<16xf32>
      %add3A_644 = arith.addf %add3A_632, %mul3A_643 : vector<16xf32>
      %eq3A_645 = arith.constant 1 : i32
      %eq3A_646 = vector.broadcast %eq3A_645 : i32 to vector<16xi32>
      %eq3A_647 = arith.cmpi eq, %iota3A, %eq3A_646 : vector<16xi32>
      %reduce_sum3A_648 = arith.constant true
      %reduce_sum3A_649 = vector.broadcast %reduce_sum3A_648 : i1 to vector<16xi1>
      %reduce_sum3A_650 = tpu.scan <sum>, %add3A_644 masked %reduce_sum3A_649 : vector<16xf32>, vector<16xi1> -> vector<16xf32>
      %reduce_sum3A_651 = vector.extract %reduce_sum3A_650[15] : f32 from vector<16xf32>
      %broadcast_in_dim3A_652 = vector.broadcast %reduce_sum3A_651 : f32 to vector<16xf32>
      %select_n3A_653 = arith.select %eq3A_647, %broadcast_in_dim3A_652, %select_n3A : vector<16xi1>, vector<16xf32>
      %add3A_654 = arith.constant 2 : i32
      %add3A_655 = arith.addi %mul3A_539, %add3A_654 : i32
      %get3A_656 = arith.constant 0 : i32
      %get3A_657 = arith.index_cast %get3A_656 : i32 to index
      %get3A_658 = arith.index_cast %add3A_655 : i32 to index
      %get3A_659 = arith.constant 0 : index
      %get3A_660 = tpu.vector_load %arg10[%get3A_657, %get3A_658, %get3A_659] {strides = array<i32>} : memref<2x128x64xf32, #tpu.memory_space<vmem>>, vector<16xf32>,
      %get3A_661 = arith.constant 0 : i32
      %get3A_662 = arith.index_cast %get3A_661 : i32 to index
      %get3A_663 = arith.index_cast %add3A_655 : i32 to index
      %get3A_664 = arith.constant 0 : index
      %get3A_665 = tpu.vector_load %arg11[%get3A_662, %get3A_663, %get3A_664] {strides = array<i32>} : memref<2x128x64xf32, #tpu.memory_space<vmem>>, vector<16xf32>,
      %mul3A_666 = arith.mulf %get3A_660, %get3A_665 : vector<16xf32>
      %get3A_667 = arith.constant 0 : i32
      %get3A_668 = arith.index_cast %get3A_667 : i32 to index
      %get3A_669 = arith.index_cast %add3A_655 : i32 to index
      %get3A_670 = arith.constant 16 : index
      %get3A_671 = tpu.vector_load %arg10[%get3A_668, %get3A_669, %get3A_670] {strides = array<i32>} : memref<2x128x64xf32, #tpu.memory_space<vmem>>, vector<16xf32>,
      %get3A_672 = arith.constant 0 : i32
      %get3A_673 = arith.index_cast %get3A_672 : i32 to index
      %get3A_674 = arith.index_cast %add3A_655 : i32 to index
      %get3A_675 = arith.constant 16 : index
      %get3A_676 = tpu.vector_load %arg11[%get3A_673, %get3A_674, %get3A_675] {strides = array<i32>} : memref<2x128x64xf32, #tpu.memory_space<vmem>>, vector<16xf32>,
      %mul3A_677 = arith.mulf %get3A_671, %get3A_676 : vector<16xf32>
      %add3A_678 = arith.addf %mul3A_666, %mul3A_677 : vector<16xf32>
      %get3A_679 = arith.constant 0 : i32
      %get3A_680 = arith.index_cast %get3A_679 : i32 to index
      %get3A_681 = arith.index_cast %add3A_655 : i32 to index
      %get3A_682 = arith.constant 32 : index
      %get3A_683 = tpu.vector_load %arg10[%get3A_680, %get3A_681, %get3A_682] {strides = array<i32>} : memref<2x128x64xf32, #tpu.memory_space<vmem>>, vector<16xf32>,
      %get3A_684 = arith.constant 0 : i32
      %get3A_685 = arith.index_cast %get3A_684 : i32 to index
      %get3A_686 = arith.index_cast %add3A_655 : i32 to index
      %get3A_687 = arith.constant 32 : index
      %get3A_688 = tpu.vector_load %arg11[%get3A_685, %get3A_686, %get3A_687] {strides = array<i32>} : memref<2x128x64xf32, #tpu.memory_space<vmem>>, vector<16xf32>,
      %mul3A_689 = arith.mulf %get3A_683, %get3A_688 : vector<16xf32>
      %add3A_690 = arith.addf %add3A_678, %mul3A_689 : vector<16xf32>
      %get3A_691 = arith.constant 0 : i32
      %get3A_692 = arith.index_cast %get3A_691 : i32 to index
      %get3A_693 = arith.index_cast %add3A_655 : i32 to index
      %get3A_694 = arith.constant 48 : index
      %get3A_695 = tpu.vector_load %arg10[%get3A_692, %get3A_693, %get3A_694] {strides = array<i32>} : memref<2x128x64xf32, #tpu.memory_space<vmem>>, vector<16xf32>,
      %get3A_696 = arith.constant 0 : i32
      %get3A_697 = arith.index_cast %get3A_696 : i32 to index
      %get3A_698 = arith.index_cast %add3A_655 : i32 to index
      %get3A_699 = arith.constant 48 : index
      %get3A_700 = tpu.vector_load %arg11[%get3A_697, %get3A_698, %get3A_699] {strides = array<i32>} : memref<2x128x64xf32, #tpu.memory_space<vmem>>, vector<16xf32>,
      %mul3A_701 = arith.mulf %get3A_695, %get3A_700 : vector<16xf32>
      %add3A_702 = arith.addf %add3A_690, %mul3A_701 : vector<16xf32>
      %eq3A_703 = arith.constant 2 : i32
      %eq3A_704 = vector.broadcast %eq3A_703 : i32 to vector<16xi32>
      %eq3A_705 = arith.cmpi eq, %iota3A, %eq3A_704 : vector<16xi32>
      %reduce_sum3A_706 = arith.constant true
      %reduce_sum3A_707 = vector.broadcast %reduce_sum3A_706 : i1 to vector<16xi1>
      %reduce_sum3A_708 = tpu.scan <sum>, %add3A_702 masked %reduce_sum3A_707 : vector<16xf32>, vector<16xi1> -> vector<16xf32>
      %reduce_sum3A_709 = vector.extract %reduce_sum3A_708[15] : f32 from vector<16xf32>
      %broadcast_in_dim3A_710 = vector.broadcast %reduce_sum3A_709 : f32 to vector<16xf32>
      %select_n3A_711 = arith.select %eq3A_705, %broadcast_in_dim3A_710, %select_n3A_653 : vector<16xi1>, vector<16xf32>
      %add3A_712 = arith.constant 3 : i32
      %add3A_713 = arith.addi %mul3A_539, %add3A_712 : i32
      %get3A_714 = arith.constant 0 : i32
      %get3A_715 = arith.index_cast %get3A_714 : i32 to index
      %get3A_716 = arith.index_cast %add3A_713 : i32 to index
      %get3A_717 = arith.constant 0 : index
      %get3A_718 = tpu.vector_load %arg10[%get3A_715, %get3A_716, %get3A_717] {strides = array<i32>} : memref<2x128x64xf32, #tpu.memory_space<vmem>>, vector<16xf32>,
      %get3A_719 = arith.constant 0 : i32
      %get3A_720 = arith.index_cast %get3A_719 : i32 to index
      %get3A_721 = arith.index_cast %add3A_713 : i32 to index
      %get3A_722 = arith.constant 0 : index
      %get3A_723 = tpu.vector_load %arg11[%get3A_720, %get3A_721, %get3A_722] {strides = array<i32>} : memref<2x128x64xf32, #tpu.memory_space<vmem>>, vector<16xf32>,
      %mul3A_724 = arith.mulf %get3A_718, %get3A_723 : vector<16xf32>
      %get3A_725 = arith.constant 0 : i32
      %get3A_726 = arith.index_cast %get3A_725 : i32 to index
      %get3A_727 = arith.index_cast %add3A_713 : i32 to index
      %get3A_728 = arith.constant 16 : index
      %get3A_729 = tpu.vector_load %arg10[%get3A_726, %get3A_727, %get3A_728] {strides = array<i32>} : memref<2x128x64xf32, #tpu.memory_space<vmem>>, vector<16xf32>,
      %get3A_730 = arith.constant 0 : i32
      %get3A_731 = arith.index_cast %get3A_730 : i32 to index
      %get3A_732 = arith.index_cast %add3A_713 : i32 to index
      %get3A_733 = arith.constant 16 : index
      %get3A_734 = tpu.vector_load %arg11[%get3A_731, %get3A_732, %get3A_733] {strides = array<i32>} : memref<2x128x64xf32, #tpu.memory_space<vmem>>, vector<16xf32>,
      %mul3A_735 = arith.mulf %get3A_729, %get3A_734 : vector<16xf32>
      %add3A_736 = arith.addf %mul3A_724, %mul3A_735 : vector<16xf32>
      %get3A_737 = arith.constant 0 : i32
      %get3A_738 = arith.index_cast %get3A_737 : i32 to index
      %get3A_739 = arith.index_cast %add3A_713 : i32 to index
      %get3A_740 = arith.constant 32 : index
      %get3A_741 = tpu.vector_load %arg10[%get3A_738, %get3A_739, %get3A_740] {strides = array<i32>} : memref<2x128x64xf32, #tpu.memory_space<vmem>>, vector<16xf32>,
      %get3A_742 = arith.constant 0 : i32
      %get3A_743 = arith.index_cast %get3A_742 : i32 to index
      %get3A_744 = arith.index_cast %add3A_713 : i32 to index
      %get3A_745 = arith.constant 32 : index
      %get3A_746 = tpu.vector_load %arg11[%get3A_743, %get3A_744, %get3A_745] {strides = array<i32>} : memref<2x128x64xf32, #tpu.memory_space<vmem>>, vector<16xf32>,
      %mul3A_747 = arith.mulf %get3A_741, %get3A_746 : vector<16xf32>
      %add3A_748 = arith.addf %add3A_736, %mul3A_747 : vector<16xf32>
      %get3A_749 = arith.constant 0 : i32
      %get3A_750 = arith.index_cast %get3A_749 : i32 to index
      %get3A_751 = arith.index_cast %add3A_713 : i32 to index
      %get3A_752 = arith.constant 48 : index
      %get3A_753 = tpu.vector_load %arg10[%get3A_750, %get3A_751, %get3A_752] {strides = array<i32>} : memref<2x128x64xf32, #tpu.memory_space<vmem>>, vector<16xf32>,
      %get3A_754 = arith.constant 0 : i32
      %get3A_755 = arith.index_cast %get3A_754 : i32 to index
      %get3A_756 = arith.index_cast %add3A_713 : i32 to index
      %get3A_757 = arith.constant 48 : index
      %get3A_758 = tpu.vector_load %arg11[%get3A_755, %get3A_756, %get3A_757] {strides = array<i32>} : memref<2x128x64xf32, #tpu.memory_space<vmem>>, vector<16xf32>,
      %mul3A_759 = arith.mulf %get3A_753, %get3A_758 : vector<16xf32>
      %add3A_760 = arith.addf %add3A_748, %mul3A_759 : vector<16xf32>
      %eq3A_761 = arith.constant 3 : i32
      %eq3A_762 = vector.broadcast %eq3A_761 : i32 to vector<16xi32>
      %eq3A_763 = arith.cmpi eq, %iota3A, %eq3A_762 : vector<16xi32>
      %reduce_sum3A_764 = arith.constant true
      %reduce_sum3A_765 = vector.broadcast %reduce_sum3A_764 : i1 to vector<16xi1>
      %reduce_sum3A_766 = tpu.scan <sum>, %add3A_760 masked %reduce_sum3A_765 : vector<16xf32>, vector<16xi1> -> vector<16xf32>
      %reduce_sum3A_767 = vector.extract %reduce_sum3A_766[15] : f32 from vector<16xf32>
      %broadcast_in_dim3A_768 = vector.broadcast %reduce_sum3A_767 : f32 to vector<16xf32>
      %select_n3A_769 = arith.select %eq3A_763, %broadcast_in_dim3A_768, %select_n3A_711 : vector<16xi1>, vector<16xf32>
      %add3A_770 = arith.constant 4 : i32
      %add3A_771 = arith.addi %mul3A_539, %add3A_770 : i32
      %get3A_772 = arith.constant 0 : i32
      %get3A_773 = arith.index_cast %get3A_772 : i32 to index
      %get3A_774 = arith.index_cast %add3A_771 : i32 to index
      %get3A_775 = arith.constant 0 : index
      %get3A_776 = tpu.vector_load %arg10[%get3A_773, %get3A_774, %get3A_775] {strides = array<i32>} : memref<2x128x64xf32, #tpu.memory_space<vmem>>, vector<16xf32>,
      %get3A_777 = arith.constant 0 : i32
      %get3A_778 = arith.index_cast %get3A_777 : i32 to index
      %get3A_779 = arith.index_cast %add3A_771 : i32 to index
      %get3A_780 = arith.constant 0 : index
      %get3A_781 = tpu.vector_load %arg11[%get3A_778, %get3A_779, %get3A_780] {strides = array<i32>} : memref<2x128x64xf32, #tpu.memory_space<vmem>>, vector<16xf32>,
      %mul3A_782 = arith.mulf %get3A_776, %get3A_781 : vector<16xf32>
      %get3A_783 = arith.constant 0 : i32
      %get3A_784 = arith.index_cast %get3A_783 : i32 to index
      %get3A_785 = arith.index_cast %add3A_771 : i32 to index
      %get3A_786 = arith.constant 16 : index
      %get3A_787 = tpu.vector_load %arg10[%get3A_784, %get3A_785, %get3A_786] {strides = array<i32>} : memref<2x128x64xf32, #tpu.memory_space<vmem>>, vector<16xf32>,
      %get3A_788 = arith.constant 0 : i32
      %get3A_789 = arith.index_cast %get3A_788 : i32 to index
      %get3A_790 = arith.index_cast %add3A_771 : i32 to index
      %get3A_791 = arith.constant 16 : index
      %get3A_792 = tpu.vector_load %arg11[%get3A_789, %get3A_790, %get3A_791] {strides = array<i32>} : memref<2x128x64xf32, #tpu.memory_space<vmem>>, vector<16xf32>,
      %mul3A_793 = arith.mulf %get3A_787, %get3A_792 : vector<16xf32>
      %add3A_794 = arith.addf %mul3A_782, %mul3A_793 : vector<16xf32>
      %get3A_795 = arith.constant 0 : i32
      %get3A_796 = arith.index_cast %get3A_795 : i32 to index
      %get3A_797 = arith.index_cast %add3A_771 : i32 to index
      %get3A_798 = arith.constant 32 : index
      %get3A_799 = tpu.vector_load %arg10[%get3A_796, %get3A_797, %get3A_798] {strides = array<i32>} : memref<2x128x64xf32, #tpu.memory_space<vmem>>, vector<16xf32>,
      %get3A_800 = arith.constant 0 : i32
      %get3A_801 = arith.index_cast %get3A_800 : i32 to index
      %get3A_802 = arith.index_cast %add3A_771 : i32 to index
      %get3A_803 = arith.constant 32 : index
      %get3A_804 = tpu.vector_load %arg11[%get3A_801, %get3A_802, %get3A_803] {strides = array<i32>} : memref<2x128x64xf32, #tpu.memory_space<vmem>>, vector<16xf32>,
      %mul3A_805 = arith.mulf %get3A_799, %get3A_804 : vector<16xf32>
      %add3A_806 = arith.addf %add3A_794, %mul3A_805 : vector<16xf32>
      %get3A_807 = arith.constant 0 : i32
      %get3A_808 = arith.index_cast %get3A_807 : i32 to index
      %get3A_809 = arith.index_cast %add3A_771 : i32 to index
      %get3A_810 = arith.constant 48 : index
      %get3A_811 = tpu.vector_load %arg10[%get3A_808, %get3A_809, %get3A_810] {strides = array<i32>} : memref<2x128x64xf32, #tpu.memory_space<vmem>>, vector<16xf32>,
      %get3A_812 = arith.constant 0 : i32
      %get3A_813 = arith.index_cast %get3A_812 : i32 to index
      %get3A_814 = arith.index_cast %add3A_771 : i32 to index
      %get3A_815 = arith.constant 48 : index
      %get3A_816 = tpu.vector_load %arg11[%get3A_813, %get3A_814, %get3A_815] {strides = array<i32>} : memref<2x128x64xf32, #tpu.memory_space<vmem>>, vector<16xf32>,
      %mul3A_817 = arith.mulf %get3A_811, %get3A_816 : vector<16xf32>
      %add3A_818 = arith.addf %add3A_806, %mul3A_817 : vector<16xf32>
      %eq3A_819 = arith.constant 4 : i32
      %eq3A_820 = vector.broadcast %eq3A_819 : i32 to vector<16xi32>
      %eq3A_821 = arith.cmpi eq, %iota3A, %eq3A_820 : vector<16xi32>
      %reduce_sum3A_822 = arith.constant true
      %reduce_sum3A_823 = vector.broadcast %reduce_sum3A_822 : i1 to vector<16xi1>
      %reduce_sum3A_824 = tpu.scan <sum>, %add3A_818 masked %reduce_sum3A_823 : vector<16xf32>, vector<16xi1> -> vector<16xf32>
      %reduce_sum3A_825 = vector.extract %reduce_sum3A_824[15] : f32 from vector<16xf32>
      %broadcast_in_dim3A_826 = vector.broadcast %reduce_sum3A_825 : f32 to vector<16xf32>
      %select_n3A_827 = arith.select %eq3A_821, %broadcast_in_dim3A_826, %select_n3A_769 : vector<16xi1>, vector<16xf32>
      %add3A_828 = arith.constant 5 : i32
      %add3A_829 = arith.addi %mul3A_539, %add3A_828 : i32
      %get3A_830 = arith.constant 0 : i32
      %get3A_831 = arith.index_cast %get3A_830 : i32 to index
      %get3A_832 = arith.index_cast %add3A_829 : i32 to index
      %get3A_833 = arith.constant 0 : index
      %get3A_834 = tpu.vector_load %arg10[%get3A_831, %get3A_832, %get3A_833] {strides = array<i32>} : memref<2x128x64xf32, #tpu.memory_space<vmem>>, vector<16xf32>,
      %get3A_835 = arith.constant 0 : i32
      %get3A_836 = arith.index_cast %get3A_835 : i32 to index
      %get3A_837 = arith.index_cast %add3A_829 : i32 to index
      %get3A_838 = arith.constant 0 : index
      %get3A_839 = tpu.vector_load %arg11[%get3A_836, %get3A_837, %get3A_838] {strides = array<i32>} : memref<2x128x64xf32, #tpu.memory_space<vmem>>, vector<16xf32>,
      %mul3A_840 = arith.mulf %get3A_834, %get3A_839 : vector<16xf32>
      %get3A_841 = arith.constant 0 : i32
      %get3A_842 = arith.index_cast %get3A_841 : i32 to index
      %get3A_843 = arith.index_cast %add3A_829 : i32 to index
      %get3A_844 = arith.constant 16 : index
      %get3A_845 = tpu.vector_load %arg10[%get3A_842, %get3A_843, %get3A_844] {strides = array<i32>} : memref<2x128x64xf32, #tpu.memory_space<vmem>>, vector<16xf32>,
      %get3A_846 = arith.constant 0 : i32
      %get3A_847 = arith.index_cast %get3A_846 : i32 to index
      %get3A_848 = arith.index_cast %add3A_829 : i32 to index
      %get3A_849 = arith.constant 16 : index
      %get3A_850 = tpu.vector_load %arg11[%get3A_847, %get3A_848, %get3A_849] {strides = array<i32>} : memref<2x128x64xf32, #tpu.memory_space<vmem>>, vector<16xf32>,
      %mul3A_851 = arith.mulf %get3A_845, %get3A_850 : vector<16xf32>
      %add3A_852 = arith.addf %mul3A_840, %mul3A_851 : vector<16xf32>
      %get3A_853 = arith.constant 0 : i32
      %get3A_854 = arith.index_cast %get3A_853 : i32 to index
      %get3A_855 = arith.index_cast %add3A_829 : i32 to index
      %get3A_856 = arith.constant 32 : index
      %get3A_857 = tpu.vector_load %arg10[%get3A_854, %get3A_855, %get3A_856] {strides = array<i32>} : memref<2x128x64xf32, #tpu.memory_space<vmem>>, vector<16xf32>,
      %get3A_858 = arith.constant 0 : i32
      %get3A_859 = arith.index_cast %get3A_858 : i32 to index
      %get3A_860 = arith.index_cast %add3A_829 : i32 to index
      %get3A_861 = arith.constant 32 : index
      %get3A_862 = tpu.vector_load %arg11[%get3A_859, %get3A_860, %get3A_861] {strides = array<i32>} : memref<2x128x64xf32, #tpu.memory_space<vmem>>, vector<16xf32>,
      %mul3A_863 = arith.mulf %get3A_857, %get3A_862 : vector<16xf32>
      %add3A_864 = arith.addf %add3A_852, %mul3A_863 : vector<16xf32>
      %get3A_865 = arith.constant 0 : i32
      %get3A_866 = arith.index_cast %get3A_865 : i32 to index
      %get3A_867 = arith.index_cast %add3A_829 : i32 to index
      %get3A_868 = arith.constant 48 : index
      %get3A_869 = tpu.vector_load %arg10[%get3A_866, %get3A_867, %get3A_868] {strides = array<i32>} : memref<2x128x64xf32, #tpu.memory_space<vmem>>, vector<16xf32>,
      %get3A_870 = arith.constant 0 : i32
      %get3A_871 = arith.index_cast %get3A_870 : i32 to index
      %get3A_872 = arith.index_cast %add3A_829 : i32 to index
      %get3A_873 = arith.constant 48 : index
      %get3A_874 = tpu.vector_load %arg11[%get3A_871, %get3A_872, %get3A_873] {strides = array<i32>} : memref<2x128x64xf32, #tpu.memory_space<vmem>>, vector<16xf32>,
      %mul3A_875 = arith.mulf %get3A_869, %get3A_874 : vector<16xf32>
      %add3A_876 = arith.addf %add3A_864, %mul3A_875 : vector<16xf32>
      %eq3A_877 = arith.constant 5 : i32
      %eq3A_878 = vector.broadcast %eq3A_877 : i32 to vector<16xi32>
      %eq3A_879 = arith.cmpi eq, %iota3A, %eq3A_878 : vector<16xi32>
      %reduce_sum3A_880 = arith.constant true
      %reduce_sum3A_881 = vector.broadcast %reduce_sum3A_880 : i1 to vector<16xi1>
      %reduce_sum3A_882 = tpu.scan <sum>, %add3A_876 masked %reduce_sum3A_881 : vector<16xf32>, vector<16xi1> -> vector<16xf32>
      %reduce_sum3A_883 = vector.extract %reduce_sum3A_882[15] : f32 from vector<16xf32>
      %broadcast_in_dim3A_884 = vector.broadcast %reduce_sum3A_883 : f32 to vector<16xf32>
      %select_n3A_885 = arith.select %eq3A_879, %broadcast_in_dim3A_884, %select_n3A_827 : vector<16xi1>, vector<16xf32>
      %add3A_886 = arith.constant 6 : i32
      %add3A_887 = arith.addi %mul3A_539, %add3A_886 : i32
      %get3A_888 = arith.constant 0 : i32
      %get3A_889 = arith.index_cast %get3A_888 : i32 to index
      %get3A_890 = arith.index_cast %add3A_887 : i32 to index
      %get3A_891 = arith.constant 0 : index
      %get3A_892 = tpu.vector_load %arg10[%get3A_889, %get3A_890, %get3A_891] {strides = array<i32>} : memref<2x128x64xf32, #tpu.memory_space<vmem>>, vector<16xf32>,
      %get3A_893 = arith.constant 0 : i32
      %get3A_894 = arith.index_cast %get3A_893 : i32 to index
      %get3A_895 = arith.index_cast %add3A_887 : i32 to index
      %get3A_896 = arith.constant 0 : index
      %get3A_897 = tpu.vector_load %arg11[%get3A_894, %get3A_895, %get3A_896] {strides = array<i32>} : memref<2x128x64xf32, #tpu.memory_space<vmem>>, vector<16xf32>,
      %mul3A_898 = arith.mulf %get3A_892, %get3A_897 : vector<16xf32>
      %get3A_899 = arith.constant 0 : i32
      %get3A_900 = arith.index_cast %get3A_899 : i32 to index
      %get3A_901 = arith.index_cast %add3A_887 : i32 to index
      %get3A_902 = arith.constant 16 : index
      %get3A_903 = tpu.vector_load %arg10[%get3A_900, %get3A_901, %get3A_902] {strides = array<i32>} : memref<2x128x64xf32, #tpu.memory_space<vmem>>, vector<16xf32>,
      %get3A_904 = arith.constant 0 : i32
      %get3A_905 = arith.index_cast %get3A_904 : i32 to index
      %get3A_906 = arith.index_cast %add3A_887 : i32 to index
      %get3A_907 = arith.constant 16 : index
      %get3A_908 = tpu.vector_load %arg11[%get3A_905, %get3A_906, %get3A_907] {strides = array<i32>} : memref<2x128x64xf32, #tpu.memory_space<vmem>>, vector<16xf32>,
      %mul3A_909 = arith.mulf %get3A_903, %get3A_908 : vector<16xf32>
      %add3A_910 = arith.addf %mul3A_898, %mul3A_909 : vector<16xf32>
      %get3A_911 = arith.constant 0 : i32
      %get3A_912 = arith.index_cast %get3A_911 : i32 to index
      %get3A_913 = arith.index_cast %add3A_887 : i32 to index
      %get3A_914 = arith.constant 32 : index
      %get3A_915 = tpu.vector_load %arg10[%get3A_912, %get3A_913, %get3A_914] {strides = array<i32>} : memref<2x128x64xf32, #tpu.memory_space<vmem>>, vector<16xf32>,
      %get3A_916 = arith.constant 0 : i32
      %get3A_917 = arith.index_cast %get3A_916 : i32 to index
      %get3A_918 = arith.index_cast %add3A_887 : i32 to index
      %get3A_919 = arith.constant 32 : index
      %get3A_920 = tpu.vector_load %arg11[%get3A_917, %get3A_918, %get3A_919] {strides = array<i32>} : memref<2x128x64xf32, #tpu.memory_space<vmem>>, vector<16xf32>,
      %mul3A_921 = arith.mulf %get3A_915, %get3A_920 : vector<16xf32>
      %add3A_922 = arith.addf %add3A_910, %mul3A_921 : vector<16xf32>
      %get3A_923 = arith.constant 0 : i32
      %get3A_924 = arith.index_cast %get3A_923 : i32 to index
      %get3A_925 = arith.index_cast %add3A_887 : i32 to index
      %get3A_926 = arith.constant 48 : index
      %get3A_927 = tpu.vector_load %arg10[%get3A_924, %get3A_925, %get3A_926] {strides = array<i32>} : memref<2x128x64xf32, #tpu.memory_space<vmem>>, vector<16xf32>,
      %get3A_928 = arith.constant 0 : i32
      %get3A_929 = arith.index_cast %get3A_928 : i32 to index
      %get3A_930 = arith.index_cast %add3A_887 : i32 to index
      %get3A_931 = arith.constant 48 : index
      %get3A_932 = tpu.vector_load %arg11[%get3A_929, %get3A_930, %get3A_931] {strides = array<i32>} : memref<2x128x64xf32, #tpu.memory_space<vmem>>, vector<16xf32>,
      %mul3A_933 = arith.mulf %get3A_927, %get3A_932 : vector<16xf32>
      %add3A_934 = arith.addf %add3A_922, %mul3A_933 : vector<16xf32>
      %eq3A_935 = arith.constant 6 : i32
      %eq3A_936 = vector.broadcast %eq3A_935 : i32 to vector<16xi32>
      %eq3A_937 = arith.cmpi eq, %iota3A, %eq3A_936 : vector<16xi32>
      %reduce_sum3A_938 = arith.constant true
      %reduce_sum3A_939 = vector.broadcast %reduce_sum3A_938 : i1 to vector<16xi1>
      %reduce_sum3A_940 = tpu.scan <sum>, %add3A_934 masked %reduce_sum3A_939 : vector<16xf32>, vector<16xi1> -> vector<16xf32>
      %reduce_sum3A_941 = vector.extract %reduce_sum3A_940[15] : f32 from vector<16xf32>
      %broadcast_in_dim3A_942 = vector.broadcast %reduce_sum3A_941 : f32 to vector<16xf32>
      %select_n3A_943 = arith.select %eq3A_937, %broadcast_in_dim3A_942, %select_n3A_885 : vector<16xi1>, vector<16xf32>
      %add3A_944 = arith.constant 7 : i32
      %add3A_945 = arith.addi %mul3A_539, %add3A_944 : i32
      %get3A_946 = arith.constant 0 : i32
      %get3A_947 = arith.index_cast %get3A_946 : i32 to index
      %get3A_948 = arith.index_cast %add3A_945 : i32 to index
      %get3A_949 = arith.constant 0 : index
      %get3A_950 = tpu.vector_load %arg10[%get3A_947, %get3A_948, %get3A_949] {strides = array<i32>} : memref<2x128x64xf32, #tpu.memory_space<vmem>>, vector<16xf32>,
      %get3A_951 = arith.constant 0 : i32
      %get3A_952 = arith.index_cast %get3A_951 : i32 to index
      %get3A_953 = arith.index_cast %add3A_945 : i32 to index
      %get3A_954 = arith.constant 0 : index
      %get3A_955 = tpu.vector_load %arg11[%get3A_952, %get3A_953, %get3A_954] {strides = array<i32>} : memref<2x128x64xf32, #tpu.memory_space<vmem>>, vector<16xf32>,
      %mul3A_956 = arith.mulf %get3A_950, %get3A_955 : vector<16xf32>
      %get3A_957 = arith.constant 0 : i32
      %get3A_958 = arith.index_cast %get3A_957 : i32 to index
      %get3A_959 = arith.index_cast %add3A_945 : i32 to index
      %get3A_960 = arith.constant 16 : index
      %get3A_961 = tpu.vector_load %arg10[%get3A_958, %get3A_959, %get3A_960] {strides = array<i32>} : memref<2x128x64xf32, #tpu.memory_space<vmem>>, vector<16xf32>,
      %get3A_962 = arith.constant 0 : i32
      %get3A_963 = arith.index_cast %get3A_962 : i32 to index
      %get3A_964 = arith.index_cast %add3A_945 : i32 to index
      %get3A_965 = arith.constant 16 : index
      %get3A_966 = tpu.vector_load %arg11[%get3A_963, %get3A_964, %get3A_965] {strides = array<i32>} : memref<2x128x64xf32, #tpu.memory_space<vmem>>, vector<16xf32>,
      %mul3A_967 = arith.mulf %get3A_961, %get3A_966 : vector<16xf32>
      %add3A_968 = arith.addf %mul3A_956, %mul3A_967 : vector<16xf32>
      %get3A_969 = arith.constant 0 : i32
      %get3A_970 = arith.index_cast %get3A_969 : i32 to index
      %get3A_971 = arith.index_cast %add3A_945 : i32 to index
      %get3A_972 = arith.constant 32 : index
      %get3A_973 = tpu.vector_load %arg10[%get3A_970, %get3A_971, %get3A_972] {strides = array<i32>} : memref<2x128x64xf32, #tpu.memory_space<vmem>>, vector<16xf32>,
      %get3A_974 = arith.constant 0 : i32
      %get3A_975 = arith.index_cast %get3A_974 : i32 to index
      %get3A_976 = arith.index_cast %add3A_945 : i32 to index
      %get3A_977 = arith.constant 32 : index
      %get3A_978 = tpu.vector_load %arg11[%get3A_975, %get3A_976, %get3A_977] {strides = array<i32>} : memref<2x128x64xf32, #tpu.memory_space<vmem>>, vector<16xf32>,
      %mul3A_979 = arith.mulf %get3A_973, %get3A_978 : vector<16xf32>
      %add3A_980 = arith.addf %add3A_968, %mul3A_979 : vector<16xf32>
      %get3A_981 = arith.constant 0 : i32
      %get3A_982 = arith.index_cast %get3A_981 : i32 to index
      %get3A_983 = arith.index_cast %add3A_945 : i32 to index
      %get3A_984 = arith.constant 48 : index
      %get3A_985 = tpu.vector_load %arg10[%get3A_982, %get3A_983, %get3A_984] {strides = array<i32>} : memref<2x128x64xf32, #tpu.memory_space<vmem>>, vector<16xf32>,
      %get3A_986 = arith.constant 0 : i32
      %get3A_987 = arith.index_cast %get3A_986 : i32 to index
      %get3A_988 = arith.index_cast %add3A_945 : i32 to index
      %get3A_989 = arith.constant 48 : index
      %get3A_990 = tpu.vector_load %arg11[%get3A_987, %get3A_988, %get3A_989] {strides = array<i32>} : memref<2x128x64xf32, #tpu.memory_space<vmem>>, vector<16xf32>,
      %mul3A_991 = arith.mulf %get3A_985, %get3A_990 : vector<16xf32>
      %add3A_992 = arith.addf %add3A_980, %mul3A_991 : vector<16xf32>
      %eq3A_993 = arith.constant 7 : i32
      %eq3A_994 = vector.broadcast %eq3A_993 : i32 to vector<16xi32>
      %eq3A_995 = arith.cmpi eq, %iota3A, %eq3A_994 : vector<16xi32>
      %reduce_sum3A_996 = arith.constant true
      %reduce_sum3A_997 = vector.broadcast %reduce_sum3A_996 : i1 to vector<16xi1>
      %reduce_sum3A_998 = tpu.scan <sum>, %add3A_992 masked %reduce_sum3A_997 : vector<16xf32>, vector<16xi1> -> vector<16xf32>
      %reduce_sum3A_999 = vector.extract %reduce_sum3A_998[15] : f32 from vector<16xf32>
      %broadcast_in_dim3A_1000 = vector.broadcast %reduce_sum3A_999 : f32 to vector<16xf32>
      %select_n3A_1001 = arith.select %eq3A_995, %broadcast_in_dim3A_1000, %select_n3A_943 : vector<16xi1>, vector<16xf32>
      %add3A_1002 = arith.constant 8 : i32
      %add3A_1003 = arith.addi %mul3A_539, %add3A_1002 : i32
      %get3A_1004 = arith.constant 0 : i32
      %get3A_1005 = arith.index_cast %get3A_1004 : i32 to index
      %get3A_1006 = arith.index_cast %add3A_1003 : i32 to index
      %get3A_1007 = arith.constant 0 : index
      %get3A_1008 = tpu.vector_load %arg10[%get3A_1005, %get3A_1006, %get3A_1007] {strides = array<i32>} : memref<2x128x64xf32, #tpu.memory_space<vmem>>, vector<16xf32>,
      %get3A_1009 = arith.constant 0 : i32
      %get3A_1010 = arith.index_cast %get3A_1009 : i32 to index
      %get3A_1011 = arith.index_cast %add3A_1003 : i32 to index
      %get3A_1012 = arith.constant 0 : index
      %get3A_1013 = tpu.vector_load %arg11[%get3A_1010, %get3A_1011, %get3A_1012] {strides = array<i32>} : memref<2x128x64xf32, #tpu.memory_space<vmem>>, vector<16xf32>,
      %mul3A_1014 = arith.mulf %get3A_1008, %get3A_1013 : vector<16xf32>
      %get3A_1015 = arith.constant 0 : i32
      %get3A_1016 = arith.index_cast %get3A_1015 : i32 to index
      %get3A_1017 = arith.index_cast %add3A_1003 : i32 to index
      %get3A_1018 = arith.constant 16 : index
      %get3A_1019 = tpu.vector_load %arg10[%get3A_1016, %get3A_1017, %get3A_1018] {strides = array<i32>} : memref<2x128x64xf32, #tpu.memory_space<vmem>>, vector<16xf32>,
      %get3A_1020 = arith.constant 0 : i32
      %get3A_1021 = arith.index_cast %get3A_1020 : i32 to index
      %get3A_1022 = arith.index_cast %add3A_1003 : i32 to index
      %get3A_1023 = arith.constant 16 : index
      %get3A_1024 = tpu.vector_load %arg11[%get3A_1021, %get3A_1022, %get3A_1023] {strides = array<i32>} : memref<2x128x64xf32, #tpu.memory_space<vmem>>, vector<16xf32>,
      %mul3A_1025 = arith.mulf %get3A_1019, %get3A_1024 : vector<16xf32>
      %add3A_1026 = arith.addf %mul3A_1014, %mul3A_1025 : vector<16xf32>
      %get3A_1027 = arith.constant 0 : i32
      %get3A_1028 = arith.index_cast %get3A_1027 : i32 to index
      %get3A_1029 = arith.index_cast %add3A_1003 : i32 to index
      %get3A_1030 = arith.constant 32 : index
      %get3A_1031 = tpu.vector_load %arg10[%get3A_1028, %get3A_1029, %get3A_1030] {strides = array<i32>} : memref<2x128x64xf32, #tpu.memory_space<vmem>>, vector<16xf32>,
      %get3A_1032 = arith.constant 0 : i32
      %get3A_1033 = arith.index_cast %get3A_1032 : i32 to index
      %get3A_1034 = arith.index_cast %add3A_1003 : i32 to index
      %get3A_1035 = arith.constant 32 : index
      %get3A_1036 = tpu.vector_load %arg11[%get3A_1033, %get3A_1034, %get3A_1035] {strides = array<i32>} : memref<2x128x64xf32, #tpu.memory_space<vmem>>, vector<16xf32>,
      %mul3A_1037 = arith.mulf %get3A_1031, %get3A_1036 : vector<16xf32>
      %add3A_1038 = arith.addf %add3A_1026, %mul3A_1037 : vector<16xf32>
      %get3A_1039 = arith.constant 0 : i32
      %get3A_1040 = arith.index_cast %get3A_1039 : i32 to index
      %get3A_1041 = arith.index_cast %add3A_1003 : i32 to index
      %get3A_1042 = arith.constant 48 : index
      %get3A_1043 = tpu.vector_load %arg10[%get3A_1040, %get3A_1041, %get3A_1042] {strides = array<i32>} : memref<2x128x64xf32, #tpu.memory_space<vmem>>, vector<16xf32>,
      %get3A_1044 = arith.constant 0 : i32
      %get3A_1045 = arith.index_cast %get3A_1044 : i32 to index
      %get3A_1046 = arith.index_cast %add3A_1003 : i32 to index
      %get3A_1047 = arith.constant 48 : index
      %get3A_1048 = tpu.vector_load %arg11[%get3A_1045, %get3A_1046, %get3A_1047] {strides = array<i32>} : memref<2x128x64xf32, #tpu.memory_space<vmem>>, vector<16xf32>,
      %mul3A_1049 = arith.mulf %get3A_1043, %get3A_1048 : vector<16xf32>
      %add3A_1050 = arith.addf %add3A_1038, %mul3A_1049 : vector<16xf32>
      %eq3A_1051 = arith.constant 8 : i32
      %eq3A_1052 = vector.broadcast %eq3A_1051 : i32 to vector<16xi32>
      %eq3A_1053 = arith.cmpi eq, %iota3A, %eq3A_1052 : vector<16xi32>
      %reduce_sum3A_1054 = arith.constant true
      %reduce_sum3A_1055 = vector.broadcast %reduce_sum3A_1054 : i1 to vector<16xi1>
      %reduce_sum3A_1056 = tpu.scan <sum>, %add3A_1050 masked %reduce_sum3A_1055 : vector<16xf32>, vector<16xi1> -> vector<16xf32>
      %reduce_sum3A_1057 = vector.extract %reduce_sum3A_1056[15] : f32 from vector<16xf32>
      %broadcast_in_dim3A_1058 = vector.broadcast %reduce_sum3A_1057 : f32 to vector<16xf32>
      %select_n3A_1059 = arith.select %eq3A_1053, %broadcast_in_dim3A_1058, %select_n3A_1001 : vector<16xi1>, vector<16xf32>
      %add3A_1060 = arith.constant 9 : i32
      %add3A_1061 = arith.addi %mul3A_539, %add3A_1060 : i32
      %get3A_1062 = arith.constant 0 : i32
      %get3A_1063 = arith.index_cast %get3A_1062 : i32 to index
      %get3A_1064 = arith.index_cast %add3A_1061 : i32 to index
      %get3A_1065 = arith.constant 0 : index
      %get3A_1066 = tpu.vector_load %arg10[%get3A_1063, %get3A_1064, %get3A_1065] {strides = array<i32>} : memref<2x128x64xf32, #tpu.memory_space<vmem>>, vector<16xf32>,
      %get3A_1067 = arith.constant 0 : i32
      %get3A_1068 = arith.index_cast %get3A_1067 : i32 to index
      %get3A_1069 = arith.index_cast %add3A_1061 : i32 to index
      %get3A_1070 = arith.constant 0 : index
      %get3A_1071 = tpu.vector_load %arg11[%get3A_1068, %get3A_1069, %get3A_1070] {strides = array<i32>} : memref<2x128x64xf32, #tpu.memory_space<vmem>>, vector<16xf32>,
      %mul3A_1072 = arith.mulf %get3A_1066, %get3A_1071 : vector<16xf32>
      %get3A_1073 = arith.constant 0 : i32
      %get3A_1074 = arith.index_cast %get3A_1073 : i32 to index
      %get3A_1075 = arith.index_cast %add3A_1061 : i32 to index
      %get3A_1076 = arith.constant 16 : index
      %get3A_1077 = tpu.vector_load %arg10[%get3A_1074, %get3A_1075, %get3A_1076] {strides = array<i32>} : memref<2x128x64xf32, #tpu.memory_space<vmem>>, vector<16xf32>,
      %get3A_1078 = arith.constant 0 : i32
      %get3A_1079 = arith.index_cast %get3A_1078 : i32 to index
      %get3A_1080 = arith.index_cast %add3A_1061 : i32 to index
      %get3A_1081 = arith.constant 16 : index
      %get3A_1082 = tpu.vector_load %arg11[%get3A_1079, %get3A_1080, %get3A_1081] {strides = array<i32>} : memref<2x128x64xf32, #tpu.memory_space<vmem>>, vector<16xf32>,
      %mul3A_1083 = arith.mulf %get3A_1077, %get3A_1082 : vector<16xf32>
      %add3A_1084 = arith.addf %mul3A_1072, %mul3A_1083 : vector<16xf32>
      %get3A_1085 = arith.constant 0 : i32
      %get3A_1086 = arith.index_cast %get3A_1085 : i32 to index
      %get3A_1087 = arith.index_cast %add3A_1061 : i32 to index
      %get3A_1088 = arith.constant 32 : index
      %get3A_1089 = tpu.vector_load %arg10[%get3A_1086, %get3A_1087, %get3A_1088] {strides = array<i32>} : memref<2x128x64xf32, #tpu.memory_space<vmem>>, vector<16xf32>,
      %get3A_1090 = arith.constant 0 : i32
      %get3A_1091 = arith.index_cast %get3A_1090 : i32 to index
      %get3A_1092 = arith.index_cast %add3A_1061 : i32 to index
      %get3A_1093 = arith.constant 32 : index
      %get3A_1094 = tpu.vector_load %arg11[%get3A_1091, %get3A_1092, %get3A_1093] {strides = array<i32>} : memref<2x128x64xf32, #tpu.memory_space<vmem>>, vector<16xf32>,
      %mul3A_1095 = arith.mulf %get3A_1089, %get3A_1094 : vector<16xf32>
      %add3A_1096 = arith.addf %add3A_1084, %mul3A_1095 : vector<16xf32>
      %get3A_1097 = arith.constant 0 : i32
      %get3A_1098 = arith.index_cast %get3A_1097 : i32 to index
      %get3A_1099 = arith.index_cast %add3A_1061 : i32 to index
      %get3A_1100 = arith.constant 48 : index
      %get3A_1101 = tpu.vector_load %arg10[%get3A_1098, %get3A_1099, %get3A_1100] {strides = array<i32>} : memref<2x128x64xf32, #tpu.memory_space<vmem>>, vector<16xf32>,
      %get3A_1102 = arith.constant 0 : i32
      %get3A_1103 = arith.index_cast %get3A_1102 : i32 to index
      %get3A_1104 = arith.index_cast %add3A_1061 : i32 to index
      %get3A_1105 = arith.constant 48 : index
      %get3A_1106 = tpu.vector_load %arg11[%get3A_1103, %get3A_1104, %get3A_1105] {strides = array<i32>} : memref<2x128x64xf32, #tpu.memory_space<vmem>>, vector<16xf32>,
      %mul3A_1107 = arith.mulf %get3A_1101, %get3A_1106 : vector<16xf32>
      %add3A_1108 = arith.addf %add3A_1096, %mul3A_1107 : vector<16xf32>
      %eq3A_1109 = arith.constant 9 : i32
      %eq3A_1110 = vector.broadcast %eq3A_1109 : i32 to vector<16xi32>
      %eq3A_1111 = arith.cmpi eq, %iota3A, %eq3A_1110 : vector<16xi32>
      %reduce_sum3A_1112 = arith.constant true
      %reduce_sum3A_1113 = vector.broadcast %reduce_sum3A_1112 : i1 to vector<16xi1>
      %reduce_sum3A_1114 = tpu.scan <sum>, %add3A_1108 masked %reduce_sum3A_1113 : vector<16xf32>, vector<16xi1> -> vector<16xf32>
      %reduce_sum3A_1115 = vector.extract %reduce_sum3A_1114[15] : f32 from vector<16xf32>
      %broadcast_in_dim3A_1116 = vector.broadcast %reduce_sum3A_1115 : f32 to vector<16xf32>
      %select_n3A_1117 = arith.select %eq3A_1111, %broadcast_in_dim3A_1116, %select_n3A_1059 : vector<16xi1>, vector<16xf32>
      %add3A_1118 = arith.constant 10 : i32
      %add3A_1119 = arith.addi %mul3A_539, %add3A_1118 : i32
      %get3A_1120 = arith.constant 0 : i32
      %get3A_1121 = arith.index_cast %get3A_1120 : i32 to index
      %get3A_1122 = arith.index_cast %add3A_1119 : i32 to index
      %get3A_1123 = arith.constant 0 : index
      %get3A_1124 = tpu.vector_load %arg10[%get3A_1121, %get3A_1122, %get3A_1123] {strides = array<i32>} : memref<2x128x64xf32, #tpu.memory_space<vmem>>, vector<16xf32>,
      %get3A_1125 = arith.constant 0 : i32
      %get3A_1126 = arith.index_cast %get3A_1125 : i32 to index
      %get3A_1127 = arith.index_cast %add3A_1119 : i32 to index
      %get3A_1128 = arith.constant 0 : index
      %get3A_1129 = tpu.vector_load %arg11[%get3A_1126, %get3A_1127, %get3A_1128] {strides = array<i32>} : memref<2x128x64xf32, #tpu.memory_space<vmem>>, vector<16xf32>,
      %mul3A_1130 = arith.mulf %get3A_1124, %get3A_1129 : vector<16xf32>
      %get3A_1131 = arith.constant 0 : i32
      %get3A_1132 = arith.index_cast %get3A_1131 : i32 to index
      %get3A_1133 = arith.index_cast %add3A_1119 : i32 to index
      %get3A_1134 = arith.constant 16 : index
      %get3A_1135 = tpu.vector_load %arg10[%get3A_1132, %get3A_1133, %get3A_1134] {strides = array<i32>} : memref<2x128x64xf32, #tpu.memory_space<vmem>>, vector<16xf32>,
      %get3A_1136 = arith.constant 0 : i32
      %get3A_1137 = arith.index_cast %get3A_1136 : i32 to index
      %get3A_1138 = arith.index_cast %add3A_1119 : i32 to index
      %get3A_1139 = arith.constant 16 : index
      %get3A_1140 = tpu.vector_load %arg11[%get3A_1137, %get3A_1138, %get3A_1139] {strides = array<i32>} : memref<2x128x64xf32, #tpu.memory_space<vmem>>, vector<16xf32>,
      %mul3A_1141 = arith.mulf %get3A_1135, %get3A_1140 : vector<16xf32>
      %add3A_1142 = arith.addf %mul3A_1130, %mul3A_1141 : vector<16xf32>
      %get3A_1143 = arith.constant 0 : i32
      %get3A_1144 = arith.index_cast %get3A_1143 : i32 to index
      %get3A_1145 = arith.index_cast %add3A_1119 : i32 to index
      %get3A_1146 = arith.constant 32 : index
      %get3A_1147 = tpu.vector_load %arg10[%get3A_1144, %get3A_1145, %get3A_1146] {strides = array<i32>} : memref<2x128x64xf32, #tpu.memory_space<vmem>>, vector<16xf32>,
      %get3A_1148 = arith.constant 0 : i32
      %get3A_1149 = arith.index_cast %get3A_1148 : i32 to index
      %get3A_1150 = arith.index_cast %add3A_1119 : i32 to index
      %get3A_1151 = arith.constant 32 : index
      %get3A_1152 = tpu.vector_load %arg11[%get3A_1149, %get3A_1150, %get3A_1151] {strides = array<i32>} : memref<2x128x64xf32, #tpu.memory_space<vmem>>, vector<16xf32>,
      %mul3A_1153 = arith.mulf %get3A_1147, %get3A_1152 : vector<16xf32>
      %add3A_1154 = arith.addf %add3A_1142, %mul3A_1153 : vector<16xf32>
      %get3A_1155 = arith.constant 0 : i32
      %get3A_1156 = arith.index_cast %get3A_1155 : i32 to index
      %get3A_1157 = arith.index_cast %add3A_1119 : i32 to index
      %get3A_1158 = arith.constant 48 : index
      %get3A_1159 = tpu.vector_load %arg10[%get3A_1156, %get3A_1157, %get3A_1158] {strides = array<i32>} : memref<2x128x64xf32, #tpu.memory_space<vmem>>, vector<16xf32>,
      %get3A_1160 = arith.constant 0 : i32
      %get3A_1161 = arith.index_cast %get3A_1160 : i32 to index
      %get3A_1162 = arith.index_cast %add3A_1119 : i32 to index
      %get3A_1163 = arith.constant 48 : index
      %get3A_1164 = tpu.vector_load %arg11[%get3A_1161, %get3A_1162, %get3A_1163] {strides = array<i32>} : memref<2x128x64xf32, #tpu.memory_space<vmem>>, vector<16xf32>,
      %mul3A_1165 = arith.mulf %get3A_1159, %get3A_1164 : vector<16xf32>
      %add3A_1166 = arith.addf %add3A_1154, %mul3A_1165 : vector<16xf32>
      %eq3A_1167 = arith.constant 10 : i32
      %eq3A_1168 = vector.broadcast %eq3A_1167 : i32 to vector<16xi32>
      %eq3A_1169 = arith.cmpi eq, %iota3A, %eq3A_1168 : vector<16xi32>
      %reduce_sum3A_1170 = arith.constant true
      %reduce_sum3A_1171 = vector.broadcast %reduce_sum3A_1170 : i1 to vector<16xi1>
      %reduce_sum3A_1172 = tpu.scan <sum>, %add3A_1166 masked %reduce_sum3A_1171 : vector<16xf32>, vector<16xi1> -> vector<16xf32>
      %reduce_sum3A_1173 = vector.extract %reduce_sum3A_1172[15] : f32 from vector<16xf32>
      %broadcast_in_dim3A_1174 = vector.broadcast %reduce_sum3A_1173 : f32 to vector<16xf32>
      %select_n3A_1175 = arith.select %eq3A_1169, %broadcast_in_dim3A_1174, %select_n3A_1117 : vector<16xi1>, vector<16xf32>
      %add3A_1176 = arith.constant 11 : i32
      %add3A_1177 = arith.addi %mul3A_539, %add3A_1176 : i32
      %get3A_1178 = arith.constant 0 : i32
      %get3A_1179 = arith.index_cast %get3A_1178 : i32 to index
      %get3A_1180 = arith.index_cast %add3A_1177 : i32 to index
      %get3A_1181 = arith.constant 0 : index
      %get3A_1182 = tpu.vector_load %arg10[%get3A_1179, %get3A_1180, %get3A_1181] {strides = array<i32>} : memref<2x128x64xf32, #tpu.memory_space<vmem>>, vector<16xf32>,
      %get3A_1183 = arith.constant 0 : i32
      %get3A_1184 = arith.index_cast %get3A_1183 : i32 to index
      %get3A_1185 = arith.index_cast %add3A_1177 : i32 to index
      %get3A_1186 = arith.constant 0 : index
      %get3A_1187 = tpu.vector_load %arg11[%get3A_1184, %get3A_1185, %get3A_1186] {strides = array<i32>} : memref<2x128x64xf32, #tpu.memory_space<vmem>>, vector<16xf32>,
      %mul3A_1188 = arith.mulf %get3A_1182, %get3A_1187 : vector<16xf32>
      %get3A_1189 = arith.constant 0 : i32
      %get3A_1190 = arith.index_cast %get3A_1189 : i32 to index
      %get3A_1191 = arith.index_cast %add3A_1177 : i32 to index
      %get3A_1192 = arith.constant 16 : index
      %get3A_1193 = tpu.vector_load %arg10[%get3A_1190, %get3A_1191, %get3A_1192] {strides = array<i32>} : memref<2x128x64xf32, #tpu.memory_space<vmem>>, vector<16xf32>,
      %get3A_1194 = arith.constant 0 : i32
      %get3A_1195 = arith.index_cast %get3A_1194 : i32 to index
      %get3A_1196 = arith.index_cast %add3A_1177 : i32 to index
      %get3A_1197 = arith.constant 16 : index
      %get3A_1198 = tpu.vector_load %arg11[%get3A_1195, %get3A_1196, %get3A_1197] {strides = array<i32>} : memref<2x128x64xf32, #tpu.memory_space<vmem>>, vector<16xf32>,
      %mul3A_1199 = arith.mulf %get3A_1193, %get3A_1198 : vector<16xf32>
      %add3A_1200 = arith.addf %mul3A_1188, %mul3A_1199 : vector<16xf32>
      %get3A_1201 = arith.constant 0 : i32
      %get3A_1202 = arith.index_cast %get3A_1201 : i32 to index
      %get3A_1203 = arith.index_cast %add3A_1177 : i32 to index
      %get3A_1204 = arith.constant 32 : index
      %get3A_1205 = tpu.vector_load %arg10[%get3A_1202, %get3A_1203, %get3A_1204] {strides = array<i32>} : memref<2x128x64xf32, #tpu.memory_space<vmem>>, vector<16xf32>,
      %get3A_1206 = arith.constant 0 : i32
      %get3A_1207 = arith.index_cast %get3A_1206 : i32 to index
      %get3A_1208 = arith.index_cast %add3A_1177 : i32 to index
      %get3A_1209 = arith.constant 32 : index
      %get3A_1210 = tpu.vector_load %arg11[%get3A_1207, %get3A_1208, %get3A_1209] {strides = array<i32>} : memref<2x128x64xf32, #tpu.memory_space<vmem>>, vector<16xf32>,
      %mul3A_1211 = arith.mulf %get3A_1205, %get3A_1210 : vector<16xf32>
      %add3A_1212 = arith.addf %add3A_1200, %mul3A_1211 : vector<16xf32>
      %get3A_1213 = arith.constant 0 : i32
      %get3A_1214 = arith.index_cast %get3A_1213 : i32 to index
      %get3A_1215 = arith.index_cast %add3A_1177 : i32 to index
      %get3A_1216 = arith.constant 48 : index
      %get3A_1217 = tpu.vector_load %arg10[%get3A_1214, %get3A_1215, %get3A_1216] {strides = array<i32>} : memref<2x128x64xf32, #tpu.memory_space<vmem>>, vector<16xf32>,
      %get3A_1218 = arith.constant 0 : i32
      %get3A_1219 = arith.index_cast %get3A_1218 : i32 to index
      %get3A_1220 = arith.index_cast %add3A_1177 : i32 to index
      %get3A_1221 = arith.constant 48 : index
      %get3A_1222 = tpu.vector_load %arg11[%get3A_1219, %get3A_1220, %get3A_1221] {strides = array<i32>} : memref<2x128x64xf32, #tpu.memory_space<vmem>>, vector<16xf32>,
      %mul3A_1223 = arith.mulf %get3A_1217, %get3A_1222 : vector<16xf32>
      %add3A_1224 = arith.addf %add3A_1212, %mul3A_1223 : vector<16xf32>
      %eq3A_1225 = arith.constant 11 : i32
      %eq3A_1226 = vector.broadcast %eq3A_1225 : i32 to vector<16xi32>
      %eq3A_1227 = arith.cmpi eq, %iota3A, %eq3A_1226 : vector<16xi32>
      %reduce_sum3A_1228 = arith.constant true
      %reduce_sum3A_1229 = vector.broadcast %reduce_sum3A_1228 : i1 to vector<16xi1>
      %reduce_sum3A_1230 = tpu.scan <sum>, %add3A_1224 masked %reduce_sum3A_1229 : vector<16xf32>, vector<16xi1> -> vector<16xf32>
      %reduce_sum3A_1231 = vector.extract %reduce_sum3A_1230[15] : f32 from vector<16xf32>
      %broadcast_in_dim3A_1232 = vector.broadcast %reduce_sum3A_1231 : f32 to vector<16xf32>
      %select_n3A_1233 = arith.select %eq3A_1227, %broadcast_in_dim3A_1232, %select_n3A_1175 : vector<16xi1>, vector<16xf32>
      %add3A_1234 = arith.constant 12 : i32
      %add3A_1235 = arith.addi %mul3A_539, %add3A_1234 : i32
      %get3A_1236 = arith.constant 0 : i32
      %get3A_1237 = arith.index_cast %get3A_1236 : i32 to index
      %get3A_1238 = arith.index_cast %add3A_1235 : i32 to index
      %get3A_1239 = arith.constant 0 : index
      %get3A_1240 = tpu.vector_load %arg10[%get3A_1237, %get3A_1238, %get3A_1239] {strides = array<i32>} : memref<2x128x64xf32, #tpu.memory_space<vmem>>, vector<16xf32>,
      %get3A_1241 = arith.constant 0 : i32
      %get3A_1242 = arith.index_cast %get3A_1241 : i32 to index
      %get3A_1243 = arith.index_cast %add3A_1235 : i32 to index
      %get3A_1244 = arith.constant 0 : index
      %get3A_1245 = tpu.vector_load %arg11[%get3A_1242, %get3A_1243, %get3A_1244] {strides = array<i32>} : memref<2x128x64xf32, #tpu.memory_space<vmem>>, vector<16xf32>,
      %mul3A_1246 = arith.mulf %get3A_1240, %get3A_1245 : vector<16xf32>
      %get3A_1247 = arith.constant 0 : i32
      %get3A_1248 = arith.index_cast %get3A_1247 : i32 to index
      %get3A_1249 = arith.index_cast %add3A_1235 : i32 to index
      %get3A_1250 = arith.constant 16 : index
      %get3A_1251 = tpu.vector_load %arg10[%get3A_1248, %get3A_1249, %get3A_1250] {strides = array<i32>} : memref<2x128x64xf32, #tpu.memory_space<vmem>>, vector<16xf32>,
      %get3A_1252 = arith.constant 0 : i32
      %get3A_1253 = arith.index_cast %get3A_1252 : i32 to index
      %get3A_1254 = arith.index_cast %add3A_1235 : i32 to index
      %get3A_1255 = arith.constant 16 : index
      %get3A_1256 = tpu.vector_load %arg11[%get3A_1253, %get3A_1254, %get3A_1255] {strides = array<i32>} : memref<2x128x64xf32, #tpu.memory_space<vmem>>, vector<16xf32>,
      %mul3A_1257 = arith.mulf %get3A_1251, %get3A_1256 : vector<16xf32>
      %add3A_1258 = arith.addf %mul3A_1246, %mul3A_1257 : vector<16xf32>
      %get3A_1259 = arith.constant 0 : i32
      %get3A_1260 = arith.index_cast %get3A_1259 : i32 to index
      %get3A_1261 = arith.index_cast %add3A_1235 : i32 to index
      %get3A_1262 = arith.constant 32 : index
      %get3A_1263 = tpu.vector_load %arg10[%get3A_1260, %get3A_1261, %get3A_1262] {strides = array<i32>} : memref<2x128x64xf32, #tpu.memory_space<vmem>>, vector<16xf32>,
      %get3A_1264 = arith.constant 0 : i32
      %get3A_1265 = arith.index_cast %get3A_1264 : i32 to index
      %get3A_1266 = arith.index_cast %add3A_1235 : i32 to index
      %get3A_1267 = arith.constant 32 : index
      %get3A_1268 = tpu.vector_load %arg11[%get3A_1265, %get3A_1266, %get3A_1267] {strides = array<i32>} : memref<2x128x64xf32, #tpu.memory_space<vmem>>, vector<16xf32>,
      %mul3A_1269 = arith.mulf %get3A_1263, %get3A_1268 : vector<16xf32>
      %add3A_1270 = arith.addf %add3A_1258, %mul3A_1269 : vector<16xf32>
      %get3A_1271 = arith.constant 0 : i32
      %get3A_1272 = arith.index_cast %get3A_1271 : i32 to index
      %get3A_1273 = arith.index_cast %add3A_1235 : i32 to index
      %get3A_1274 = arith.constant 48 : index
      %get3A_1275 = tpu.vector_load %arg10[%get3A_1272, %get3A_1273, %get3A_1274] {strides = array<i32>} : memref<2x128x64xf32, #tpu.memory_space<vmem>>, vector<16xf32>,
      %get3A_1276 = arith.constant 0 : i32
      %get3A_1277 = arith.index_cast %get3A_1276 : i32 to index
      %get3A_1278 = arith.index_cast %add3A_1235 : i32 to index
      %get3A_1279 = arith.constant 48 : index
      %get3A_1280 = tpu.vector_load %arg11[%get3A_1277, %get3A_1278, %get3A_1279] {strides = array<i32>} : memref<2x128x64xf32, #tpu.memory_space<vmem>>, vector<16xf32>,
      %mul3A_1281 = arith.mulf %get3A_1275, %get3A_1280 : vector<16xf32>
      %add3A_1282 = arith.addf %add3A_1270, %mul3A_1281 : vector<16xf32>
      %eq3A_1283 = arith.constant 12 : i32
      %eq3A_1284 = vector.broadcast %eq3A_1283 : i32 to vector<16xi32>
      %eq3A_1285 = arith.cmpi eq, %iota3A, %eq3A_1284 : vector<16xi32>
      %reduce_sum3A_1286 = arith.constant true
      %reduce_sum3A_1287 = vector.broadcast %reduce_sum3A_1286 : i1 to vector<16xi1>
      %reduce_sum3A_1288 = tpu.scan <sum>, %add3A_1282 masked %reduce_sum3A_1287 : vector<16xf32>, vector<16xi1> -> vector<16xf32>
      %reduce_sum3A_1289 = vector.extract %reduce_sum3A_1288[15] : f32 from vector<16xf32>
      %broadcast_in_dim3A_1290 = vector.broadcast %reduce_sum3A_1289 : f32 to vector<16xf32>
      %select_n3A_1291 = arith.select %eq3A_1285, %broadcast_in_dim3A_1290, %select_n3A_1233 : vector<16xi1>, vector<16xf32>
      %add3A_1292 = arith.constant 13 : i32
      %add3A_1293 = arith.addi %mul3A_539, %add3A_1292 : i32
      %get3A_1294 = arith.constant 0 : i32
      %get3A_1295 = arith.index_cast %get3A_1294 : i32 to index
      %get3A_1296 = arith.index_cast %add3A_1293 : i32 to index
      %get3A_1297 = arith.constant 0 : index
      %get3A_1298 = tpu.vector_load %arg10[%get3A_1295, %get3A_1296, %get3A_1297] {strides = array<i32>} : memref<2x128x64xf32, #tpu.memory_space<vmem>>, vector<16xf32>,
      %get3A_1299 = arith.constant 0 : i32
      %get3A_1300 = arith.index_cast %get3A_1299 : i32 to index
      %get3A_1301 = arith.index_cast %add3A_1293 : i32 to index
      %get3A_1302 = arith.constant 0 : index
      %get3A_1303 = tpu.vector_load %arg11[%get3A_1300, %get3A_1301, %get3A_1302] {strides = array<i32>} : memref<2x128x64xf32, #tpu.memory_space<vmem>>, vector<16xf32>,
      %mul3A_1304 = arith.mulf %get3A_1298, %get3A_1303 : vector<16xf32>
      %get3A_1305 = arith.constant 0 : i32
      %get3A_1306 = arith.index_cast %get3A_1305 : i32 to index
      %get3A_1307 = arith.index_cast %add3A_1293 : i32 to index
      %get3A_1308 = arith.constant 16 : index
      %get3A_1309 = tpu.vector_load %arg10[%get3A_1306, %get3A_1307, %get3A_1308] {strides = array<i32>} : memref<2x128x64xf32, #tpu.memory_space<vmem>>, vector<16xf32>,
      %get3A_1310 = arith.constant 0 : i32
      %get3A_1311 = arith.index_cast %get3A_1310 : i32 to index
      %get3A_1312 = arith.index_cast %add3A_1293 : i32 to index
      %get3A_1313 = arith.constant 16 : index
      %get3A_1314 = tpu.vector_load %arg11[%get3A_1311, %get3A_1312, %get3A_1313] {strides = array<i32>} : memref<2x128x64xf32, #tpu.memory_space<vmem>>, vector<16xf32>,
      %mul3A_1315 = arith.mulf %get3A_1309, %get3A_1314 : vector<16xf32>
      %add3A_1316 = arith.addf %mul3A_1304, %mul3A_1315 : vector<16xf32>
      %get3A_1317 = arith.constant 0 : i32
      %get3A_1318 = arith.index_cast %get3A_1317 : i32 to index
      %get3A_1319 = arith.index_cast %add3A_1293 : i32 to index
      %get3A_1320 = arith.constant 32 : index
      %get3A_1321 = tpu.vector_load %arg10[%get3A_1318, %get3A_1319, %get3A_1320] {strides = array<i32>} : memref<2x128x64xf32, #tpu.memory_space<vmem>>, vector<16xf32>,
      %get3A_1322 = arith.constant 0 : i32
      %get3A_1323 = arith.index_cast %get3A_1322 : i32 to index
      %get3A_1324 = arith.index_cast %add3A_1293 : i32 to index
      %get3A_1325 = arith.constant 32 : index
      %get3A_1326 = tpu.vector_load %arg11[%get3A_1323, %get3A_1324, %get3A_1325] {strides = array<i32>} : memref<2x128x64xf32, #tpu.memory_space<vmem>>, vector<16xf32>,
      %mul3A_1327 = arith.mulf %get3A_1321, %get3A_1326 : vector<16xf32>
      %add3A_1328 = arith.addf %add3A_1316, %mul3A_1327 : vector<16xf32>
      %get3A_1329 = arith.constant 0 : i32
      %get3A_1330 = arith.index_cast %get3A_1329 : i32 to index
      %get3A_1331 = arith.index_cast %add3A_1293 : i32 to index
      %get3A_1332 = arith.constant 48 : index
      %get3A_1333 = tpu.vector_load %arg10[%get3A_1330, %get3A_1331, %get3A_1332] {strides = array<i32>} : memref<2x128x64xf32, #tpu.memory_space<vmem>>, vector<16xf32>,
      %get3A_1334 = arith.constant 0 : i32
      %get3A_1335 = arith.index_cast %get3A_1334 : i32 to index
      %get3A_1336 = arith.index_cast %add3A_1293 : i32 to index
      %get3A_1337 = arith.constant 48 : index
      %get3A_1338 = tpu.vector_load %arg11[%get3A_1335, %get3A_1336, %get3A_1337] {strides = array<i32>} : memref<2x128x64xf32, #tpu.memory_space<vmem>>, vector<16xf32>,
      %mul3A_1339 = arith.mulf %get3A_1333, %get3A_1338 : vector<16xf32>
      %add3A_1340 = arith.addf %add3A_1328, %mul3A_1339 : vector<16xf32>
      %eq3A_1341 = arith.constant 13 : i32
      %eq3A_1342 = vector.broadcast %eq3A_1341 : i32 to vector<16xi32>
      %eq3A_1343 = arith.cmpi eq, %iota3A, %eq3A_1342 : vector<16xi32>
      %reduce_sum3A_1344 = arith.constant true
      %reduce_sum3A_1345 = vector.broadcast %reduce_sum3A_1344 : i1 to vector<16xi1>
      %reduce_sum3A_1346 = tpu.scan <sum>, %add3A_1340 masked %reduce_sum3A_1345 : vector<16xf32>, vector<16xi1> -> vector<16xf32>
      %reduce_sum3A_1347 = vector.extract %reduce_sum3A_1346[15] : f32 from vector<16xf32>
      %broadcast_in_dim3A_1348 = vector.broadcast %reduce_sum3A_1347 : f32 to vector<16xf32>
      %select_n3A_1349 = arith.select %eq3A_1343, %broadcast_in_dim3A_1348, %select_n3A_1291 : vector<16xi1>, vector<16xf32>
      %add3A_1350 = arith.constant 14 : i32
      %add3A_1351 = arith.addi %mul3A_539, %add3A_1350 : i32
      %get3A_1352 = arith.constant 0 : i32
      %get3A_1353 = arith.index_cast %get3A_1352 : i32 to index
      %get3A_1354 = arith.index_cast %add3A_1351 : i32 to index
      %get3A_1355 = arith.constant 0 : index
      %get3A_1356 = tpu.vector_load %arg10[%get3A_1353, %get3A_1354, %get3A_1355] {strides = array<i32>} : memref<2x128x64xf32, #tpu.memory_space<vmem>>, vector<16xf32>,
      %get3A_1357 = arith.constant 0 : i32
      %get3A_1358 = arith.index_cast %get3A_1357 : i32 to index
      %get3A_1359 = arith.index_cast %add3A_1351 : i32 to index
      %get3A_1360 = arith.constant 0 : index
      %get3A_1361 = tpu.vector_load %arg11[%get3A_1358, %get3A_1359, %get3A_1360] {strides = array<i32>} : memref<2x128x64xf32, #tpu.memory_space<vmem>>, vector<16xf32>,
      %mul3A_1362 = arith.mulf %get3A_1356, %get3A_1361 : vector<16xf32>
      %get3A_1363 = arith.constant 0 : i32
      %get3A_1364 = arith.index_cast %get3A_1363 : i32 to index
      %get3A_1365 = arith.index_cast %add3A_1351 : i32 to index
      %get3A_1366 = arith.constant 16 : index
      %get3A_1367 = tpu.vector_load %arg10[%get3A_1364, %get3A_1365, %get3A_1366] {strides = array<i32>} : memref<2x128x64xf32, #tpu.memory_space<vmem>>, vector<16xf32>,
      %get3A_1368 = arith.constant 0 : i32
      %get3A_1369 = arith.index_cast %get3A_1368 : i32 to index
      %get3A_1370 = arith.index_cast %add3A_1351 : i32 to index
      %get3A_1371 = arith.constant 16 : index
      %get3A_1372 = tpu.vector_load %arg11[%get3A_1369, %get3A_1370, %get3A_1371] {strides = array<i32>} : memref<2x128x64xf32, #tpu.memory_space<vmem>>, vector<16xf32>,
      %mul3A_1373 = arith.mulf %get3A_1367, %get3A_1372 : vector<16xf32>
      %add3A_1374 = arith.addf %mul3A_1362, %mul3A_1373 : vector<16xf32>
      %get3A_1375 = arith.constant 0 : i32
      %get3A_1376 = arith.index_cast %get3A_1375 : i32 to index
      %get3A_1377 = arith.index_cast %add3A_1351 : i32 to index
      %get3A_1378 = arith.constant 32 : index
      %get3A_1379 = tpu.vector_load %arg10[%get3A_1376, %get3A_1377, %get3A_1378] {strides = array<i32>} : memref<2x128x64xf32, #tpu.memory_space<vmem>>, vector<16xf32>,
      %get3A_1380 = arith.constant 0 : i32
      %get3A_1381 = arith.index_cast %get3A_1380 : i32 to index
      %get3A_1382 = arith.index_cast %add3A_1351 : i32 to index
      %get3A_1383 = arith.constant 32 : index
      %get3A_1384 = tpu.vector_load %arg11[%get3A_1381, %get3A_1382, %get3A_1383] {strides = array<i32>} : memref<2x128x64xf32, #tpu.memory_space<vmem>>, vector<16xf32>,
      %mul3A_1385 = arith.mulf %get3A_1379, %get3A_1384 : vector<16xf32>
      %add3A_1386 = arith.addf %add3A_1374, %mul3A_1385 : vector<16xf32>
      %get3A_1387 = arith.constant 0 : i32
      %get3A_1388 = arith.index_cast %get3A_1387 : i32 to index
      %get3A_1389 = arith.index_cast %add3A_1351 : i32 to index
      %get3A_1390 = arith.constant 48 : index
      %get3A_1391 = tpu.vector_load %arg10[%get3A_1388, %get3A_1389, %get3A_1390] {strides = array<i32>} : memref<2x128x64xf32, #tpu.memory_space<vmem>>, vector<16xf32>,
      %get3A_1392 = arith.constant 0 : i32
      %get3A_1393 = arith.index_cast %get3A_1392 : i32 to index
      %get3A_1394 = arith.index_cast %add3A_1351 : i32 to index
      %get3A_1395 = arith.constant 48 : index
      %get3A_1396 = tpu.vector_load %arg11[%get3A_1393, %get3A_1394, %get3A_1395] {strides = array<i32>} : memref<2x128x64xf32, #tpu.memory_space<vmem>>, vector<16xf32>,
      %mul3A_1397 = arith.mulf %get3A_1391, %get3A_1396 : vector<16xf32>
      %add3A_1398 = arith.addf %add3A_1386, %mul3A_1397 : vector<16xf32>
      %eq3A_1399 = arith.constant 14 : i32
      %eq3A_1400 = vector.broadcast %eq3A_1399 : i32 to vector<16xi32>
      %eq3A_1401 = arith.cmpi eq, %iota3A, %eq3A_1400 : vector<16xi32>
      %reduce_sum3A_1402 = arith.constant true
      %reduce_sum3A_1403 = vector.broadcast %reduce_sum3A_1402 : i1 to vector<16xi1>
      %reduce_sum3A_1404 = tpu.scan <sum>, %add3A_1398 masked %reduce_sum3A_1403 : vector<16xf32>, vector<16xi1> -> vector<16xf32>
      %reduce_sum3A_1405 = vector.extract %reduce_sum3A_1404[15] : f32 from vector<16xf32>
      %broadcast_in_dim3A_1406 = vector.broadcast %reduce_sum3A_1405 : f32 to vector<16xf32>
      %select_n3A_1407 = arith.select %eq3A_1401, %broadcast_in_dim3A_1406, %select_n3A_1349 : vector<16xi1>, vector<16xf32>
      %add3A_1408 = arith.constant 15 : i32
      %add3A_1409 = arith.addi %mul3A_539, %add3A_1408 : i32
      %get3A_1410 = arith.constant 0 : i32
      %get3A_1411 = arith.index_cast %get3A_1410 : i32 to index
      %get3A_1412 = arith.index_cast %add3A_1409 : i32 to index
      %get3A_1413 = arith.constant 0 : index
      %get3A_1414 = tpu.vector_load %arg10[%get3A_1411, %get3A_1412, %get3A_1413] {strides = array<i32>} : memref<2x128x64xf32, #tpu.memory_space<vmem>>, vector<16xf32>,
      %get3A_1415 = arith.constant 0 : i32
      %get3A_1416 = arith.index_cast %get3A_1415 : i32 to index
      %get3A_1417 = arith.index_cast %add3A_1409 : i32 to index
      %get3A_1418 = arith.constant 0 : index
      %get3A_1419 = tpu.vector_load %arg11[%get3A_1416, %get3A_1417, %get3A_1418] {strides = array<i32>} : memref<2x128x64xf32, #tpu.memory_space<vmem>>, vector<16xf32>,
      %mul3A_1420 = arith.mulf %get3A_1414, %get3A_1419 : vector<16xf32>
      %get3A_1421 = arith.constant 0 : i32
      %get3A_1422 = arith.index_cast %get3A_1421 : i32 to index
      %get3A_1423 = arith.index_cast %add3A_1409 : i32 to index
      %get3A_1424 = arith.constant 16 : index
      %get3A_1425 = tpu.vector_load %arg10[%get3A_1422, %get3A_1423, %get3A_1424] {strides = array<i32>} : memref<2x128x64xf32, #tpu.memory_space<vmem>>, vector<16xf32>,
      %get3A_1426 = arith.constant 0 : i32
      %get3A_1427 = arith.index_cast %get3A_1426 : i32 to index
      %get3A_1428 = arith.index_cast %add3A_1409 : i32 to index
      %get3A_1429 = arith.constant 16 : index
      %get3A_1430 = tpu.vector_load %arg11[%get3A_1427, %get3A_1428, %get3A_1429] {strides = array<i32>} : memref<2x128x64xf32, #tpu.memory_space<vmem>>, vector<16xf32>,
      %mul3A_1431 = arith.mulf %get3A_1425, %get3A_1430 : vector<16xf32>
      %add3A_1432 = arith.addf %mul3A_1420, %mul3A_1431 : vector<16xf32>
      %get3A_1433 = arith.constant 0 : i32
      %get3A_1434 = arith.index_cast %get3A_1433 : i32 to index
      %get3A_1435 = arith.index_cast %add3A_1409 : i32 to index
      %get3A_1436 = arith.constant 32 : index
      %get3A_1437 = tpu.vector_load %arg10[%get3A_1434, %get3A_1435, %get3A_1436] {strides = array<i32>} : memref<2x128x64xf32, #tpu.memory_space<vmem>>, vector<16xf32>,
      %get3A_1438 = arith.constant 0 : i32
      %get3A_1439 = arith.index_cast %get3A_1438 : i32 to index
      %get3A_1440 = arith.index_cast %add3A_1409 : i32 to index
      %get3A_1441 = arith.constant 32 : index
      %get3A_1442 = tpu.vector_load %arg11[%get3A_1439, %get3A_1440, %get3A_1441] {strides = array<i32>} : memref<2x128x64xf32, #tpu.memory_space<vmem>>, vector<16xf32>,
      %mul3A_1443 = arith.mulf %get3A_1437, %get3A_1442 : vector<16xf32>
      %add3A_1444 = arith.addf %add3A_1432, %mul3A_1443 : vector<16xf32>
      %get3A_1445 = arith.constant 0 : i32
      %get3A_1446 = arith.index_cast %get3A_1445 : i32 to index
      %get3A_1447 = arith.index_cast %add3A_1409 : i32 to index
      %get3A_1448 = arith.constant 48 : index
      %get3A_1449 = tpu.vector_load %arg10[%get3A_1446, %get3A_1447, %get3A_1448] {strides = array<i32>} : memref<2x128x64xf32, #tpu.memory_space<vmem>>, vector<16xf32>,
      %get3A_1450 = arith.constant 0 : i32
      %get3A_1451 = arith.index_cast %get3A_1450 : i32 to index
      %get3A_1452 = arith.index_cast %add3A_1409 : i32 to index
      %get3A_1453 = arith.constant 48 : index
      %get3A_1454 = tpu.vector_load %arg11[%get3A_1451, %get3A_1452, %get3A_1453] {strides = array<i32>} : memref<2x128x64xf32, #tpu.memory_space<vmem>>, vector<16xf32>,
      %mul3A_1455 = arith.mulf %get3A_1449, %get3A_1454 : vector<16xf32>
      %add3A_1456 = arith.addf %add3A_1444, %mul3A_1455 : vector<16xf32>
      %eq3A_1457 = arith.constant 15 : i32
      %eq3A_1458 = vector.broadcast %eq3A_1457 : i32 to vector<16xi32>
      %eq3A_1459 = arith.cmpi eq, %iota3A, %eq3A_1458 : vector<16xi32>
      %reduce_sum3A_1460 = arith.constant true
      %reduce_sum3A_1461 = vector.broadcast %reduce_sum3A_1460 : i1 to vector<16xi1>
      %reduce_sum3A_1462 = tpu.scan <sum>, %add3A_1456 masked %reduce_sum3A_1461 : vector<16xf32>, vector<16xi1> -> vector<16xf32>
      %reduce_sum3A_1463 = vector.extract %reduce_sum3A_1462[15] : f32 from vector<16xf32>
      %broadcast_in_dim3A_1464 = vector.broadcast %reduce_sum3A_1463 : f32 to vector<16xf32>
      %select_n3A_1465 = arith.select %eq3A_1459, %broadcast_in_dim3A_1464, %select_n3A_1407 : vector<16xi1>, vector<16xf32>
      %get3A_1466 = arith.constant 0 : i32
      %get3A_1467 = arith.index_cast %get3A_1466 : i32 to index
      %get3A_1468 = arith.index_cast %mul3A_539 : i32 to index
      %get3A_1469 = tpu.vector_load %arg12[%get3A_1467, %get3A_1468] {strides = array<i32>} : memref<4x128xf32, #tpu.memory_space<vmem>>, vector<16xf32>,
      %get3A_1470 = arith.constant 0 : i32
      %get3A_1471 = arith.index_cast %get3A_1470 : i32 to index
      %get3A_1472 = arith.index_cast %mul3A_539 : i32 to index
      %get3A_1473 = tpu.vector_load %arg13[%get3A_1471, %get3A_1472] {strides = array<i32>} : memref<4x128xf32, #tpu.memory_space<vmem>>, vector<16xf32>,
      %add3A_1474 = arith.addf %select_n3A_1465, %get3A_1469 : vector<16xf32>
      %add3A_1475 = arith.addf %add3A_1474, %get3A_1473 : vector<16xf32>
      %add3A_1476 = arith.addf %add3A_1475, %get3A_537 : vector<16xf32>
      %neg3A = arith.constant 0.000000e+00 : f32
      %neg3A_1477 = vector.broadcast %neg3A : f32 to vector<16xf32>
      %neg3A_1478 = arith.subf %neg3A_1477, %add3A_1476 : vector<16xf32>
      %exp3A = math.exp %neg3A_1478 : vector<16xf32>
      %add3A_1479 = arith.constant 1.000000e+00 : f32
      %add3A_1480 = vector.broadcast %add3A_1479 : f32 to vector<16xf32>
      %add3A_1481 = arith.addf %add3A_1480, %exp3A : vector<16xf32>
      %div3A = arith.constant 1.000000e+00 : f32
      %div3A_1482 = vector.broadcast %div3A : f32 to vector<16xf32>
      %div3A_1483 = arith.divf %div3A_1482, %add3A_1481 : vector<16xf32>
      %add3A_1484 = arith.constant 0 : i32
      %add3A_1485 = arith.addi %add3A_1484, %mul3A_539 : i32
      %swap3A = arith.index_cast %add3A_1485 : i32 to index
      %swap3A_1486 = tpu.vector_load %arg14[%swap3A] {strides = array<i32>} : memref<512xf32, #tpu.memory_space<vmem>>, vector<16xf32>,
      tpu.vector_store %arg14[%swap3A], %div3A_1483 {strides = array<i32>} : memref<512xf32, #tpu.memory_space<vmem>>, vector<16xf32>,
    }
    %scan3A_337 = arith.constant 8 : i32
    %dma_start3A_338 = arith.constant 2 : i32
    %dma_start3A_339 = arith.constant 0 : i32
    %dma_start3A_340 = arith.constant 0 : i32
    %dma_start3A_341 = arith.constant 0 : i32
    %dma_start3A_342 = tpu.memref_slice %arg10[%dma_start3A_339, %dma_start3A_340, %dma_start3A_341] : memref<2x128x64xf32, #tpu.memory_space<vmem>> -> memref<1x128x64xf32, #tpu.memory_space<vmem>>
    %dma_start3A_343 = tpu.memref_squeeze %dma_start3A_342 : memref<1x128x64xf32, #tpu.memory_space<vmem>> -> memref<128x64xf32, #tpu.memory_space<vmem>>
    %dma_start3A_344 = arith.constant 0 : i32
    %dma_start3A_345 = tpu.memref_slice %arg8[%dma_start3A_338, %dma_start3A_344] : memref<4x128xi32, #tpu.memory_space<vmem>> -> memref<1x128xi32, #tpu.memory_space<vmem>>
    %dma_start3A_346 = tpu.memref_squeeze %dma_start3A_345 : memref<1x128xi32, #tpu.memory_space<vmem>> -> memref<128xi32, #tpu.memory_space<vmem>>
    %dma_start3A_347 = arith.constant 0 : i32
    %dma_start3A_348 = arith.constant 0 : i32
    %dma_start3A_349 = tpu.memref_slice %arg4[%dma_start3A_347, %dma_start3A_348] : memref<100000x64xf32, #tpu.memory_space<hbm>> -> memref<100000x64xf32, #tpu.memory_space<hbm>>
    tpu.enqueue_indirect_dma source(%dma_start3A_349 : memref<100000x64xf32, #tpu.memory_space<hbm>>) target(%dma_start3A_343 : memref<128x64xf32, #tpu.memory_space<vmem>>) offsets(%dma_start3A_346 : memref<128xi32, #tpu.memory_space<vmem>>) semaphore(%arg16 : memref<!tpu.dma_semaphore, #tpu.memory_space<semaphore_mem>>)
    %dma_start3A_350 = arith.constant 2 : i32
    %dma_start3A_351 = arith.constant 0 : i32
    %dma_start3A_352 = arith.constant 0 : i32
    %dma_start3A_353 = arith.constant 0 : i32
    %dma_start3A_354 = tpu.memref_slice %arg11[%dma_start3A_351, %dma_start3A_352, %dma_start3A_353] : memref<2x128x64xf32, #tpu.memory_space<vmem>> -> memref<1x128x64xf32, #tpu.memory_space<vmem>>
    %dma_start3A_355 = tpu.memref_squeeze %dma_start3A_354 : memref<1x128x64xf32, #tpu.memory_space<vmem>> -> memref<128x64xf32, #tpu.memory_space<vmem>>
    %dma_start3A_356 = arith.constant 0 : i32
    %dma_start3A_357 = tpu.memref_slice %arg9[%dma_start3A_350, %dma_start3A_356] : memref<4x128xi32, #tpu.memory_space<vmem>> -> memref<1x128xi32, #tpu.memory_space<vmem>>
    %dma_start3A_358 = tpu.memref_squeeze %dma_start3A_357 : memref<1x128xi32, #tpu.memory_space<vmem>> -> memref<128xi32, #tpu.memory_space<vmem>>
    %dma_start3A_359 = arith.constant 0 : i32
    %dma_start3A_360 = arith.constant 0 : i32
    %dma_start3A_361 = tpu.memref_slice %arg4[%dma_start3A_359, %dma_start3A_360] : memref<100000x64xf32, #tpu.memory_space<hbm>> -> memref<100000x64xf32, #tpu.memory_space<hbm>>
    tpu.enqueue_indirect_dma source(%dma_start3A_361 : memref<100000x64xf32, #tpu.memory_space<hbm>>) target(%dma_start3A_355 : memref<128x64xf32, #tpu.memory_space<vmem>>) offsets(%dma_start3A_358 : memref<128xi32, #tpu.memory_space<vmem>>) semaphore(%arg16 : memref<!tpu.dma_semaphore, #tpu.memory_space<semaphore_mem>>)
    %dma_wait3A_362 = arith.constant 1 : i32
    %dma_wait3A_363 = arith.constant 1 : i32
    %dma_wait3A_364 = arith.constant 0 : i32
    %dma_wait3A_365 = tpu.memref_slice %arg12[%dma_wait3A_363, %dma_wait3A_364] : memref<4x128xf32, #tpu.memory_space<vmem>> -> memref<1x128xf32, #tpu.memory_space<vmem>>
    %dma_wait3A_366 = tpu.memref_squeeze %dma_wait3A_365 : memref<1x128xf32, #tpu.memory_space<vmem>> -> memref<128xf32, #tpu.memory_space<vmem>>
    %dma_wait3A_367 = arith.constant 0 : i32
    %dma_wait3A_368 = tpu.memref_slice %arg8[%dma_wait3A_362, %dma_wait3A_367] : memref<4x128xi32, #tpu.memory_space<vmem>> -> memref<1x128xi32, #tpu.memory_space<vmem>>
    %dma_wait3A_369 = tpu.memref_squeeze %dma_wait3A_368 : memref<1x128xi32, #tpu.memory_space<vmem>> -> memref<128xi32, #tpu.memory_space<vmem>>
    %dma_wait3A_370 = arith.constant 0 : i32
    %dma_wait3A_371 = tpu.memref_slice %arg5[%dma_wait3A_370] : memref<100000xf32, #tpu.memory_space<hbm>> -> memref<100000xf32, #tpu.memory_space<hbm>>
    tpu.wait_indirect_dma semaphore(%arg18 : memref<!tpu.dma_semaphore, #tpu.memory_space<semaphore_mem>>) src(%dma_wait3A_371 : memref<100000xf32, #tpu.memory_space<hbm>>) dst(%dma_wait3A_366 : memref<128xf32, #tpu.memory_space<vmem>>)
    %dma_wait3A_372 = arith.constant 1 : i32
    %dma_wait3A_373 = arith.constant 1 : i32
    %dma_wait3A_374 = arith.constant 0 : i32
    %dma_wait3A_375 = tpu.memref_slice %arg13[%dma_wait3A_373, %dma_wait3A_374] : memref<4x128xf32, #tpu.memory_space<vmem>> -> memref<1x128xf32, #tpu.memory_space<vmem>>
    %dma_wait3A_376 = tpu.memref_squeeze %dma_wait3A_375 : memref<1x128xf32, #tpu.memory_space<vmem>> -> memref<128xf32, #tpu.memory_space<vmem>>
    %dma_wait3A_377 = arith.constant 0 : i32
    %dma_wait3A_378 = tpu.memref_slice %arg9[%dma_wait3A_372, %dma_wait3A_377] : memref<4x128xi32, #tpu.memory_space<vmem>> -> memref<1x128xi32, #tpu.memory_space<vmem>>
    %dma_wait3A_379 = tpu.memref_squeeze %dma_wait3A_378 : memref<1x128xi32, #tpu.memory_space<vmem>> -> memref<128xi32, #tpu.memory_space<vmem>>
    %dma_wait3A_380 = arith.constant 0 : i32
    %dma_wait3A_381 = tpu.memref_slice %arg5[%dma_wait3A_380] : memref<100000xf32, #tpu.memory_space<hbm>> -> memref<100000xf32, #tpu.memory_space<hbm>>
    tpu.wait_indirect_dma semaphore(%arg18 : memref<!tpu.dma_semaphore, #tpu.memory_space<semaphore_mem>>) src(%dma_wait3A_381 : memref<100000xf32, #tpu.memory_space<hbm>>) dst(%dma_wait3A_376 : memref<128xf32, #tpu.memory_space<vmem>>)
    %dma_wait3A_382 = arith.constant 1 : i32
    %dma_wait3A_383 = arith.constant 1 : i32
    %dma_wait3A_384 = arith.constant 0 : i32
    %dma_wait3A_385 = arith.constant 0 : i32
    %dma_wait3A_386 = tpu.memref_slice %arg10[%dma_wait3A_383, %dma_wait3A_384, %dma_wait3A_385] : memref<2x128x64xf32, #tpu.memory_space<vmem>> -> memref<1x128x64xf32, #tpu.memory_space<vmem>>
    %dma_wait3A_387 = tpu.memref_squeeze %dma_wait3A_386 : memref<1x128x64xf32, #tpu.memory_space<vmem>> -> memref<128x64xf32, #tpu.memory_space<vmem>>
    %dma_wait3A_388 = arith.constant 0 : i32
    %dma_wait3A_389 = tpu.memref_slice %arg8[%dma_wait3A_382, %dma_wait3A_388] : memref<4x128xi32, #tpu.memory_space<vmem>> -> memref<1x128xi32, #tpu.memory_space<vmem>>
    %dma_wait3A_390 = tpu.memref_squeeze %dma_wait3A_389 : memref<1x128xi32, #tpu.memory_space<vmem>> -> memref<128xi32, #tpu.memory_space<vmem>>
    %dma_wait3A_391 = arith.constant 0 : i32
    %dma_wait3A_392 = arith.constant 0 : i32
    %dma_wait3A_393 = tpu.memref_slice %arg4[%dma_wait3A_391, %dma_wait3A_392] : memref<100000x64xf32, #tpu.memory_space<hbm>> -> memref<100000x64xf32, #tpu.memory_space<hbm>>
    tpu.wait_indirect_dma semaphore(%arg17 : memref<!tpu.dma_semaphore, #tpu.memory_space<semaphore_mem>>) src(%dma_wait3A_393 : memref<100000x64xf32, #tpu.memory_space<hbm>>) dst(%dma_wait3A_387 : memref<128x64xf32, #tpu.memory_space<vmem>>)
    %dma_wait3A_394 = arith.constant 1 : i32
    %dma_wait3A_395 = arith.constant 1 : i32
    %dma_wait3A_396 = arith.constant 0 : i32
    %dma_wait3A_397 = arith.constant 0 : i32
    %dma_wait3A_398 = tpu.memref_slice %arg11[%dma_wait3A_395, %dma_wait3A_396, %dma_wait3A_397] : memref<2x128x64xf32, #tpu.memory_space<vmem>> -> memref<1x128x64xf32, #tpu.memory_space<vmem>>
    %dma_wait3A_399 = tpu.memref_squeeze %dma_wait3A_398 : memref<1x128x64xf32, #tpu.memory_space<vmem>> -> memref<128x64xf32, #tpu.memory_space<vmem>>
    %dma_wait3A_400 = arith.constant 0 : i32
    %dma_wait3A_401 = tpu.memref_slice %arg9[%dma_wait3A_394, %dma_wait3A_400] : memref<4x128xi32, #tpu.memory_space<vmem>> -> memref<1x128xi32, #tpu.memory_space<vmem>>
    %dma_wait3A_402 = tpu.memref_squeeze %dma_wait3A_401 : memref<1x128xi32, #tpu.memory_space<vmem>> -> memref<128xi32, #tpu.memory_space<vmem>>
    %dma_wait3A_403 = arith.constant 0 : i32
    %dma_wait3A_404 = arith.constant 0 : i32
    %dma_wait3A_405 = tpu.memref_slice %arg4[%dma_wait3A_403, %dma_wait3A_404] : memref<100000x64xf32, #tpu.memory_space<hbm>> -> memref<100000x64xf32, #tpu.memory_space<hbm>>
    tpu.wait_indirect_dma semaphore(%arg17 : memref<!tpu.dma_semaphore, #tpu.memory_space<semaphore_mem>>) src(%dma_wait3A_405 : memref<100000x64xf32, #tpu.memory_space<hbm>>) dst(%dma_wait3A_399 : memref<128x64xf32, #tpu.memory_space<vmem>>)
    %scan3A_406 = arith.constant 0 : i32
    %scan3A_407 = arith.constant 0 : i32
    %scan3A_408 = arith.constant 8 : i32
    %scan3A_409 = arith.addi %scan3A_407, %scan3A_408 : i32
    %scan3A_410 = arith.constant 1 : i32
    scf.for %scan3A_536 = %scan3A_407 to %scan3A_409 step %scan3A_410  : i32 {
      %iota3A = tpu.iota {dimensions = array<i32: 0>} : vector<16xi32>
      %get3A = arith.constant 0 : index
      %get3A_537 = tpu.vector_load %arg15[%get3A] {strides = array<i32>} : memref<16xf32, #tpu.memory_space<vmem>>, vector<16xf32>,
      %mul3A_538 = arith.constant 16 : i32
      %mul3A_539 = arith.muli %scan3A_536, %mul3A_538 : i32
      %broadcast_in_dim3A = arith.constant 0.000000e+00 : f32
      %broadcast_in_dim3A_540 = vector.broadcast %broadcast_in_dim3A : f32 to vector<16xf32>
      %add3A_541 = arith.constant 0 : i32
      %add3A_542 = arith.addi %mul3A_539, %add3A_541 : i32
      %get3A_543 = arith.constant 1 : i32
      %get3A_544 = arith.index_cast %get3A_543 : i32 to index
      %get3A_545 = arith.index_cast %add3A_542 : i32 to index
      %get3A_546 = arith.constant 0 : index
      %get3A_547 = tpu.vector_load %arg10[%get3A_544, %get3A_545, %get3A_546] {strides = array<i32>} : memref<2x128x64xf32, #tpu.memory_space<vmem>>, vector<16xf32>,
      %get3A_548 = arith.constant 1 : i32
      %get3A_549 = arith.index_cast %get3A_548 : i32 to index
      %get3A_550 = arith.index_cast %add3A_542 : i32 to index
      %get3A_551 = arith.constant 0 : index
      %get3A_552 = tpu.vector_load %arg11[%get3A_549, %get3A_550, %get3A_551] {strides = array<i32>} : memref<2x128x64xf32, #tpu.memory_space<vmem>>, vector<16xf32>,
      %mul3A_553 = arith.mulf %get3A_547, %get3A_552 : vector<16xf32>
      %get3A_554 = arith.constant 1 : i32
      %get3A_555 = arith.index_cast %get3A_554 : i32 to index
      %get3A_556 = arith.index_cast %add3A_542 : i32 to index
      %get3A_557 = arith.constant 16 : index
      %get3A_558 = tpu.vector_load %arg10[%get3A_555, %get3A_556, %get3A_557] {strides = array<i32>} : memref<2x128x64xf32, #tpu.memory_space<vmem>>, vector<16xf32>,
      %get3A_559 = arith.constant 1 : i32
      %get3A_560 = arith.index_cast %get3A_559 : i32 to index
      %get3A_561 = arith.index_cast %add3A_542 : i32 to index
      %get3A_562 = arith.constant 16 : index
      %get3A_563 = tpu.vector_load %arg11[%get3A_560, %get3A_561, %get3A_562] {strides = array<i32>} : memref<2x128x64xf32, #tpu.memory_space<vmem>>, vector<16xf32>,
      %mul3A_564 = arith.mulf %get3A_558, %get3A_563 : vector<16xf32>
      %add3A_565 = arith.addf %mul3A_553, %mul3A_564 : vector<16xf32>
      %get3A_566 = arith.constant 1 : i32
      %get3A_567 = arith.index_cast %get3A_566 : i32 to index
      %get3A_568 = arith.index_cast %add3A_542 : i32 to index
      %get3A_569 = arith.constant 32 : index
      %get3A_570 = tpu.vector_load %arg10[%get3A_567, %get3A_568, %get3A_569] {strides = array<i32>} : memref<2x128x64xf32, #tpu.memory_space<vmem>>, vector<16xf32>,
      %get3A_571 = arith.constant 1 : i32
      %get3A_572 = arith.index_cast %get3A_571 : i32 to index
      %get3A_573 = arith.index_cast %add3A_542 : i32 to index
      %get3A_574 = arith.constant 32 : index
      %get3A_575 = tpu.vector_load %arg11[%get3A_572, %get3A_573, %get3A_574] {strides = array<i32>} : memref<2x128x64xf32, #tpu.memory_space<vmem>>, vector<16xf32>,
      %mul3A_576 = arith.mulf %get3A_570, %get3A_575 : vector<16xf32>
      %add3A_577 = arith.addf %add3A_565, %mul3A_576 : vector<16xf32>
      %get3A_578 = arith.constant 1 : i32
      %get3A_579 = arith.index_cast %get3A_578 : i32 to index
      %get3A_580 = arith.index_cast %add3A_542 : i32 to index
      %get3A_581 = arith.constant 48 : index
      %get3A_582 = tpu.vector_load %arg10[%get3A_579, %get3A_580, %get3A_581] {strides = array<i32>} : memref<2x128x64xf32, #tpu.memory_space<vmem>>, vector<16xf32>,
      %get3A_583 = arith.constant 1 : i32
      %get3A_584 = arith.index_cast %get3A_583 : i32 to index
      %get3A_585 = arith.index_cast %add3A_542 : i32 to index
      %get3A_586 = arith.constant 48 : index
      %get3A_587 = tpu.vector_load %arg11[%get3A_584, %get3A_585, %get3A_586] {strides = array<i32>} : memref<2x128x64xf32, #tpu.memory_space<vmem>>, vector<16xf32>,
      %mul3A_588 = arith.mulf %get3A_582, %get3A_587 : vector<16xf32>
      %add3A_589 = arith.addf %add3A_577, %mul3A_588 : vector<16xf32>
      %eq3A = arith.constant 0 : i32
      %eq3A_590 = vector.broadcast %eq3A : i32 to vector<16xi32>
      %eq3A_591 = arith.cmpi eq, %iota3A, %eq3A_590 : vector<16xi32>
      %reduce_sum3A = arith.constant true
      %reduce_sum3A_592 = vector.broadcast %reduce_sum3A : i1 to vector<16xi1>
      %reduce_sum3A_593 = tpu.scan <sum>, %add3A_589 masked %reduce_sum3A_592 : vector<16xf32>, vector<16xi1> -> vector<16xf32>
      %reduce_sum3A_594 = vector.extract %reduce_sum3A_593[15] : f32 from vector<16xf32>
      %broadcast_in_dim3A_595 = vector.broadcast %reduce_sum3A_594 : f32 to vector<16xf32>
      %select_n3A = arith.select %eq3A_591, %broadcast_in_dim3A_595, %broadcast_in_dim3A_540 : vector<16xi1>, vector<16xf32>
      %add3A_596 = arith.constant 1 : i32
      %add3A_597 = arith.addi %mul3A_539, %add3A_596 : i32
      %get3A_598 = arith.constant 1 : i32
      %get3A_599 = arith.index_cast %get3A_598 : i32 to index
      %get3A_600 = arith.index_cast %add3A_597 : i32 to index
      %get3A_601 = arith.constant 0 : index
      %get3A_602 = tpu.vector_load %arg10[%get3A_599, %get3A_600, %get3A_601] {strides = array<i32>} : memref<2x128x64xf32, #tpu.memory_space<vmem>>, vector<16xf32>,
      %get3A_603 = arith.constant 1 : i32
      %get3A_604 = arith.index_cast %get3A_603 : i32 to index
      %get3A_605 = arith.index_cast %add3A_597 : i32 to index
      %get3A_606 = arith.constant 0 : index
      %get3A_607 = tpu.vector_load %arg11[%get3A_604, %get3A_605, %get3A_606] {strides = array<i32>} : memref<2x128x64xf32, #tpu.memory_space<vmem>>, vector<16xf32>,
      %mul3A_608 = arith.mulf %get3A_602, %get3A_607 : vector<16xf32>
      %get3A_609 = arith.constant 1 : i32
      %get3A_610 = arith.index_cast %get3A_609 : i32 to index
      %get3A_611 = arith.index_cast %add3A_597 : i32 to index
      %get3A_612 = arith.constant 16 : index
      %get3A_613 = tpu.vector_load %arg10[%get3A_610, %get3A_611, %get3A_612] {strides = array<i32>} : memref<2x128x64xf32, #tpu.memory_space<vmem>>, vector<16xf32>,
      %get3A_614 = arith.constant 1 : i32
      %get3A_615 = arith.index_cast %get3A_614 : i32 to index
      %get3A_616 = arith.index_cast %add3A_597 : i32 to index
      %get3A_617 = arith.constant 16 : index
      %get3A_618 = tpu.vector_load %arg11[%get3A_615, %get3A_616, %get3A_617] {strides = array<i32>} : memref<2x128x64xf32, #tpu.memory_space<vmem>>, vector<16xf32>,
      %mul3A_619 = arith.mulf %get3A_613, %get3A_618 : vector<16xf32>
      %add3A_620 = arith.addf %mul3A_608, %mul3A_619 : vector<16xf32>
      %get3A_621 = arith.constant 1 : i32
      %get3A_622 = arith.index_cast %get3A_621 : i32 to index
      %get3A_623 = arith.index_cast %add3A_597 : i32 to index
      %get3A_624 = arith.constant 32 : index
      %get3A_625 = tpu.vector_load %arg10[%get3A_622, %get3A_623, %get3A_624] {strides = array<i32>} : memref<2x128x64xf32, #tpu.memory_space<vmem>>, vector<16xf32>,
      %get3A_626 = arith.constant 1 : i32
      %get3A_627 = arith.index_cast %get3A_626 : i32 to index
      %get3A_628 = arith.index_cast %add3A_597 : i32 to index
      %get3A_629 = arith.constant 32 : index
      %get3A_630 = tpu.vector_load %arg11[%get3A_627, %get3A_628, %get3A_629] {strides = array<i32>} : memref<2x128x64xf32, #tpu.memory_space<vmem>>, vector<16xf32>,
      %mul3A_631 = arith.mulf %get3A_625, %get3A_630 : vector<16xf32>
      %add3A_632 = arith.addf %add3A_620, %mul3A_631 : vector<16xf32>
      %get3A_633 = arith.constant 1 : i32
      %get3A_634 = arith.index_cast %get3A_633 : i32 to index
      %get3A_635 = arith.index_cast %add3A_597 : i32 to index
      %get3A_636 = arith.constant 48 : index
      %get3A_637 = tpu.vector_load %arg10[%get3A_634, %get3A_635, %get3A_636] {strides = array<i32>} : memref<2x128x64xf32, #tpu.memory_space<vmem>>, vector<16xf32>,
      %get3A_638 = arith.constant 1 : i32
      %get3A_639 = arith.index_cast %get3A_638 : i32 to index
      %get3A_640 = arith.index_cast %add3A_597 : i32 to index
      %get3A_641 = arith.constant 48 : index
      %get3A_642 = tpu.vector_load %arg11[%get3A_639, %get3A_640, %get3A_641] {strides = array<i32>} : memref<2x128x64xf32, #tpu.memory_space<vmem>>, vector<16xf32>,
      %mul3A_643 = arith.mulf %get3A_637, %get3A_642 : vector<16xf32>
      %add3A_644 = arith.addf %add3A_632, %mul3A_643 : vector<16xf32>
      %eq3A_645 = arith.constant 1 : i32
      %eq3A_646 = vector.broadcast %eq3A_645 : i32 to vector<16xi32>
      %eq3A_647 = arith.cmpi eq, %iota3A, %eq3A_646 : vector<16xi32>
      %reduce_sum3A_648 = arith.constant true
      %reduce_sum3A_649 = vector.broadcast %reduce_sum3A_648 : i1 to vector<16xi1>
      %reduce_sum3A_650 = tpu.scan <sum>, %add3A_644 masked %reduce_sum3A_649 : vector<16xf32>, vector<16xi1> -> vector<16xf32>
      %reduce_sum3A_651 = vector.extract %reduce_sum3A_650[15] : f32 from vector<16xf32>
      %broadcast_in_dim3A_652 = vector.broadcast %reduce_sum3A_651 : f32 to vector<16xf32>
      %select_n3A_653 = arith.select %eq3A_647, %broadcast_in_dim3A_652, %select_n3A : vector<16xi1>, vector<16xf32>
      %add3A_654 = arith.constant 2 : i32
      %add3A_655 = arith.addi %mul3A_539, %add3A_654 : i32
      %get3A_656 = arith.constant 1 : i32
      %get3A_657 = arith.index_cast %get3A_656 : i32 to index
      %get3A_658 = arith.index_cast %add3A_655 : i32 to index
      %get3A_659 = arith.constant 0 : index
      %get3A_660 = tpu.vector_load %arg10[%get3A_657, %get3A_658, %get3A_659] {strides = array<i32>} : memref<2x128x64xf32, #tpu.memory_space<vmem>>, vector<16xf32>,
      %get3A_661 = arith.constant 1 : i32
      %get3A_662 = arith.index_cast %get3A_661 : i32 to index
      %get3A_663 = arith.index_cast %add3A_655 : i32 to index
      %get3A_664 = arith.constant 0 : index
      %get3A_665 = tpu.vector_load %arg11[%get3A_662, %get3A_663, %get3A_664] {strides = array<i32>} : memref<2x128x64xf32, #tpu.memory_space<vmem>>, vector<16xf32>,
      %mul3A_666 = arith.mulf %get3A_660, %get3A_665 : vector<16xf32>
      %get3A_667 = arith.constant 1 : i32
      %get3A_668 = arith.index_cast %get3A_667 : i32 to index
      %get3A_669 = arith.index_cast %add3A_655 : i32 to index
      %get3A_670 = arith.constant 16 : index
      %get3A_671 = tpu.vector_load %arg10[%get3A_668, %get3A_669, %get3A_670] {strides = array<i32>} : memref<2x128x64xf32, #tpu.memory_space<vmem>>, vector<16xf32>,
      %get3A_672 = arith.constant 1 : i32
      %get3A_673 = arith.index_cast %get3A_672 : i32 to index
      %get3A_674 = arith.index_cast %add3A_655 : i32 to index
      %get3A_675 = arith.constant 16 : index
      %get3A_676 = tpu.vector_load %arg11[%get3A_673, %get3A_674, %get3A_675] {strides = array<i32>} : memref<2x128x64xf32, #tpu.memory_space<vmem>>, vector<16xf32>,
      %mul3A_677 = arith.mulf %get3A_671, %get3A_676 : vector<16xf32>
      %add3A_678 = arith.addf %mul3A_666, %mul3A_677 : vector<16xf32>
      %get3A_679 = arith.constant 1 : i32
      %get3A_680 = arith.index_cast %get3A_679 : i32 to index
      %get3A_681 = arith.index_cast %add3A_655 : i32 to index
      %get3A_682 = arith.constant 32 : index
      %get3A_683 = tpu.vector_load %arg10[%get3A_680, %get3A_681, %get3A_682] {strides = array<i32>} : memref<2x128x64xf32, #tpu.memory_space<vmem>>, vector<16xf32>,
      %get3A_684 = arith.constant 1 : i32
      %get3A_685 = arith.index_cast %get3A_684 : i32 to index
      %get3A_686 = arith.index_cast %add3A_655 : i32 to index
      %get3A_687 = arith.constant 32 : index
      %get3A_688 = tpu.vector_load %arg11[%get3A_685, %get3A_686, %get3A_687] {strides = array<i32>} : memref<2x128x64xf32, #tpu.memory_space<vmem>>, vector<16xf32>,
      %mul3A_689 = arith.mulf %get3A_683, %get3A_688 : vector<16xf32>
      %add3A_690 = arith.addf %add3A_678, %mul3A_689 : vector<16xf32>
      %get3A_691 = arith.constant 1 : i32
      %get3A_692 = arith.index_cast %get3A_691 : i32 to index
      %get3A_693 = arith.index_cast %add3A_655 : i32 to index
      %get3A_694 = arith.constant 48 : index
      %get3A_695 = tpu.vector_load %arg10[%get3A_692, %get3A_693, %get3A_694] {strides = array<i32>} : memref<2x128x64xf32, #tpu.memory_space<vmem>>, vector<16xf32>,
      %get3A_696 = arith.constant 1 : i32
      %get3A_697 = arith.index_cast %get3A_696 : i32 to index
      %get3A_698 = arith.index_cast %add3A_655 : i32 to index
      %get3A_699 = arith.constant 48 : index
      %get3A_700 = tpu.vector_load %arg11[%get3A_697, %get3A_698, %get3A_699] {strides = array<i32>} : memref<2x128x64xf32, #tpu.memory_space<vmem>>, vector<16xf32>,
      %mul3A_701 = arith.mulf %get3A_695, %get3A_700 : vector<16xf32>
      %add3A_702 = arith.addf %add3A_690, %mul3A_701 : vector<16xf32>
      %eq3A_703 = arith.constant 2 : i32
      %eq3A_704 = vector.broadcast %eq3A_703 : i32 to vector<16xi32>
      %eq3A_705 = arith.cmpi eq, %iota3A, %eq3A_704 : vector<16xi32>
      %reduce_sum3A_706 = arith.constant true
      %reduce_sum3A_707 = vector.broadcast %reduce_sum3A_706 : i1 to vector<16xi1>
      %reduce_sum3A_708 = tpu.scan <sum>, %add3A_702 masked %reduce_sum3A_707 : vector<16xf32>, vector<16xi1> -> vector<16xf32>
      %reduce_sum3A_709 = vector.extract %reduce_sum3A_708[15] : f32 from vector<16xf32>
      %broadcast_in_dim3A_710 = vector.broadcast %reduce_sum3A_709 : f32 to vector<16xf32>
      %select_n3A_711 = arith.select %eq3A_705, %broadcast_in_dim3A_710, %select_n3A_653 : vector<16xi1>, vector<16xf32>
      %add3A_712 = arith.constant 3 : i32
      %add3A_713 = arith.addi %mul3A_539, %add3A_712 : i32
      %get3A_714 = arith.constant 1 : i32
      %get3A_715 = arith.index_cast %get3A_714 : i32 to index
      %get3A_716 = arith.index_cast %add3A_713 : i32 to index
      %get3A_717 = arith.constant 0 : index
      %get3A_718 = tpu.vector_load %arg10[%get3A_715, %get3A_716, %get3A_717] {strides = array<i32>} : memref<2x128x64xf32, #tpu.memory_space<vmem>>, vector<16xf32>,
      %get3A_719 = arith.constant 1 : i32
      %get3A_720 = arith.index_cast %get3A_719 : i32 to index
      %get3A_721 = arith.index_cast %add3A_713 : i32 to index
      %get3A_722 = arith.constant 0 : index
      %get3A_723 = tpu.vector_load %arg11[%get3A_720, %get3A_721, %get3A_722] {strides = array<i32>} : memref<2x128x64xf32, #tpu.memory_space<vmem>>, vector<16xf32>,
      %mul3A_724 = arith.mulf %get3A_718, %get3A_723 : vector<16xf32>
      %get3A_725 = arith.constant 1 : i32
      %get3A_726 = arith.index_cast %get3A_725 : i32 to index
      %get3A_727 = arith.index_cast %add3A_713 : i32 to index
      %get3A_728 = arith.constant 16 : index
      %get3A_729 = tpu.vector_load %arg10[%get3A_726, %get3A_727, %get3A_728] {strides = array<i32>} : memref<2x128x64xf32, #tpu.memory_space<vmem>>, vector<16xf32>,
      %get3A_730 = arith.constant 1 : i32
      %get3A_731 = arith.index_cast %get3A_730 : i32 to index
      %get3A_732 = arith.index_cast %add3A_713 : i32 to index
      %get3A_733 = arith.constant 16 : index
      %get3A_734 = tpu.vector_load %arg11[%get3A_731, %get3A_732, %get3A_733] {strides = array<i32>} : memref<2x128x64xf32, #tpu.memory_space<vmem>>, vector<16xf32>,
      %mul3A_735 = arith.mulf %get3A_729, %get3A_734 : vector<16xf32>
      %add3A_736 = arith.addf %mul3A_724, %mul3A_735 : vector<16xf32>
      %get3A_737 = arith.constant 1 : i32
      %get3A_738 = arith.index_cast %get3A_737 : i32 to index
      %get3A_739 = arith.index_cast %add3A_713 : i32 to index
      %get3A_740 = arith.constant 32 : index
      %get3A_741 = tpu.vector_load %arg10[%get3A_738, %get3A_739, %get3A_740] {strides = array<i32>} : memref<2x128x64xf32, #tpu.memory_space<vmem>>, vector<16xf32>,
      %get3A_742 = arith.constant 1 : i32
      %get3A_743 = arith.index_cast %get3A_742 : i32 to index
      %get3A_744 = arith.index_cast %add3A_713 : i32 to index
      %get3A_745 = arith.constant 32 : index
      %get3A_746 = tpu.vector_load %arg11[%get3A_743, %get3A_744, %get3A_745] {strides = array<i32>} : memref<2x128x64xf32, #tpu.memory_space<vmem>>, vector<16xf32>,
      %mul3A_747 = arith.mulf %get3A_741, %get3A_746 : vector<16xf32>
      %add3A_748 = arith.addf %add3A_736, %mul3A_747 : vector<16xf32>
      %get3A_749 = arith.constant 1 : i32
      %get3A_750 = arith.index_cast %get3A_749 : i32 to index
      %get3A_751 = arith.index_cast %add3A_713 : i32 to index
      %get3A_752 = arith.constant 48 : index
      %get3A_753 = tpu.vector_load %arg10[%get3A_750, %get3A_751, %get3A_752] {strides = array<i32>} : memref<2x128x64xf32, #tpu.memory_space<vmem>>, vector<16xf32>,
      %get3A_754 = arith.constant 1 : i32
      %get3A_755 = arith.index_cast %get3A_754 : i32 to index
      %get3A_756 = arith.index_cast %add3A_713 : i32 to index
      %get3A_757 = arith.constant 48 : index
      %get3A_758 = tpu.vector_load %arg11[%get3A_755, %get3A_756, %get3A_757] {strides = array<i32>} : memref<2x128x64xf32, #tpu.memory_space<vmem>>, vector<16xf32>,
      %mul3A_759 = arith.mulf %get3A_753, %get3A_758 : vector<16xf32>
      %add3A_760 = arith.addf %add3A_748, %mul3A_759 : vector<16xf32>
      %eq3A_761 = arith.constant 3 : i32
      %eq3A_762 = vector.broadcast %eq3A_761 : i32 to vector<16xi32>
      %eq3A_763 = arith.cmpi eq, %iota3A, %eq3A_762 : vector<16xi32>
      %reduce_sum3A_764 = arith.constant true
      %reduce_sum3A_765 = vector.broadcast %reduce_sum3A_764 : i1 to vector<16xi1>
      %reduce_sum3A_766 = tpu.scan <sum>, %add3A_760 masked %reduce_sum3A_765 : vector<16xf32>, vector<16xi1> -> vector<16xf32>
      %reduce_sum3A_767 = vector.extract %reduce_sum3A_766[15] : f32 from vector<16xf32>
      %broadcast_in_dim3A_768 = vector.broadcast %reduce_sum3A_767 : f32 to vector<16xf32>
      %select_n3A_769 = arith.select %eq3A_763, %broadcast_in_dim3A_768, %select_n3A_711 : vector<16xi1>, vector<16xf32>
      %add3A_770 = arith.constant 4 : i32
      %add3A_771 = arith.addi %mul3A_539, %add3A_770 : i32
      %get3A_772 = arith.constant 1 : i32
      %get3A_773 = arith.index_cast %get3A_772 : i32 to index
      %get3A_774 = arith.index_cast %add3A_771 : i32 to index
      %get3A_775 = arith.constant 0 : index
      %get3A_776 = tpu.vector_load %arg10[%get3A_773, %get3A_774, %get3A_775] {strides = array<i32>} : memref<2x128x64xf32, #tpu.memory_space<vmem>>, vector<16xf32>,
      %get3A_777 = arith.constant 1 : i32
      %get3A_778 = arith.index_cast %get3A_777 : i32 to index
      %get3A_779 = arith.index_cast %add3A_771 : i32 to index
      %get3A_780 = arith.constant 0 : index
      %get3A_781 = tpu.vector_load %arg11[%get3A_778, %get3A_779, %get3A_780] {strides = array<i32>} : memref<2x128x64xf32, #tpu.memory_space<vmem>>, vector<16xf32>,
      %mul3A_782 = arith.mulf %get3A_776, %get3A_781 : vector<16xf32>
      %get3A_783 = arith.constant 1 : i32
      %get3A_784 = arith.index_cast %get3A_783 : i32 to index
      %get3A_785 = arith.index_cast %add3A_771 : i32 to index
      %get3A_786 = arith.constant 16 : index
      %get3A_787 = tpu.vector_load %arg10[%get3A_784, %get3A_785, %get3A_786] {strides = array<i32>} : memref<2x128x64xf32, #tpu.memory_space<vmem>>, vector<16xf32>,
      %get3A_788 = arith.constant 1 : i32
      %get3A_789 = arith.index_cast %get3A_788 : i32 to index
      %get3A_790 = arith.index_cast %add3A_771 : i32 to index
      %get3A_791 = arith.constant 16 : index
      %get3A_792 = tpu.vector_load %arg11[%get3A_789, %get3A_790, %get3A_791] {strides = array<i32>} : memref<2x128x64xf32, #tpu.memory_space<vmem>>, vector<16xf32>,
      %mul3A_793 = arith.mulf %get3A_787, %get3A_792 : vector<16xf32>
      %add3A_794 = arith.addf %mul3A_782, %mul3A_793 : vector<16xf32>
      %get3A_795 = arith.constant 1 : i32
      %get3A_796 = arith.index_cast %get3A_795 : i32 to index
      %get3A_797 = arith.index_cast %add3A_771 : i32 to index
      %get3A_798 = arith.constant 32 : index
      %get3A_799 = tpu.vector_load %arg10[%get3A_796, %get3A_797, %get3A_798] {strides = array<i32>} : memref<2x128x64xf32, #tpu.memory_space<vmem>>, vector<16xf32>,
      %get3A_800 = arith.constant 1 : i32
      %get3A_801 = arith.index_cast %get3A_800 : i32 to index
      %get3A_802 = arith.index_cast %add3A_771 : i32 to index
      %get3A_803 = arith.constant 32 : index
      %get3A_804 = tpu.vector_load %arg11[%get3A_801, %get3A_802, %get3A_803] {strides = array<i32>} : memref<2x128x64xf32, #tpu.memory_space<vmem>>, vector<16xf32>,
      %mul3A_805 = arith.mulf %get3A_799, %get3A_804 : vector<16xf32>
      %add3A_806 = arith.addf %add3A_794, %mul3A_805 : vector<16xf32>
      %get3A_807 = arith.constant 1 : i32
      %get3A_808 = arith.index_cast %get3A_807 : i32 to index
      %get3A_809 = arith.index_cast %add3A_771 : i32 to index
      %get3A_810 = arith.constant 48 : index
      %get3A_811 = tpu.vector_load %arg10[%get3A_808, %get3A_809, %get3A_810] {strides = array<i32>} : memref<2x128x64xf32, #tpu.memory_space<vmem>>, vector<16xf32>,
      %get3A_812 = arith.constant 1 : i32
      %get3A_813 = arith.index_cast %get3A_812 : i32 to index
      %get3A_814 = arith.index_cast %add3A_771 : i32 to index
      %get3A_815 = arith.constant 48 : index
      %get3A_816 = tpu.vector_load %arg11[%get3A_813, %get3A_814, %get3A_815] {strides = array<i32>} : memref<2x128x64xf32, #tpu.memory_space<vmem>>, vector<16xf32>,
      %mul3A_817 = arith.mulf %get3A_811, %get3A_816 : vector<16xf32>
      %add3A_818 = arith.addf %add3A_806, %mul3A_817 : vector<16xf32>
      %eq3A_819 = arith.constant 4 : i32
      %eq3A_820 = vector.broadcast %eq3A_819 : i32 to vector<16xi32>
      %eq3A_821 = arith.cmpi eq, %iota3A, %eq3A_820 : vector<16xi32>
      %reduce_sum3A_822 = arith.constant true
      %reduce_sum3A_823 = vector.broadcast %reduce_sum3A_822 : i1 to vector<16xi1>
      %reduce_sum3A_824 = tpu.scan <sum>, %add3A_818 masked %reduce_sum3A_823 : vector<16xf32>, vector<16xi1> -> vector<16xf32>
      %reduce_sum3A_825 = vector.extract %reduce_sum3A_824[15] : f32 from vector<16xf32>
      %broadcast_in_dim3A_826 = vector.broadcast %reduce_sum3A_825 : f32 to vector<16xf32>
      %select_n3A_827 = arith.select %eq3A_821, %broadcast_in_dim3A_826, %select_n3A_769 : vector<16xi1>, vector<16xf32>
      %add3A_828 = arith.constant 5 : i32
      %add3A_829 = arith.addi %mul3A_539, %add3A_828 : i32
      %get3A_830 = arith.constant 1 : i32
      %get3A_831 = arith.index_cast %get3A_830 : i32 to index
      %get3A_832 = arith.index_cast %add3A_829 : i32 to index
      %get3A_833 = arith.constant 0 : index
      %get3A_834 = tpu.vector_load %arg10[%get3A_831, %get3A_832, %get3A_833] {strides = array<i32>} : memref<2x128x64xf32, #tpu.memory_space<vmem>>, vector<16xf32>,
      %get3A_835 = arith.constant 1 : i32
      %get3A_836 = arith.index_cast %get3A_835 : i32 to index
      %get3A_837 = arith.index_cast %add3A_829 : i32 to index
      %get3A_838 = arith.constant 0 : index
      %get3A_839 = tpu.vector_load %arg11[%get3A_836, %get3A_837, %get3A_838] {strides = array<i32>} : memref<2x128x64xf32, #tpu.memory_space<vmem>>, vector<16xf32>,
      %mul3A_840 = arith.mulf %get3A_834, %get3A_839 : vector<16xf32>
      %get3A_841 = arith.constant 1 : i32
      %get3A_842 = arith.index_cast %get3A_841 : i32 to index
      %get3A_843 = arith.index_cast %add3A_829 : i32 to index
      %get3A_844 = arith.constant 16 : index
      %get3A_845 = tpu.vector_load %arg10[%get3A_842, %get3A_843, %get3A_844] {strides = array<i32>} : memref<2x128x64xf32, #tpu.memory_space<vmem>>, vector<16xf32>,
      %get3A_846 = arith.constant 1 : i32
      %get3A_847 = arith.index_cast %get3A_846 : i32 to index
      %get3A_848 = arith.index_cast %add3A_829 : i32 to index
      %get3A_849 = arith.constant 16 : index
      %get3A_850 = tpu.vector_load %arg11[%get3A_847, %get3A_848, %get3A_849] {strides = array<i32>} : memref<2x128x64xf32, #tpu.memory_space<vmem>>, vector<16xf32>,
      %mul3A_851 = arith.mulf %get3A_845, %get3A_850 : vector<16xf32>
      %add3A_852 = arith.addf %mul3A_840, %mul3A_851 : vector<16xf32>
      %get3A_853 = arith.constant 1 : i32
      %get3A_854 = arith.index_cast %get3A_853 : i32 to index
      %get3A_855 = arith.index_cast %add3A_829 : i32 to index
      %get3A_856 = arith.constant 32 : index
      %get3A_857 = tpu.vector_load %arg10[%get3A_854, %get3A_855, %get3A_856] {strides = array<i32>} : memref<2x128x64xf32, #tpu.memory_space<vmem>>, vector<16xf32>,
      %get3A_858 = arith.constant 1 : i32
      %get3A_859 = arith.index_cast %get3A_858 : i32 to index
      %get3A_860 = arith.index_cast %add3A_829 : i32 to index
      %get3A_861 = arith.constant 32 : index
      %get3A_862 = tpu.vector_load %arg11[%get3A_859, %get3A_860, %get3A_861] {strides = array<i32>} : memref<2x128x64xf32, #tpu.memory_space<vmem>>, vector<16xf32>,
      %mul3A_863 = arith.mulf %get3A_857, %get3A_862 : vector<16xf32>
      %add3A_864 = arith.addf %add3A_852, %mul3A_863 : vector<16xf32>
      %get3A_865 = arith.constant 1 : i32
      %get3A_866 = arith.index_cast %get3A_865 : i32 to index
      %get3A_867 = arith.index_cast %add3A_829 : i32 to index
      %get3A_868 = arith.constant 48 : index
      %get3A_869 = tpu.vector_load %arg10[%get3A_866, %get3A_867, %get3A_868] {strides = array<i32>} : memref<2x128x64xf32, #tpu.memory_space<vmem>>, vector<16xf32>,
      %get3A_870 = arith.constant 1 : i32
      %get3A_871 = arith.index_cast %get3A_870 : i32 to index
      %get3A_872 = arith.index_cast %add3A_829 : i32 to index
      %get3A_873 = arith.constant 48 : index
      %get3A_874 = tpu.vector_load %arg11[%get3A_871, %get3A_872, %get3A_873] {strides = array<i32>} : memref<2x128x64xf32, #tpu.memory_space<vmem>>, vector<16xf32>,
      %mul3A_875 = arith.mulf %get3A_869, %get3A_874 : vector<16xf32>
      %add3A_876 = arith.addf %add3A_864, %mul3A_875 : vector<16xf32>
      %eq3A_877 = arith.constant 5 : i32
      %eq3A_878 = vector.broadcast %eq3A_877 : i32 to vector<16xi32>
      %eq3A_879 = arith.cmpi eq, %iota3A, %eq3A_878 : vector<16xi32>
      %reduce_sum3A_880 = arith.constant true
      %reduce_sum3A_881 = vector.broadcast %reduce_sum3A_880 : i1 to vector<16xi1>
      %reduce_sum3A_882 = tpu.scan <sum>, %add3A_876 masked %reduce_sum3A_881 : vector<16xf32>, vector<16xi1> -> vector<16xf32>
      %reduce_sum3A_883 = vector.extract %reduce_sum3A_882[15] : f32 from vector<16xf32>
      %broadcast_in_dim3A_884 = vector.broadcast %reduce_sum3A_883 : f32 to vector<16xf32>
      %select_n3A_885 = arith.select %eq3A_879, %broadcast_in_dim3A_884, %select_n3A_827 : vector<16xi1>, vector<16xf32>
      %add3A_886 = arith.constant 6 : i32
      %add3A_887 = arith.addi %mul3A_539, %add3A_886 : i32
      %get3A_888 = arith.constant 1 : i32
      %get3A_889 = arith.index_cast %get3A_888 : i32 to index
      %get3A_890 = arith.index_cast %add3A_887 : i32 to index
      %get3A_891 = arith.constant 0 : index
      %get3A_892 = tpu.vector_load %arg10[%get3A_889, %get3A_890, %get3A_891] {strides = array<i32>} : memref<2x128x64xf32, #tpu.memory_space<vmem>>, vector<16xf32>,
      %get3A_893 = arith.constant 1 : i32
      %get3A_894 = arith.index_cast %get3A_893 : i32 to index
      %get3A_895 = arith.index_cast %add3A_887 : i32 to index
      %get3A_896 = arith.constant 0 : index
      %get3A_897 = tpu.vector_load %arg11[%get3A_894, %get3A_895, %get3A_896] {strides = array<i32>} : memref<2x128x64xf32, #tpu.memory_space<vmem>>, vector<16xf32>,
      %mul3A_898 = arith.mulf %get3A_892, %get3A_897 : vector<16xf32>
      %get3A_899 = arith.constant 1 : i32
      %get3A_900 = arith.index_cast %get3A_899 : i32 to index
      %get3A_901 = arith.index_cast %add3A_887 : i32 to index
      %get3A_902 = arith.constant 16 : index
      %get3A_903 = tpu.vector_load %arg10[%get3A_900, %get3A_901, %get3A_902] {strides = array<i32>} : memref<2x128x64xf32, #tpu.memory_space<vmem>>, vector<16xf32>,
      %get3A_904 = arith.constant 1 : i32
      %get3A_905 = arith.index_cast %get3A_904 : i32 to index
      %get3A_906 = arith.index_cast %add3A_887 : i32 to index
      %get3A_907 = arith.constant 16 : index
      %get3A_908 = tpu.vector_load %arg11[%get3A_905, %get3A_906, %get3A_907] {strides = array<i32>} : memref<2x128x64xf32, #tpu.memory_space<vmem>>, vector<16xf32>,
      %mul3A_909 = arith.mulf %get3A_903, %get3A_908 : vector<16xf32>
      %add3A_910 = arith.addf %mul3A_898, %mul3A_909 : vector<16xf32>
      %get3A_911 = arith.constant 1 : i32
      %get3A_912 = arith.index_cast %get3A_911 : i32 to index
      %get3A_913 = arith.index_cast %add3A_887 : i32 to index
      %get3A_914 = arith.constant 32 : index
      %get3A_915 = tpu.vector_load %arg10[%get3A_912, %get3A_913, %get3A_914] {strides = array<i32>} : memref<2x128x64xf32, #tpu.memory_space<vmem>>, vector<16xf32>,
      %get3A_916 = arith.constant 1 : i32
      %get3A_917 = arith.index_cast %get3A_916 : i32 to index
      %get3A_918 = arith.index_cast %add3A_887 : i32 to index
      %get3A_919 = arith.constant 32 : index
      %get3A_920 = tpu.vector_load %arg11[%get3A_917, %get3A_918, %get3A_919] {strides = array<i32>} : memref<2x128x64xf32, #tpu.memory_space<vmem>>, vector<16xf32>,
      %mul3A_921 = arith.mulf %get3A_915, %get3A_920 : vector<16xf32>
      %add3A_922 = arith.addf %add3A_910, %mul3A_921 : vector<16xf32>
      %get3A_923 = arith.constant 1 : i32
      %get3A_924 = arith.index_cast %get3A_923 : i32 to index
      %get3A_925 = arith.index_cast %add3A_887 : i32 to index
      %get3A_926 = arith.constant 48 : index
      %get3A_927 = tpu.vector_load %arg10[%get3A_924, %get3A_925, %get3A_926] {strides = array<i32>} : memref<2x128x64xf32, #tpu.memory_space<vmem>>, vector<16xf32>,
      %get3A_928 = arith.constant 1 : i32
      %get3A_929 = arith.index_cast %get3A_928 : i32 to index
      %get3A_930 = arith.index_cast %add3A_887 : i32 to index
      %get3A_931 = arith.constant 48 : index
      %get3A_932 = tpu.vector_load %arg11[%get3A_929, %get3A_930, %get3A_931] {strides = array<i32>} : memref<2x128x64xf32, #tpu.memory_space<vmem>>, vector<16xf32>,
      %mul3A_933 = arith.mulf %get3A_927, %get3A_932 : vector<16xf32>
      %add3A_934 = arith.addf %add3A_922, %mul3A_933 : vector<16xf32>
      %eq3A_935 = arith.constant 6 : i32
      %eq3A_936 = vector.broadcast %eq3A_935 : i32 to vector<16xi32>
      %eq3A_937 = arith.cmpi eq, %iota3A, %eq3A_936 : vector<16xi32>
      %reduce_sum3A_938 = arith.constant true
      %reduce_sum3A_939 = vector.broadcast %reduce_sum3A_938 : i1 to vector<16xi1>
      %reduce_sum3A_940 = tpu.scan <sum>, %add3A_934 masked %reduce_sum3A_939 : vector<16xf32>, vector<16xi1> -> vector<16xf32>
      %reduce_sum3A_941 = vector.extract %reduce_sum3A_940[15] : f32 from vector<16xf32>
      %broadcast_in_dim3A_942 = vector.broadcast %reduce_sum3A_941 : f32 to vector<16xf32>
      %select_n3A_943 = arith.select %eq3A_937, %broadcast_in_dim3A_942, %select_n3A_885 : vector<16xi1>, vector<16xf32>
      %add3A_944 = arith.constant 7 : i32
      %add3A_945 = arith.addi %mul3A_539, %add3A_944 : i32
      %get3A_946 = arith.constant 1 : i32
      %get3A_947 = arith.index_cast %get3A_946 : i32 to index
      %get3A_948 = arith.index_cast %add3A_945 : i32 to index
      %get3A_949 = arith.constant 0 : index
      %get3A_950 = tpu.vector_load %arg10[%get3A_947, %get3A_948, %get3A_949] {strides = array<i32>} : memref<2x128x64xf32, #tpu.memory_space<vmem>>, vector<16xf32>,
      %get3A_951 = arith.constant 1 : i32
      %get3A_952 = arith.index_cast %get3A_951 : i32 to index
      %get3A_953 = arith.index_cast %add3A_945 : i32 to index
      %get3A_954 = arith.constant 0 : index
      %get3A_955 = tpu.vector_load %arg11[%get3A_952, %get3A_953, %get3A_954] {strides = array<i32>} : memref<2x128x64xf32, #tpu.memory_space<vmem>>, vector<16xf32>,
      %mul3A_956 = arith.mulf %get3A_950, %get3A_955 : vector<16xf32>
      %get3A_957 = arith.constant 1 : i32
      %get3A_958 = arith.index_cast %get3A_957 : i32 to index
      %get3A_959 = arith.index_cast %add3A_945 : i32 to index
      %get3A_960 = arith.constant 16 : index
      %get3A_961 = tpu.vector_load %arg10[%get3A_958, %get3A_959, %get3A_960] {strides = array<i32>} : memref<2x128x64xf32, #tpu.memory_space<vmem>>, vector<16xf32>,
      %get3A_962 = arith.constant 1 : i32
      %get3A_963 = arith.index_cast %get3A_962 : i32 to index
      %get3A_964 = arith.index_cast %add3A_945 : i32 to index
      %get3A_965 = arith.constant 16 : index
      %get3A_966 = tpu.vector_load %arg11[%get3A_963, %get3A_964, %get3A_965] {strides = array<i32>} : memref<2x128x64xf32, #tpu.memory_space<vmem>>, vector<16xf32>,
      %mul3A_967 = arith.mulf %get3A_961, %get3A_966 : vector<16xf32>
      %add3A_968 = arith.addf %mul3A_956, %mul3A_967 : vector<16xf32>
      %get3A_969 = arith.constant 1 : i32
      %get3A_970 = arith.index_cast %get3A_969 : i32 to index
      %get3A_971 = arith.index_cast %add3A_945 : i32 to index
      %get3A_972 = arith.constant 32 : index
      %get3A_973 = tpu.vector_load %arg10[%get3A_970, %get3A_971, %get3A_972] {strides = array<i32>} : memref<2x128x64xf32, #tpu.memory_space<vmem>>, vector<16xf32>,
      %get3A_974 = arith.constant 1 : i32
      %get3A_975 = arith.index_cast %get3A_974 : i32 to index
      %get3A_976 = arith.index_cast %add3A_945 : i32 to index
      %get3A_977 = arith.constant 32 : index
      %get3A_978 = tpu.vector_load %arg11[%get3A_975, %get3A_976, %get3A_977] {strides = array<i32>} : memref<2x128x64xf32, #tpu.memory_space<vmem>>, vector<16xf32>,
      %mul3A_979 = arith.mulf %get3A_973, %get3A_978 : vector<16xf32>
      %add3A_980 = arith.addf %add3A_968, %mul3A_979 : vector<16xf32>
      %get3A_981 = arith.constant 1 : i32
      %get3A_982 = arith.index_cast %get3A_981 : i32 to index
      %get3A_983 = arith.index_cast %add3A_945 : i32 to index
      %get3A_984 = arith.constant 48 : index
      %get3A_985 = tpu.vector_load %arg10[%get3A_982, %get3A_983, %get3A_984] {strides = array<i32>} : memref<2x128x64xf32, #tpu.memory_space<vmem>>, vector<16xf32>,
      %get3A_986 = arith.constant 1 : i32
      %get3A_987 = arith.index_cast %get3A_986 : i32 to index
      %get3A_988 = arith.index_cast %add3A_945 : i32 to index
      %get3A_989 = arith.constant 48 : index
      %get3A_990 = tpu.vector_load %arg11[%get3A_987, %get3A_988, %get3A_989] {strides = array<i32>} : memref<2x128x64xf32, #tpu.memory_space<vmem>>, vector<16xf32>,
      %mul3A_991 = arith.mulf %get3A_985, %get3A_990 : vector<16xf32>
      %add3A_992 = arith.addf %add3A_980, %mul3A_991 : vector<16xf32>
      %eq3A_993 = arith.constant 7 : i32
      %eq3A_994 = vector.broadcast %eq3A_993 : i32 to vector<16xi32>
      %eq3A_995 = arith.cmpi eq, %iota3A, %eq3A_994 : vector<16xi32>
      %reduce_sum3A_996 = arith.constant true
      %reduce_sum3A_997 = vector.broadcast %reduce_sum3A_996 : i1 to vector<16xi1>
      %reduce_sum3A_998 = tpu.scan <sum>, %add3A_992 masked %reduce_sum3A_997 : vector<16xf32>, vector<16xi1> -> vector<16xf32>
      %reduce_sum3A_999 = vector.extract %reduce_sum3A_998[15] : f32 from vector<16xf32>
      %broadcast_in_dim3A_1000 = vector.broadcast %reduce_sum3A_999 : f32 to vector<16xf32>
      %select_n3A_1001 = arith.select %eq3A_995, %broadcast_in_dim3A_1000, %select_n3A_943 : vector<16xi1>, vector<16xf32>
      %add3A_1002 = arith.constant 8 : i32
      %add3A_1003 = arith.addi %mul3A_539, %add3A_1002 : i32
      %get3A_1004 = arith.constant 1 : i32
      %get3A_1005 = arith.index_cast %get3A_1004 : i32 to index
      %get3A_1006 = arith.index_cast %add3A_1003 : i32 to index
      %get3A_1007 = arith.constant 0 : index
      %get3A_1008 = tpu.vector_load %arg10[%get3A_1005, %get3A_1006, %get3A_1007] {strides = array<i32>} : memref<2x128x64xf32, #tpu.memory_space<vmem>>, vector<16xf32>,
      %get3A_1009 = arith.constant 1 : i32
      %get3A_1010 = arith.index_cast %get3A_1009 : i32 to index
      %get3A_1011 = arith.index_cast %add3A_1003 : i32 to index
      %get3A_1012 = arith.constant 0 : index
      %get3A_1013 = tpu.vector_load %arg11[%get3A_1010, %get3A_1011, %get3A_1012] {strides = array<i32>} : memref<2x128x64xf32, #tpu.memory_space<vmem>>, vector<16xf32>,
      %mul3A_1014 = arith.mulf %get3A_1008, %get3A_1013 : vector<16xf32>
      %get3A_1015 = arith.constant 1 : i32
      %get3A_1016 = arith.index_cast %get3A_1015 : i32 to index
      %get3A_1017 = arith.index_cast %add3A_1003 : i32 to index
      %get3A_1018 = arith.constant 16 : index
      %get3A_1019 = tpu.vector_load %arg10[%get3A_1016, %get3A_1017, %get3A_1018] {strides = array<i32>} : memref<2x128x64xf32, #tpu.memory_space<vmem>>, vector<16xf32>,
      %get3A_1020 = arith.constant 1 : i32
      %get3A_1021 = arith.index_cast %get3A_1020 : i32 to index
      %get3A_1022 = arith.index_cast %add3A_1003 : i32 to index
      %get3A_1023 = arith.constant 16 : index
      %get3A_1024 = tpu.vector_load %arg11[%get3A_1021, %get3A_1022, %get3A_1023] {strides = array<i32>} : memref<2x128x64xf32, #tpu.memory_space<vmem>>, vector<16xf32>,
      %mul3A_1025 = arith.mulf %get3A_1019, %get3A_1024 : vector<16xf32>
      %add3A_1026 = arith.addf %mul3A_1014, %mul3A_1025 : vector<16xf32>
      %get3A_1027 = arith.constant 1 : i32
      %get3A_1028 = arith.index_cast %get3A_1027 : i32 to index
      %get3A_1029 = arith.index_cast %add3A_1003 : i32 to index
      %get3A_1030 = arith.constant 32 : index
      %get3A_1031 = tpu.vector_load %arg10[%get3A_1028, %get3A_1029, %get3A_1030] {strides = array<i32>} : memref<2x128x64xf32, #tpu.memory_space<vmem>>, vector<16xf32>,
      %get3A_1032 = arith.constant 1 : i32
      %get3A_1033 = arith.index_cast %get3A_1032 : i32 to index
      %get3A_1034 = arith.index_cast %add3A_1003 : i32 to index
      %get3A_1035 = arith.constant 32 : index
      %get3A_1036 = tpu.vector_load %arg11[%get3A_1033, %get3A_1034, %get3A_1035] {strides = array<i32>} : memref<2x128x64xf32, #tpu.memory_space<vmem>>, vector<16xf32>,
      %mul3A_1037 = arith.mulf %get3A_1031, %get3A_1036 : vector<16xf32>
      %add3A_1038 = arith.addf %add3A_1026, %mul3A_1037 : vector<16xf32>
      %get3A_1039 = arith.constant 1 : i32
      %get3A_1040 = arith.index_cast %get3A_1039 : i32 to index
      %get3A_1041 = arith.index_cast %add3A_1003 : i32 to index
      %get3A_1042 = arith.constant 48 : index
      %get3A_1043 = tpu.vector_load %arg10[%get3A_1040, %get3A_1041, %get3A_1042] {strides = array<i32>} : memref<2x128x64xf32, #tpu.memory_space<vmem>>, vector<16xf32>,
      %get3A_1044 = arith.constant 1 : i32
      %get3A_1045 = arith.index_cast %get3A_1044 : i32 to index
      %get3A_1046 = arith.index_cast %add3A_1003 : i32 to index
      %get3A_1047 = arith.constant 48 : index
      %get3A_1048 = tpu.vector_load %arg11[%get3A_1045, %get3A_1046, %get3A_1047] {strides = array<i32>} : memref<2x128x64xf32, #tpu.memory_space<vmem>>, vector<16xf32>,
      %mul3A_1049 = arith.mulf %get3A_1043, %get3A_1048 : vector<16xf32>
      %add3A_1050 = arith.addf %add3A_1038, %mul3A_1049 : vector<16xf32>
      %eq3A_1051 = arith.constant 8 : i32
      %eq3A_1052 = vector.broadcast %eq3A_1051 : i32 to vector<16xi32>
      %eq3A_1053 = arith.cmpi eq, %iota3A, %eq3A_1052 : vector<16xi32>
      %reduce_sum3A_1054 = arith.constant true
      %reduce_sum3A_1055 = vector.broadcast %reduce_sum3A_1054 : i1 to vector<16xi1>
      %reduce_sum3A_1056 = tpu.scan <sum>, %add3A_1050 masked %reduce_sum3A_1055 : vector<16xf32>, vector<16xi1> -> vector<16xf32>
      %reduce_sum3A_1057 = vector.extract %reduce_sum3A_1056[15] : f32 from vector<16xf32>
      %broadcast_in_dim3A_1058 = vector.broadcast %reduce_sum3A_1057 : f32 to vector<16xf32>
      %select_n3A_1059 = arith.select %eq3A_1053, %broadcast_in_dim3A_1058, %select_n3A_1001 : vector<16xi1>, vector<16xf32>
      %add3A_1060 = arith.constant 9 : i32
      %add3A_1061 = arith.addi %mul3A_539, %add3A_1060 : i32
      %get3A_1062 = arith.constant 1 : i32
      %get3A_1063 = arith.index_cast %get3A_1062 : i32 to index
      %get3A_1064 = arith.index_cast %add3A_1061 : i32 to index
      %get3A_1065 = arith.constant 0 : index
      %get3A_1066 = tpu.vector_load %arg10[%get3A_1063, %get3A_1064, %get3A_1065] {strides = array<i32>} : memref<2x128x64xf32, #tpu.memory_space<vmem>>, vector<16xf32>,
      %get3A_1067 = arith.constant 1 : i32
      %get3A_1068 = arith.index_cast %get3A_1067 : i32 to index
      %get3A_1069 = arith.index_cast %add3A_1061 : i32 to index
      %get3A_1070 = arith.constant 0 : index
      %get3A_1071 = tpu.vector_load %arg11[%get3A_1068, %get3A_1069, %get3A_1070] {strides = array<i32>} : memref<2x128x64xf32, #tpu.memory_space<vmem>>, vector<16xf32>,
      %mul3A_1072 = arith.mulf %get3A_1066, %get3A_1071 : vector<16xf32>
      %get3A_1073 = arith.constant 1 : i32
      %get3A_1074 = arith.index_cast %get3A_1073 : i32 to index
      %get3A_1075 = arith.index_cast %add3A_1061 : i32 to index
      %get3A_1076 = arith.constant 16 : index
      %get3A_1077 = tpu.vector_load %arg10[%get3A_1074, %get3A_1075, %get3A_1076] {strides = array<i32>} : memref<2x128x64xf32, #tpu.memory_space<vmem>>, vector<16xf32>,
      %get3A_1078 = arith.constant 1 : i32
      %get3A_1079 = arith.index_cast %get3A_1078 : i32 to index
      %get3A_1080 = arith.index_cast %add3A_1061 : i32 to index
      %get3A_1081 = arith.constant 16 : index
      %get3A_1082 = tpu.vector_load %arg11[%get3A_1079, %get3A_1080, %get3A_1081] {strides = array<i32>} : memref<2x128x64xf32, #tpu.memory_space<vmem>>, vector<16xf32>,
      %mul3A_1083 = arith.mulf %get3A_1077, %get3A_1082 : vector<16xf32>
      %add3A_1084 = arith.addf %mul3A_1072, %mul3A_1083 : vector<16xf32>
      %get3A_1085 = arith.constant 1 : i32
      %get3A_1086 = arith.index_cast %get3A_1085 : i32 to index
      %get3A_1087 = arith.index_cast %add3A_1061 : i32 to index
      %get3A_1088 = arith.constant 32 : index
      %get3A_1089 = tpu.vector_load %arg10[%get3A_1086, %get3A_1087, %get3A_1088] {strides = array<i32>} : memref<2x128x64xf32, #tpu.memory_space<vmem>>, vector<16xf32>,
      %get3A_1090 = arith.constant 1 : i32
      %get3A_1091 = arith.index_cast %get3A_1090 : i32 to index
      %get3A_1092 = arith.index_cast %add3A_1061 : i32 to index
      %get3A_1093 = arith.constant 32 : index
      %get3A_1094 = tpu.vector_load %arg11[%get3A_1091, %get3A_1092, %get3A_1093] {strides = array<i32>} : memref<2x128x64xf32, #tpu.memory_space<vmem>>, vector<16xf32>,
      %mul3A_1095 = arith.mulf %get3A_1089, %get3A_1094 : vector<16xf32>
      %add3A_1096 = arith.addf %add3A_1084, %mul3A_1095 : vector<16xf32>
      %get3A_1097 = arith.constant 1 : i32
      %get3A_1098 = arith.index_cast %get3A_1097 : i32 to index
      %get3A_1099 = arith.index_cast %add3A_1061 : i32 to index
      %get3A_1100 = arith.constant 48 : index
      %get3A_1101 = tpu.vector_load %arg10[%get3A_1098, %get3A_1099, %get3A_1100] {strides = array<i32>} : memref<2x128x64xf32, #tpu.memory_space<vmem>>, vector<16xf32>,
      %get3A_1102 = arith.constant 1 : i32
      %get3A_1103 = arith.index_cast %get3A_1102 : i32 to index
      %get3A_1104 = arith.index_cast %add3A_1061 : i32 to index
      %get3A_1105 = arith.constant 48 : index
      %get3A_1106 = tpu.vector_load %arg11[%get3A_1103, %get3A_1104, %get3A_1105] {strides = array<i32>} : memref<2x128x64xf32, #tpu.memory_space<vmem>>, vector<16xf32>,
      %mul3A_1107 = arith.mulf %get3A_1101, %get3A_1106 : vector<16xf32>
      %add3A_1108 = arith.addf %add3A_1096, %mul3A_1107 : vector<16xf32>
      %eq3A_1109 = arith.constant 9 : i32
      %eq3A_1110 = vector.broadcast %eq3A_1109 : i32 to vector<16xi32>
      %eq3A_1111 = arith.cmpi eq, %iota3A, %eq3A_1110 : vector<16xi32>
      %reduce_sum3A_1112 = arith.constant true
      %reduce_sum3A_1113 = vector.broadcast %reduce_sum3A_1112 : i1 to vector<16xi1>
      %reduce_sum3A_1114 = tpu.scan <sum>, %add3A_1108 masked %reduce_sum3A_1113 : vector<16xf32>, vector<16xi1> -> vector<16xf32>
      %reduce_sum3A_1115 = vector.extract %reduce_sum3A_1114[15] : f32 from vector<16xf32>
      %broadcast_in_dim3A_1116 = vector.broadcast %reduce_sum3A_1115 : f32 to vector<16xf32>
      %select_n3A_1117 = arith.select %eq3A_1111, %broadcast_in_dim3A_1116, %select_n3A_1059 : vector<16xi1>, vector<16xf32>
      %add3A_1118 = arith.constant 10 : i32
      %add3A_1119 = arith.addi %mul3A_539, %add3A_1118 : i32
      %get3A_1120 = arith.constant 1 : i32
      %get3A_1121 = arith.index_cast %get3A_1120 : i32 to index
      %get3A_1122 = arith.index_cast %add3A_1119 : i32 to index
      %get3A_1123 = arith.constant 0 : index
      %get3A_1124 = tpu.vector_load %arg10[%get3A_1121, %get3A_1122, %get3A_1123] {strides = array<i32>} : memref<2x128x64xf32, #tpu.memory_space<vmem>>, vector<16xf32>,
      %get3A_1125 = arith.constant 1 : i32
      %get3A_1126 = arith.index_cast %get3A_1125 : i32 to index
      %get3A_1127 = arith.index_cast %add3A_1119 : i32 to index
      %get3A_1128 = arith.constant 0 : index
      %get3A_1129 = tpu.vector_load %arg11[%get3A_1126, %get3A_1127, %get3A_1128] {strides = array<i32>} : memref<2x128x64xf32, #tpu.memory_space<vmem>>, vector<16xf32>,
      %mul3A_1130 = arith.mulf %get3A_1124, %get3A_1129 : vector<16xf32>
      %get3A_1131 = arith.constant 1 : i32
      %get3A_1132 = arith.index_cast %get3A_1131 : i32 to index
      %get3A_1133 = arith.index_cast %add3A_1119 : i32 to index
      %get3A_1134 = arith.constant 16 : index
      %get3A_1135 = tpu.vector_load %arg10[%get3A_1132, %get3A_1133, %get3A_1134] {strides = array<i32>} : memref<2x128x64xf32, #tpu.memory_space<vmem>>, vector<16xf32>,
      %get3A_1136 = arith.constant 1 : i32
      %get3A_1137 = arith.index_cast %get3A_1136 : i32 to index
      %get3A_1138 = arith.index_cast %add3A_1119 : i32 to index
      %get3A_1139 = arith.constant 16 : index
      %get3A_1140 = tpu.vector_load %arg11[%get3A_1137, %get3A_1138, %get3A_1139] {strides = array<i32>} : memref<2x128x64xf32, #tpu.memory_space<vmem>>, vector<16xf32>,
      %mul3A_1141 = arith.mulf %get3A_1135, %get3A_1140 : vector<16xf32>
      %add3A_1142 = arith.addf %mul3A_1130, %mul3A_1141 : vector<16xf32>
      %get3A_1143 = arith.constant 1 : i32
      %get3A_1144 = arith.index_cast %get3A_1143 : i32 to index
      %get3A_1145 = arith.index_cast %add3A_1119 : i32 to index
      %get3A_1146 = arith.constant 32 : index
      %get3A_1147 = tpu.vector_load %arg10[%get3A_1144, %get3A_1145, %get3A_1146] {strides = array<i32>} : memref<2x128x64xf32, #tpu.memory_space<vmem>>, vector<16xf32>,
      %get3A_1148 = arith.constant 1 : i32
      %get3A_1149 = arith.index_cast %get3A_1148 : i32 to index
      %get3A_1150 = arith.index_cast %add3A_1119 : i32 to index
      %get3A_1151 = arith.constant 32 : index
      %get3A_1152 = tpu.vector_load %arg11[%get3A_1149, %get3A_1150, %get3A_1151] {strides = array<i32>} : memref<2x128x64xf32, #tpu.memory_space<vmem>>, vector<16xf32>,
      %mul3A_1153 = arith.mulf %get3A_1147, %get3A_1152 : vector<16xf32>
      %add3A_1154 = arith.addf %add3A_1142, %mul3A_1153 : vector<16xf32>
      %get3A_1155 = arith.constant 1 : i32
      %get3A_1156 = arith.index_cast %get3A_1155 : i32 to index
      %get3A_1157 = arith.index_cast %add3A_1119 : i32 to index
      %get3A_1158 = arith.constant 48 : index
      %get3A_1159 = tpu.vector_load %arg10[%get3A_1156, %get3A_1157, %get3A_1158] {strides = array<i32>} : memref<2x128x64xf32, #tpu.memory_space<vmem>>, vector<16xf32>,
      %get3A_1160 = arith.constant 1 : i32
      %get3A_1161 = arith.index_cast %get3A_1160 : i32 to index
      %get3A_1162 = arith.index_cast %add3A_1119 : i32 to index
      %get3A_1163 = arith.constant 48 : index
      %get3A_1164 = tpu.vector_load %arg11[%get3A_1161, %get3A_1162, %get3A_1163] {strides = array<i32>} : memref<2x128x64xf32, #tpu.memory_space<vmem>>, vector<16xf32>,
      %mul3A_1165 = arith.mulf %get3A_1159, %get3A_1164 : vector<16xf32>
      %add3A_1166 = arith.addf %add3A_1154, %mul3A_1165 : vector<16xf32>
      %eq3A_1167 = arith.constant 10 : i32
      %eq3A_1168 = vector.broadcast %eq3A_1167 : i32 to vector<16xi32>
      %eq3A_1169 = arith.cmpi eq, %iota3A, %eq3A_1168 : vector<16xi32>
      %reduce_sum3A_1170 = arith.constant true
      %reduce_sum3A_1171 = vector.broadcast %reduce_sum3A_1170 : i1 to vector<16xi1>
      %reduce_sum3A_1172 = tpu.scan <sum>, %add3A_1166 masked %reduce_sum3A_1171 : vector<16xf32>, vector<16xi1> -> vector<16xf32>
      %reduce_sum3A_1173 = vector.extract %reduce_sum3A_1172[15] : f32 from vector<16xf32>
      %broadcast_in_dim3A_1174 = vector.broadcast %reduce_sum3A_1173 : f32 to vector<16xf32>
      %select_n3A_1175 = arith.select %eq3A_1169, %broadcast_in_dim3A_1174, %select_n3A_1117 : vector<16xi1>, vector<16xf32>
      %add3A_1176 = arith.constant 11 : i32
      %add3A_1177 = arith.addi %mul3A_539, %add3A_1176 : i32
      %get3A_1178 = arith.constant 1 : i32
      %get3A_1179 = arith.index_cast %get3A_1178 : i32 to index
      %get3A_1180 = arith.index_cast %add3A_1177 : i32 to index
      %get3A_1181 = arith.constant 0 : index
      %get3A_1182 = tpu.vector_load %arg10[%get3A_1179, %get3A_1180, %get3A_1181] {strides = array<i32>} : memref<2x128x64xf32, #tpu.memory_space<vmem>>, vector<16xf32>,
      %get3A_1183 = arith.constant 1 : i32
      %get3A_1184 = arith.index_cast %get3A_1183 : i32 to index
      %get3A_1185 = arith.index_cast %add3A_1177 : i32 to index
      %get3A_1186 = arith.constant 0 : index
      %get3A_1187 = tpu.vector_load %arg11[%get3A_1184, %get3A_1185, %get3A_1186] {strides = array<i32>} : memref<2x128x64xf32, #tpu.memory_space<vmem>>, vector<16xf32>,
      %mul3A_1188 = arith.mulf %get3A_1182, %get3A_1187 : vector<16xf32>
      %get3A_1189 = arith.constant 1 : i32
      %get3A_1190 = arith.index_cast %get3A_1189 : i32 to index
      %get3A_1191 = arith.index_cast %add3A_1177 : i32 to index
      %get3A_1192 = arith.constant 16 : index
      %get3A_1193 = tpu.vector_load %arg10[%get3A_1190, %get3A_1191, %get3A_1192] {strides = array<i32>} : memref<2x128x64xf32, #tpu.memory_space<vmem>>, vector<16xf32>,
      %get3A_1194 = arith.constant 1 : i32
      %get3A_1195 = arith.index_cast %get3A_1194 : i32 to index
      %get3A_1196 = arith.index_cast %add3A_1177 : i32 to index
      %get3A_1197 = arith.constant 16 : index
      %get3A_1198 = tpu.vector_load %arg11[%get3A_1195, %get3A_1196, %get3A_1197] {strides = array<i32>} : memref<2x128x64xf32, #tpu.memory_space<vmem>>, vector<16xf32>,
      %mul3A_1199 = arith.mulf %get3A_1193, %get3A_1198 : vector<16xf32>
      %add3A_1200 = arith.addf %mul3A_1188, %mul3A_1199 : vector<16xf32>
      %get3A_1201 = arith.constant 1 : i32
      %get3A_1202 = arith.index_cast %get3A_1201 : i32 to index
      %get3A_1203 = arith.index_cast %add3A_1177 : i32 to index
      %get3A_1204 = arith.constant 32 : index
      %get3A_1205 = tpu.vector_load %arg10[%get3A_1202, %get3A_1203, %get3A_1204] {strides = array<i32>} : memref<2x128x64xf32, #tpu.memory_space<vmem>>, vector<16xf32>,
      %get3A_1206 = arith.constant 1 : i32
      %get3A_1207 = arith.index_cast %get3A_1206 : i32 to index
      %get3A_1208 = arith.index_cast %add3A_1177 : i32 to index
      %get3A_1209 = arith.constant 32 : index
      %get3A_1210 = tpu.vector_load %arg11[%get3A_1207, %get3A_1208, %get3A_1209] {strides = array<i32>} : memref<2x128x64xf32, #tpu.memory_space<vmem>>, vector<16xf32>,
      %mul3A_1211 = arith.mulf %get3A_1205, %get3A_1210 : vector<16xf32>
      %add3A_1212 = arith.addf %add3A_1200, %mul3A_1211 : vector<16xf32>
      %get3A_1213 = arith.constant 1 : i32
      %get3A_1214 = arith.index_cast %get3A_1213 : i32 to index
      %get3A_1215 = arith.index_cast %add3A_1177 : i32 to index
      %get3A_1216 = arith.constant 48 : index
      %get3A_1217 = tpu.vector_load %arg10[%get3A_1214, %get3A_1215, %get3A_1216] {strides = array<i32>} : memref<2x128x64xf32, #tpu.memory_space<vmem>>, vector<16xf32>,
      %get3A_1218 = arith.constant 1 : i32
      %get3A_1219 = arith.index_cast %get3A_1218 : i32 to index
      %get3A_1220 = arith.index_cast %add3A_1177 : i32 to index
      %get3A_1221 = arith.constant 48 : index
      %get3A_1222 = tpu.vector_load %arg11[%get3A_1219, %get3A_1220, %get3A_1221] {strides = array<i32>} : memref<2x128x64xf32, #tpu.memory_space<vmem>>, vector<16xf32>,
      %mul3A_1223 = arith.mulf %get3A_1217, %get3A_1222 : vector<16xf32>
      %add3A_1224 = arith.addf %add3A_1212, %mul3A_1223 : vector<16xf32>
      %eq3A_1225 = arith.constant 11 : i32
      %eq3A_1226 = vector.broadcast %eq3A_1225 : i32 to vector<16xi32>
      %eq3A_1227 = arith.cmpi eq, %iota3A, %eq3A_1226 : vector<16xi32>
      %reduce_sum3A_1228 = arith.constant true
      %reduce_sum3A_1229 = vector.broadcast %reduce_sum3A_1228 : i1 to vector<16xi1>
      %reduce_sum3A_1230 = tpu.scan <sum>, %add3A_1224 masked %reduce_sum3A_1229 : vector<16xf32>, vector<16xi1> -> vector<16xf32>
      %reduce_sum3A_1231 = vector.extract %reduce_sum3A_1230[15] : f32 from vector<16xf32>
      %broadcast_in_dim3A_1232 = vector.broadcast %reduce_sum3A_1231 : f32 to vector<16xf32>
      %select_n3A_1233 = arith.select %eq3A_1227, %broadcast_in_dim3A_1232, %select_n3A_1175 : vector<16xi1>, vector<16xf32>
      %add3A_1234 = arith.constant 12 : i32
      %add3A_1235 = arith.addi %mul3A_539, %add3A_1234 : i32
      %get3A_1236 = arith.constant 1 : i32
      %get3A_1237 = arith.index_cast %get3A_1236 : i32 to index
      %get3A_1238 = arith.index_cast %add3A_1235 : i32 to index
      %get3A_1239 = arith.constant 0 : index
      %get3A_1240 = tpu.vector_load %arg10[%get3A_1237, %get3A_1238, %get3A_1239] {strides = array<i32>} : memref<2x128x64xf32, #tpu.memory_space<vmem>>, vector<16xf32>,
      %get3A_1241 = arith.constant 1 : i32
      %get3A_1242 = arith.index_cast %get3A_1241 : i32 to index
      %get3A_1243 = arith.index_cast %add3A_1235 : i32 to index
      %get3A_1244 = arith.constant 0 : index
      %get3A_1245 = tpu.vector_load %arg11[%get3A_1242, %get3A_1243, %get3A_1244] {strides = array<i32>} : memref<2x128x64xf32, #tpu.memory_space<vmem>>, vector<16xf32>,
      %mul3A_1246 = arith.mulf %get3A_1240, %get3A_1245 : vector<16xf32>
      %get3A_1247 = arith.constant 1 : i32
      %get3A_1248 = arith.index_cast %get3A_1247 : i32 to index
      %get3A_1249 = arith.index_cast %add3A_1235 : i32 to index
      %get3A_1250 = arith.constant 16 : index
      %get3A_1251 = tpu.vector_load %arg10[%get3A_1248, %get3A_1249, %get3A_1250] {strides = array<i32>} : memref<2x128x64xf32, #tpu.memory_space<vmem>>, vector<16xf32>,
      %get3A_1252 = arith.constant 1 : i32
      %get3A_1253 = arith.index_cast %get3A_1252 : i32 to index
      %get3A_1254 = arith.index_cast %add3A_1235 : i32 to index
      %get3A_1255 = arith.constant 16 : index
      %get3A_1256 = tpu.vector_load %arg11[%get3A_1253, %get3A_1254, %get3A_1255] {strides = array<i32>} : memref<2x128x64xf32, #tpu.memory_space<vmem>>, vector<16xf32>,
      %mul3A_1257 = arith.mulf %get3A_1251, %get3A_1256 : vector<16xf32>
      %add3A_1258 = arith.addf %mul3A_1246, %mul3A_1257 : vector<16xf32>
      %get3A_1259 = arith.constant 1 : i32
      %get3A_1260 = arith.index_cast %get3A_1259 : i32 to index
      %get3A_1261 = arith.index_cast %add3A_1235 : i32 to index
      %get3A_1262 = arith.constant 32 : index
      %get3A_1263 = tpu.vector_load %arg10[%get3A_1260, %get3A_1261, %get3A_1262] {strides = array<i32>} : memref<2x128x64xf32, #tpu.memory_space<vmem>>, vector<16xf32>,
      %get3A_1264 = arith.constant 1 : i32
      %get3A_1265 = arith.index_cast %get3A_1264 : i32 to index
      %get3A_1266 = arith.index_cast %add3A_1235 : i32 to index
      %get3A_1267 = arith.constant 32 : index
      %get3A_1268 = tpu.vector_load %arg11[%get3A_1265, %get3A_1266, %get3A_1267] {strides = array<i32>} : memref<2x128x64xf32, #tpu.memory_space<vmem>>, vector<16xf32>,
      %mul3A_1269 = arith.mulf %get3A_1263, %get3A_1268 : vector<16xf32>
      %add3A_1270 = arith.addf %add3A_1258, %mul3A_1269 : vector<16xf32>
      %get3A_1271 = arith.constant 1 : i32
      %get3A_1272 = arith.index_cast %get3A_1271 : i32 to index
      %get3A_1273 = arith.index_cast %add3A_1235 : i32 to index
      %get3A_1274 = arith.constant 48 : index
      %get3A_1275 = tpu.vector_load %arg10[%get3A_1272, %get3A_1273, %get3A_1274] {strides = array<i32>} : memref<2x128x64xf32, #tpu.memory_space<vmem>>, vector<16xf32>,
      %get3A_1276 = arith.constant 1 : i32
      %get3A_1277 = arith.index_cast %get3A_1276 : i32 to index
      %get3A_1278 = arith.index_cast %add3A_1235 : i32 to index
      %get3A_1279 = arith.constant 48 : index
      %get3A_1280 = tpu.vector_load %arg11[%get3A_1277, %get3A_1278, %get3A_1279] {strides = array<i32>} : memref<2x128x64xf32, #tpu.memory_space<vmem>>, vector<16xf32>,
      %mul3A_1281 = arith.mulf %get3A_1275, %get3A_1280 : vector<16xf32>
      %add3A_1282 = arith.addf %add3A_1270, %mul3A_1281 : vector<16xf32>
      %eq3A_1283 = arith.constant 12 : i32
      %eq3A_1284 = vector.broadcast %eq3A_1283 : i32 to vector<16xi32>
      %eq3A_1285 = arith.cmpi eq, %iota3A, %eq3A_1284 : vector<16xi32>
      %reduce_sum3A_1286 = arith.constant true
      %reduce_sum3A_1287 = vector.broadcast %reduce_sum3A_1286 : i1 to vector<16xi1>
      %reduce_sum3A_1288 = tpu.scan <sum>, %add3A_1282 masked %reduce_sum3A_1287 : vector<16xf32>, vector<16xi1> -> vector<16xf32>
      %reduce_sum3A_1289 = vector.extract %reduce_sum3A_1288[15] : f32 from vector<16xf32>
      %broadcast_in_dim3A_1290 = vector.broadcast %reduce_sum3A_1289 : f32 to vector<16xf32>
      %select_n3A_1291 = arith.select %eq3A_1285, %broadcast_in_dim3A_1290, %select_n3A_1233 : vector<16xi1>, vector<16xf32>
      %add3A_1292 = arith.constant 13 : i32
      %add3A_1293 = arith.addi %mul3A_539, %add3A_1292 : i32
      %get3A_1294 = arith.constant 1 : i32
      %get3A_1295 = arith.index_cast %get3A_1294 : i32 to index
      %get3A_1296 = arith.index_cast %add3A_1293 : i32 to index
      %get3A_1297 = arith.constant 0 : index
      %get3A_1298 = tpu.vector_load %arg10[%get3A_1295, %get3A_1296, %get3A_1297] {strides = array<i32>} : memref<2x128x64xf32, #tpu.memory_space<vmem>>, vector<16xf32>,
      %get3A_1299 = arith.constant 1 : i32
      %get3A_1300 = arith.index_cast %get3A_1299 : i32 to index
      %get3A_1301 = arith.index_cast %add3A_1293 : i32 to index
      %get3A_1302 = arith.constant 0 : index
      %get3A_1303 = tpu.vector_load %arg11[%get3A_1300, %get3A_1301, %get3A_1302] {strides = array<i32>} : memref<2x128x64xf32, #tpu.memory_space<vmem>>, vector<16xf32>,
      %mul3A_1304 = arith.mulf %get3A_1298, %get3A_1303 : vector<16xf32>
      %get3A_1305 = arith.constant 1 : i32
      %get3A_1306 = arith.index_cast %get3A_1305 : i32 to index
      %get3A_1307 = arith.index_cast %add3A_1293 : i32 to index
      %get3A_1308 = arith.constant 16 : index
      %get3A_1309 = tpu.vector_load %arg10[%get3A_1306, %get3A_1307, %get3A_1308] {strides = array<i32>} : memref<2x128x64xf32, #tpu.memory_space<vmem>>, vector<16xf32>,
      %get3A_1310 = arith.constant 1 : i32
      %get3A_1311 = arith.index_cast %get3A_1310 : i32 to index
      %get3A_1312 = arith.index_cast %add3A_1293 : i32 to index
      %get3A_1313 = arith.constant 16 : index
      %get3A_1314 = tpu.vector_load %arg11[%get3A_1311, %get3A_1312, %get3A_1313] {strides = array<i32>} : memref<2x128x64xf32, #tpu.memory_space<vmem>>, vector<16xf32>,
      %mul3A_1315 = arith.mulf %get3A_1309, %get3A_1314 : vector<16xf32>
      %add3A_1316 = arith.addf %mul3A_1304, %mul3A_1315 : vector<16xf32>
      %get3A_1317 = arith.constant 1 : i32
      %get3A_1318 = arith.index_cast %get3A_1317 : i32 to index
      %get3A_1319 = arith.index_cast %add3A_1293 : i32 to index
      %get3A_1320 = arith.constant 32 : index
      %get3A_1321 = tpu.vector_load %arg10[%get3A_1318, %get3A_1319, %get3A_1320] {strides = array<i32>} : memref<2x128x64xf32, #tpu.memory_space<vmem>>, vector<16xf32>,
      %get3A_1322 = arith.constant 1 : i32
      %get3A_1323 = arith.index_cast %get3A_1322 : i32 to index
      %get3A_1324 = arith.index_cast %add3A_1293 : i32 to index
      %get3A_1325 = arith.constant 32 : index
      %get3A_1326 = tpu.vector_load %arg11[%get3A_1323, %get3A_1324, %get3A_1325] {strides = array<i32>} : memref<2x128x64xf32, #tpu.memory_space<vmem>>, vector<16xf32>,
      %mul3A_1327 = arith.mulf %get3A_1321, %get3A_1326 : vector<16xf32>
      %add3A_1328 = arith.addf %add3A_1316, %mul3A_1327 : vector<16xf32>
      %get3A_1329 = arith.constant 1 : i32
      %get3A_1330 = arith.index_cast %get3A_1329 : i32 to index
      %get3A_1331 = arith.index_cast %add3A_1293 : i32 to index
      %get3A_1332 = arith.constant 48 : index
      %get3A_1333 = tpu.vector_load %arg10[%get3A_1330, %get3A_1331, %get3A_1332] {strides = array<i32>} : memref<2x128x64xf32, #tpu.memory_space<vmem>>, vector<16xf32>,
      %get3A_1334 = arith.constant 1 : i32
      %get3A_1335 = arith.index_cast %get3A_1334 : i32 to index
      %get3A_1336 = arith.index_cast %add3A_1293 : i32 to index
      %get3A_1337 = arith.constant 48 : index
      %get3A_1338 = tpu.vector_load %arg11[%get3A_1335, %get3A_1336, %get3A_1337] {strides = array<i32>} : memref<2x128x64xf32, #tpu.memory_space<vmem>>, vector<16xf32>,
      %mul3A_1339 = arith.mulf %get3A_1333, %get3A_1338 : vector<16xf32>
      %add3A_1340 = arith.addf %add3A_1328, %mul3A_1339 : vector<16xf32>
      %eq3A_1341 = arith.constant 13 : i32
      %eq3A_1342 = vector.broadcast %eq3A_1341 : i32 to vector<16xi32>
      %eq3A_1343 = arith.cmpi eq, %iota3A, %eq3A_1342 : vector<16xi32>
      %reduce_sum3A_1344 = arith.constant true
      %reduce_sum3A_1345 = vector.broadcast %reduce_sum3A_1344 : i1 to vector<16xi1>
      %reduce_sum3A_1346 = tpu.scan <sum>, %add3A_1340 masked %reduce_sum3A_1345 : vector<16xf32>, vector<16xi1> -> vector<16xf32>
      %reduce_sum3A_1347 = vector.extract %reduce_sum3A_1346[15] : f32 from vector<16xf32>
      %broadcast_in_dim3A_1348 = vector.broadcast %reduce_sum3A_1347 : f32 to vector<16xf32>
      %select_n3A_1349 = arith.select %eq3A_1343, %broadcast_in_dim3A_1348, %select_n3A_1291 : vector<16xi1>, vector<16xf32>
      %add3A_1350 = arith.constant 14 : i32
      %add3A_1351 = arith.addi %mul3A_539, %add3A_1350 : i32
      %get3A_1352 = arith.constant 1 : i32
      %get3A_1353 = arith.index_cast %get3A_1352 : i32 to index
      %get3A_1354 = arith.index_cast %add3A_1351 : i32 to index
      %get3A_1355 = arith.constant 0 : index
      %get3A_1356 = tpu.vector_load %arg10[%get3A_1353, %get3A_1354, %get3A_1355] {strides = array<i32>} : memref<2x128x64xf32, #tpu.memory_space<vmem>>, vector<16xf32>,
      %get3A_1357 = arith.constant 1 : i32
      %get3A_1358 = arith.index_cast %get3A_1357 : i32 to index
      %get3A_1359 = arith.index_cast %add3A_1351 : i32 to index
      %get3A_1360 = arith.constant 0 : index
      %get3A_1361 = tpu.vector_load %arg11[%get3A_1358, %get3A_1359, %get3A_1360] {strides = array<i32>} : memref<2x128x64xf32, #tpu.memory_space<vmem>>, vector<16xf32>,
      %mul3A_1362 = arith.mulf %get3A_1356, %get3A_1361 : vector<16xf32>
      %get3A_1363 = arith.constant 1 : i32
      %get3A_1364 = arith.index_cast %get3A_1363 : i32 to index
      %get3A_1365 = arith.index_cast %add3A_1351 : i32 to index
      %get3A_1366 = arith.constant 16 : index
      %get3A_1367 = tpu.vector_load %arg10[%get3A_1364, %get3A_1365, %get3A_1366] {strides = array<i32>} : memref<2x128x64xf32, #tpu.memory_space<vmem>>, vector<16xf32>,
      %get3A_1368 = arith.constant 1 : i32
      %get3A_1369 = arith.index_cast %get3A_1368 : i32 to index
      %get3A_1370 = arith.index_cast %add3A_1351 : i32 to index
      %get3A_1371 = arith.constant 16 : index
      %get3A_1372 = tpu.vector_load %arg11[%get3A_1369, %get3A_1370, %get3A_1371] {strides = array<i32>} : memref<2x128x64xf32, #tpu.memory_space<vmem>>, vector<16xf32>,
      %mul3A_1373 = arith.mulf %get3A_1367, %get3A_1372 : vector<16xf32>
      %add3A_1374 = arith.addf %mul3A_1362, %mul3A_1373 : vector<16xf32>
      %get3A_1375 = arith.constant 1 : i32
      %get3A_1376 = arith.index_cast %get3A_1375 : i32 to index
      %get3A_1377 = arith.index_cast %add3A_1351 : i32 to index
      %get3A_1378 = arith.constant 32 : index
      %get3A_1379 = tpu.vector_load %arg10[%get3A_1376, %get3A_1377, %get3A_1378] {strides = array<i32>} : memref<2x128x64xf32, #tpu.memory_space<vmem>>, vector<16xf32>,
      %get3A_1380 = arith.constant 1 : i32
      %get3A_1381 = arith.index_cast %get3A_1380 : i32 to index
      %get3A_1382 = arith.index_cast %add3A_1351 : i32 to index
      %get3A_1383 = arith.constant 32 : index
      %get3A_1384 = tpu.vector_load %arg11[%get3A_1381, %get3A_1382, %get3A_1383] {strides = array<i32>} : memref<2x128x64xf32, #tpu.memory_space<vmem>>, vector<16xf32>,
      %mul3A_1385 = arith.mulf %get3A_1379, %get3A_1384 : vector<16xf32>
      %add3A_1386 = arith.addf %add3A_1374, %mul3A_1385 : vector<16xf32>
      %get3A_1387 = arith.constant 1 : i32
      %get3A_1388 = arith.index_cast %get3A_1387 : i32 to index
      %get3A_1389 = arith.index_cast %add3A_1351 : i32 to index
      %get3A_1390 = arith.constant 48 : index
      %get3A_1391 = tpu.vector_load %arg10[%get3A_1388, %get3A_1389, %get3A_1390] {strides = array<i32>} : memref<2x128x64xf32, #tpu.memory_space<vmem>>, vector<16xf32>,
      %get3A_1392 = arith.constant 1 : i32
      %get3A_1393 = arith.index_cast %get3A_1392 : i32 to index
      %get3A_1394 = arith.index_cast %add3A_1351 : i32 to index
      %get3A_1395 = arith.constant 48 : index
      %get3A_1396 = tpu.vector_load %arg11[%get3A_1393, %get3A_1394, %get3A_1395] {strides = array<i32>} : memref<2x128x64xf32, #tpu.memory_space<vmem>>, vector<16xf32>,
      %mul3A_1397 = arith.mulf %get3A_1391, %get3A_1396 : vector<16xf32>
      %add3A_1398 = arith.addf %add3A_1386, %mul3A_1397 : vector<16xf32>
      %eq3A_1399 = arith.constant 14 : i32
      %eq3A_1400 = vector.broadcast %eq3A_1399 : i32 to vector<16xi32>
      %eq3A_1401 = arith.cmpi eq, %iota3A, %eq3A_1400 : vector<16xi32>
      %reduce_sum3A_1402 = arith.constant true
      %reduce_sum3A_1403 = vector.broadcast %reduce_sum3A_1402 : i1 to vector<16xi1>
      %reduce_sum3A_1404 = tpu.scan <sum>, %add3A_1398 masked %reduce_sum3A_1403 : vector<16xf32>, vector<16xi1> -> vector<16xf32>
      %reduce_sum3A_1405 = vector.extract %reduce_sum3A_1404[15] : f32 from vector<16xf32>
      %broadcast_in_dim3A_1406 = vector.broadcast %reduce_sum3A_1405 : f32 to vector<16xf32>
      %select_n3A_1407 = arith.select %eq3A_1401, %broadcast_in_dim3A_1406, %select_n3A_1349 : vector<16xi1>, vector<16xf32>
      %add3A_1408 = arith.constant 15 : i32
      %add3A_1409 = arith.addi %mul3A_539, %add3A_1408 : i32
      %get3A_1410 = arith.constant 1 : i32
      %get3A_1411 = arith.index_cast %get3A_1410 : i32 to index
      %get3A_1412 = arith.index_cast %add3A_1409 : i32 to index
      %get3A_1413 = arith.constant 0 : index
      %get3A_1414 = tpu.vector_load %arg10[%get3A_1411, %get3A_1412, %get3A_1413] {strides = array<i32>} : memref<2x128x64xf32, #tpu.memory_space<vmem>>, vector<16xf32>,
      %get3A_1415 = arith.constant 1 : i32
      %get3A_1416 = arith.index_cast %get3A_1415 : i32 to index
      %get3A_1417 = arith.index_cast %add3A_1409 : i32 to index
      %get3A_1418 = arith.constant 0 : index
      %get3A_1419 = tpu.vector_load %arg11[%get3A_1416, %get3A_1417, %get3A_1418] {strides = array<i32>} : memref<2x128x64xf32, #tpu.memory_space<vmem>>, vector<16xf32>,
      %mul3A_1420 = arith.mulf %get3A_1414, %get3A_1419 : vector<16xf32>
      %get3A_1421 = arith.constant 1 : i32
      %get3A_1422 = arith.index_cast %get3A_1421 : i32 to index
      %get3A_1423 = arith.index_cast %add3A_1409 : i32 to index
      %get3A_1424 = arith.constant 16 : index
      %get3A_1425 = tpu.vector_load %arg10[%get3A_1422, %get3A_1423, %get3A_1424] {strides = array<i32>} : memref<2x128x64xf32, #tpu.memory_space<vmem>>, vector<16xf32>,
      %get3A_1426 = arith.constant 1 : i32
      %get3A_1427 = arith.index_cast %get3A_1426 : i32 to index
      %get3A_1428 = arith.index_cast %add3A_1409 : i32 to index
      %get3A_1429 = arith.constant 16 : index
      %get3A_1430 = tpu.vector_load %arg11[%get3A_1427, %get3A_1428, %get3A_1429] {strides = array<i32>} : memref<2x128x64xf32, #tpu.memory_space<vmem>>, vector<16xf32>,
      %mul3A_1431 = arith.mulf %get3A_1425, %get3A_1430 : vector<16xf32>
      %add3A_1432 = arith.addf %mul3A_1420, %mul3A_1431 : vector<16xf32>
      %get3A_1433 = arith.constant 1 : i32
      %get3A_1434 = arith.index_cast %get3A_1433 : i32 to index
      %get3A_1435 = arith.index_cast %add3A_1409 : i32 to index
      %get3A_1436 = arith.constant 32 : index
      %get3A_1437 = tpu.vector_load %arg10[%get3A_1434, %get3A_1435, %get3A_1436] {strides = array<i32>} : memref<2x128x64xf32, #tpu.memory_space<vmem>>, vector<16xf32>,
      %get3A_1438 = arith.constant 1 : i32
      %get3A_1439 = arith.index_cast %get3A_1438 : i32 to index
      %get3A_1440 = arith.index_cast %add3A_1409 : i32 to index
      %get3A_1441 = arith.constant 32 : index
      %get3A_1442 = tpu.vector_load %arg11[%get3A_1439, %get3A_1440, %get3A_1441] {strides = array<i32>} : memref<2x128x64xf32, #tpu.memory_space<vmem>>, vector<16xf32>,
      %mul3A_1443 = arith.mulf %get3A_1437, %get3A_1442 : vector<16xf32>
      %add3A_1444 = arith.addf %add3A_1432, %mul3A_1443 : vector<16xf32>
      %get3A_1445 = arith.constant 1 : i32
      %get3A_1446 = arith.index_cast %get3A_1445 : i32 to index
      %get3A_1447 = arith.index_cast %add3A_1409 : i32 to index
      %get3A_1448 = arith.constant 48 : index
      %get3A_1449 = tpu.vector_load %arg10[%get3A_1446, %get3A_1447, %get3A_1448] {strides = array<i32>} : memref<2x128x64xf32, #tpu.memory_space<vmem>>, vector<16xf32>,
      %get3A_1450 = arith.constant 1 : i32
      %get3A_1451 = arith.index_cast %get3A_1450 : i32 to index
      %get3A_1452 = arith.index_cast %add3A_1409 : i32 to index
      %get3A_1453 = arith.constant 48 : index
      %get3A_1454 = tpu.vector_load %arg11[%get3A_1451, %get3A_1452, %get3A_1453] {strides = array<i32>} : memref<2x128x64xf32, #tpu.memory_space<vmem>>, vector<16xf32>,
      %mul3A_1455 = arith.mulf %get3A_1449, %get3A_1454 : vector<16xf32>
      %add3A_1456 = arith.addf %add3A_1444, %mul3A_1455 : vector<16xf32>
      %eq3A_1457 = arith.constant 15 : i32
      %eq3A_1458 = vector.broadcast %eq3A_1457 : i32 to vector<16xi32>
      %eq3A_1459 = arith.cmpi eq, %iota3A, %eq3A_1458 : vector<16xi32>
      %reduce_sum3A_1460 = arith.constant true
      %reduce_sum3A_1461 = vector.broadcast %reduce_sum3A_1460 : i1 to vector<16xi1>
      %reduce_sum3A_1462 = tpu.scan <sum>, %add3A_1456 masked %reduce_sum3A_1461 : vector<16xf32>, vector<16xi1> -> vector<16xf32>
      %reduce_sum3A_1463 = vector.extract %reduce_sum3A_1462[15] : f32 from vector<16xf32>
      %broadcast_in_dim3A_1464 = vector.broadcast %reduce_sum3A_1463 : f32 to vector<16xf32>
      %select_n3A_1465 = arith.select %eq3A_1459, %broadcast_in_dim3A_1464, %select_n3A_1407 : vector<16xi1>, vector<16xf32>
      %get3A_1466 = arith.constant 1 : i32
      %get3A_1467 = arith.index_cast %get3A_1466 : i32 to index
      %get3A_1468 = arith.index_cast %mul3A_539 : i32 to index
      %get3A_1469 = tpu.vector_load %arg12[%get3A_1467, %get3A_1468] {strides = array<i32>} : memref<4x128xf32, #tpu.memory_space<vmem>>, vector<16xf32>,
      %get3A_1470 = arith.constant 1 : i32
      %get3A_1471 = arith.index_cast %get3A_1470 : i32 to index
      %get3A_1472 = arith.index_cast %mul3A_539 : i32 to index
      %get3A_1473 = tpu.vector_load %arg13[%get3A_1471, %get3A_1472] {strides = array<i32>} : memref<4x128xf32, #tpu.memory_space<vmem>>, vector<16xf32>,
      %add3A_1474 = arith.addf %select_n3A_1465, %get3A_1469 : vector<16xf32>
      %add3A_1475 = arith.addf %add3A_1474, %get3A_1473 : vector<16xf32>
      %add3A_1476 = arith.addf %add3A_1475, %get3A_537 : vector<16xf32>
      %neg3A = arith.constant 0.000000e+00 : f32
      %neg3A_1477 = vector.broadcast %neg3A : f32 to vector<16xf32>
      %neg3A_1478 = arith.subf %neg3A_1477, %add3A_1476 : vector<16xf32>
      %exp3A = math.exp %neg3A_1478 : vector<16xf32>
      %add3A_1479 = arith.constant 1.000000e+00 : f32
      %add3A_1480 = vector.broadcast %add3A_1479 : f32 to vector<16xf32>
      %add3A_1481 = arith.addf %add3A_1480, %exp3A : vector<16xf32>
      %div3A = arith.constant 1.000000e+00 : f32
      %div3A_1482 = vector.broadcast %div3A : f32 to vector<16xf32>
      %div3A_1483 = arith.divf %div3A_1482, %add3A_1481 : vector<16xf32>
      %add3A_1484 = arith.constant 128 : i32
      %add3A_1485 = arith.addi %add3A_1484, %mul3A_539 : i32
      %swap3A = arith.index_cast %add3A_1485 : i32 to index
      %swap3A_1486 = tpu.vector_load %arg14[%swap3A] {strides = array<i32>} : memref<512xf32, #tpu.memory_space<vmem>>, vector<16xf32>,
      tpu.vector_store %arg14[%swap3A], %div3A_1483 {strides = array<i32>} : memref<512xf32, #tpu.memory_space<vmem>>, vector<16xf32>,
    }
    %scan3A_411 = arith.constant 8 : i32
    %dma_start3A_412 = arith.constant 3 : i32
    %dma_start3A_413 = arith.constant 1 : i32
    %dma_start3A_414 = arith.constant 0 : i32
    %dma_start3A_415 = arith.constant 0 : i32
    %dma_start3A_416 = tpu.memref_slice %arg10[%dma_start3A_413, %dma_start3A_414, %dma_start3A_415] : memref<2x128x64xf32, #tpu.memory_space<vmem>> -> memref<1x128x64xf32, #tpu.memory_space<vmem>>
    %dma_start3A_417 = tpu.memref_squeeze %dma_start3A_416 : memref<1x128x64xf32, #tpu.memory_space<vmem>> -> memref<128x64xf32, #tpu.memory_space<vmem>>
    %dma_start3A_418 = arith.constant 0 : i32
    %dma_start3A_419 = tpu.memref_slice %arg8[%dma_start3A_412, %dma_start3A_418] : memref<4x128xi32, #tpu.memory_space<vmem>> -> memref<1x128xi32, #tpu.memory_space<vmem>>
    %dma_start3A_420 = tpu.memref_squeeze %dma_start3A_419 : memref<1x128xi32, #tpu.memory_space<vmem>> -> memref<128xi32, #tpu.memory_space<vmem>>
    %dma_start3A_421 = arith.constant 0 : i32
    %dma_start3A_422 = arith.constant 0 : i32
    %dma_start3A_423 = tpu.memref_slice %arg4[%dma_start3A_421, %dma_start3A_422] : memref<100000x64xf32, #tpu.memory_space<hbm>> -> memref<100000x64xf32, #tpu.memory_space<hbm>>
    tpu.enqueue_indirect_dma source(%dma_start3A_423 : memref<100000x64xf32, #tpu.memory_space<hbm>>) target(%dma_start3A_417 : memref<128x64xf32, #tpu.memory_space<vmem>>) offsets(%dma_start3A_420 : memref<128xi32, #tpu.memory_space<vmem>>) semaphore(%arg17 : memref<!tpu.dma_semaphore, #tpu.memory_space<semaphore_mem>>)
    %dma_start3A_424 = arith.constant 3 : i32
    %dma_start3A_425 = arith.constant 1 : i32
    %dma_start3A_426 = arith.constant 0 : i32
    %dma_start3A_427 = arith.constant 0 : i32
    %dma_start3A_428 = tpu.memref_slice %arg11[%dma_start3A_425, %dma_start3A_426, %dma_start3A_427] : memref<2x128x64xf32, #tpu.memory_space<vmem>> -> memref<1x128x64xf32, #tpu.memory_space<vmem>>
    %dma_start3A_429 = tpu.memref_squeeze %dma_start3A_428 : memref<1x128x64xf32, #tpu.memory_space<vmem>> -> memref<128x64xf32, #tpu.memory_space<vmem>>
    %dma_start3A_430 = arith.constant 0 : i32
    %dma_start3A_431 = tpu.memref_slice %arg9[%dma_start3A_424, %dma_start3A_430] : memref<4x128xi32, #tpu.memory_space<vmem>> -> memref<1x128xi32, #tpu.memory_space<vmem>>
    %dma_start3A_432 = tpu.memref_squeeze %dma_start3A_431 : memref<1x128xi32, #tpu.memory_space<vmem>> -> memref<128xi32, #tpu.memory_space<vmem>>
    %dma_start3A_433 = arith.constant 0 : i32
    %dma_start3A_434 = arith.constant 0 : i32
    %dma_start3A_435 = tpu.memref_slice %arg4[%dma_start3A_433, %dma_start3A_434] : memref<100000x64xf32, #tpu.memory_space<hbm>> -> memref<100000x64xf32, #tpu.memory_space<hbm>>
    tpu.enqueue_indirect_dma source(%dma_start3A_435 : memref<100000x64xf32, #tpu.memory_space<hbm>>) target(%dma_start3A_429 : memref<128x64xf32, #tpu.memory_space<vmem>>) offsets(%dma_start3A_432 : memref<128xi32, #tpu.memory_space<vmem>>) semaphore(%arg17 : memref<!tpu.dma_semaphore, #tpu.memory_space<semaphore_mem>>)
    %dma_wait3A_436 = arith.constant 2 : i32
    %dma_wait3A_437 = arith.constant 2 : i32
    %dma_wait3A_438 = arith.constant 0 : i32
    %dma_wait3A_439 = tpu.memref_slice %arg12[%dma_wait3A_437, %dma_wait3A_438] : memref<4x128xf32, #tpu.memory_space<vmem>> -> memref<1x128xf32, #tpu.memory_space<vmem>>
    %dma_wait3A_440 = tpu.memref_squeeze %dma_wait3A_439 : memref<1x128xf32, #tpu.memory_space<vmem>> -> memref<128xf32, #tpu.memory_space<vmem>>
    %dma_wait3A_441 = arith.constant 0 : i32
    %dma_wait3A_442 = tpu.memref_slice %arg8[%dma_wait3A_436, %dma_wait3A_441] : memref<4x128xi32, #tpu.memory_space<vmem>> -> memref<1x128xi32, #tpu.memory_space<vmem>>
    %dma_wait3A_443 = tpu.memref_squeeze %dma_wait3A_442 : memref<1x128xi32, #tpu.memory_space<vmem>> -> memref<128xi32, #tpu.memory_space<vmem>>
    %dma_wait3A_444 = arith.constant 0 : i32
    %dma_wait3A_445 = tpu.memref_slice %arg5[%dma_wait3A_444] : memref<100000xf32, #tpu.memory_space<hbm>> -> memref<100000xf32, #tpu.memory_space<hbm>>
    tpu.wait_indirect_dma semaphore(%arg18 : memref<!tpu.dma_semaphore, #tpu.memory_space<semaphore_mem>>) src(%dma_wait3A_445 : memref<100000xf32, #tpu.memory_space<hbm>>) dst(%dma_wait3A_440 : memref<128xf32, #tpu.memory_space<vmem>>)
    %dma_wait3A_446 = arith.constant 2 : i32
    %dma_wait3A_447 = arith.constant 2 : i32
    %dma_wait3A_448 = arith.constant 0 : i32
    %dma_wait3A_449 = tpu.memref_slice %arg13[%dma_wait3A_447, %dma_wait3A_448] : memref<4x128xf32, #tpu.memory_space<vmem>> -> memref<1x128xf32, #tpu.memory_space<vmem>>
    %dma_wait3A_450 = tpu.memref_squeeze %dma_wait3A_449 : memref<1x128xf32, #tpu.memory_space<vmem>> -> memref<128xf32, #tpu.memory_space<vmem>>
    %dma_wait3A_451 = arith.constant 0 : i32
    %dma_wait3A_452 = tpu.memref_slice %arg9[%dma_wait3A_446, %dma_wait3A_451] : memref<4x128xi32, #tpu.memory_space<vmem>> -> memref<1x128xi32, #tpu.memory_space<vmem>>
    %dma_wait3A_453 = tpu.memref_squeeze %dma_wait3A_452 : memref<1x128xi32, #tpu.memory_space<vmem>> -> memref<128xi32, #tpu.memory_space<vmem>>
    %dma_wait3A_454 = arith.constant 0 : i32
    %dma_wait3A_455 = tpu.memref_slice %arg5[%dma_wait3A_454] : memref<100000xf32, #tpu.memory_space<hbm>> -> memref<100000xf32, #tpu.memory_space<hbm>>
    tpu.wait_indirect_dma semaphore(%arg18 : memref<!tpu.dma_semaphore, #tpu.memory_space<semaphore_mem>>) src(%dma_wait3A_455 : memref<100000xf32, #tpu.memory_space<hbm>>) dst(%dma_wait3A_450 : memref<128xf32, #tpu.memory_space<vmem>>)
    %dma_wait3A_456 = arith.constant 2 : i32
    %dma_wait3A_457 = arith.constant 0 : i32
    %dma_wait3A_458 = arith.constant 0 : i32
    %dma_wait3A_459 = arith.constant 0 : i32
    %dma_wait3A_460 = tpu.memref_slice %arg10[%dma_wait3A_457, %dma_wait3A_458, %dma_wait3A_459] : memref<2x128x64xf32, #tpu.memory_space<vmem>> -> memref<1x128x64xf32, #tpu.memory_space<vmem>>
    %dma_wait3A_461 = tpu.memref_squeeze %dma_wait3A_460 : memref<1x128x64xf32, #tpu.memory_space<vmem>> -> memref<128x64xf32, #tpu.memory_space<vmem>>
    %dma_wait3A_462 = arith.constant 0 : i32
    %dma_wait3A_463 = tpu.memref_slice %arg8[%dma_wait3A_456, %dma_wait3A_462] : memref<4x128xi32, #tpu.memory_space<vmem>> -> memref<1x128xi32, #tpu.memory_space<vmem>>
    %dma_wait3A_464 = tpu.memref_squeeze %dma_wait3A_463 : memref<1x128xi32, #tpu.memory_space<vmem>> -> memref<128xi32, #tpu.memory_space<vmem>>
    %dma_wait3A_465 = arith.constant 0 : i32
    %dma_wait3A_466 = arith.constant 0 : i32
    %dma_wait3A_467 = tpu.memref_slice %arg4[%dma_wait3A_465, %dma_wait3A_466] : memref<100000x64xf32, #tpu.memory_space<hbm>> -> memref<100000x64xf32, #tpu.memory_space<hbm>>
    tpu.wait_indirect_dma semaphore(%arg16 : memref<!tpu.dma_semaphore, #tpu.memory_space<semaphore_mem>>) src(%dma_wait3A_467 : memref<100000x64xf32, #tpu.memory_space<hbm>>) dst(%dma_wait3A_461 : memref<128x64xf32, #tpu.memory_space<vmem>>)
    %dma_wait3A_468 = arith.constant 2 : i32
    %dma_wait3A_469 = arith.constant 0 : i32
    %dma_wait3A_470 = arith.constant 0 : i32
    %dma_wait3A_471 = arith.constant 0 : i32
    %dma_wait3A_472 = tpu.memref_slice %arg11[%dma_wait3A_469, %dma_wait3A_470, %dma_wait3A_471] : memref<2x128x64xf32, #tpu.memory_space<vmem>> -> memref<1x128x64xf32, #tpu.memory_space<vmem>>
    %dma_wait3A_473 = tpu.memref_squeeze %dma_wait3A_472 : memref<1x128x64xf32, #tpu.memory_space<vmem>> -> memref<128x64xf32, #tpu.memory_space<vmem>>
    %dma_wait3A_474 = arith.constant 0 : i32
    %dma_wait3A_475 = tpu.memref_slice %arg9[%dma_wait3A_468, %dma_wait3A_474] : memref<4x128xi32, #tpu.memory_space<vmem>> -> memref<1x128xi32, #tpu.memory_space<vmem>>
    %dma_wait3A_476 = tpu.memref_squeeze %dma_wait3A_475 : memref<1x128xi32, #tpu.memory_space<vmem>> -> memref<128xi32, #tpu.memory_space<vmem>>
    %dma_wait3A_477 = arith.constant 0 : i32
    %dma_wait3A_478 = arith.constant 0 : i32
    %dma_wait3A_479 = tpu.memref_slice %arg4[%dma_wait3A_477, %dma_wait3A_478] : memref<100000x64xf32, #tpu.memory_space<hbm>> -> memref<100000x64xf32, #tpu.memory_space<hbm>>
    tpu.wait_indirect_dma semaphore(%arg16 : memref<!tpu.dma_semaphore, #tpu.memory_space<semaphore_mem>>) src(%dma_wait3A_479 : memref<100000x64xf32, #tpu.memory_space<hbm>>) dst(%dma_wait3A_473 : memref<128x64xf32, #tpu.memory_space<vmem>>)
    %scan3A_480 = arith.constant 0 : i32
    %scan3A_481 = arith.constant 0 : i32
    %scan3A_482 = arith.constant 8 : i32
    %scan3A_483 = arith.addi %scan3A_481, %scan3A_482 : i32
    %scan3A_484 = arith.constant 1 : i32
    scf.for %scan3A_536 = %scan3A_481 to %scan3A_483 step %scan3A_484  : i32 {
      %iota3A = tpu.iota {dimensions = array<i32: 0>} : vector<16xi32>
      %get3A = arith.constant 0 : index
      %get3A_537 = tpu.vector_load %arg15[%get3A] {strides = array<i32>} : memref<16xf32, #tpu.memory_space<vmem>>, vector<16xf32>,
      %mul3A_538 = arith.constant 16 : i32
      %mul3A_539 = arith.muli %scan3A_536, %mul3A_538 : i32
      %broadcast_in_dim3A = arith.constant 0.000000e+00 : f32
      %broadcast_in_dim3A_540 = vector.broadcast %broadcast_in_dim3A : f32 to vector<16xf32>
      %add3A_541 = arith.constant 0 : i32
      %add3A_542 = arith.addi %mul3A_539, %add3A_541 : i32
      %get3A_543 = arith.constant 0 : i32
      %get3A_544 = arith.index_cast %get3A_543 : i32 to index
      %get3A_545 = arith.index_cast %add3A_542 : i32 to index
      %get3A_546 = arith.constant 0 : index
      %get3A_547 = tpu.vector_load %arg10[%get3A_544, %get3A_545, %get3A_546] {strides = array<i32>} : memref<2x128x64xf32, #tpu.memory_space<vmem>>, vector<16xf32>,
      %get3A_548 = arith.constant 0 : i32
      %get3A_549 = arith.index_cast %get3A_548 : i32 to index
      %get3A_550 = arith.index_cast %add3A_542 : i32 to index
      %get3A_551 = arith.constant 0 : index
      %get3A_552 = tpu.vector_load %arg11[%get3A_549, %get3A_550, %get3A_551] {strides = array<i32>} : memref<2x128x64xf32, #tpu.memory_space<vmem>>, vector<16xf32>,
      %mul3A_553 = arith.mulf %get3A_547, %get3A_552 : vector<16xf32>
      %get3A_554 = arith.constant 0 : i32
      %get3A_555 = arith.index_cast %get3A_554 : i32 to index
      %get3A_556 = arith.index_cast %add3A_542 : i32 to index
      %get3A_557 = arith.constant 16 : index
      %get3A_558 = tpu.vector_load %arg10[%get3A_555, %get3A_556, %get3A_557] {strides = array<i32>} : memref<2x128x64xf32, #tpu.memory_space<vmem>>, vector<16xf32>,
      %get3A_559 = arith.constant 0 : i32
      %get3A_560 = arith.index_cast %get3A_559 : i32 to index
      %get3A_561 = arith.index_cast %add3A_542 : i32 to index
      %get3A_562 = arith.constant 16 : index
      %get3A_563 = tpu.vector_load %arg11[%get3A_560, %get3A_561, %get3A_562] {strides = array<i32>} : memref<2x128x64xf32, #tpu.memory_space<vmem>>, vector<16xf32>,
      %mul3A_564 = arith.mulf %get3A_558, %get3A_563 : vector<16xf32>
      %add3A_565 = arith.addf %mul3A_553, %mul3A_564 : vector<16xf32>
      %get3A_566 = arith.constant 0 : i32
      %get3A_567 = arith.index_cast %get3A_566 : i32 to index
      %get3A_568 = arith.index_cast %add3A_542 : i32 to index
      %get3A_569 = arith.constant 32 : index
      %get3A_570 = tpu.vector_load %arg10[%get3A_567, %get3A_568, %get3A_569] {strides = array<i32>} : memref<2x128x64xf32, #tpu.memory_space<vmem>>, vector<16xf32>,
      %get3A_571 = arith.constant 0 : i32
      %get3A_572 = arith.index_cast %get3A_571 : i32 to index
      %get3A_573 = arith.index_cast %add3A_542 : i32 to index
      %get3A_574 = arith.constant 32 : index
      %get3A_575 = tpu.vector_load %arg11[%get3A_572, %get3A_573, %get3A_574] {strides = array<i32>} : memref<2x128x64xf32, #tpu.memory_space<vmem>>, vector<16xf32>,
      %mul3A_576 = arith.mulf %get3A_570, %get3A_575 : vector<16xf32>
      %add3A_577 = arith.addf %add3A_565, %mul3A_576 : vector<16xf32>
      %get3A_578 = arith.constant 0 : i32
      %get3A_579 = arith.index_cast %get3A_578 : i32 to index
      %get3A_580 = arith.index_cast %add3A_542 : i32 to index
      %get3A_581 = arith.constant 48 : index
      %get3A_582 = tpu.vector_load %arg10[%get3A_579, %get3A_580, %get3A_581] {strides = array<i32>} : memref<2x128x64xf32, #tpu.memory_space<vmem>>, vector<16xf32>,
      %get3A_583 = arith.constant 0 : i32
      %get3A_584 = arith.index_cast %get3A_583 : i32 to index
      %get3A_585 = arith.index_cast %add3A_542 : i32 to index
      %get3A_586 = arith.constant 48 : index
      %get3A_587 = tpu.vector_load %arg11[%get3A_584, %get3A_585, %get3A_586] {strides = array<i32>} : memref<2x128x64xf32, #tpu.memory_space<vmem>>, vector<16xf32>,
      %mul3A_588 = arith.mulf %get3A_582, %get3A_587 : vector<16xf32>
      %add3A_589 = arith.addf %add3A_577, %mul3A_588 : vector<16xf32>
      %eq3A = arith.constant 0 : i32
      %eq3A_590 = vector.broadcast %eq3A : i32 to vector<16xi32>
      %eq3A_591 = arith.cmpi eq, %iota3A, %eq3A_590 : vector<16xi32>
      %reduce_sum3A = arith.constant true
      %reduce_sum3A_592 = vector.broadcast %reduce_sum3A : i1 to vector<16xi1>
      %reduce_sum3A_593 = tpu.scan <sum>, %add3A_589 masked %reduce_sum3A_592 : vector<16xf32>, vector<16xi1> -> vector<16xf32>
      %reduce_sum3A_594 = vector.extract %reduce_sum3A_593[15] : f32 from vector<16xf32>
      %broadcast_in_dim3A_595 = vector.broadcast %reduce_sum3A_594 : f32 to vector<16xf32>
      %select_n3A = arith.select %eq3A_591, %broadcast_in_dim3A_595, %broadcast_in_dim3A_540 : vector<16xi1>, vector<16xf32>
      %add3A_596 = arith.constant 1 : i32
      %add3A_597 = arith.addi %mul3A_539, %add3A_596 : i32
      %get3A_598 = arith.constant 0 : i32
      %get3A_599 = arith.index_cast %get3A_598 : i32 to index
      %get3A_600 = arith.index_cast %add3A_597 : i32 to index
      %get3A_601 = arith.constant 0 : index
      %get3A_602 = tpu.vector_load %arg10[%get3A_599, %get3A_600, %get3A_601] {strides = array<i32>} : memref<2x128x64xf32, #tpu.memory_space<vmem>>, vector<16xf32>,
      %get3A_603 = arith.constant 0 : i32
      %get3A_604 = arith.index_cast %get3A_603 : i32 to index
      %get3A_605 = arith.index_cast %add3A_597 : i32 to index
      %get3A_606 = arith.constant 0 : index
      %get3A_607 = tpu.vector_load %arg11[%get3A_604, %get3A_605, %get3A_606] {strides = array<i32>} : memref<2x128x64xf32, #tpu.memory_space<vmem>>, vector<16xf32>,
      %mul3A_608 = arith.mulf %get3A_602, %get3A_607 : vector<16xf32>
      %get3A_609 = arith.constant 0 : i32
      %get3A_610 = arith.index_cast %get3A_609 : i32 to index
      %get3A_611 = arith.index_cast %add3A_597 : i32 to index
      %get3A_612 = arith.constant 16 : index
      %get3A_613 = tpu.vector_load %arg10[%get3A_610, %get3A_611, %get3A_612] {strides = array<i32>} : memref<2x128x64xf32, #tpu.memory_space<vmem>>, vector<16xf32>,
      %get3A_614 = arith.constant 0 : i32
      %get3A_615 = arith.index_cast %get3A_614 : i32 to index
      %get3A_616 = arith.index_cast %add3A_597 : i32 to index
      %get3A_617 = arith.constant 16 : index
      %get3A_618 = tpu.vector_load %arg11[%get3A_615, %get3A_616, %get3A_617] {strides = array<i32>} : memref<2x128x64xf32, #tpu.memory_space<vmem>>, vector<16xf32>,
      %mul3A_619 = arith.mulf %get3A_613, %get3A_618 : vector<16xf32>
      %add3A_620 = arith.addf %mul3A_608, %mul3A_619 : vector<16xf32>
      %get3A_621 = arith.constant 0 : i32
      %get3A_622 = arith.index_cast %get3A_621 : i32 to index
      %get3A_623 = arith.index_cast %add3A_597 : i32 to index
      %get3A_624 = arith.constant 32 : index
      %get3A_625 = tpu.vector_load %arg10[%get3A_622, %get3A_623, %get3A_624] {strides = array<i32>} : memref<2x128x64xf32, #tpu.memory_space<vmem>>, vector<16xf32>,
      %get3A_626 = arith.constant 0 : i32
      %get3A_627 = arith.index_cast %get3A_626 : i32 to index
      %get3A_628 = arith.index_cast %add3A_597 : i32 to index
      %get3A_629 = arith.constant 32 : index
      %get3A_630 = tpu.vector_load %arg11[%get3A_627, %get3A_628, %get3A_629] {strides = array<i32>} : memref<2x128x64xf32, #tpu.memory_space<vmem>>, vector<16xf32>,
      %mul3A_631 = arith.mulf %get3A_625, %get3A_630 : vector<16xf32>
      %add3A_632 = arith.addf %add3A_620, %mul3A_631 : vector<16xf32>
      %get3A_633 = arith.constant 0 : i32
      %get3A_634 = arith.index_cast %get3A_633 : i32 to index
      %get3A_635 = arith.index_cast %add3A_597 : i32 to index
      %get3A_636 = arith.constant 48 : index
      %get3A_637 = tpu.vector_load %arg10[%get3A_634, %get3A_635, %get3A_636] {strides = array<i32>} : memref<2x128x64xf32, #tpu.memory_space<vmem>>, vector<16xf32>,
      %get3A_638 = arith.constant 0 : i32
      %get3A_639 = arith.index_cast %get3A_638 : i32 to index
      %get3A_640 = arith.index_cast %add3A_597 : i32 to index
      %get3A_641 = arith.constant 48 : index
      %get3A_642 = tpu.vector_load %arg11[%get3A_639, %get3A_640, %get3A_641] {strides = array<i32>} : memref<2x128x64xf32, #tpu.memory_space<vmem>>, vector<16xf32>,
      %mul3A_643 = arith.mulf %get3A_637, %get3A_642 : vector<16xf32>
      %add3A_644 = arith.addf %add3A_632, %mul3A_643 : vector<16xf32>
      %eq3A_645 = arith.constant 1 : i32
      %eq3A_646 = vector.broadcast %eq3A_645 : i32 to vector<16xi32>
      %eq3A_647 = arith.cmpi eq, %iota3A, %eq3A_646 : vector<16xi32>
      %reduce_sum3A_648 = arith.constant true
      %reduce_sum3A_649 = vector.broadcast %reduce_sum3A_648 : i1 to vector<16xi1>
      %reduce_sum3A_650 = tpu.scan <sum>, %add3A_644 masked %reduce_sum3A_649 : vector<16xf32>, vector<16xi1> -> vector<16xf32>
      %reduce_sum3A_651 = vector.extract %reduce_sum3A_650[15] : f32 from vector<16xf32>
      %broadcast_in_dim3A_652 = vector.broadcast %reduce_sum3A_651 : f32 to vector<16xf32>
      %select_n3A_653 = arith.select %eq3A_647, %broadcast_in_dim3A_652, %select_n3A : vector<16xi1>, vector<16xf32>
      %add3A_654 = arith.constant 2 : i32
      %add3A_655 = arith.addi %mul3A_539, %add3A_654 : i32
      %get3A_656 = arith.constant 0 : i32
      %get3A_657 = arith.index_cast %get3A_656 : i32 to index
      %get3A_658 = arith.index_cast %add3A_655 : i32 to index
      %get3A_659 = arith.constant 0 : index
      %get3A_660 = tpu.vector_load %arg10[%get3A_657, %get3A_658, %get3A_659] {strides = array<i32>} : memref<2x128x64xf32, #tpu.memory_space<vmem>>, vector<16xf32>,
      %get3A_661 = arith.constant 0 : i32
      %get3A_662 = arith.index_cast %get3A_661 : i32 to index
      %get3A_663 = arith.index_cast %add3A_655 : i32 to index
      %get3A_664 = arith.constant 0 : index
      %get3A_665 = tpu.vector_load %arg11[%get3A_662, %get3A_663, %get3A_664] {strides = array<i32>} : memref<2x128x64xf32, #tpu.memory_space<vmem>>, vector<16xf32>,
      %mul3A_666 = arith.mulf %get3A_660, %get3A_665 : vector<16xf32>
      %get3A_667 = arith.constant 0 : i32
      %get3A_668 = arith.index_cast %get3A_667 : i32 to index
      %get3A_669 = arith.index_cast %add3A_655 : i32 to index
      %get3A_670 = arith.constant 16 : index
      %get3A_671 = tpu.vector_load %arg10[%get3A_668, %get3A_669, %get3A_670] {strides = array<i32>} : memref<2x128x64xf32, #tpu.memory_space<vmem>>, vector<16xf32>,
      %get3A_672 = arith.constant 0 : i32
      %get3A_673 = arith.index_cast %get3A_672 : i32 to index
      %get3A_674 = arith.index_cast %add3A_655 : i32 to index
      %get3A_675 = arith.constant 16 : index
      %get3A_676 = tpu.vector_load %arg11[%get3A_673, %get3A_674, %get3A_675] {strides = array<i32>} : memref<2x128x64xf32, #tpu.memory_space<vmem>>, vector<16xf32>,
      %mul3A_677 = arith.mulf %get3A_671, %get3A_676 : vector<16xf32>
      %add3A_678 = arith.addf %mul3A_666, %mul3A_677 : vector<16xf32>
      %get3A_679 = arith.constant 0 : i32
      %get3A_680 = arith.index_cast %get3A_679 : i32 to index
      %get3A_681 = arith.index_cast %add3A_655 : i32 to index
      %get3A_682 = arith.constant 32 : index
      %get3A_683 = tpu.vector_load %arg10[%get3A_680, %get3A_681, %get3A_682] {strides = array<i32>} : memref<2x128x64xf32, #tpu.memory_space<vmem>>, vector<16xf32>,
      %get3A_684 = arith.constant 0 : i32
      %get3A_685 = arith.index_cast %get3A_684 : i32 to index
      %get3A_686 = arith.index_cast %add3A_655 : i32 to index
      %get3A_687 = arith.constant 32 : index
      %get3A_688 = tpu.vector_load %arg11[%get3A_685, %get3A_686, %get3A_687] {strides = array<i32>} : memref<2x128x64xf32, #tpu.memory_space<vmem>>, vector<16xf32>,
      %mul3A_689 = arith.mulf %get3A_683, %get3A_688 : vector<16xf32>
      %add3A_690 = arith.addf %add3A_678, %mul3A_689 : vector<16xf32>
      %get3A_691 = arith.constant 0 : i32
      %get3A_692 = arith.index_cast %get3A_691 : i32 to index
      %get3A_693 = arith.index_cast %add3A_655 : i32 to index
      %get3A_694 = arith.constant 48 : index
      %get3A_695 = tpu.vector_load %arg10[%get3A_692, %get3A_693, %get3A_694] {strides = array<i32>} : memref<2x128x64xf32, #tpu.memory_space<vmem>>, vector<16xf32>,
      %get3A_696 = arith.constant 0 : i32
      %get3A_697 = arith.index_cast %get3A_696 : i32 to index
      %get3A_698 = arith.index_cast %add3A_655 : i32 to index
      %get3A_699 = arith.constant 48 : index
      %get3A_700 = tpu.vector_load %arg11[%get3A_697, %get3A_698, %get3A_699] {strides = array<i32>} : memref<2x128x64xf32, #tpu.memory_space<vmem>>, vector<16xf32>,
      %mul3A_701 = arith.mulf %get3A_695, %get3A_700 : vector<16xf32>
      %add3A_702 = arith.addf %add3A_690, %mul3A_701 : vector<16xf32>
      %eq3A_703 = arith.constant 2 : i32
      %eq3A_704 = vector.broadcast %eq3A_703 : i32 to vector<16xi32>
      %eq3A_705 = arith.cmpi eq, %iota3A, %eq3A_704 : vector<16xi32>
      %reduce_sum3A_706 = arith.constant true
      %reduce_sum3A_707 = vector.broadcast %reduce_sum3A_706 : i1 to vector<16xi1>
      %reduce_sum3A_708 = tpu.scan <sum>, %add3A_702 masked %reduce_sum3A_707 : vector<16xf32>, vector<16xi1> -> vector<16xf32>
      %reduce_sum3A_709 = vector.extract %reduce_sum3A_708[15] : f32 from vector<16xf32>
      %broadcast_in_dim3A_710 = vector.broadcast %reduce_sum3A_709 : f32 to vector<16xf32>
      %select_n3A_711 = arith.select %eq3A_705, %broadcast_in_dim3A_710, %select_n3A_653 : vector<16xi1>, vector<16xf32>
      %add3A_712 = arith.constant 3 : i32
      %add3A_713 = arith.addi %mul3A_539, %add3A_712 : i32
      %get3A_714 = arith.constant 0 : i32
      %get3A_715 = arith.index_cast %get3A_714 : i32 to index
      %get3A_716 = arith.index_cast %add3A_713 : i32 to index
      %get3A_717 = arith.constant 0 : index
      %get3A_718 = tpu.vector_load %arg10[%get3A_715, %get3A_716, %get3A_717] {strides = array<i32>} : memref<2x128x64xf32, #tpu.memory_space<vmem>>, vector<16xf32>,
      %get3A_719 = arith.constant 0 : i32
      %get3A_720 = arith.index_cast %get3A_719 : i32 to index
      %get3A_721 = arith.index_cast %add3A_713 : i32 to index
      %get3A_722 = arith.constant 0 : index
      %get3A_723 = tpu.vector_load %arg11[%get3A_720, %get3A_721, %get3A_722] {strides = array<i32>} : memref<2x128x64xf32, #tpu.memory_space<vmem>>, vector<16xf32>,
      %mul3A_724 = arith.mulf %get3A_718, %get3A_723 : vector<16xf32>
      %get3A_725 = arith.constant 0 : i32
      %get3A_726 = arith.index_cast %get3A_725 : i32 to index
      %get3A_727 = arith.index_cast %add3A_713 : i32 to index
      %get3A_728 = arith.constant 16 : index
      %get3A_729 = tpu.vector_load %arg10[%get3A_726, %get3A_727, %get3A_728] {strides = array<i32>} : memref<2x128x64xf32, #tpu.memory_space<vmem>>, vector<16xf32>,
      %get3A_730 = arith.constant 0 : i32
      %get3A_731 = arith.index_cast %get3A_730 : i32 to index
      %get3A_732 = arith.index_cast %add3A_713 : i32 to index
      %get3A_733 = arith.constant 16 : index
      %get3A_734 = tpu.vector_load %arg11[%get3A_731, %get3A_732, %get3A_733] {strides = array<i32>} : memref<2x128x64xf32, #tpu.memory_space<vmem>>, vector<16xf32>,
      %mul3A_735 = arith.mulf %get3A_729, %get3A_734 : vector<16xf32>
      %add3A_736 = arith.addf %mul3A_724, %mul3A_735 : vector<16xf32>
      %get3A_737 = arith.constant 0 : i32
      %get3A_738 = arith.index_cast %get3A_737 : i32 to index
      %get3A_739 = arith.index_cast %add3A_713 : i32 to index
      %get3A_740 = arith.constant 32 : index
      %get3A_741 = tpu.vector_load %arg10[%get3A_738, %get3A_739, %get3A_740] {strides = array<i32>} : memref<2x128x64xf32, #tpu.memory_space<vmem>>, vector<16xf32>,
      %get3A_742 = arith.constant 0 : i32
      %get3A_743 = arith.index_cast %get3A_742 : i32 to index
      %get3A_744 = arith.index_cast %add3A_713 : i32 to index
      %get3A_745 = arith.constant 32 : index
      %get3A_746 = tpu.vector_load %arg11[%get3A_743, %get3A_744, %get3A_745] {strides = array<i32>} : memref<2x128x64xf32, #tpu.memory_space<vmem>>, vector<16xf32>,
      %mul3A_747 = arith.mulf %get3A_741, %get3A_746 : vector<16xf32>
      %add3A_748 = arith.addf %add3A_736, %mul3A_747 : vector<16xf32>
      %get3A_749 = arith.constant 0 : i32
      %get3A_750 = arith.index_cast %get3A_749 : i32 to index
      %get3A_751 = arith.index_cast %add3A_713 : i32 to index
      %get3A_752 = arith.constant 48 : index
      %get3A_753 = tpu.vector_load %arg10[%get3A_750, %get3A_751, %get3A_752] {strides = array<i32>} : memref<2x128x64xf32, #tpu.memory_space<vmem>>, vector<16xf32>,
      %get3A_754 = arith.constant 0 : i32
      %get3A_755 = arith.index_cast %get3A_754 : i32 to index
      %get3A_756 = arith.index_cast %add3A_713 : i32 to index
      %get3A_757 = arith.constant 48 : index
      %get3A_758 = tpu.vector_load %arg11[%get3A_755, %get3A_756, %get3A_757] {strides = array<i32>} : memref<2x128x64xf32, #tpu.memory_space<vmem>>, vector<16xf32>,
      %mul3A_759 = arith.mulf %get3A_753, %get3A_758 : vector<16xf32>
      %add3A_760 = arith.addf %add3A_748, %mul3A_759 : vector<16xf32>
      %eq3A_761 = arith.constant 3 : i32
      %eq3A_762 = vector.broadcast %eq3A_761 : i32 to vector<16xi32>
      %eq3A_763 = arith.cmpi eq, %iota3A, %eq3A_762 : vector<16xi32>
      %reduce_sum3A_764 = arith.constant true
      %reduce_sum3A_765 = vector.broadcast %reduce_sum3A_764 : i1 to vector<16xi1>
      %reduce_sum3A_766 = tpu.scan <sum>, %add3A_760 masked %reduce_sum3A_765 : vector<16xf32>, vector<16xi1> -> vector<16xf32>
      %reduce_sum3A_767 = vector.extract %reduce_sum3A_766[15] : f32 from vector<16xf32>
      %broadcast_in_dim3A_768 = vector.broadcast %reduce_sum3A_767 : f32 to vector<16xf32>
      %select_n3A_769 = arith.select %eq3A_763, %broadcast_in_dim3A_768, %select_n3A_711 : vector<16xi1>, vector<16xf32>
      %add3A_770 = arith.constant 4 : i32
      %add3A_771 = arith.addi %mul3A_539, %add3A_770 : i32
      %get3A_772 = arith.constant 0 : i32
      %get3A_773 = arith.index_cast %get3A_772 : i32 to index
      %get3A_774 = arith.index_cast %add3A_771 : i32 to index
      %get3A_775 = arith.constant 0 : index
      %get3A_776 = tpu.vector_load %arg10[%get3A_773, %get3A_774, %get3A_775] {strides = array<i32>} : memref<2x128x64xf32, #tpu.memory_space<vmem>>, vector<16xf32>,
      %get3A_777 = arith.constant 0 : i32
      %get3A_778 = arith.index_cast %get3A_777 : i32 to index
      %get3A_779 = arith.index_cast %add3A_771 : i32 to index
      %get3A_780 = arith.constant 0 : index
      %get3A_781 = tpu.vector_load %arg11[%get3A_778, %get3A_779, %get3A_780] {strides = array<i32>} : memref<2x128x64xf32, #tpu.memory_space<vmem>>, vector<16xf32>,
      %mul3A_782 = arith.mulf %get3A_776, %get3A_781 : vector<16xf32>
      %get3A_783 = arith.constant 0 : i32
      %get3A_784 = arith.index_cast %get3A_783 : i32 to index
      %get3A_785 = arith.index_cast %add3A_771 : i32 to index
      %get3A_786 = arith.constant 16 : index
      %get3A_787 = tpu.vector_load %arg10[%get3A_784, %get3A_785, %get3A_786] {strides = array<i32>} : memref<2x128x64xf32, #tpu.memory_space<vmem>>, vector<16xf32>,
      %get3A_788 = arith.constant 0 : i32
      %get3A_789 = arith.index_cast %get3A_788 : i32 to index
      %get3A_790 = arith.index_cast %add3A_771 : i32 to index
      %get3A_791 = arith.constant 16 : index
      %get3A_792 = tpu.vector_load %arg11[%get3A_789, %get3A_790, %get3A_791] {strides = array<i32>} : memref<2x128x64xf32, #tpu.memory_space<vmem>>, vector<16xf32>,
      %mul3A_793 = arith.mulf %get3A_787, %get3A_792 : vector<16xf32>
      %add3A_794 = arith.addf %mul3A_782, %mul3A_793 : vector<16xf32>
      %get3A_795 = arith.constant 0 : i32
      %get3A_796 = arith.index_cast %get3A_795 : i32 to index
      %get3A_797 = arith.index_cast %add3A_771 : i32 to index
      %get3A_798 = arith.constant 32 : index
      %get3A_799 = tpu.vector_load %arg10[%get3A_796, %get3A_797, %get3A_798] {strides = array<i32>} : memref<2x128x64xf32, #tpu.memory_space<vmem>>, vector<16xf32>,
      %get3A_800 = arith.constant 0 : i32
      %get3A_801 = arith.index_cast %get3A_800 : i32 to index
      %get3A_802 = arith.index_cast %add3A_771 : i32 to index
      %get3A_803 = arith.constant 32 : index
      %get3A_804 = tpu.vector_load %arg11[%get3A_801, %get3A_802, %get3A_803] {strides = array<i32>} : memref<2x128x64xf32, #tpu.memory_space<vmem>>, vector<16xf32>,
      %mul3A_805 = arith.mulf %get3A_799, %get3A_804 : vector<16xf32>
      %add3A_806 = arith.addf %add3A_794, %mul3A_805 : vector<16xf32>
      %get3A_807 = arith.constant 0 : i32
      %get3A_808 = arith.index_cast %get3A_807 : i32 to index
      %get3A_809 = arith.index_cast %add3A_771 : i32 to index
      %get3A_810 = arith.constant 48 : index
      %get3A_811 = tpu.vector_load %arg10[%get3A_808, %get3A_809, %get3A_810] {strides = array<i32>} : memref<2x128x64xf32, #tpu.memory_space<vmem>>, vector<16xf32>,
      %get3A_812 = arith.constant 0 : i32
      %get3A_813 = arith.index_cast %get3A_812 : i32 to index
      %get3A_814 = arith.index_cast %add3A_771 : i32 to index
      %get3A_815 = arith.constant 48 : index
      %get3A_816 = tpu.vector_load %arg11[%get3A_813, %get3A_814, %get3A_815] {strides = array<i32>} : memref<2x128x64xf32, #tpu.memory_space<vmem>>, vector<16xf32>,
      %mul3A_817 = arith.mulf %get3A_811, %get3A_816 : vector<16xf32>
      %add3A_818 = arith.addf %add3A_806, %mul3A_817 : vector<16xf32>
      %eq3A_819 = arith.constant 4 : i32
      %eq3A_820 = vector.broadcast %eq3A_819 : i32 to vector<16xi32>
      %eq3A_821 = arith.cmpi eq, %iota3A, %eq3A_820 : vector<16xi32>
      %reduce_sum3A_822 = arith.constant true
      %reduce_sum3A_823 = vector.broadcast %reduce_sum3A_822 : i1 to vector<16xi1>
      %reduce_sum3A_824 = tpu.scan <sum>, %add3A_818 masked %reduce_sum3A_823 : vector<16xf32>, vector<16xi1> -> vector<16xf32>
      %reduce_sum3A_825 = vector.extract %reduce_sum3A_824[15] : f32 from vector<16xf32>
      %broadcast_in_dim3A_826 = vector.broadcast %reduce_sum3A_825 : f32 to vector<16xf32>
      %select_n3A_827 = arith.select %eq3A_821, %broadcast_in_dim3A_826, %select_n3A_769 : vector<16xi1>, vector<16xf32>
      %add3A_828 = arith.constant 5 : i32
      %add3A_829 = arith.addi %mul3A_539, %add3A_828 : i32
      %get3A_830 = arith.constant 0 : i32
      %get3A_831 = arith.index_cast %get3A_830 : i32 to index
      %get3A_832 = arith.index_cast %add3A_829 : i32 to index
      %get3A_833 = arith.constant 0 : index
      %get3A_834 = tpu.vector_load %arg10[%get3A_831, %get3A_832, %get3A_833] {strides = array<i32>} : memref<2x128x64xf32, #tpu.memory_space<vmem>>, vector<16xf32>,
      %get3A_835 = arith.constant 0 : i32
      %get3A_836 = arith.index_cast %get3A_835 : i32 to index
      %get3A_837 = arith.index_cast %add3A_829 : i32 to index
      %get3A_838 = arith.constant 0 : index
      %get3A_839 = tpu.vector_load %arg11[%get3A_836, %get3A_837, %get3A_838] {strides = array<i32>} : memref<2x128x64xf32, #tpu.memory_space<vmem>>, vector<16xf32>,
      %mul3A_840 = arith.mulf %get3A_834, %get3A_839 : vector<16xf32>
      %get3A_841 = arith.constant 0 : i32
      %get3A_842 = arith.index_cast %get3A_841 : i32 to index
      %get3A_843 = arith.index_cast %add3A_829 : i32 to index
      %get3A_844 = arith.constant 16 : index
      %get3A_845 = tpu.vector_load %arg10[%get3A_842, %get3A_843, %get3A_844] {strides = array<i32>} : memref<2x128x64xf32, #tpu.memory_space<vmem>>, vector<16xf32>,
      %get3A_846 = arith.constant 0 : i32
      %get3A_847 = arith.index_cast %get3A_846 : i32 to index
      %get3A_848 = arith.index_cast %add3A_829 : i32 to index
      %get3A_849 = arith.constant 16 : index
      %get3A_850 = tpu.vector_load %arg11[%get3A_847, %get3A_848, %get3A_849] {strides = array<i32>} : memref<2x128x64xf32, #tpu.memory_space<vmem>>, vector<16xf32>,
      %mul3A_851 = arith.mulf %get3A_845, %get3A_850 : vector<16xf32>
      %add3A_852 = arith.addf %mul3A_840, %mul3A_851 : vector<16xf32>
      %get3A_853 = arith.constant 0 : i32
      %get3A_854 = arith.index_cast %get3A_853 : i32 to index
      %get3A_855 = arith.index_cast %add3A_829 : i32 to index
      %get3A_856 = arith.constant 32 : index
      %get3A_857 = tpu.vector_load %arg10[%get3A_854, %get3A_855, %get3A_856] {strides = array<i32>} : memref<2x128x64xf32, #tpu.memory_space<vmem>>, vector<16xf32>,
      %get3A_858 = arith.constant 0 : i32
      %get3A_859 = arith.index_cast %get3A_858 : i32 to index
      %get3A_860 = arith.index_cast %add3A_829 : i32 to index
      %get3A_861 = arith.constant 32 : index
      %get3A_862 = tpu.vector_load %arg11[%get3A_859, %get3A_860, %get3A_861] {strides = array<i32>} : memref<2x128x64xf32, #tpu.memory_space<vmem>>, vector<16xf32>,
      %mul3A_863 = arith.mulf %get3A_857, %get3A_862 : vector<16xf32>
      %add3A_864 = arith.addf %add3A_852, %mul3A_863 : vector<16xf32>
      %get3A_865 = arith.constant 0 : i32
      %get3A_866 = arith.index_cast %get3A_865 : i32 to index
      %get3A_867 = arith.index_cast %add3A_829 : i32 to index
      %get3A_868 = arith.constant 48 : index
      %get3A_869 = tpu.vector_load %arg10[%get3A_866, %get3A_867, %get3A_868] {strides = array<i32>} : memref<2x128x64xf32, #tpu.memory_space<vmem>>, vector<16xf32>,
      %get3A_870 = arith.constant 0 : i32
      %get3A_871 = arith.index_cast %get3A_870 : i32 to index
      %get3A_872 = arith.index_cast %add3A_829 : i32 to index
      %get3A_873 = arith.constant 48 : index
      %get3A_874 = tpu.vector_load %arg11[%get3A_871, %get3A_872, %get3A_873] {strides = array<i32>} : memref<2x128x64xf32, #tpu.memory_space<vmem>>, vector<16xf32>,
      %mul3A_875 = arith.mulf %get3A_869, %get3A_874 : vector<16xf32>
      %add3A_876 = arith.addf %add3A_864, %mul3A_875 : vector<16xf32>
      %eq3A_877 = arith.constant 5 : i32
      %eq3A_878 = vector.broadcast %eq3A_877 : i32 to vector<16xi32>
      %eq3A_879 = arith.cmpi eq, %iota3A, %eq3A_878 : vector<16xi32>
      %reduce_sum3A_880 = arith.constant true
      %reduce_sum3A_881 = vector.broadcast %reduce_sum3A_880 : i1 to vector<16xi1>
      %reduce_sum3A_882 = tpu.scan <sum>, %add3A_876 masked %reduce_sum3A_881 : vector<16xf32>, vector<16xi1> -> vector<16xf32>
      %reduce_sum3A_883 = vector.extract %reduce_sum3A_882[15] : f32 from vector<16xf32>
      %broadcast_in_dim3A_884 = vector.broadcast %reduce_sum3A_883 : f32 to vector<16xf32>
      %select_n3A_885 = arith.select %eq3A_879, %broadcast_in_dim3A_884, %select_n3A_827 : vector<16xi1>, vector<16xf32>
      %add3A_886 = arith.constant 6 : i32
      %add3A_887 = arith.addi %mul3A_539, %add3A_886 : i32
      %get3A_888 = arith.constant 0 : i32
      %get3A_889 = arith.index_cast %get3A_888 : i32 to index
      %get3A_890 = arith.index_cast %add3A_887 : i32 to index
      %get3A_891 = arith.constant 0 : index
      %get3A_892 = tpu.vector_load %arg10[%get3A_889, %get3A_890, %get3A_891] {strides = array<i32>} : memref<2x128x64xf32, #tpu.memory_space<vmem>>, vector<16xf32>,
      %get3A_893 = arith.constant 0 : i32
      %get3A_894 = arith.index_cast %get3A_893 : i32 to index
      %get3A_895 = arith.index_cast %add3A_887 : i32 to index
      %get3A_896 = arith.constant 0 : index
      %get3A_897 = tpu.vector_load %arg11[%get3A_894, %get3A_895, %get3A_896] {strides = array<i32>} : memref<2x128x64xf32, #tpu.memory_space<vmem>>, vector<16xf32>,
      %mul3A_898 = arith.mulf %get3A_892, %get3A_897 : vector<16xf32>
      %get3A_899 = arith.constant 0 : i32
      %get3A_900 = arith.index_cast %get3A_899 : i32 to index
      %get3A_901 = arith.index_cast %add3A_887 : i32 to index
      %get3A_902 = arith.constant 16 : index
      %get3A_903 = tpu.vector_load %arg10[%get3A_900, %get3A_901, %get3A_902] {strides = array<i32>} : memref<2x128x64xf32, #tpu.memory_space<vmem>>, vector<16xf32>,
      %get3A_904 = arith.constant 0 : i32
      %get3A_905 = arith.index_cast %get3A_904 : i32 to index
      %get3A_906 = arith.index_cast %add3A_887 : i32 to index
      %get3A_907 = arith.constant 16 : index
      %get3A_908 = tpu.vector_load %arg11[%get3A_905, %get3A_906, %get3A_907] {strides = array<i32>} : memref<2x128x64xf32, #tpu.memory_space<vmem>>, vector<16xf32>,
      %mul3A_909 = arith.mulf %get3A_903, %get3A_908 : vector<16xf32>
      %add3A_910 = arith.addf %mul3A_898, %mul3A_909 : vector<16xf32>
      %get3A_911 = arith.constant 0 : i32
      %get3A_912 = arith.index_cast %get3A_911 : i32 to index
      %get3A_913 = arith.index_cast %add3A_887 : i32 to index
      %get3A_914 = arith.constant 32 : index
      %get3A_915 = tpu.vector_load %arg10[%get3A_912, %get3A_913, %get3A_914] {strides = array<i32>} : memref<2x128x64xf32, #tpu.memory_space<vmem>>, vector<16xf32>,
      %get3A_916 = arith.constant 0 : i32
      %get3A_917 = arith.index_cast %get3A_916 : i32 to index
      %get3A_918 = arith.index_cast %add3A_887 : i32 to index
      %get3A_919 = arith.constant 32 : index
      %get3A_920 = tpu.vector_load %arg11[%get3A_917, %get3A_918, %get3A_919] {strides = array<i32>} : memref<2x128x64xf32, #tpu.memory_space<vmem>>, vector<16xf32>,
      %mul3A_921 = arith.mulf %get3A_915, %get3A_920 : vector<16xf32>
      %add3A_922 = arith.addf %add3A_910, %mul3A_921 : vector<16xf32>
      %get3A_923 = arith.constant 0 : i32
      %get3A_924 = arith.index_cast %get3A_923 : i32 to index
      %get3A_925 = arith.index_cast %add3A_887 : i32 to index
      %get3A_926 = arith.constant 48 : index
      %get3A_927 = tpu.vector_load %arg10[%get3A_924, %get3A_925, %get3A_926] {strides = array<i32>} : memref<2x128x64xf32, #tpu.memory_space<vmem>>, vector<16xf32>,
      %get3A_928 = arith.constant 0 : i32
      %get3A_929 = arith.index_cast %get3A_928 : i32 to index
      %get3A_930 = arith.index_cast %add3A_887 : i32 to index
      %get3A_931 = arith.constant 48 : index
      %get3A_932 = tpu.vector_load %arg11[%get3A_929, %get3A_930, %get3A_931] {strides = array<i32>} : memref<2x128x64xf32, #tpu.memory_space<vmem>>, vector<16xf32>,
      %mul3A_933 = arith.mulf %get3A_927, %get3A_932 : vector<16xf32>
      %add3A_934 = arith.addf %add3A_922, %mul3A_933 : vector<16xf32>
      %eq3A_935 = arith.constant 6 : i32
      %eq3A_936 = vector.broadcast %eq3A_935 : i32 to vector<16xi32>
      %eq3A_937 = arith.cmpi eq, %iota3A, %eq3A_936 : vector<16xi32>
      %reduce_sum3A_938 = arith.constant true
      %reduce_sum3A_939 = vector.broadcast %reduce_sum3A_938 : i1 to vector<16xi1>
      %reduce_sum3A_940 = tpu.scan <sum>, %add3A_934 masked %reduce_sum3A_939 : vector<16xf32>, vector<16xi1> -> vector<16xf32>
      %reduce_sum3A_941 = vector.extract %reduce_sum3A_940[15] : f32 from vector<16xf32>
      %broadcast_in_dim3A_942 = vector.broadcast %reduce_sum3A_941 : f32 to vector<16xf32>
      %select_n3A_943 = arith.select %eq3A_937, %broadcast_in_dim3A_942, %select_n3A_885 : vector<16xi1>, vector<16xf32>
      %add3A_944 = arith.constant 7 : i32
      %add3A_945 = arith.addi %mul3A_539, %add3A_944 : i32
      %get3A_946 = arith.constant 0 : i32
      %get3A_947 = arith.index_cast %get3A_946 : i32 to index
      %get3A_948 = arith.index_cast %add3A_945 : i32 to index
      %get3A_949 = arith.constant 0 : index
      %get3A_950 = tpu.vector_load %arg10[%get3A_947, %get3A_948, %get3A_949] {strides = array<i32>} : memref<2x128x64xf32, #tpu.memory_space<vmem>>, vector<16xf32>,
      %get3A_951 = arith.constant 0 : i32
      %get3A_952 = arith.index_cast %get3A_951 : i32 to index
      %get3A_953 = arith.index_cast %add3A_945 : i32 to index
      %get3A_954 = arith.constant 0 : index
      %get3A_955 = tpu.vector_load %arg11[%get3A_952, %get3A_953, %get3A_954] {strides = array<i32>} : memref<2x128x64xf32, #tpu.memory_space<vmem>>, vector<16xf32>,
      %mul3A_956 = arith.mulf %get3A_950, %get3A_955 : vector<16xf32>
      %get3A_957 = arith.constant 0 : i32
      %get3A_958 = arith.index_cast %get3A_957 : i32 to index
      %get3A_959 = arith.index_cast %add3A_945 : i32 to index
      %get3A_960 = arith.constant 16 : index
      %get3A_961 = tpu.vector_load %arg10[%get3A_958, %get3A_959, %get3A_960] {strides = array<i32>} : memref<2x128x64xf32, #tpu.memory_space<vmem>>, vector<16xf32>,
      %get3A_962 = arith.constant 0 : i32
      %get3A_963 = arith.index_cast %get3A_962 : i32 to index
      %get3A_964 = arith.index_cast %add3A_945 : i32 to index
      %get3A_965 = arith.constant 16 : index
      %get3A_966 = tpu.vector_load %arg11[%get3A_963, %get3A_964, %get3A_965] {strides = array<i32>} : memref<2x128x64xf32, #tpu.memory_space<vmem>>, vector<16xf32>,
      %mul3A_967 = arith.mulf %get3A_961, %get3A_966 : vector<16xf32>
      %add3A_968 = arith.addf %mul3A_956, %mul3A_967 : vector<16xf32>
      %get3A_969 = arith.constant 0 : i32
      %get3A_970 = arith.index_cast %get3A_969 : i32 to index
      %get3A_971 = arith.index_cast %add3A_945 : i32 to index
      %get3A_972 = arith.constant 32 : index
      %get3A_973 = tpu.vector_load %arg10[%get3A_970, %get3A_971, %get3A_972] {strides = array<i32>} : memref<2x128x64xf32, #tpu.memory_space<vmem>>, vector<16xf32>,
      %get3A_974 = arith.constant 0 : i32
      %get3A_975 = arith.index_cast %get3A_974 : i32 to index
      %get3A_976 = arith.index_cast %add3A_945 : i32 to index
      %get3A_977 = arith.constant 32 : index
      %get3A_978 = tpu.vector_load %arg11[%get3A_975, %get3A_976, %get3A_977] {strides = array<i32>} : memref<2x128x64xf32, #tpu.memory_space<vmem>>, vector<16xf32>,
      %mul3A_979 = arith.mulf %get3A_973, %get3A_978 : vector<16xf32>
      %add3A_980 = arith.addf %add3A_968, %mul3A_979 : vector<16xf32>
      %get3A_981 = arith.constant 0 : i32
      %get3A_982 = arith.index_cast %get3A_981 : i32 to index
      %get3A_983 = arith.index_cast %add3A_945 : i32 to index
      %get3A_984 = arith.constant 48 : index
      %get3A_985 = tpu.vector_load %arg10[%get3A_982, %get3A_983, %get3A_984] {strides = array<i32>} : memref<2x128x64xf32, #tpu.memory_space<vmem>>, vector<16xf32>,
      %get3A_986 = arith.constant 0 : i32
      %get3A_987 = arith.index_cast %get3A_986 : i32 to index
      %get3A_988 = arith.index_cast %add3A_945 : i32 to index
      %get3A_989 = arith.constant 48 : index
      %get3A_990 = tpu.vector_load %arg11[%get3A_987, %get3A_988, %get3A_989] {strides = array<i32>} : memref<2x128x64xf32, #tpu.memory_space<vmem>>, vector<16xf32>,
      %mul3A_991 = arith.mulf %get3A_985, %get3A_990 : vector<16xf32>
      %add3A_992 = arith.addf %add3A_980, %mul3A_991 : vector<16xf32>
      %eq3A_993 = arith.constant 7 : i32
      %eq3A_994 = vector.broadcast %eq3A_993 : i32 to vector<16xi32>
      %eq3A_995 = arith.cmpi eq, %iota3A, %eq3A_994 : vector<16xi32>
      %reduce_sum3A_996 = arith.constant true
      %reduce_sum3A_997 = vector.broadcast %reduce_sum3A_996 : i1 to vector<16xi1>
      %reduce_sum3A_998 = tpu.scan <sum>, %add3A_992 masked %reduce_sum3A_997 : vector<16xf32>, vector<16xi1> -> vector<16xf32>
      %reduce_sum3A_999 = vector.extract %reduce_sum3A_998[15] : f32 from vector<16xf32>
      %broadcast_in_dim3A_1000 = vector.broadcast %reduce_sum3A_999 : f32 to vector<16xf32>
      %select_n3A_1001 = arith.select %eq3A_995, %broadcast_in_dim3A_1000, %select_n3A_943 : vector<16xi1>, vector<16xf32>
      %add3A_1002 = arith.constant 8 : i32
      %add3A_1003 = arith.addi %mul3A_539, %add3A_1002 : i32
      %get3A_1004 = arith.constant 0 : i32
      %get3A_1005 = arith.index_cast %get3A_1004 : i32 to index
      %get3A_1006 = arith.index_cast %add3A_1003 : i32 to index
      %get3A_1007 = arith.constant 0 : index
      %get3A_1008 = tpu.vector_load %arg10[%get3A_1005, %get3A_1006, %get3A_1007] {strides = array<i32>} : memref<2x128x64xf32, #tpu.memory_space<vmem>>, vector<16xf32>,
      %get3A_1009 = arith.constant 0 : i32
      %get3A_1010 = arith.index_cast %get3A_1009 : i32 to index
      %get3A_1011 = arith.index_cast %add3A_1003 : i32 to index
      %get3A_1012 = arith.constant 0 : index
      %get3A_1013 = tpu.vector_load %arg11[%get3A_1010, %get3A_1011, %get3A_1012] {strides = array<i32>} : memref<2x128x64xf32, #tpu.memory_space<vmem>>, vector<16xf32>,
      %mul3A_1014 = arith.mulf %get3A_1008, %get3A_1013 : vector<16xf32>
      %get3A_1015 = arith.constant 0 : i32
      %get3A_1016 = arith.index_cast %get3A_1015 : i32 to index
      %get3A_1017 = arith.index_cast %add3A_1003 : i32 to index
      %get3A_1018 = arith.constant 16 : index
      %get3A_1019 = tpu.vector_load %arg10[%get3A_1016, %get3A_1017, %get3A_1018] {strides = array<i32>} : memref<2x128x64xf32, #tpu.memory_space<vmem>>, vector<16xf32>,
      %get3A_1020 = arith.constant 0 : i32
      %get3A_1021 = arith.index_cast %get3A_1020 : i32 to index
      %get3A_1022 = arith.index_cast %add3A_1003 : i32 to index
      %get3A_1023 = arith.constant 16 : index
      %get3A_1024 = tpu.vector_load %arg11[%get3A_1021, %get3A_1022, %get3A_1023] {strides = array<i32>} : memref<2x128x64xf32, #tpu.memory_space<vmem>>, vector<16xf32>,
      %mul3A_1025 = arith.mulf %get3A_1019, %get3A_1024 : vector<16xf32>
      %add3A_1026 = arith.addf %mul3A_1014, %mul3A_1025 : vector<16xf32>
      %get3A_1027 = arith.constant 0 : i32
      %get3A_1028 = arith.index_cast %get3A_1027 : i32 to index
      %get3A_1029 = arith.index_cast %add3A_1003 : i32 to index
      %get3A_1030 = arith.constant 32 : index
      %get3A_1031 = tpu.vector_load %arg10[%get3A_1028, %get3A_1029, %get3A_1030] {strides = array<i32>} : memref<2x128x64xf32, #tpu.memory_space<vmem>>, vector<16xf32>,
      %get3A_1032 = arith.constant 0 : i32
      %get3A_1033 = arith.index_cast %get3A_1032 : i32 to index
      %get3A_1034 = arith.index_cast %add3A_1003 : i32 to index
      %get3A_1035 = arith.constant 32 : index
      %get3A_1036 = tpu.vector_load %arg11[%get3A_1033, %get3A_1034, %get3A_1035] {strides = array<i32>} : memref<2x128x64xf32, #tpu.memory_space<vmem>>, vector<16xf32>,
      %mul3A_1037 = arith.mulf %get3A_1031, %get3A_1036 : vector<16xf32>
      %add3A_1038 = arith.addf %add3A_1026, %mul3A_1037 : vector<16xf32>
      %get3A_1039 = arith.constant 0 : i32
      %get3A_1040 = arith.index_cast %get3A_1039 : i32 to index
      %get3A_1041 = arith.index_cast %add3A_1003 : i32 to index
      %get3A_1042 = arith.constant 48 : index
      %get3A_1043 = tpu.vector_load %arg10[%get3A_1040, %get3A_1041, %get3A_1042] {strides = array<i32>} : memref<2x128x64xf32, #tpu.memory_space<vmem>>, vector<16xf32>,
      %get3A_1044 = arith.constant 0 : i32
      %get3A_1045 = arith.index_cast %get3A_1044 : i32 to index
      %get3A_1046 = arith.index_cast %add3A_1003 : i32 to index
      %get3A_1047 = arith.constant 48 : index
      %get3A_1048 = tpu.vector_load %arg11[%get3A_1045, %get3A_1046, %get3A_1047] {strides = array<i32>} : memref<2x128x64xf32, #tpu.memory_space<vmem>>, vector<16xf32>,
      %mul3A_1049 = arith.mulf %get3A_1043, %get3A_1048 : vector<16xf32>
      %add3A_1050 = arith.addf %add3A_1038, %mul3A_1049 : vector<16xf32>
      %eq3A_1051 = arith.constant 8 : i32
      %eq3A_1052 = vector.broadcast %eq3A_1051 : i32 to vector<16xi32>
      %eq3A_1053 = arith.cmpi eq, %iota3A, %eq3A_1052 : vector<16xi32>
      %reduce_sum3A_1054 = arith.constant true
      %reduce_sum3A_1055 = vector.broadcast %reduce_sum3A_1054 : i1 to vector<16xi1>
      %reduce_sum3A_1056 = tpu.scan <sum>, %add3A_1050 masked %reduce_sum3A_1055 : vector<16xf32>, vector<16xi1> -> vector<16xf32>
      %reduce_sum3A_1057 = vector.extract %reduce_sum3A_1056[15] : f32 from vector<16xf32>
      %broadcast_in_dim3A_1058 = vector.broadcast %reduce_sum3A_1057 : f32 to vector<16xf32>
      %select_n3A_1059 = arith.select %eq3A_1053, %broadcast_in_dim3A_1058, %select_n3A_1001 : vector<16xi1>, vector<16xf32>
      %add3A_1060 = arith.constant 9 : i32
      %add3A_1061 = arith.addi %mul3A_539, %add3A_1060 : i32
      %get3A_1062 = arith.constant 0 : i32
      %get3A_1063 = arith.index_cast %get3A_1062 : i32 to index
      %get3A_1064 = arith.index_cast %add3A_1061 : i32 to index
      %get3A_1065 = arith.constant 0 : index
      %get3A_1066 = tpu.vector_load %arg10[%get3A_1063, %get3A_1064, %get3A_1065] {strides = array<i32>} : memref<2x128x64xf32, #tpu.memory_space<vmem>>, vector<16xf32>,
      %get3A_1067 = arith.constant 0 : i32
      %get3A_1068 = arith.index_cast %get3A_1067 : i32 to index
      %get3A_1069 = arith.index_cast %add3A_1061 : i32 to index
      %get3A_1070 = arith.constant 0 : index
      %get3A_1071 = tpu.vector_load %arg11[%get3A_1068, %get3A_1069, %get3A_1070] {strides = array<i32>} : memref<2x128x64xf32, #tpu.memory_space<vmem>>, vector<16xf32>,
      %mul3A_1072 = arith.mulf %get3A_1066, %get3A_1071 : vector<16xf32>
      %get3A_1073 = arith.constant 0 : i32
      %get3A_1074 = arith.index_cast %get3A_1073 : i32 to index
      %get3A_1075 = arith.index_cast %add3A_1061 : i32 to index
      %get3A_1076 = arith.constant 16 : index
      %get3A_1077 = tpu.vector_load %arg10[%get3A_1074, %get3A_1075, %get3A_1076] {strides = array<i32>} : memref<2x128x64xf32, #tpu.memory_space<vmem>>, vector<16xf32>,
      %get3A_1078 = arith.constant 0 : i32
      %get3A_1079 = arith.index_cast %get3A_1078 : i32 to index
      %get3A_1080 = arith.index_cast %add3A_1061 : i32 to index
      %get3A_1081 = arith.constant 16 : index
      %get3A_1082 = tpu.vector_load %arg11[%get3A_1079, %get3A_1080, %get3A_1081] {strides = array<i32>} : memref<2x128x64xf32, #tpu.memory_space<vmem>>, vector<16xf32>,
      %mul3A_1083 = arith.mulf %get3A_1077, %get3A_1082 : vector<16xf32>
      %add3A_1084 = arith.addf %mul3A_1072, %mul3A_1083 : vector<16xf32>
      %get3A_1085 = arith.constant 0 : i32
      %get3A_1086 = arith.index_cast %get3A_1085 : i32 to index
      %get3A_1087 = arith.index_cast %add3A_1061 : i32 to index
      %get3A_1088 = arith.constant 32 : index
      %get3A_1089 = tpu.vector_load %arg10[%get3A_1086, %get3A_1087, %get3A_1088] {strides = array<i32>} : memref<2x128x64xf32, #tpu.memory_space<vmem>>, vector<16xf32>,
      %get3A_1090 = arith.constant 0 : i32
      %get3A_1091 = arith.index_cast %get3A_1090 : i32 to index
      %get3A_1092 = arith.index_cast %add3A_1061 : i32 to index
      %get3A_1093 = arith.constant 32 : index
      %get3A_1094 = tpu.vector_load %arg11[%get3A_1091, %get3A_1092, %get3A_1093] {strides = array<i32>} : memref<2x128x64xf32, #tpu.memory_space<vmem>>, vector<16xf32>,
      %mul3A_1095 = arith.mulf %get3A_1089, %get3A_1094 : vector<16xf32>
      %add3A_1096 = arith.addf %add3A_1084, %mul3A_1095 : vector<16xf32>
      %get3A_1097 = arith.constant 0 : i32
      %get3A_1098 = arith.index_cast %get3A_1097 : i32 to index
      %get3A_1099 = arith.index_cast %add3A_1061 : i32 to index
      %get3A_1100 = arith.constant 48 : index
      %get3A_1101 = tpu.vector_load %arg10[%get3A_1098, %get3A_1099, %get3A_1100] {strides = array<i32>} : memref<2x128x64xf32, #tpu.memory_space<vmem>>, vector<16xf32>,
      %get3A_1102 = arith.constant 0 : i32
      %get3A_1103 = arith.index_cast %get3A_1102 : i32 to index
      %get3A_1104 = arith.index_cast %add3A_1061 : i32 to index
      %get3A_1105 = arith.constant 48 : index
      %get3A_1106 = tpu.vector_load %arg11[%get3A_1103, %get3A_1104, %get3A_1105] {strides = array<i32>} : memref<2x128x64xf32, #tpu.memory_space<vmem>>, vector<16xf32>,
      %mul3A_1107 = arith.mulf %get3A_1101, %get3A_1106 : vector<16xf32>
      %add3A_1108 = arith.addf %add3A_1096, %mul3A_1107 : vector<16xf32>
      %eq3A_1109 = arith.constant 9 : i32
      %eq3A_1110 = vector.broadcast %eq3A_1109 : i32 to vector<16xi32>
      %eq3A_1111 = arith.cmpi eq, %iota3A, %eq3A_1110 : vector<16xi32>
      %reduce_sum3A_1112 = arith.constant true
      %reduce_sum3A_1113 = vector.broadcast %reduce_sum3A_1112 : i1 to vector<16xi1>
      %reduce_sum3A_1114 = tpu.scan <sum>, %add3A_1108 masked %reduce_sum3A_1113 : vector<16xf32>, vector<16xi1> -> vector<16xf32>
      %reduce_sum3A_1115 = vector.extract %reduce_sum3A_1114[15] : f32 from vector<16xf32>
      %broadcast_in_dim3A_1116 = vector.broadcast %reduce_sum3A_1115 : f32 to vector<16xf32>
      %select_n3A_1117 = arith.select %eq3A_1111, %broadcast_in_dim3A_1116, %select_n3A_1059 : vector<16xi1>, vector<16xf32>
      %add3A_1118 = arith.constant 10 : i32
      %add3A_1119 = arith.addi %mul3A_539, %add3A_1118 : i32
      %get3A_1120 = arith.constant 0 : i32
      %get3A_1121 = arith.index_cast %get3A_1120 : i32 to index
      %get3A_1122 = arith.index_cast %add3A_1119 : i32 to index
      %get3A_1123 = arith.constant 0 : index
      %get3A_1124 = tpu.vector_load %arg10[%get3A_1121, %get3A_1122, %get3A_1123] {strides = array<i32>} : memref<2x128x64xf32, #tpu.memory_space<vmem>>, vector<16xf32>,
      %get3A_1125 = arith.constant 0 : i32
      %get3A_1126 = arith.index_cast %get3A_1125 : i32 to index
      %get3A_1127 = arith.index_cast %add3A_1119 : i32 to index
      %get3A_1128 = arith.constant 0 : index
      %get3A_1129 = tpu.vector_load %arg11[%get3A_1126, %get3A_1127, %get3A_1128] {strides = array<i32>} : memref<2x128x64xf32, #tpu.memory_space<vmem>>, vector<16xf32>,
      %mul3A_1130 = arith.mulf %get3A_1124, %get3A_1129 : vector<16xf32>
      %get3A_1131 = arith.constant 0 : i32
      %get3A_1132 = arith.index_cast %get3A_1131 : i32 to index
      %get3A_1133 = arith.index_cast %add3A_1119 : i32 to index
      %get3A_1134 = arith.constant 16 : index
      %get3A_1135 = tpu.vector_load %arg10[%get3A_1132, %get3A_1133, %get3A_1134] {strides = array<i32>} : memref<2x128x64xf32, #tpu.memory_space<vmem>>, vector<16xf32>,
      %get3A_1136 = arith.constant 0 : i32
      %get3A_1137 = arith.index_cast %get3A_1136 : i32 to index
      %get3A_1138 = arith.index_cast %add3A_1119 : i32 to index
      %get3A_1139 = arith.constant 16 : index
      %get3A_1140 = tpu.vector_load %arg11[%get3A_1137, %get3A_1138, %get3A_1139] {strides = array<i32>} : memref<2x128x64xf32, #tpu.memory_space<vmem>>, vector<16xf32>,
      %mul3A_1141 = arith.mulf %get3A_1135, %get3A_1140 : vector<16xf32>
      %add3A_1142 = arith.addf %mul3A_1130, %mul3A_1141 : vector<16xf32>
      %get3A_1143 = arith.constant 0 : i32
      %get3A_1144 = arith.index_cast %get3A_1143 : i32 to index
      %get3A_1145 = arith.index_cast %add3A_1119 : i32 to index
      %get3A_1146 = arith.constant 32 : index
      %get3A_1147 = tpu.vector_load %arg10[%get3A_1144, %get3A_1145, %get3A_1146] {strides = array<i32>} : memref<2x128x64xf32, #tpu.memory_space<vmem>>, vector<16xf32>,
      %get3A_1148 = arith.constant 0 : i32
      %get3A_1149 = arith.index_cast %get3A_1148 : i32 to index
      %get3A_1150 = arith.index_cast %add3A_1119 : i32 to index
      %get3A_1151 = arith.constant 32 : index
      %get3A_1152 = tpu.vector_load %arg11[%get3A_1149, %get3A_1150, %get3A_1151] {strides = array<i32>} : memref<2x128x64xf32, #tpu.memory_space<vmem>>, vector<16xf32>,
      %mul3A_1153 = arith.mulf %get3A_1147, %get3A_1152 : vector<16xf32>
      %add3A_1154 = arith.addf %add3A_1142, %mul3A_1153 : vector<16xf32>
      %get3A_1155 = arith.constant 0 : i32
      %get3A_1156 = arith.index_cast %get3A_1155 : i32 to index
      %get3A_1157 = arith.index_cast %add3A_1119 : i32 to index
      %get3A_1158 = arith.constant 48 : index
      %get3A_1159 = tpu.vector_load %arg10[%get3A_1156, %get3A_1157, %get3A_1158] {strides = array<i32>} : memref<2x128x64xf32, #tpu.memory_space<vmem>>, vector<16xf32>,
      %get3A_1160 = arith.constant 0 : i32
      %get3A_1161 = arith.index_cast %get3A_1160 : i32 to index
      %get3A_1162 = arith.index_cast %add3A_1119 : i32 to index
      %get3A_1163 = arith.constant 48 : index
      %get3A_1164 = tpu.vector_load %arg11[%get3A_1161, %get3A_1162, %get3A_1163] {strides = array<i32>} : memref<2x128x64xf32, #tpu.memory_space<vmem>>, vector<16xf32>,
      %mul3A_1165 = arith.mulf %get3A_1159, %get3A_1164 : vector<16xf32>
      %add3A_1166 = arith.addf %add3A_1154, %mul3A_1165 : vector<16xf32>
      %eq3A_1167 = arith.constant 10 : i32
      %eq3A_1168 = vector.broadcast %eq3A_1167 : i32 to vector<16xi32>
      %eq3A_1169 = arith.cmpi eq, %iota3A, %eq3A_1168 : vector<16xi32>
      %reduce_sum3A_1170 = arith.constant true
      %reduce_sum3A_1171 = vector.broadcast %reduce_sum3A_1170 : i1 to vector<16xi1>
      %reduce_sum3A_1172 = tpu.scan <sum>, %add3A_1166 masked %reduce_sum3A_1171 : vector<16xf32>, vector<16xi1> -> vector<16xf32>
      %reduce_sum3A_1173 = vector.extract %reduce_sum3A_1172[15] : f32 from vector<16xf32>
      %broadcast_in_dim3A_1174 = vector.broadcast %reduce_sum3A_1173 : f32 to vector<16xf32>
      %select_n3A_1175 = arith.select %eq3A_1169, %broadcast_in_dim3A_1174, %select_n3A_1117 : vector<16xi1>, vector<16xf32>
      %add3A_1176 = arith.constant 11 : i32
      %add3A_1177 = arith.addi %mul3A_539, %add3A_1176 : i32
      %get3A_1178 = arith.constant 0 : i32
      %get3A_1179 = arith.index_cast %get3A_1178 : i32 to index
      %get3A_1180 = arith.index_cast %add3A_1177 : i32 to index
      %get3A_1181 = arith.constant 0 : index
      %get3A_1182 = tpu.vector_load %arg10[%get3A_1179, %get3A_1180, %get3A_1181] {strides = array<i32>} : memref<2x128x64xf32, #tpu.memory_space<vmem>>, vector<16xf32>,
      %get3A_1183 = arith.constant 0 : i32
      %get3A_1184 = arith.index_cast %get3A_1183 : i32 to index
      %get3A_1185 = arith.index_cast %add3A_1177 : i32 to index
      %get3A_1186 = arith.constant 0 : index
      %get3A_1187 = tpu.vector_load %arg11[%get3A_1184, %get3A_1185, %get3A_1186] {strides = array<i32>} : memref<2x128x64xf32, #tpu.memory_space<vmem>>, vector<16xf32>,
      %mul3A_1188 = arith.mulf %get3A_1182, %get3A_1187 : vector<16xf32>
      %get3A_1189 = arith.constant 0 : i32
      %get3A_1190 = arith.index_cast %get3A_1189 : i32 to index
      %get3A_1191 = arith.index_cast %add3A_1177 : i32 to index
      %get3A_1192 = arith.constant 16 : index
      %get3A_1193 = tpu.vector_load %arg10[%get3A_1190, %get3A_1191, %get3A_1192] {strides = array<i32>} : memref<2x128x64xf32, #tpu.memory_space<vmem>>, vector<16xf32>,
      %get3A_1194 = arith.constant 0 : i32
      %get3A_1195 = arith.index_cast %get3A_1194 : i32 to index
      %get3A_1196 = arith.index_cast %add3A_1177 : i32 to index
      %get3A_1197 = arith.constant 16 : index
      %get3A_1198 = tpu.vector_load %arg11[%get3A_1195, %get3A_1196, %get3A_1197] {strides = array<i32>} : memref<2x128x64xf32, #tpu.memory_space<vmem>>, vector<16xf32>,
      %mul3A_1199 = arith.mulf %get3A_1193, %get3A_1198 : vector<16xf32>
      %add3A_1200 = arith.addf %mul3A_1188, %mul3A_1199 : vector<16xf32>
      %get3A_1201 = arith.constant 0 : i32
      %get3A_1202 = arith.index_cast %get3A_1201 : i32 to index
      %get3A_1203 = arith.index_cast %add3A_1177 : i32 to index
      %get3A_1204 = arith.constant 32 : index
      %get3A_1205 = tpu.vector_load %arg10[%get3A_1202, %get3A_1203, %get3A_1204] {strides = array<i32>} : memref<2x128x64xf32, #tpu.memory_space<vmem>>, vector<16xf32>,
      %get3A_1206 = arith.constant 0 : i32
      %get3A_1207 = arith.index_cast %get3A_1206 : i32 to index
      %get3A_1208 = arith.index_cast %add3A_1177 : i32 to index
      %get3A_1209 = arith.constant 32 : index
      %get3A_1210 = tpu.vector_load %arg11[%get3A_1207, %get3A_1208, %get3A_1209] {strides = array<i32>} : memref<2x128x64xf32, #tpu.memory_space<vmem>>, vector<16xf32>,
      %mul3A_1211 = arith.mulf %get3A_1205, %get3A_1210 : vector<16xf32>
      %add3A_1212 = arith.addf %add3A_1200, %mul3A_1211 : vector<16xf32>
      %get3A_1213 = arith.constant 0 : i32
      %get3A_1214 = arith.index_cast %get3A_1213 : i32 to index
      %get3A_1215 = arith.index_cast %add3A_1177 : i32 to index
      %get3A_1216 = arith.constant 48 : index
      %get3A_1217 = tpu.vector_load %arg10[%get3A_1214, %get3A_1215, %get3A_1216] {strides = array<i32>} : memref<2x128x64xf32, #tpu.memory_space<vmem>>, vector<16xf32>,
      %get3A_1218 = arith.constant 0 : i32
      %get3A_1219 = arith.index_cast %get3A_1218 : i32 to index
      %get3A_1220 = arith.index_cast %add3A_1177 : i32 to index
      %get3A_1221 = arith.constant 48 : index
      %get3A_1222 = tpu.vector_load %arg11[%get3A_1219, %get3A_1220, %get3A_1221] {strides = array<i32>} : memref<2x128x64xf32, #tpu.memory_space<vmem>>, vector<16xf32>,
      %mul3A_1223 = arith.mulf %get3A_1217, %get3A_1222 : vector<16xf32>
      %add3A_1224 = arith.addf %add3A_1212, %mul3A_1223 : vector<16xf32>
      %eq3A_1225 = arith.constant 11 : i32
      %eq3A_1226 = vector.broadcast %eq3A_1225 : i32 to vector<16xi32>
      %eq3A_1227 = arith.cmpi eq, %iota3A, %eq3A_1226 : vector<16xi32>
      %reduce_sum3A_1228 = arith.constant true
      %reduce_sum3A_1229 = vector.broadcast %reduce_sum3A_1228 : i1 to vector<16xi1>
      %reduce_sum3A_1230 = tpu.scan <sum>, %add3A_1224 masked %reduce_sum3A_1229 : vector<16xf32>, vector<16xi1> -> vector<16xf32>
      %reduce_sum3A_1231 = vector.extract %reduce_sum3A_1230[15] : f32 from vector<16xf32>
      %broadcast_in_dim3A_1232 = vector.broadcast %reduce_sum3A_1231 : f32 to vector<16xf32>
      %select_n3A_1233 = arith.select %eq3A_1227, %broadcast_in_dim3A_1232, %select_n3A_1175 : vector<16xi1>, vector<16xf32>
      %add3A_1234 = arith.constant 12 : i32
      %add3A_1235 = arith.addi %mul3A_539, %add3A_1234 : i32
      %get3A_1236 = arith.constant 0 : i32
      %get3A_1237 = arith.index_cast %get3A_1236 : i32 to index
      %get3A_1238 = arith.index_cast %add3A_1235 : i32 to index
      %get3A_1239 = arith.constant 0 : index
      %get3A_1240 = tpu.vector_load %arg10[%get3A_1237, %get3A_1238, %get3A_1239] {strides = array<i32>} : memref<2x128x64xf32, #tpu.memory_space<vmem>>, vector<16xf32>,
      %get3A_1241 = arith.constant 0 : i32
      %get3A_1242 = arith.index_cast %get3A_1241 : i32 to index
      %get3A_1243 = arith.index_cast %add3A_1235 : i32 to index
      %get3A_1244 = arith.constant 0 : index
      %get3A_1245 = tpu.vector_load %arg11[%get3A_1242, %get3A_1243, %get3A_1244] {strides = array<i32>} : memref<2x128x64xf32, #tpu.memory_space<vmem>>, vector<16xf32>,
      %mul3A_1246 = arith.mulf %get3A_1240, %get3A_1245 : vector<16xf32>
      %get3A_1247 = arith.constant 0 : i32
      %get3A_1248 = arith.index_cast %get3A_1247 : i32 to index
      %get3A_1249 = arith.index_cast %add3A_1235 : i32 to index
      %get3A_1250 = arith.constant 16 : index
      %get3A_1251 = tpu.vector_load %arg10[%get3A_1248, %get3A_1249, %get3A_1250] {strides = array<i32>} : memref<2x128x64xf32, #tpu.memory_space<vmem>>, vector<16xf32>,
      %get3A_1252 = arith.constant 0 : i32
      %get3A_1253 = arith.index_cast %get3A_1252 : i32 to index
      %get3A_1254 = arith.index_cast %add3A_1235 : i32 to index
      %get3A_1255 = arith.constant 16 : index
      %get3A_1256 = tpu.vector_load %arg11[%get3A_1253, %get3A_1254, %get3A_1255] {strides = array<i32>} : memref<2x128x64xf32, #tpu.memory_space<vmem>>, vector<16xf32>,
      %mul3A_1257 = arith.mulf %get3A_1251, %get3A_1256 : vector<16xf32>
      %add3A_1258 = arith.addf %mul3A_1246, %mul3A_1257 : vector<16xf32>
      %get3A_1259 = arith.constant 0 : i32
      %get3A_1260 = arith.index_cast %get3A_1259 : i32 to index
      %get3A_1261 = arith.index_cast %add3A_1235 : i32 to index
      %get3A_1262 = arith.constant 32 : index
      %get3A_1263 = tpu.vector_load %arg10[%get3A_1260, %get3A_1261, %get3A_1262] {strides = array<i32>} : memref<2x128x64xf32, #tpu.memory_space<vmem>>, vector<16xf32>,
      %get3A_1264 = arith.constant 0 : i32
      %get3A_1265 = arith.index_cast %get3A_1264 : i32 to index
      %get3A_1266 = arith.index_cast %add3A_1235 : i32 to index
      %get3A_1267 = arith.constant 32 : index
      %get3A_1268 = tpu.vector_load %arg11[%get3A_1265, %get3A_1266, %get3A_1267] {strides = array<i32>} : memref<2x128x64xf32, #tpu.memory_space<vmem>>, vector<16xf32>,
      %mul3A_1269 = arith.mulf %get3A_1263, %get3A_1268 : vector<16xf32>
      %add3A_1270 = arith.addf %add3A_1258, %mul3A_1269 : vector<16xf32>
      %get3A_1271 = arith.constant 0 : i32
      %get3A_1272 = arith.index_cast %get3A_1271 : i32 to index
      %get3A_1273 = arith.index_cast %add3A_1235 : i32 to index
      %get3A_1274 = arith.constant 48 : index
      %get3A_1275 = tpu.vector_load %arg10[%get3A_1272, %get3A_1273, %get3A_1274] {strides = array<i32>} : memref<2x128x64xf32, #tpu.memory_space<vmem>>, vector<16xf32>,
      %get3A_1276 = arith.constant 0 : i32
      %get3A_1277 = arith.index_cast %get3A_1276 : i32 to index
      %get3A_1278 = arith.index_cast %add3A_1235 : i32 to index
      %get3A_1279 = arith.constant 48 : index
      %get3A_1280 = tpu.vector_load %arg11[%get3A_1277, %get3A_1278, %get3A_1279] {strides = array<i32>} : memref<2x128x64xf32, #tpu.memory_space<vmem>>, vector<16xf32>,
      %mul3A_1281 = arith.mulf %get3A_1275, %get3A_1280 : vector<16xf32>
      %add3A_1282 = arith.addf %add3A_1270, %mul3A_1281 : vector<16xf32>
      %eq3A_1283 = arith.constant 12 : i32
      %eq3A_1284 = vector.broadcast %eq3A_1283 : i32 to vector<16xi32>
      %eq3A_1285 = arith.cmpi eq, %iota3A, %eq3A_1284 : vector<16xi32>
      %reduce_sum3A_1286 = arith.constant true
      %reduce_sum3A_1287 = vector.broadcast %reduce_sum3A_1286 : i1 to vector<16xi1>
      %reduce_sum3A_1288 = tpu.scan <sum>, %add3A_1282 masked %reduce_sum3A_1287 : vector<16xf32>, vector<16xi1> -> vector<16xf32>
      %reduce_sum3A_1289 = vector.extract %reduce_sum3A_1288[15] : f32 from vector<16xf32>
      %broadcast_in_dim3A_1290 = vector.broadcast %reduce_sum3A_1289 : f32 to vector<16xf32>
      %select_n3A_1291 = arith.select %eq3A_1285, %broadcast_in_dim3A_1290, %select_n3A_1233 : vector<16xi1>, vector<16xf32>
      %add3A_1292 = arith.constant 13 : i32
      %add3A_1293 = arith.addi %mul3A_539, %add3A_1292 : i32
      %get3A_1294 = arith.constant 0 : i32
      %get3A_1295 = arith.index_cast %get3A_1294 : i32 to index
      %get3A_1296 = arith.index_cast %add3A_1293 : i32 to index
      %get3A_1297 = arith.constant 0 : index
      %get3A_1298 = tpu.vector_load %arg10[%get3A_1295, %get3A_1296, %get3A_1297] {strides = array<i32>} : memref<2x128x64xf32, #tpu.memory_space<vmem>>, vector<16xf32>,
      %get3A_1299 = arith.constant 0 : i32
      %get3A_1300 = arith.index_cast %get3A_1299 : i32 to index
      %get3A_1301 = arith.index_cast %add3A_1293 : i32 to index
      %get3A_1302 = arith.constant 0 : index
      %get3A_1303 = tpu.vector_load %arg11[%get3A_1300, %get3A_1301, %get3A_1302] {strides = array<i32>} : memref<2x128x64xf32, #tpu.memory_space<vmem>>, vector<16xf32>,
      %mul3A_1304 = arith.mulf %get3A_1298, %get3A_1303 : vector<16xf32>
      %get3A_1305 = arith.constant 0 : i32
      %get3A_1306 = arith.index_cast %get3A_1305 : i32 to index
      %get3A_1307 = arith.index_cast %add3A_1293 : i32 to index
      %get3A_1308 = arith.constant 16 : index
      %get3A_1309 = tpu.vector_load %arg10[%get3A_1306, %get3A_1307, %get3A_1308] {strides = array<i32>} : memref<2x128x64xf32, #tpu.memory_space<vmem>>, vector<16xf32>,
      %get3A_1310 = arith.constant 0 : i32
      %get3A_1311 = arith.index_cast %get3A_1310 : i32 to index
      %get3A_1312 = arith.index_cast %add3A_1293 : i32 to index
      %get3A_1313 = arith.constant 16 : index
      %get3A_1314 = tpu.vector_load %arg11[%get3A_1311, %get3A_1312, %get3A_1313] {strides = array<i32>} : memref<2x128x64xf32, #tpu.memory_space<vmem>>, vector<16xf32>,
      %mul3A_1315 = arith.mulf %get3A_1309, %get3A_1314 : vector<16xf32>
      %add3A_1316 = arith.addf %mul3A_1304, %mul3A_1315 : vector<16xf32>
      %get3A_1317 = arith.constant 0 : i32
      %get3A_1318 = arith.index_cast %get3A_1317 : i32 to index
      %get3A_1319 = arith.index_cast %add3A_1293 : i32 to index
      %get3A_1320 = arith.constant 32 : index
      %get3A_1321 = tpu.vector_load %arg10[%get3A_1318, %get3A_1319, %get3A_1320] {strides = array<i32>} : memref<2x128x64xf32, #tpu.memory_space<vmem>>, vector<16xf32>,
      %get3A_1322 = arith.constant 0 : i32
      %get3A_1323 = arith.index_cast %get3A_1322 : i32 to index
      %get3A_1324 = arith.index_cast %add3A_1293 : i32 to index
      %get3A_1325 = arith.constant 32 : index
      %get3A_1326 = tpu.vector_load %arg11[%get3A_1323, %get3A_1324, %get3A_1325] {strides = array<i32>} : memref<2x128x64xf32, #tpu.memory_space<vmem>>, vector<16xf32>,
      %mul3A_1327 = arith.mulf %get3A_1321, %get3A_1326 : vector<16xf32>
      %add3A_1328 = arith.addf %add3A_1316, %mul3A_1327 : vector<16xf32>
      %get3A_1329 = arith.constant 0 : i32
      %get3A_1330 = arith.index_cast %get3A_1329 : i32 to index
      %get3A_1331 = arith.index_cast %add3A_1293 : i32 to index
      %get3A_1332 = arith.constant 48 : index
      %get3A_1333 = tpu.vector_load %arg10[%get3A_1330, %get3A_1331, %get3A_1332] {strides = array<i32>} : memref<2x128x64xf32, #tpu.memory_space<vmem>>, vector<16xf32>,
      %get3A_1334 = arith.constant 0 : i32
      %get3A_1335 = arith.index_cast %get3A_1334 : i32 to index
      %get3A_1336 = arith.index_cast %add3A_1293 : i32 to index
      %get3A_1337 = arith.constant 48 : index
      %get3A_1338 = tpu.vector_load %arg11[%get3A_1335, %get3A_1336, %get3A_1337] {strides = array<i32>} : memref<2x128x64xf32, #tpu.memory_space<vmem>>, vector<16xf32>,
      %mul3A_1339 = arith.mulf %get3A_1333, %get3A_1338 : vector<16xf32>
      %add3A_1340 = arith.addf %add3A_1328, %mul3A_1339 : vector<16xf32>
      %eq3A_1341 = arith.constant 13 : i32
      %eq3A_1342 = vector.broadcast %eq3A_1341 : i32 to vector<16xi32>
      %eq3A_1343 = arith.cmpi eq, %iota3A, %eq3A_1342 : vector<16xi32>
      %reduce_sum3A_1344 = arith.constant true
      %reduce_sum3A_1345 = vector.broadcast %reduce_sum3A_1344 : i1 to vector<16xi1>
      %reduce_sum3A_1346 = tpu.scan <sum>, %add3A_1340 masked %reduce_sum3A_1345 : vector<16xf32>, vector<16xi1> -> vector<16xf32>
      %reduce_sum3A_1347 = vector.extract %reduce_sum3A_1346[15] : f32 from vector<16xf32>
      %broadcast_in_dim3A_1348 = vector.broadcast %reduce_sum3A_1347 : f32 to vector<16xf32>
      %select_n3A_1349 = arith.select %eq3A_1343, %broadcast_in_dim3A_1348, %select_n3A_1291 : vector<16xi1>, vector<16xf32>
      %add3A_1350 = arith.constant 14 : i32
      %add3A_1351 = arith.addi %mul3A_539, %add3A_1350 : i32
      %get3A_1352 = arith.constant 0 : i32
      %get3A_1353 = arith.index_cast %get3A_1352 : i32 to index
      %get3A_1354 = arith.index_cast %add3A_1351 : i32 to index
      %get3A_1355 = arith.constant 0 : index
      %get3A_1356 = tpu.vector_load %arg10[%get3A_1353, %get3A_1354, %get3A_1355] {strides = array<i32>} : memref<2x128x64xf32, #tpu.memory_space<vmem>>, vector<16xf32>,
      %get3A_1357 = arith.constant 0 : i32
      %get3A_1358 = arith.index_cast %get3A_1357 : i32 to index
      %get3A_1359 = arith.index_cast %add3A_1351 : i32 to index
      %get3A_1360 = arith.constant 0 : index
      %get3A_1361 = tpu.vector_load %arg11[%get3A_1358, %get3A_1359, %get3A_1360] {strides = array<i32>} : memref<2x128x64xf32, #tpu.memory_space<vmem>>, vector<16xf32>,
      %mul3A_1362 = arith.mulf %get3A_1356, %get3A_1361 : vector<16xf32>
      %get3A_1363 = arith.constant 0 : i32
      %get3A_1364 = arith.index_cast %get3A_1363 : i32 to index
      %get3A_1365 = arith.index_cast %add3A_1351 : i32 to index
      %get3A_1366 = arith.constant 16 : index
      %get3A_1367 = tpu.vector_load %arg10[%get3A_1364, %get3A_1365, %get3A_1366] {strides = array<i32>} : memref<2x128x64xf32, #tpu.memory_space<vmem>>, vector<16xf32>,
      %get3A_1368 = arith.constant 0 : i32
      %get3A_1369 = arith.index_cast %get3A_1368 : i32 to index
      %get3A_1370 = arith.index_cast %add3A_1351 : i32 to index
      %get3A_1371 = arith.constant 16 : index
      %get3A_1372 = tpu.vector_load %arg11[%get3A_1369, %get3A_1370, %get3A_1371] {strides = array<i32>} : memref<2x128x64xf32, #tpu.memory_space<vmem>>, vector<16xf32>,
      %mul3A_1373 = arith.mulf %get3A_1367, %get3A_1372 : vector<16xf32>
      %add3A_1374 = arith.addf %mul3A_1362, %mul3A_1373 : vector<16xf32>
      %get3A_1375 = arith.constant 0 : i32
      %get3A_1376 = arith.index_cast %get3A_1375 : i32 to index
      %get3A_1377 = arith.index_cast %add3A_1351 : i32 to index
      %get3A_1378 = arith.constant 32 : index
      %get3A_1379 = tpu.vector_load %arg10[%get3A_1376, %get3A_1377, %get3A_1378] {strides = array<i32>} : memref<2x128x64xf32, #tpu.memory_space<vmem>>, vector<16xf32>,
      %get3A_1380 = arith.constant 0 : i32
      %get3A_1381 = arith.index_cast %get3A_1380 : i32 to index
      %get3A_1382 = arith.index_cast %add3A_1351 : i32 to index
      %get3A_1383 = arith.constant 32 : index
      %get3A_1384 = tpu.vector_load %arg11[%get3A_1381, %get3A_1382, %get3A_1383] {strides = array<i32>} : memref<2x128x64xf32, #tpu.memory_space<vmem>>, vector<16xf32>,
      %mul3A_1385 = arith.mulf %get3A_1379, %get3A_1384 : vector<16xf32>
      %add3A_1386 = arith.addf %add3A_1374, %mul3A_1385 : vector<16xf32>
      %get3A_1387 = arith.constant 0 : i32
      %get3A_1388 = arith.index_cast %get3A_1387 : i32 to index
      %get3A_1389 = arith.index_cast %add3A_1351 : i32 to index
      %get3A_1390 = arith.constant 48 : index
      %get3A_1391 = tpu.vector_load %arg10[%get3A_1388, %get3A_1389, %get3A_1390] {strides = array<i32>} : memref<2x128x64xf32, #tpu.memory_space<vmem>>, vector<16xf32>,
      %get3A_1392 = arith.constant 0 : i32
      %get3A_1393 = arith.index_cast %get3A_1392 : i32 to index
      %get3A_1394 = arith.index_cast %add3A_1351 : i32 to index
      %get3A_1395 = arith.constant 48 : index
      %get3A_1396 = tpu.vector_load %arg11[%get3A_1393, %get3A_1394, %get3A_1395] {strides = array<i32>} : memref<2x128x64xf32, #tpu.memory_space<vmem>>, vector<16xf32>,
      %mul3A_1397 = arith.mulf %get3A_1391, %get3A_1396 : vector<16xf32>
      %add3A_1398 = arith.addf %add3A_1386, %mul3A_1397 : vector<16xf32>
      %eq3A_1399 = arith.constant 14 : i32
      %eq3A_1400 = vector.broadcast %eq3A_1399 : i32 to vector<16xi32>
      %eq3A_1401 = arith.cmpi eq, %iota3A, %eq3A_1400 : vector<16xi32>
      %reduce_sum3A_1402 = arith.constant true
      %reduce_sum3A_1403 = vector.broadcast %reduce_sum3A_1402 : i1 to vector<16xi1>
      %reduce_sum3A_1404 = tpu.scan <sum>, %add3A_1398 masked %reduce_sum3A_1403 : vector<16xf32>, vector<16xi1> -> vector<16xf32>
      %reduce_sum3A_1405 = vector.extract %reduce_sum3A_1404[15] : f32 from vector<16xf32>
      %broadcast_in_dim3A_1406 = vector.broadcast %reduce_sum3A_1405 : f32 to vector<16xf32>
      %select_n3A_1407 = arith.select %eq3A_1401, %broadcast_in_dim3A_1406, %select_n3A_1349 : vector<16xi1>, vector<16xf32>
      %add3A_1408 = arith.constant 15 : i32
      %add3A_1409 = arith.addi %mul3A_539, %add3A_1408 : i32
      %get3A_1410 = arith.constant 0 : i32
      %get3A_1411 = arith.index_cast %get3A_1410 : i32 to index
      %get3A_1412 = arith.index_cast %add3A_1409 : i32 to index
      %get3A_1413 = arith.constant 0 : index
      %get3A_1414 = tpu.vector_load %arg10[%get3A_1411, %get3A_1412, %get3A_1413] {strides = array<i32>} : memref<2x128x64xf32, #tpu.memory_space<vmem>>, vector<16xf32>,
      %get3A_1415 = arith.constant 0 : i32
      %get3A_1416 = arith.index_cast %get3A_1415 : i32 to index
      %get3A_1417 = arith.index_cast %add3A_1409 : i32 to index
      %get3A_1418 = arith.constant 0 : index
      %get3A_1419 = tpu.vector_load %arg11[%get3A_1416, %get3A_1417, %get3A_1418] {strides = array<i32>} : memref<2x128x64xf32, #tpu.memory_space<vmem>>, vector<16xf32>,
      %mul3A_1420 = arith.mulf %get3A_1414, %get3A_1419 : vector<16xf32>
      %get3A_1421 = arith.constant 0 : i32
      %get3A_1422 = arith.index_cast %get3A_1421 : i32 to index
      %get3A_1423 = arith.index_cast %add3A_1409 : i32 to index
      %get3A_1424 = arith.constant 16 : index
      %get3A_1425 = tpu.vector_load %arg10[%get3A_1422, %get3A_1423, %get3A_1424] {strides = array<i32>} : memref<2x128x64xf32, #tpu.memory_space<vmem>>, vector<16xf32>,
      %get3A_1426 = arith.constant 0 : i32
      %get3A_1427 = arith.index_cast %get3A_1426 : i32 to index
      %get3A_1428 = arith.index_cast %add3A_1409 : i32 to index
      %get3A_1429 = arith.constant 16 : index
      %get3A_1430 = tpu.vector_load %arg11[%get3A_1427, %get3A_1428, %get3A_1429] {strides = array<i32>} : memref<2x128x64xf32, #tpu.memory_space<vmem>>, vector<16xf32>,
      %mul3A_1431 = arith.mulf %get3A_1425, %get3A_1430 : vector<16xf32>
      %add3A_1432 = arith.addf %mul3A_1420, %mul3A_1431 : vector<16xf32>
      %get3A_1433 = arith.constant 0 : i32
      %get3A_1434 = arith.index_cast %get3A_1433 : i32 to index
      %get3A_1435 = arith.index_cast %add3A_1409 : i32 to index
      %get3A_1436 = arith.constant 32 : index
      %get3A_1437 = tpu.vector_load %arg10[%get3A_1434, %get3A_1435, %get3A_1436] {strides = array<i32>} : memref<2x128x64xf32, #tpu.memory_space<vmem>>, vector<16xf32>,
      %get3A_1438 = arith.constant 0 : i32
      %get3A_1439 = arith.index_cast %get3A_1438 : i32 to index
      %get3A_1440 = arith.index_cast %add3A_1409 : i32 to index
      %get3A_1441 = arith.constant 32 : index
      %get3A_1442 = tpu.vector_load %arg11[%get3A_1439, %get3A_1440, %get3A_1441] {strides = array<i32>} : memref<2x128x64xf32, #tpu.memory_space<vmem>>, vector<16xf32>,
      %mul3A_1443 = arith.mulf %get3A_1437, %get3A_1442 : vector<16xf32>
      %add3A_1444 = arith.addf %add3A_1432, %mul3A_1443 : vector<16xf32>
      %get3A_1445 = arith.constant 0 : i32
      %get3A_1446 = arith.index_cast %get3A_1445 : i32 to index
      %get3A_1447 = arith.index_cast %add3A_1409 : i32 to index
      %get3A_1448 = arith.constant 48 : index
      %get3A_1449 = tpu.vector_load %arg10[%get3A_1446, %get3A_1447, %get3A_1448] {strides = array<i32>} : memref<2x128x64xf32, #tpu.memory_space<vmem>>, vector<16xf32>,
      %get3A_1450 = arith.constant 0 : i32
      %get3A_1451 = arith.index_cast %get3A_1450 : i32 to index
      %get3A_1452 = arith.index_cast %add3A_1409 : i32 to index
      %get3A_1453 = arith.constant 48 : index
      %get3A_1454 = tpu.vector_load %arg11[%get3A_1451, %get3A_1452, %get3A_1453] {strides = array<i32>} : memref<2x128x64xf32, #tpu.memory_space<vmem>>, vector<16xf32>,
      %mul3A_1455 = arith.mulf %get3A_1449, %get3A_1454 : vector<16xf32>
      %add3A_1456 = arith.addf %add3A_1444, %mul3A_1455 : vector<16xf32>
      %eq3A_1457 = arith.constant 15 : i32
      %eq3A_1458 = vector.broadcast %eq3A_1457 : i32 to vector<16xi32>
      %eq3A_1459 = arith.cmpi eq, %iota3A, %eq3A_1458 : vector<16xi32>
      %reduce_sum3A_1460 = arith.constant true
      %reduce_sum3A_1461 = vector.broadcast %reduce_sum3A_1460 : i1 to vector<16xi1>
      %reduce_sum3A_1462 = tpu.scan <sum>, %add3A_1456 masked %reduce_sum3A_1461 : vector<16xf32>, vector<16xi1> -> vector<16xf32>
      %reduce_sum3A_1463 = vector.extract %reduce_sum3A_1462[15] : f32 from vector<16xf32>
      %broadcast_in_dim3A_1464 = vector.broadcast %reduce_sum3A_1463 : f32 to vector<16xf32>
      %select_n3A_1465 = arith.select %eq3A_1459, %broadcast_in_dim3A_1464, %select_n3A_1407 : vector<16xi1>, vector<16xf32>
      %get3A_1466 = arith.constant 2 : i32
      %get3A_1467 = arith.index_cast %get3A_1466 : i32 to index
      %get3A_1468 = arith.index_cast %mul3A_539 : i32 to index
      %get3A_1469 = tpu.vector_load %arg12[%get3A_1467, %get3A_1468] {strides = array<i32>} : memref<4x128xf32, #tpu.memory_space<vmem>>, vector<16xf32>,
      %get3A_1470 = arith.constant 2 : i32
      %get3A_1471 = arith.index_cast %get3A_1470 : i32 to index
      %get3A_1472 = arith.index_cast %mul3A_539 : i32 to index
      %get3A_1473 = tpu.vector_load %arg13[%get3A_1471, %get3A_1472] {strides = array<i32>} : memref<4x128xf32, #tpu.memory_space<vmem>>, vector<16xf32>,
      %add3A_1474 = arith.addf %select_n3A_1465, %get3A_1469 : vector<16xf32>
      %add3A_1475 = arith.addf %add3A_1474, %get3A_1473 : vector<16xf32>
      %add3A_1476 = arith.addf %add3A_1475, %get3A_537 : vector<16xf32>
      %neg3A = arith.constant 0.000000e+00 : f32
      %neg3A_1477 = vector.broadcast %neg3A : f32 to vector<16xf32>
      %neg3A_1478 = arith.subf %neg3A_1477, %add3A_1476 : vector<16xf32>
      %exp3A = math.exp %neg3A_1478 : vector<16xf32>
      %add3A_1479 = arith.constant 1.000000e+00 : f32
      %add3A_1480 = vector.broadcast %add3A_1479 : f32 to vector<16xf32>
      %add3A_1481 = arith.addf %add3A_1480, %exp3A : vector<16xf32>
      %div3A = arith.constant 1.000000e+00 : f32
      %div3A_1482 = vector.broadcast %div3A : f32 to vector<16xf32>
      %div3A_1483 = arith.divf %div3A_1482, %add3A_1481 : vector<16xf32>
      %add3A_1484 = arith.constant 256 : i32
      %add3A_1485 = arith.addi %add3A_1484, %mul3A_539 : i32
      %swap3A = arith.index_cast %add3A_1485 : i32 to index
      %swap3A_1486 = tpu.vector_load %arg14[%swap3A] {strides = array<i32>} : memref<512xf32, #tpu.memory_space<vmem>>, vector<16xf32>,
      tpu.vector_store %arg14[%swap3A], %div3A_1483 {strides = array<i32>} : memref<512xf32, #tpu.memory_space<vmem>>, vector<16xf32>,
    }
    %scan3A_485 = arith.constant 8 : i32
    %dma_wait3A_486 = arith.constant 3 : i32
    %dma_wait3A_487 = arith.constant 3 : i32
    %dma_wait3A_488 = arith.constant 0 : i32
    %dma_wait3A_489 = tpu.memref_slice %arg12[%dma_wait3A_487, %dma_wait3A_488] : memref<4x128xf32, #tpu.memory_space<vmem>> -> memref<1x128xf32, #tpu.memory_space<vmem>>
    %dma_wait3A_490 = tpu.memref_squeeze %dma_wait3A_489 : memref<1x128xf32, #tpu.memory_space<vmem>> -> memref<128xf32, #tpu.memory_space<vmem>>
    %dma_wait3A_491 = arith.constant 0 : i32
    %dma_wait3A_492 = tpu.memref_slice %arg8[%dma_wait3A_486, %dma_wait3A_491] : memref<4x128xi32, #tpu.memory_space<vmem>> -> memref<1x128xi32, #tpu.memory_space<vmem>>
    %dma_wait3A_493 = tpu.memref_squeeze %dma_wait3A_492 : memref<1x128xi32, #tpu.memory_space<vmem>> -> memref<128xi32, #tpu.memory_space<vmem>>
    %dma_wait3A_494 = arith.constant 0 : i32
    %dma_wait3A_495 = tpu.memref_slice %arg5[%dma_wait3A_494] : memref<100000xf32, #tpu.memory_space<hbm>> -> memref<100000xf32, #tpu.memory_space<hbm>>
    tpu.wait_indirect_dma semaphore(%arg18 : memref<!tpu.dma_semaphore, #tpu.memory_space<semaphore_mem>>) src(%dma_wait3A_495 : memref<100000xf32, #tpu.memory_space<hbm>>) dst(%dma_wait3A_490 : memref<128xf32, #tpu.memory_space<vmem>>)
    %dma_wait3A_496 = arith.constant 3 : i32
    %dma_wait3A_497 = arith.constant 3 : i32
    %dma_wait3A_498 = arith.constant 0 : i32
    %dma_wait3A_499 = tpu.memref_slice %arg13[%dma_wait3A_497, %dma_wait3A_498] : memref<4x128xf32, #tpu.memory_space<vmem>> -> memref<1x128xf32, #tpu.memory_space<vmem>>
    %dma_wait3A_500 = tpu.memref_squeeze %dma_wait3A_499 : memref<1x128xf32, #tpu.memory_space<vmem>> -> memref<128xf32, #tpu.memory_space<vmem>>
    %dma_wait3A_501 = arith.constant 0 : i32
    %dma_wait3A_502 = tpu.memref_slice %arg9[%dma_wait3A_496, %dma_wait3A_501] : memref<4x128xi32, #tpu.memory_space<vmem>> -> memref<1x128xi32, #tpu.memory_space<vmem>>
    %dma_wait3A_503 = tpu.memref_squeeze %dma_wait3A_502 : memref<1x128xi32, #tpu.memory_space<vmem>> -> memref<128xi32, #tpu.memory_space<vmem>>
    %dma_wait3A_504 = arith.constant 0 : i32
    %dma_wait3A_505 = tpu.memref_slice %arg5[%dma_wait3A_504] : memref<100000xf32, #tpu.memory_space<hbm>> -> memref<100000xf32, #tpu.memory_space<hbm>>
    tpu.wait_indirect_dma semaphore(%arg18 : memref<!tpu.dma_semaphore, #tpu.memory_space<semaphore_mem>>) src(%dma_wait3A_505 : memref<100000xf32, #tpu.memory_space<hbm>>) dst(%dma_wait3A_500 : memref<128xf32, #tpu.memory_space<vmem>>)
    %dma_wait3A_506 = arith.constant 3 : i32
    %dma_wait3A_507 = arith.constant 1 : i32
    %dma_wait3A_508 = arith.constant 0 : i32
    %dma_wait3A_509 = arith.constant 0 : i32
    %dma_wait3A_510 = tpu.memref_slice %arg10[%dma_wait3A_507, %dma_wait3A_508, %dma_wait3A_509] : memref<2x128x64xf32, #tpu.memory_space<vmem>> -> memref<1x128x64xf32, #tpu.memory_space<vmem>>
    %dma_wait3A_511 = tpu.memref_squeeze %dma_wait3A_510 : memref<1x128x64xf32, #tpu.memory_space<vmem>> -> memref<128x64xf32, #tpu.memory_space<vmem>>
    %dma_wait3A_512 = arith.constant 0 : i32
    %dma_wait3A_513 = tpu.memref_slice %arg8[%dma_wait3A_506, %dma_wait3A_512] : memref<4x128xi32, #tpu.memory_space<vmem>> -> memref<1x128xi32, #tpu.memory_space<vmem>>
    %dma_wait3A_514 = tpu.memref_squeeze %dma_wait3A_513 : memref<1x128xi32, #tpu.memory_space<vmem>> -> memref<128xi32, #tpu.memory_space<vmem>>
    %dma_wait3A_515 = arith.constant 0 : i32
    %dma_wait3A_516 = arith.constant 0 : i32
    %dma_wait3A_517 = tpu.memref_slice %arg4[%dma_wait3A_515, %dma_wait3A_516] : memref<100000x64xf32, #tpu.memory_space<hbm>> -> memref<100000x64xf32, #tpu.memory_space<hbm>>
    tpu.wait_indirect_dma semaphore(%arg17 : memref<!tpu.dma_semaphore, #tpu.memory_space<semaphore_mem>>) src(%dma_wait3A_517 : memref<100000x64xf32, #tpu.memory_space<hbm>>) dst(%dma_wait3A_511 : memref<128x64xf32, #tpu.memory_space<vmem>>)
    %dma_wait3A_518 = arith.constant 3 : i32
    %dma_wait3A_519 = arith.constant 1 : i32
    %dma_wait3A_520 = arith.constant 0 : i32
    %dma_wait3A_521 = arith.constant 0 : i32
    %dma_wait3A_522 = tpu.memref_slice %arg11[%dma_wait3A_519, %dma_wait3A_520, %dma_wait3A_521] : memref<2x128x64xf32, #tpu.memory_space<vmem>> -> memref<1x128x64xf32, #tpu.memory_space<vmem>>
    %dma_wait3A_523 = tpu.memref_squeeze %dma_wait3A_522 : memref<1x128x64xf32, #tpu.memory_space<vmem>> -> memref<128x64xf32, #tpu.memory_space<vmem>>
    %dma_wait3A_524 = arith.constant 0 : i32
    %dma_wait3A_525 = tpu.memref_slice %arg9[%dma_wait3A_518, %dma_wait3A_524] : memref<4x128xi32, #tpu.memory_space<vmem>> -> memref<1x128xi32, #tpu.memory_space<vmem>>
    %dma_wait3A_526 = tpu.memref_squeeze %dma_wait3A_525 : memref<1x128xi32, #tpu.memory_space<vmem>> -> memref<128xi32, #tpu.memory_space<vmem>>
    %dma_wait3A_527 = arith.constant 0 : i32
    %dma_wait3A_528 = arith.constant 0 : i32
    %dma_wait3A_529 = tpu.memref_slice %arg4[%dma_wait3A_527, %dma_wait3A_528] : memref<100000x64xf32, #tpu.memory_space<hbm>> -> memref<100000x64xf32, #tpu.memory_space<hbm>>
    tpu.wait_indirect_dma semaphore(%arg17 : memref<!tpu.dma_semaphore, #tpu.memory_space<semaphore_mem>>) src(%dma_wait3A_529 : memref<100000x64xf32, #tpu.memory_space<hbm>>) dst(%dma_wait3A_523 : memref<128x64xf32, #tpu.memory_space<vmem>>)
    %scan3A_530 = arith.constant 0 : i32
    %scan3A_531 = arith.constant 0 : i32
    %scan3A_532 = arith.constant 8 : i32
    %scan3A_533 = arith.addi %scan3A_531, %scan3A_532 : i32
    %scan3A_534 = arith.constant 1 : i32
    scf.for %scan3A_536 = %scan3A_531 to %scan3A_533 step %scan3A_534  : i32 {
      %iota3A = tpu.iota {dimensions = array<i32: 0>} : vector<16xi32>
      %get3A = arith.constant 0 : index
      %get3A_537 = tpu.vector_load %arg15[%get3A] {strides = array<i32>} : memref<16xf32, #tpu.memory_space<vmem>>, vector<16xf32>,
      %mul3A_538 = arith.constant 16 : i32
      %mul3A_539 = arith.muli %scan3A_536, %mul3A_538 : i32
      %broadcast_in_dim3A = arith.constant 0.000000e+00 : f32
      %broadcast_in_dim3A_540 = vector.broadcast %broadcast_in_dim3A : f32 to vector<16xf32>
      %add3A_541 = arith.constant 0 : i32
      %add3A_542 = arith.addi %mul3A_539, %add3A_541 : i32
      %get3A_543 = arith.constant 1 : i32
      %get3A_544 = arith.index_cast %get3A_543 : i32 to index
      %get3A_545 = arith.index_cast %add3A_542 : i32 to index
      %get3A_546 = arith.constant 0 : index
      %get3A_547 = tpu.vector_load %arg10[%get3A_544, %get3A_545, %get3A_546] {strides = array<i32>} : memref<2x128x64xf32, #tpu.memory_space<vmem>>, vector<16xf32>,
      %get3A_548 = arith.constant 1 : i32
      %get3A_549 = arith.index_cast %get3A_548 : i32 to index
      %get3A_550 = arith.index_cast %add3A_542 : i32 to index
      %get3A_551 = arith.constant 0 : index
      %get3A_552 = tpu.vector_load %arg11[%get3A_549, %get3A_550, %get3A_551] {strides = array<i32>} : memref<2x128x64xf32, #tpu.memory_space<vmem>>, vector<16xf32>,
      %mul3A_553 = arith.mulf %get3A_547, %get3A_552 : vector<16xf32>
      %get3A_554 = arith.constant 1 : i32
      %get3A_555 = arith.index_cast %get3A_554 : i32 to index
      %get3A_556 = arith.index_cast %add3A_542 : i32 to index
      %get3A_557 = arith.constant 16 : index
      %get3A_558 = tpu.vector_load %arg10[%get3A_555, %get3A_556, %get3A_557] {strides = array<i32>} : memref<2x128x64xf32, #tpu.memory_space<vmem>>, vector<16xf32>,
      %get3A_559 = arith.constant 1 : i32
      %get3A_560 = arith.index_cast %get3A_559 : i32 to index
      %get3A_561 = arith.index_cast %add3A_542 : i32 to index
      %get3A_562 = arith.constant 16 : index
      %get3A_563 = tpu.vector_load %arg11[%get3A_560, %get3A_561, %get3A_562] {strides = array<i32>} : memref<2x128x64xf32, #tpu.memory_space<vmem>>, vector<16xf32>,
      %mul3A_564 = arith.mulf %get3A_558, %get3A_563 : vector<16xf32>
      %add3A_565 = arith.addf %mul3A_553, %mul3A_564 : vector<16xf32>
      %get3A_566 = arith.constant 1 : i32
      %get3A_567 = arith.index_cast %get3A_566 : i32 to index
      %get3A_568 = arith.index_cast %add3A_542 : i32 to index
      %get3A_569 = arith.constant 32 : index
      %get3A_570 = tpu.vector_load %arg10[%get3A_567, %get3A_568, %get3A_569] {strides = array<i32>} : memref<2x128x64xf32, #tpu.memory_space<vmem>>, vector<16xf32>,
      %get3A_571 = arith.constant 1 : i32
      %get3A_572 = arith.index_cast %get3A_571 : i32 to index
      %get3A_573 = arith.index_cast %add3A_542 : i32 to index
      %get3A_574 = arith.constant 32 : index
      %get3A_575 = tpu.vector_load %arg11[%get3A_572, %get3A_573, %get3A_574] {strides = array<i32>} : memref<2x128x64xf32, #tpu.memory_space<vmem>>, vector<16xf32>,
      %mul3A_576 = arith.mulf %get3A_570, %get3A_575 : vector<16xf32>
      %add3A_577 = arith.addf %add3A_565, %mul3A_576 : vector<16xf32>
      %get3A_578 = arith.constant 1 : i32
      %get3A_579 = arith.index_cast %get3A_578 : i32 to index
      %get3A_580 = arith.index_cast %add3A_542 : i32 to index
      %get3A_581 = arith.constant 48 : index
      %get3A_582 = tpu.vector_load %arg10[%get3A_579, %get3A_580, %get3A_581] {strides = array<i32>} : memref<2x128x64xf32, #tpu.memory_space<vmem>>, vector<16xf32>,
      %get3A_583 = arith.constant 1 : i32
      %get3A_584 = arith.index_cast %get3A_583 : i32 to index
      %get3A_585 = arith.index_cast %add3A_542 : i32 to index
      %get3A_586 = arith.constant 48 : index
      %get3A_587 = tpu.vector_load %arg11[%get3A_584, %get3A_585, %get3A_586] {strides = array<i32>} : memref<2x128x64xf32, #tpu.memory_space<vmem>>, vector<16xf32>,
      %mul3A_588 = arith.mulf %get3A_582, %get3A_587 : vector<16xf32>
      %add3A_589 = arith.addf %add3A_577, %mul3A_588 : vector<16xf32>
      %eq3A = arith.constant 0 : i32
      %eq3A_590 = vector.broadcast %eq3A : i32 to vector<16xi32>
      %eq3A_591 = arith.cmpi eq, %iota3A, %eq3A_590 : vector<16xi32>
      %reduce_sum3A = arith.constant true
      %reduce_sum3A_592 = vector.broadcast %reduce_sum3A : i1 to vector<16xi1>
      %reduce_sum3A_593 = tpu.scan <sum>, %add3A_589 masked %reduce_sum3A_592 : vector<16xf32>, vector<16xi1> -> vector<16xf32>
      %reduce_sum3A_594 = vector.extract %reduce_sum3A_593[15] : f32 from vector<16xf32>
      %broadcast_in_dim3A_595 = vector.broadcast %reduce_sum3A_594 : f32 to vector<16xf32>
      %select_n3A = arith.select %eq3A_591, %broadcast_in_dim3A_595, %broadcast_in_dim3A_540 : vector<16xi1>, vector<16xf32>
      %add3A_596 = arith.constant 1 : i32
      %add3A_597 = arith.addi %mul3A_539, %add3A_596 : i32
      %get3A_598 = arith.constant 1 : i32
      %get3A_599 = arith.index_cast %get3A_598 : i32 to index
      %get3A_600 = arith.index_cast %add3A_597 : i32 to index
      %get3A_601 = arith.constant 0 : index
      %get3A_602 = tpu.vector_load %arg10[%get3A_599, %get3A_600, %get3A_601] {strides = array<i32>} : memref<2x128x64xf32, #tpu.memory_space<vmem>>, vector<16xf32>,
      %get3A_603 = arith.constant 1 : i32
      %get3A_604 = arith.index_cast %get3A_603 : i32 to index
      %get3A_605 = arith.index_cast %add3A_597 : i32 to index
      %get3A_606 = arith.constant 0 : index
      %get3A_607 = tpu.vector_load %arg11[%get3A_604, %get3A_605, %get3A_606] {strides = array<i32>} : memref<2x128x64xf32, #tpu.memory_space<vmem>>, vector<16xf32>,
      %mul3A_608 = arith.mulf %get3A_602, %get3A_607 : vector<16xf32>
      %get3A_609 = arith.constant 1 : i32
      %get3A_610 = arith.index_cast %get3A_609 : i32 to index
      %get3A_611 = arith.index_cast %add3A_597 : i32 to index
      %get3A_612 = arith.constant 16 : index
      %get3A_613 = tpu.vector_load %arg10[%get3A_610, %get3A_611, %get3A_612] {strides = array<i32>} : memref<2x128x64xf32, #tpu.memory_space<vmem>>, vector<16xf32>,
      %get3A_614 = arith.constant 1 : i32
      %get3A_615 = arith.index_cast %get3A_614 : i32 to index
      %get3A_616 = arith.index_cast %add3A_597 : i32 to index
      %get3A_617 = arith.constant 16 : index
      %get3A_618 = tpu.vector_load %arg11[%get3A_615, %get3A_616, %get3A_617] {strides = array<i32>} : memref<2x128x64xf32, #tpu.memory_space<vmem>>, vector<16xf32>,
      %mul3A_619 = arith.mulf %get3A_613, %get3A_618 : vector<16xf32>
      %add3A_620 = arith.addf %mul3A_608, %mul3A_619 : vector<16xf32>
      %get3A_621 = arith.constant 1 : i32
      %get3A_622 = arith.index_cast %get3A_621 : i32 to index
      %get3A_623 = arith.index_cast %add3A_597 : i32 to index
      %get3A_624 = arith.constant 32 : index
      %get3A_625 = tpu.vector_load %arg10[%get3A_622, %get3A_623, %get3A_624] {strides = array<i32>} : memref<2x128x64xf32, #tpu.memory_space<vmem>>, vector<16xf32>,
      %get3A_626 = arith.constant 1 : i32
      %get3A_627 = arith.index_cast %get3A_626 : i32 to index
      %get3A_628 = arith.index_cast %add3A_597 : i32 to index
      %get3A_629 = arith.constant 32 : index
      %get3A_630 = tpu.vector_load %arg11[%get3A_627, %get3A_628, %get3A_629] {strides = array<i32>} : memref<2x128x64xf32, #tpu.memory_space<vmem>>, vector<16xf32>,
      %mul3A_631 = arith.mulf %get3A_625, %get3A_630 : vector<16xf32>
      %add3A_632 = arith.addf %add3A_620, %mul3A_631 : vector<16xf32>
      %get3A_633 = arith.constant 1 : i32
      %get3A_634 = arith.index_cast %get3A_633 : i32 to index
      %get3A_635 = arith.index_cast %add3A_597 : i32 to index
      %get3A_636 = arith.constant 48 : index
      %get3A_637 = tpu.vector_load %arg10[%get3A_634, %get3A_635, %get3A_636] {strides = array<i32>} : memref<2x128x64xf32, #tpu.memory_space<vmem>>, vector<16xf32>,
      %get3A_638 = arith.constant 1 : i32
      %get3A_639 = arith.index_cast %get3A_638 : i32 to index
      %get3A_640 = arith.index_cast %add3A_597 : i32 to index
      %get3A_641 = arith.constant 48 : index
      %get3A_642 = tpu.vector_load %arg11[%get3A_639, %get3A_640, %get3A_641] {strides = array<i32>} : memref<2x128x64xf32, #tpu.memory_space<vmem>>, vector<16xf32>,
      %mul3A_643 = arith.mulf %get3A_637, %get3A_642 : vector<16xf32>
      %add3A_644 = arith.addf %add3A_632, %mul3A_643 : vector<16xf32>
      %eq3A_645 = arith.constant 1 : i32
      %eq3A_646 = vector.broadcast %eq3A_645 : i32 to vector<16xi32>
      %eq3A_647 = arith.cmpi eq, %iota3A, %eq3A_646 : vector<16xi32>
      %reduce_sum3A_648 = arith.constant true
      %reduce_sum3A_649 = vector.broadcast %reduce_sum3A_648 : i1 to vector<16xi1>
      %reduce_sum3A_650 = tpu.scan <sum>, %add3A_644 masked %reduce_sum3A_649 : vector<16xf32>, vector<16xi1> -> vector<16xf32>
      %reduce_sum3A_651 = vector.extract %reduce_sum3A_650[15] : f32 from vector<16xf32>
      %broadcast_in_dim3A_652 = vector.broadcast %reduce_sum3A_651 : f32 to vector<16xf32>
      %select_n3A_653 = arith.select %eq3A_647, %broadcast_in_dim3A_652, %select_n3A : vector<16xi1>, vector<16xf32>
      %add3A_654 = arith.constant 2 : i32
      %add3A_655 = arith.addi %mul3A_539, %add3A_654 : i32
      %get3A_656 = arith.constant 1 : i32
      %get3A_657 = arith.index_cast %get3A_656 : i32 to index
      %get3A_658 = arith.index_cast %add3A_655 : i32 to index
      %get3A_659 = arith.constant 0 : index
      %get3A_660 = tpu.vector_load %arg10[%get3A_657, %get3A_658, %get3A_659] {strides = array<i32>} : memref<2x128x64xf32, #tpu.memory_space<vmem>>, vector<16xf32>,
      %get3A_661 = arith.constant 1 : i32
      %get3A_662 = arith.index_cast %get3A_661 : i32 to index
      %get3A_663 = arith.index_cast %add3A_655 : i32 to index
      %get3A_664 = arith.constant 0 : index
      %get3A_665 = tpu.vector_load %arg11[%get3A_662, %get3A_663, %get3A_664] {strides = array<i32>} : memref<2x128x64xf32, #tpu.memory_space<vmem>>, vector<16xf32>,
      %mul3A_666 = arith.mulf %get3A_660, %get3A_665 : vector<16xf32>
      %get3A_667 = arith.constant 1 : i32
      %get3A_668 = arith.index_cast %get3A_667 : i32 to index
      %get3A_669 = arith.index_cast %add3A_655 : i32 to index
      %get3A_670 = arith.constant 16 : index
      %get3A_671 = tpu.vector_load %arg10[%get3A_668, %get3A_669, %get3A_670] {strides = array<i32>} : memref<2x128x64xf32, #tpu.memory_space<vmem>>, vector<16xf32>,
      %get3A_672 = arith.constant 1 : i32
      %get3A_673 = arith.index_cast %get3A_672 : i32 to index
      %get3A_674 = arith.index_cast %add3A_655 : i32 to index
      %get3A_675 = arith.constant 16 : index
      %get3A_676 = tpu.vector_load %arg11[%get3A_673, %get3A_674, %get3A_675] {strides = array<i32>} : memref<2x128x64xf32, #tpu.memory_space<vmem>>, vector<16xf32>,
      %mul3A_677 = arith.mulf %get3A_671, %get3A_676 : vector<16xf32>
      %add3A_678 = arith.addf %mul3A_666, %mul3A_677 : vector<16xf32>
      %get3A_679 = arith.constant 1 : i32
      %get3A_680 = arith.index_cast %get3A_679 : i32 to index
      %get3A_681 = arith.index_cast %add3A_655 : i32 to index
      %get3A_682 = arith.constant 32 : index
      %get3A_683 = tpu.vector_load %arg10[%get3A_680, %get3A_681, %get3A_682] {strides = array<i32>} : memref<2x128x64xf32, #tpu.memory_space<vmem>>, vector<16xf32>,
      %get3A_684 = arith.constant 1 : i32
      %get3A_685 = arith.index_cast %get3A_684 : i32 to index
      %get3A_686 = arith.index_cast %add3A_655 : i32 to index
      %get3A_687 = arith.constant 32 : index
      %get3A_688 = tpu.vector_load %arg11[%get3A_685, %get3A_686, %get3A_687] {strides = array<i32>} : memref<2x128x64xf32, #tpu.memory_space<vmem>>, vector<16xf32>,
      %mul3A_689 = arith.mulf %get3A_683, %get3A_688 : vector<16xf32>
      %add3A_690 = arith.addf %add3A_678, %mul3A_689 : vector<16xf32>
      %get3A_691 = arith.constant 1 : i32
      %get3A_692 = arith.index_cast %get3A_691 : i32 to index
      %get3A_693 = arith.index_cast %add3A_655 : i32 to index
      %get3A_694 = arith.constant 48 : index
      %get3A_695 = tpu.vector_load %arg10[%get3A_692, %get3A_693, %get3A_694] {strides = array<i32>} : memref<2x128x64xf32, #tpu.memory_space<vmem>>, vector<16xf32>,
      %get3A_696 = arith.constant 1 : i32
      %get3A_697 = arith.index_cast %get3A_696 : i32 to index
      %get3A_698 = arith.index_cast %add3A_655 : i32 to index
      %get3A_699 = arith.constant 48 : index
      %get3A_700 = tpu.vector_load %arg11[%get3A_697, %get3A_698, %get3A_699] {strides = array<i32>} : memref<2x128x64xf32, #tpu.memory_space<vmem>>, vector<16xf32>,
      %mul3A_701 = arith.mulf %get3A_695, %get3A_700 : vector<16xf32>
      %add3A_702 = arith.addf %add3A_690, %mul3A_701 : vector<16xf32>
      %eq3A_703 = arith.constant 2 : i32
      %eq3A_704 = vector.broadcast %eq3A_703 : i32 to vector<16xi32>
      %eq3A_705 = arith.cmpi eq, %iota3A, %eq3A_704 : vector<16xi32>
      %reduce_sum3A_706 = arith.constant true
      %reduce_sum3A_707 = vector.broadcast %reduce_sum3A_706 : i1 to vector<16xi1>
      %reduce_sum3A_708 = tpu.scan <sum>, %add3A_702 masked %reduce_sum3A_707 : vector<16xf32>, vector<16xi1> -> vector<16xf32>
      %reduce_sum3A_709 = vector.extract %reduce_sum3A_708[15] : f32 from vector<16xf32>
      %broadcast_in_dim3A_710 = vector.broadcast %reduce_sum3A_709 : f32 to vector<16xf32>
      %select_n3A_711 = arith.select %eq3A_705, %broadcast_in_dim3A_710, %select_n3A_653 : vector<16xi1>, vector<16xf32>
      %add3A_712 = arith.constant 3 : i32
      %add3A_713 = arith.addi %mul3A_539, %add3A_712 : i32
      %get3A_714 = arith.constant 1 : i32
      %get3A_715 = arith.index_cast %get3A_714 : i32 to index
      %get3A_716 = arith.index_cast %add3A_713 : i32 to index
      %get3A_717 = arith.constant 0 : index
      %get3A_718 = tpu.vector_load %arg10[%get3A_715, %get3A_716, %get3A_717] {strides = array<i32>} : memref<2x128x64xf32, #tpu.memory_space<vmem>>, vector<16xf32>,
      %get3A_719 = arith.constant 1 : i32
      %get3A_720 = arith.index_cast %get3A_719 : i32 to index
      %get3A_721 = arith.index_cast %add3A_713 : i32 to index
      %get3A_722 = arith.constant 0 : index
      %get3A_723 = tpu.vector_load %arg11[%get3A_720, %get3A_721, %get3A_722] {strides = array<i32>} : memref<2x128x64xf32, #tpu.memory_space<vmem>>, vector<16xf32>,
      %mul3A_724 = arith.mulf %get3A_718, %get3A_723 : vector<16xf32>
      %get3A_725 = arith.constant 1 : i32
      %get3A_726 = arith.index_cast %get3A_725 : i32 to index
      %get3A_727 = arith.index_cast %add3A_713 : i32 to index
      %get3A_728 = arith.constant 16 : index
      %get3A_729 = tpu.vector_load %arg10[%get3A_726, %get3A_727, %get3A_728] {strides = array<i32>} : memref<2x128x64xf32, #tpu.memory_space<vmem>>, vector<16xf32>,
      %get3A_730 = arith.constant 1 : i32
      %get3A_731 = arith.index_cast %get3A_730 : i32 to index
      %get3A_732 = arith.index_cast %add3A_713 : i32 to index
      %get3A_733 = arith.constant 16 : index
      %get3A_734 = tpu.vector_load %arg11[%get3A_731, %get3A_732, %get3A_733] {strides = array<i32>} : memref<2x128x64xf32, #tpu.memory_space<vmem>>, vector<16xf32>,
      %mul3A_735 = arith.mulf %get3A_729, %get3A_734 : vector<16xf32>
      %add3A_736 = arith.addf %mul3A_724, %mul3A_735 : vector<16xf32>
      %get3A_737 = arith.constant 1 : i32
      %get3A_738 = arith.index_cast %get3A_737 : i32 to index
      %get3A_739 = arith.index_cast %add3A_713 : i32 to index
      %get3A_740 = arith.constant 32 : index
      %get3A_741 = tpu.vector_load %arg10[%get3A_738, %get3A_739, %get3A_740] {strides = array<i32>} : memref<2x128x64xf32, #tpu.memory_space<vmem>>, vector<16xf32>,
      %get3A_742 = arith.constant 1 : i32
      %get3A_743 = arith.index_cast %get3A_742 : i32 to index
      %get3A_744 = arith.index_cast %add3A_713 : i32 to index
      %get3A_745 = arith.constant 32 : index
      %get3A_746 = tpu.vector_load %arg11[%get3A_743, %get3A_744, %get3A_745] {strides = array<i32>} : memref<2x128x64xf32, #tpu.memory_space<vmem>>, vector<16xf32>,
      %mul3A_747 = arith.mulf %get3A_741, %get3A_746 : vector<16xf32>
      %add3A_748 = arith.addf %add3A_736, %mul3A_747 : vector<16xf32>
      %get3A_749 = arith.constant 1 : i32
      %get3A_750 = arith.index_cast %get3A_749 : i32 to index
      %get3A_751 = arith.index_cast %add3A_713 : i32 to index
      %get3A_752 = arith.constant 48 : index
      %get3A_753 = tpu.vector_load %arg10[%get3A_750, %get3A_751, %get3A_752] {strides = array<i32>} : memref<2x128x64xf32, #tpu.memory_space<vmem>>, vector<16xf32>,
      %get3A_754 = arith.constant 1 : i32
      %get3A_755 = arith.index_cast %get3A_754 : i32 to index
      %get3A_756 = arith.index_cast %add3A_713 : i32 to index
      %get3A_757 = arith.constant 48 : index
      %get3A_758 = tpu.vector_load %arg11[%get3A_755, %get3A_756, %get3A_757] {strides = array<i32>} : memref<2x128x64xf32, #tpu.memory_space<vmem>>, vector<16xf32>,
      %mul3A_759 = arith.mulf %get3A_753, %get3A_758 : vector<16xf32>
      %add3A_760 = arith.addf %add3A_748, %mul3A_759 : vector<16xf32>
      %eq3A_761 = arith.constant 3 : i32
      %eq3A_762 = vector.broadcast %eq3A_761 : i32 to vector<16xi32>
      %eq3A_763 = arith.cmpi eq, %iota3A, %eq3A_762 : vector<16xi32>
      %reduce_sum3A_764 = arith.constant true
      %reduce_sum3A_765 = vector.broadcast %reduce_sum3A_764 : i1 to vector<16xi1>
      %reduce_sum3A_766 = tpu.scan <sum>, %add3A_760 masked %reduce_sum3A_765 : vector<16xf32>, vector<16xi1> -> vector<16xf32>
      %reduce_sum3A_767 = vector.extract %reduce_sum3A_766[15] : f32 from vector<16xf32>
      %broadcast_in_dim3A_768 = vector.broadcast %reduce_sum3A_767 : f32 to vector<16xf32>
      %select_n3A_769 = arith.select %eq3A_763, %broadcast_in_dim3A_768, %select_n3A_711 : vector<16xi1>, vector<16xf32>
      %add3A_770 = arith.constant 4 : i32
      %add3A_771 = arith.addi %mul3A_539, %add3A_770 : i32
      %get3A_772 = arith.constant 1 : i32
      %get3A_773 = arith.index_cast %get3A_772 : i32 to index
      %get3A_774 = arith.index_cast %add3A_771 : i32 to index
      %get3A_775 = arith.constant 0 : index
      %get3A_776 = tpu.vector_load %arg10[%get3A_773, %get3A_774, %get3A_775] {strides = array<i32>} : memref<2x128x64xf32, #tpu.memory_space<vmem>>, vector<16xf32>,
      %get3A_777 = arith.constant 1 : i32
      %get3A_778 = arith.index_cast %get3A_777 : i32 to index
      %get3A_779 = arith.index_cast %add3A_771 : i32 to index
      %get3A_780 = arith.constant 0 : index
      %get3A_781 = tpu.vector_load %arg11[%get3A_778, %get3A_779, %get3A_780] {strides = array<i32>} : memref<2x128x64xf32, #tpu.memory_space<vmem>>, vector<16xf32>,
      %mul3A_782 = arith.mulf %get3A_776, %get3A_781 : vector<16xf32>
      %get3A_783 = arith.constant 1 : i32
      %get3A_784 = arith.index_cast %get3A_783 : i32 to index
      %get3A_785 = arith.index_cast %add3A_771 : i32 to index
      %get3A_786 = arith.constant 16 : index
      %get3A_787 = tpu.vector_load %arg10[%get3A_784, %get3A_785, %get3A_786] {strides = array<i32>} : memref<2x128x64xf32, #tpu.memory_space<vmem>>, vector<16xf32>,
      %get3A_788 = arith.constant 1 : i32
      %get3A_789 = arith.index_cast %get3A_788 : i32 to index
      %get3A_790 = arith.index_cast %add3A_771 : i32 to index
      %get3A_791 = arith.constant 16 : index
      %get3A_792 = tpu.vector_load %arg11[%get3A_789, %get3A_790, %get3A_791] {strides = array<i32>} : memref<2x128x64xf32, #tpu.memory_space<vmem>>, vector<16xf32>,
      %mul3A_793 = arith.mulf %get3A_787, %get3A_792 : vector<16xf32>
      %add3A_794 = arith.addf %mul3A_782, %mul3A_793 : vector<16xf32>
      %get3A_795 = arith.constant 1 : i32
      %get3A_796 = arith.index_cast %get3A_795 : i32 to index
      %get3A_797 = arith.index_cast %add3A_771 : i32 to index
      %get3A_798 = arith.constant 32 : index
      %get3A_799 = tpu.vector_load %arg10[%get3A_796, %get3A_797, %get3A_798] {strides = array<i32>} : memref<2x128x64xf32, #tpu.memory_space<vmem>>, vector<16xf32>,
      %get3A_800 = arith.constant 1 : i32
      %get3A_801 = arith.index_cast %get3A_800 : i32 to index
      %get3A_802 = arith.index_cast %add3A_771 : i32 to index
      %get3A_803 = arith.constant 32 : index
      %get3A_804 = tpu.vector_load %arg11[%get3A_801, %get3A_802, %get3A_803] {strides = array<i32>} : memref<2x128x64xf32, #tpu.memory_space<vmem>>, vector<16xf32>,
      %mul3A_805 = arith.mulf %get3A_799, %get3A_804 : vector<16xf32>
      %add3A_806 = arith.addf %add3A_794, %mul3A_805 : vector<16xf32>
      %get3A_807 = arith.constant 1 : i32
      %get3A_808 = arith.index_cast %get3A_807 : i32 to index
      %get3A_809 = arith.index_cast %add3A_771 : i32 to index
      %get3A_810 = arith.constant 48 : index
      %get3A_811 = tpu.vector_load %arg10[%get3A_808, %get3A_809, %get3A_810] {strides = array<i32>} : memref<2x128x64xf32, #tpu.memory_space<vmem>>, vector<16xf32>,
      %get3A_812 = arith.constant 1 : i32
      %get3A_813 = arith.index_cast %get3A_812 : i32 to index
      %get3A_814 = arith.index_cast %add3A_771 : i32 to index
      %get3A_815 = arith.constant 48 : index
      %get3A_816 = tpu.vector_load %arg11[%get3A_813, %get3A_814, %get3A_815] {strides = array<i32>} : memref<2x128x64xf32, #tpu.memory_space<vmem>>, vector<16xf32>,
      %mul3A_817 = arith.mulf %get3A_811, %get3A_816 : vector<16xf32>
      %add3A_818 = arith.addf %add3A_806, %mul3A_817 : vector<16xf32>
      %eq3A_819 = arith.constant 4 : i32
      %eq3A_820 = vector.broadcast %eq3A_819 : i32 to vector<16xi32>
      %eq3A_821 = arith.cmpi eq, %iota3A, %eq3A_820 : vector<16xi32>
      %reduce_sum3A_822 = arith.constant true
      %reduce_sum3A_823 = vector.broadcast %reduce_sum3A_822 : i1 to vector<16xi1>
      %reduce_sum3A_824 = tpu.scan <sum>, %add3A_818 masked %reduce_sum3A_823 : vector<16xf32>, vector<16xi1> -> vector<16xf32>
      %reduce_sum3A_825 = vector.extract %reduce_sum3A_824[15] : f32 from vector<16xf32>
      %broadcast_in_dim3A_826 = vector.broadcast %reduce_sum3A_825 : f32 to vector<16xf32>
      %select_n3A_827 = arith.select %eq3A_821, %broadcast_in_dim3A_826, %select_n3A_769 : vector<16xi1>, vector<16xf32>
      %add3A_828 = arith.constant 5 : i32
      %add3A_829 = arith.addi %mul3A_539, %add3A_828 : i32
      %get3A_830 = arith.constant 1 : i32
      %get3A_831 = arith.index_cast %get3A_830 : i32 to index
      %get3A_832 = arith.index_cast %add3A_829 : i32 to index
      %get3A_833 = arith.constant 0 : index
      %get3A_834 = tpu.vector_load %arg10[%get3A_831, %get3A_832, %get3A_833] {strides = array<i32>} : memref<2x128x64xf32, #tpu.memory_space<vmem>>, vector<16xf32>,
      %get3A_835 = arith.constant 1 : i32
      %get3A_836 = arith.index_cast %get3A_835 : i32 to index
      %get3A_837 = arith.index_cast %add3A_829 : i32 to index
      %get3A_838 = arith.constant 0 : index
      %get3A_839 = tpu.vector_load %arg11[%get3A_836, %get3A_837, %get3A_838] {strides = array<i32>} : memref<2x128x64xf32, #tpu.memory_space<vmem>>, vector<16xf32>,
      %mul3A_840 = arith.mulf %get3A_834, %get3A_839 : vector<16xf32>
      %get3A_841 = arith.constant 1 : i32
      %get3A_842 = arith.index_cast %get3A_841 : i32 to index
      %get3A_843 = arith.index_cast %add3A_829 : i32 to index
      %get3A_844 = arith.constant 16 : index
      %get3A_845 = tpu.vector_load %arg10[%get3A_842, %get3A_843, %get3A_844] {strides = array<i32>} : memref<2x128x64xf32, #tpu.memory_space<vmem>>, vector<16xf32>,
      %get3A_846 = arith.constant 1 : i32
      %get3A_847 = arith.index_cast %get3A_846 : i32 to index
      %get3A_848 = arith.index_cast %add3A_829 : i32 to index
      %get3A_849 = arith.constant 16 : index
      %get3A_850 = tpu.vector_load %arg11[%get3A_847, %get3A_848, %get3A_849] {strides = array<i32>} : memref<2x128x64xf32, #tpu.memory_space<vmem>>, vector<16xf32>,
      %mul3A_851 = arith.mulf %get3A_845, %get3A_850 : vector<16xf32>
      %add3A_852 = arith.addf %mul3A_840, %mul3A_851 : vector<16xf32>
      %get3A_853 = arith.constant 1 : i32
      %get3A_854 = arith.index_cast %get3A_853 : i32 to index
      %get3A_855 = arith.index_cast %add3A_829 : i32 to index
      %get3A_856 = arith.constant 32 : index
      %get3A_857 = tpu.vector_load %arg10[%get3A_854, %get3A_855, %get3A_856] {strides = array<i32>} : memref<2x128x64xf32, #tpu.memory_space<vmem>>, vector<16xf32>,
      %get3A_858 = arith.constant 1 : i32
      %get3A_859 = arith.index_cast %get3A_858 : i32 to index
      %get3A_860 = arith.index_cast %add3A_829 : i32 to index
      %get3A_861 = arith.constant 32 : index
      %get3A_862 = tpu.vector_load %arg11[%get3A_859, %get3A_860, %get3A_861] {strides = array<i32>} : memref<2x128x64xf32, #tpu.memory_space<vmem>>, vector<16xf32>,
      %mul3A_863 = arith.mulf %get3A_857, %get3A_862 : vector<16xf32>
      %add3A_864 = arith.addf %add3A_852, %mul3A_863 : vector<16xf32>
      %get3A_865 = arith.constant 1 : i32
      %get3A_866 = arith.index_cast %get3A_865 : i32 to index
      %get3A_867 = arith.index_cast %add3A_829 : i32 to index
      %get3A_868 = arith.constant 48 : index
      %get3A_869 = tpu.vector_load %arg10[%get3A_866, %get3A_867, %get3A_868] {strides = array<i32>} : memref<2x128x64xf32, #tpu.memory_space<vmem>>, vector<16xf32>,
      %get3A_870 = arith.constant 1 : i32
      %get3A_871 = arith.index_cast %get3A_870 : i32 to index
      %get3A_872 = arith.index_cast %add3A_829 : i32 to index
      %get3A_873 = arith.constant 48 : index
      %get3A_874 = tpu.vector_load %arg11[%get3A_871, %get3A_872, %get3A_873] {strides = array<i32>} : memref<2x128x64xf32, #tpu.memory_space<vmem>>, vector<16xf32>,
      %mul3A_875 = arith.mulf %get3A_869, %get3A_874 : vector<16xf32>
      %add3A_876 = arith.addf %add3A_864, %mul3A_875 : vector<16xf32>
      %eq3A_877 = arith.constant 5 : i32
      %eq3A_878 = vector.broadcast %eq3A_877 : i32 to vector<16xi32>
      %eq3A_879 = arith.cmpi eq, %iota3A, %eq3A_878 : vector<16xi32>
      %reduce_sum3A_880 = arith.constant true
      %reduce_sum3A_881 = vector.broadcast %reduce_sum3A_880 : i1 to vector<16xi1>
      %reduce_sum3A_882 = tpu.scan <sum>, %add3A_876 masked %reduce_sum3A_881 : vector<16xf32>, vector<16xi1> -> vector<16xf32>
      %reduce_sum3A_883 = vector.extract %reduce_sum3A_882[15] : f32 from vector<16xf32>
      %broadcast_in_dim3A_884 = vector.broadcast %reduce_sum3A_883 : f32 to vector<16xf32>
      %select_n3A_885 = arith.select %eq3A_879, %broadcast_in_dim3A_884, %select_n3A_827 : vector<16xi1>, vector<16xf32>
      %add3A_886 = arith.constant 6 : i32
      %add3A_887 = arith.addi %mul3A_539, %add3A_886 : i32
      %get3A_888 = arith.constant 1 : i32
      %get3A_889 = arith.index_cast %get3A_888 : i32 to index
      %get3A_890 = arith.index_cast %add3A_887 : i32 to index
      %get3A_891 = arith.constant 0 : index
      %get3A_892 = tpu.vector_load %arg10[%get3A_889, %get3A_890, %get3A_891] {strides = array<i32>} : memref<2x128x64xf32, #tpu.memory_space<vmem>>, vector<16xf32>,
      %get3A_893 = arith.constant 1 : i32
      %get3A_894 = arith.index_cast %get3A_893 : i32 to index
      %get3A_895 = arith.index_cast %add3A_887 : i32 to index
      %get3A_896 = arith.constant 0 : index
      %get3A_897 = tpu.vector_load %arg11[%get3A_894, %get3A_895, %get3A_896] {strides = array<i32>} : memref<2x128x64xf32, #tpu.memory_space<vmem>>, vector<16xf32>,
      %mul3A_898 = arith.mulf %get3A_892, %get3A_897 : vector<16xf32>
      %get3A_899 = arith.constant 1 : i32
      %get3A_900 = arith.index_cast %get3A_899 : i32 to index
      %get3A_901 = arith.index_cast %add3A_887 : i32 to index
      %get3A_902 = arith.constant 16 : index
      %get3A_903 = tpu.vector_load %arg10[%get3A_900, %get3A_901, %get3A_902] {strides = array<i32>} : memref<2x128x64xf32, #tpu.memory_space<vmem>>, vector<16xf32>,
      %get3A_904 = arith.constant 1 : i32
      %get3A_905 = arith.index_cast %get3A_904 : i32 to index
      %get3A_906 = arith.index_cast %add3A_887 : i32 to index
      %get3A_907 = arith.constant 16 : index
      %get3A_908 = tpu.vector_load %arg11[%get3A_905, %get3A_906, %get3A_907] {strides = array<i32>} : memref<2x128x64xf32, #tpu.memory_space<vmem>>, vector<16xf32>,
      %mul3A_909 = arith.mulf %get3A_903, %get3A_908 : vector<16xf32>
      %add3A_910 = arith.addf %mul3A_898, %mul3A_909 : vector<16xf32>
      %get3A_911 = arith.constant 1 : i32
      %get3A_912 = arith.index_cast %get3A_911 : i32 to index
      %get3A_913 = arith.index_cast %add3A_887 : i32 to index
      %get3A_914 = arith.constant 32 : index
      %get3A_915 = tpu.vector_load %arg10[%get3A_912, %get3A_913, %get3A_914] {strides = array<i32>} : memref<2x128x64xf32, #tpu.memory_space<vmem>>, vector<16xf32>,
      %get3A_916 = arith.constant 1 : i32
      %get3A_917 = arith.index_cast %get3A_916 : i32 to index
      %get3A_918 = arith.index_cast %add3A_887 : i32 to index
      %get3A_919 = arith.constant 32 : index
      %get3A_920 = tpu.vector_load %arg11[%get3A_917, %get3A_918, %get3A_919] {strides = array<i32>} : memref<2x128x64xf32, #tpu.memory_space<vmem>>, vector<16xf32>,
      %mul3A_921 = arith.mulf %get3A_915, %get3A_920 : vector<16xf32>
      %add3A_922 = arith.addf %add3A_910, %mul3A_921 : vector<16xf32>
      %get3A_923 = arith.constant 1 : i32
      %get3A_924 = arith.index_cast %get3A_923 : i32 to index
      %get3A_925 = arith.index_cast %add3A_887 : i32 to index
      %get3A_926 = arith.constant 48 : index
      %get3A_927 = tpu.vector_load %arg10[%get3A_924, %get3A_925, %get3A_926] {strides = array<i32>} : memref<2x128x64xf32, #tpu.memory_space<vmem>>, vector<16xf32>,
      %get3A_928 = arith.constant 1 : i32
      %get3A_929 = arith.index_cast %get3A_928 : i32 to index
      %get3A_930 = arith.index_cast %add3A_887 : i32 to index
      %get3A_931 = arith.constant 48 : index
      %get3A_932 = tpu.vector_load %arg11[%get3A_929, %get3A_930, %get3A_931] {strides = array<i32>} : memref<2x128x64xf32, #tpu.memory_space<vmem>>, vector<16xf32>,
      %mul3A_933 = arith.mulf %get3A_927, %get3A_932 : vector<16xf32>
      %add3A_934 = arith.addf %add3A_922, %mul3A_933 : vector<16xf32>
      %eq3A_935 = arith.constant 6 : i32
      %eq3A_936 = vector.broadcast %eq3A_935 : i32 to vector<16xi32>
      %eq3A_937 = arith.cmpi eq, %iota3A, %eq3A_936 : vector<16xi32>
      %reduce_sum3A_938 = arith.constant true
      %reduce_sum3A_939 = vector.broadcast %reduce_sum3A_938 : i1 to vector<16xi1>
      %reduce_sum3A_940 = tpu.scan <sum>, %add3A_934 masked %reduce_sum3A_939 : vector<16xf32>, vector<16xi1> -> vector<16xf32>
      %reduce_sum3A_941 = vector.extract %reduce_sum3A_940[15] : f32 from vector<16xf32>
      %broadcast_in_dim3A_942 = vector.broadcast %reduce_sum3A_941 : f32 to vector<16xf32>
      %select_n3A_943 = arith.select %eq3A_937, %broadcast_in_dim3A_942, %select_n3A_885 : vector<16xi1>, vector<16xf32>
      %add3A_944 = arith.constant 7 : i32
      %add3A_945 = arith.addi %mul3A_539, %add3A_944 : i32
      %get3A_946 = arith.constant 1 : i32
      %get3A_947 = arith.index_cast %get3A_946 : i32 to index
      %get3A_948 = arith.index_cast %add3A_945 : i32 to index
      %get3A_949 = arith.constant 0 : index
      %get3A_950 = tpu.vector_load %arg10[%get3A_947, %get3A_948, %get3A_949] {strides = array<i32>} : memref<2x128x64xf32, #tpu.memory_space<vmem>>, vector<16xf32>,
      %get3A_951 = arith.constant 1 : i32
      %get3A_952 = arith.index_cast %get3A_951 : i32 to index
      %get3A_953 = arith.index_cast %add3A_945 : i32 to index
      %get3A_954 = arith.constant 0 : index
      %get3A_955 = tpu.vector_load %arg11[%get3A_952, %get3A_953, %get3A_954] {strides = array<i32>} : memref<2x128x64xf32, #tpu.memory_space<vmem>>, vector<16xf32>,
      %mul3A_956 = arith.mulf %get3A_950, %get3A_955 : vector<16xf32>
      %get3A_957 = arith.constant 1 : i32
      %get3A_958 = arith.index_cast %get3A_957 : i32 to index
      %get3A_959 = arith.index_cast %add3A_945 : i32 to index
      %get3A_960 = arith.constant 16 : index
      %get3A_961 = tpu.vector_load %arg10[%get3A_958, %get3A_959, %get3A_960] {strides = array<i32>} : memref<2x128x64xf32, #tpu.memory_space<vmem>>, vector<16xf32>,
      %get3A_962 = arith.constant 1 : i32
      %get3A_963 = arith.index_cast %get3A_962 : i32 to index
      %get3A_964 = arith.index_cast %add3A_945 : i32 to index
      %get3A_965 = arith.constant 16 : index
      %get3A_966 = tpu.vector_load %arg11[%get3A_963, %get3A_964, %get3A_965] {strides = array<i32>} : memref<2x128x64xf32, #tpu.memory_space<vmem>>, vector<16xf32>,
      %mul3A_967 = arith.mulf %get3A_961, %get3A_966 : vector<16xf32>
      %add3A_968 = arith.addf %mul3A_956, %mul3A_967 : vector<16xf32>
      %get3A_969 = arith.constant 1 : i32
      %get3A_970 = arith.index_cast %get3A_969 : i32 to index
      %get3A_971 = arith.index_cast %add3A_945 : i32 to index
      %get3A_972 = arith.constant 32 : index
      %get3A_973 = tpu.vector_load %arg10[%get3A_970, %get3A_971, %get3A_972] {strides = array<i32>} : memref<2x128x64xf32, #tpu.memory_space<vmem>>, vector<16xf32>,
      %get3A_974 = arith.constant 1 : i32
      %get3A_975 = arith.index_cast %get3A_974 : i32 to index
      %get3A_976 = arith.index_cast %add3A_945 : i32 to index
      %get3A_977 = arith.constant 32 : index
      %get3A_978 = tpu.vector_load %arg11[%get3A_975, %get3A_976, %get3A_977] {strides = array<i32>} : memref<2x128x64xf32, #tpu.memory_space<vmem>>, vector<16xf32>,
      %mul3A_979 = arith.mulf %get3A_973, %get3A_978 : vector<16xf32>
      %add3A_980 = arith.addf %add3A_968, %mul3A_979 : vector<16xf32>
      %get3A_981 = arith.constant 1 : i32
      %get3A_982 = arith.index_cast %get3A_981 : i32 to index
      %get3A_983 = arith.index_cast %add3A_945 : i32 to index
      %get3A_984 = arith.constant 48 : index
      %get3A_985 = tpu.vector_load %arg10[%get3A_982, %get3A_983, %get3A_984] {strides = array<i32>} : memref<2x128x64xf32, #tpu.memory_space<vmem>>, vector<16xf32>,
      %get3A_986 = arith.constant 1 : i32
      %get3A_987 = arith.index_cast %get3A_986 : i32 to index
      %get3A_988 = arith.index_cast %add3A_945 : i32 to index
      %get3A_989 = arith.constant 48 : index
      %get3A_990 = tpu.vector_load %arg11[%get3A_987, %get3A_988, %get3A_989] {strides = array<i32>} : memref<2x128x64xf32, #tpu.memory_space<vmem>>, vector<16xf32>,
      %mul3A_991 = arith.mulf %get3A_985, %get3A_990 : vector<16xf32>
      %add3A_992 = arith.addf %add3A_980, %mul3A_991 : vector<16xf32>
      %eq3A_993 = arith.constant 7 : i32
      %eq3A_994 = vector.broadcast %eq3A_993 : i32 to vector<16xi32>
      %eq3A_995 = arith.cmpi eq, %iota3A, %eq3A_994 : vector<16xi32>
      %reduce_sum3A_996 = arith.constant true
      %reduce_sum3A_997 = vector.broadcast %reduce_sum3A_996 : i1 to vector<16xi1>
      %reduce_sum3A_998 = tpu.scan <sum>, %add3A_992 masked %reduce_sum3A_997 : vector<16xf32>, vector<16xi1> -> vector<16xf32>
      %reduce_sum3A_999 = vector.extract %reduce_sum3A_998[15] : f32 from vector<16xf32>
      %broadcast_in_dim3A_1000 = vector.broadcast %reduce_sum3A_999 : f32 to vector<16xf32>
      %select_n3A_1001 = arith.select %eq3A_995, %broadcast_in_dim3A_1000, %select_n3A_943 : vector<16xi1>, vector<16xf32>
      %add3A_1002 = arith.constant 8 : i32
      %add3A_1003 = arith.addi %mul3A_539, %add3A_1002 : i32
      %get3A_1004 = arith.constant 1 : i32
      %get3A_1005 = arith.index_cast %get3A_1004 : i32 to index
      %get3A_1006 = arith.index_cast %add3A_1003 : i32 to index
      %get3A_1007 = arith.constant 0 : index
      %get3A_1008 = tpu.vector_load %arg10[%get3A_1005, %get3A_1006, %get3A_1007] {strides = array<i32>} : memref<2x128x64xf32, #tpu.memory_space<vmem>>, vector<16xf32>,
      %get3A_1009 = arith.constant 1 : i32
      %get3A_1010 = arith.index_cast %get3A_1009 : i32 to index
      %get3A_1011 = arith.index_cast %add3A_1003 : i32 to index
      %get3A_1012 = arith.constant 0 : index
      %get3A_1013 = tpu.vector_load %arg11[%get3A_1010, %get3A_1011, %get3A_1012] {strides = array<i32>} : memref<2x128x64xf32, #tpu.memory_space<vmem>>, vector<16xf32>,
      %mul3A_1014 = arith.mulf %get3A_1008, %get3A_1013 : vector<16xf32>
      %get3A_1015 = arith.constant 1 : i32
      %get3A_1016 = arith.index_cast %get3A_1015 : i32 to index
      %get3A_1017 = arith.index_cast %add3A_1003 : i32 to index
      %get3A_1018 = arith.constant 16 : index
      %get3A_1019 = tpu.vector_load %arg10[%get3A_1016, %get3A_1017, %get3A_1018] {strides = array<i32>} : memref<2x128x64xf32, #tpu.memory_space<vmem>>, vector<16xf32>,
      %get3A_1020 = arith.constant 1 : i32
      %get3A_1021 = arith.index_cast %get3A_1020 : i32 to index
      %get3A_1022 = arith.index_cast %add3A_1003 : i32 to index
      %get3A_1023 = arith.constant 16 : index
      %get3A_1024 = tpu.vector_load %arg11[%get3A_1021, %get3A_1022, %get3A_1023] {strides = array<i32>} : memref<2x128x64xf32, #tpu.memory_space<vmem>>, vector<16xf32>,
      %mul3A_1025 = arith.mulf %get3A_1019, %get3A_1024 : vector<16xf32>
      %add3A_1026 = arith.addf %mul3A_1014, %mul3A_1025 : vector<16xf32>
      %get3A_1027 = arith.constant 1 : i32
      %get3A_1028 = arith.index_cast %get3A_1027 : i32 to index
      %get3A_1029 = arith.index_cast %add3A_1003 : i32 to index
      %get3A_1030 = arith.constant 32 : index
      %get3A_1031 = tpu.vector_load %arg10[%get3A_1028, %get3A_1029, %get3A_1030] {strides = array<i32>} : memref<2x128x64xf32, #tpu.memory_space<vmem>>, vector<16xf32>,
      %get3A_1032 = arith.constant 1 : i32
      %get3A_1033 = arith.index_cast %get3A_1032 : i32 to index
      %get3A_1034 = arith.index_cast %add3A_1003 : i32 to index
      %get3A_1035 = arith.constant 32 : index
      %get3A_1036 = tpu.vector_load %arg11[%get3A_1033, %get3A_1034, %get3A_1035] {strides = array<i32>} : memref<2x128x64xf32, #tpu.memory_space<vmem>>, vector<16xf32>,
      %mul3A_1037 = arith.mulf %get3A_1031, %get3A_1036 : vector<16xf32>
      %add3A_1038 = arith.addf %add3A_1026, %mul3A_1037 : vector<16xf32>
      %get3A_1039 = arith.constant 1 : i32
      %get3A_1040 = arith.index_cast %get3A_1039 : i32 to index
      %get3A_1041 = arith.index_cast %add3A_1003 : i32 to index
      %get3A_1042 = arith.constant 48 : index
      %get3A_1043 = tpu.vector_load %arg10[%get3A_1040, %get3A_1041, %get3A_1042] {strides = array<i32>} : memref<2x128x64xf32, #tpu.memory_space<vmem>>, vector<16xf32>,
      %get3A_1044 = arith.constant 1 : i32
      %get3A_1045 = arith.index_cast %get3A_1044 : i32 to index
      %get3A_1046 = arith.index_cast %add3A_1003 : i32 to index
      %get3A_1047 = arith.constant 48 : index
      %get3A_1048 = tpu.vector_load %arg11[%get3A_1045, %get3A_1046, %get3A_1047] {strides = array<i32>} : memref<2x128x64xf32, #tpu.memory_space<vmem>>, vector<16xf32>,
      %mul3A_1049 = arith.mulf %get3A_1043, %get3A_1048 : vector<16xf32>
      %add3A_1050 = arith.addf %add3A_1038, %mul3A_1049 : vector<16xf32>
      %eq3A_1051 = arith.constant 8 : i32
      %eq3A_1052 = vector.broadcast %eq3A_1051 : i32 to vector<16xi32>
      %eq3A_1053 = arith.cmpi eq, %iota3A, %eq3A_1052 : vector<16xi32>
      %reduce_sum3A_1054 = arith.constant true
      %reduce_sum3A_1055 = vector.broadcast %reduce_sum3A_1054 : i1 to vector<16xi1>
      %reduce_sum3A_1056 = tpu.scan <sum>, %add3A_1050 masked %reduce_sum3A_1055 : vector<16xf32>, vector<16xi1> -> vector<16xf32>
      %reduce_sum3A_1057 = vector.extract %reduce_sum3A_1056[15] : f32 from vector<16xf32>
      %broadcast_in_dim3A_1058 = vector.broadcast %reduce_sum3A_1057 : f32 to vector<16xf32>
      %select_n3A_1059 = arith.select %eq3A_1053, %broadcast_in_dim3A_1058, %select_n3A_1001 : vector<16xi1>, vector<16xf32>
      %add3A_1060 = arith.constant 9 : i32
      %add3A_1061 = arith.addi %mul3A_539, %add3A_1060 : i32
      %get3A_1062 = arith.constant 1 : i32
      %get3A_1063 = arith.index_cast %get3A_1062 : i32 to index
      %get3A_1064 = arith.index_cast %add3A_1061 : i32 to index
      %get3A_1065 = arith.constant 0 : index
      %get3A_1066 = tpu.vector_load %arg10[%get3A_1063, %get3A_1064, %get3A_1065] {strides = array<i32>} : memref<2x128x64xf32, #tpu.memory_space<vmem>>, vector<16xf32>,
      %get3A_1067 = arith.constant 1 : i32
      %get3A_1068 = arith.index_cast %get3A_1067 : i32 to index
      %get3A_1069 = arith.index_cast %add3A_1061 : i32 to index
      %get3A_1070 = arith.constant 0 : index
      %get3A_1071 = tpu.vector_load %arg11[%get3A_1068, %get3A_1069, %get3A_1070] {strides = array<i32>} : memref<2x128x64xf32, #tpu.memory_space<vmem>>, vector<16xf32>,
      %mul3A_1072 = arith.mulf %get3A_1066, %get3A_1071 : vector<16xf32>
      %get3A_1073 = arith.constant 1 : i32
      %get3A_1074 = arith.index_cast %get3A_1073 : i32 to index
      %get3A_1075 = arith.index_cast %add3A_1061 : i32 to index
      %get3A_1076 = arith.constant 16 : index
      %get3A_1077 = tpu.vector_load %arg10[%get3A_1074, %get3A_1075, %get3A_1076] {strides = array<i32>} : memref<2x128x64xf32, #tpu.memory_space<vmem>>, vector<16xf32>,
      %get3A_1078 = arith.constant 1 : i32
      %get3A_1079 = arith.index_cast %get3A_1078 : i32 to index
      %get3A_1080 = arith.index_cast %add3A_1061 : i32 to index
      %get3A_1081 = arith.constant 16 : index
      %get3A_1082 = tpu.vector_load %arg11[%get3A_1079, %get3A_1080, %get3A_1081] {strides = array<i32>} : memref<2x128x64xf32, #tpu.memory_space<vmem>>, vector<16xf32>,
      %mul3A_1083 = arith.mulf %get3A_1077, %get3A_1082 : vector<16xf32>
      %add3A_1084 = arith.addf %mul3A_1072, %mul3A_1083 : vector<16xf32>
      %get3A_1085 = arith.constant 1 : i32
      %get3A_1086 = arith.index_cast %get3A_1085 : i32 to index
      %get3A_1087 = arith.index_cast %add3A_1061 : i32 to index
      %get3A_1088 = arith.constant 32 : index
      %get3A_1089 = tpu.vector_load %arg10[%get3A_1086, %get3A_1087, %get3A_1088] {strides = array<i32>} : memref<2x128x64xf32, #tpu.memory_space<vmem>>, vector<16xf32>,
      %get3A_1090 = arith.constant 1 : i32
      %get3A_1091 = arith.index_cast %get3A_1090 : i32 to index
      %get3A_1092 = arith.index_cast %add3A_1061 : i32 to index
      %get3A_1093 = arith.constant 32 : index
      %get3A_1094 = tpu.vector_load %arg11[%get3A_1091, %get3A_1092, %get3A_1093] {strides = array<i32>} : memref<2x128x64xf32, #tpu.memory_space<vmem>>, vector<16xf32>,
      %mul3A_1095 = arith.mulf %get3A_1089, %get3A_1094 : vector<16xf32>
      %add3A_1096 = arith.addf %add3A_1084, %mul3A_1095 : vector<16xf32>
      %get3A_1097 = arith.constant 1 : i32
      %get3A_1098 = arith.index_cast %get3A_1097 : i32 to index
      %get3A_1099 = arith.index_cast %add3A_1061 : i32 to index
      %get3A_1100 = arith.constant 48 : index
      %get3A_1101 = tpu.vector_load %arg10[%get3A_1098, %get3A_1099, %get3A_1100] {strides = array<i32>} : memref<2x128x64xf32, #tpu.memory_space<vmem>>, vector<16xf32>,
      %get3A_1102 = arith.constant 1 : i32
      %get3A_1103 = arith.index_cast %get3A_1102 : i32 to index
      %get3A_1104 = arith.index_cast %add3A_1061 : i32 to index
      %get3A_1105 = arith.constant 48 : index
      %get3A_1106 = tpu.vector_load %arg11[%get3A_1103, %get3A_1104, %get3A_1105] {strides = array<i32>} : memref<2x128x64xf32, #tpu.memory_space<vmem>>, vector<16xf32>,
      %mul3A_1107 = arith.mulf %get3A_1101, %get3A_1106 : vector<16xf32>
      %add3A_1108 = arith.addf %add3A_1096, %mul3A_1107 : vector<16xf32>
      %eq3A_1109 = arith.constant 9 : i32
      %eq3A_1110 = vector.broadcast %eq3A_1109 : i32 to vector<16xi32>
      %eq3A_1111 = arith.cmpi eq, %iota3A, %eq3A_1110 : vector<16xi32>
      %reduce_sum3A_1112 = arith.constant true
      %reduce_sum3A_1113 = vector.broadcast %reduce_sum3A_1112 : i1 to vector<16xi1>
      %reduce_sum3A_1114 = tpu.scan <sum>, %add3A_1108 masked %reduce_sum3A_1113 : vector<16xf32>, vector<16xi1> -> vector<16xf32>
      %reduce_sum3A_1115 = vector.extract %reduce_sum3A_1114[15] : f32 from vector<16xf32>
      %broadcast_in_dim3A_1116 = vector.broadcast %reduce_sum3A_1115 : f32 to vector<16xf32>
      %select_n3A_1117 = arith.select %eq3A_1111, %broadcast_in_dim3A_1116, %select_n3A_1059 : vector<16xi1>, vector<16xf32>
      %add3A_1118 = arith.constant 10 : i32
      %add3A_1119 = arith.addi %mul3A_539, %add3A_1118 : i32
      %get3A_1120 = arith.constant 1 : i32
      %get3A_1121 = arith.index_cast %get3A_1120 : i32 to index
      %get3A_1122 = arith.index_cast %add3A_1119 : i32 to index
      %get3A_1123 = arith.constant 0 : index
      %get3A_1124 = tpu.vector_load %arg10[%get3A_1121, %get3A_1122, %get3A_1123] {strides = array<i32>} : memref<2x128x64xf32, #tpu.memory_space<vmem>>, vector<16xf32>,
      %get3A_1125 = arith.constant 1 : i32
      %get3A_1126 = arith.index_cast %get3A_1125 : i32 to index
      %get3A_1127 = arith.index_cast %add3A_1119 : i32 to index
      %get3A_1128 = arith.constant 0 : index
      %get3A_1129 = tpu.vector_load %arg11[%get3A_1126, %get3A_1127, %get3A_1128] {strides = array<i32>} : memref<2x128x64xf32, #tpu.memory_space<vmem>>, vector<16xf32>,
      %mul3A_1130 = arith.mulf %get3A_1124, %get3A_1129 : vector<16xf32>
      %get3A_1131 = arith.constant 1 : i32
      %get3A_1132 = arith.index_cast %get3A_1131 : i32 to index
      %get3A_1133 = arith.index_cast %add3A_1119 : i32 to index
      %get3A_1134 = arith.constant 16 : index
      %get3A_1135 = tpu.vector_load %arg10[%get3A_1132, %get3A_1133, %get3A_1134] {strides = array<i32>} : memref<2x128x64xf32, #tpu.memory_space<vmem>>, vector<16xf32>,
      %get3A_1136 = arith.constant 1 : i32
      %get3A_1137 = arith.index_cast %get3A_1136 : i32 to index
      %get3A_1138 = arith.index_cast %add3A_1119 : i32 to index
      %get3A_1139 = arith.constant 16 : index
      %get3A_1140 = tpu.vector_load %arg11[%get3A_1137, %get3A_1138, %get3A_1139] {strides = array<i32>} : memref<2x128x64xf32, #tpu.memory_space<vmem>>, vector<16xf32>,
      %mul3A_1141 = arith.mulf %get3A_1135, %get3A_1140 : vector<16xf32>
      %add3A_1142 = arith.addf %mul3A_1130, %mul3A_1141 : vector<16xf32>
      %get3A_1143 = arith.constant 1 : i32
      %get3A_1144 = arith.index_cast %get3A_1143 : i32 to index
      %get3A_1145 = arith.index_cast %add3A_1119 : i32 to index
      %get3A_1146 = arith.constant 32 : index
      %get3A_1147 = tpu.vector_load %arg10[%get3A_1144, %get3A_1145, %get3A_1146] {strides = array<i32>} : memref<2x128x64xf32, #tpu.memory_space<vmem>>, vector<16xf32>,
      %get3A_1148 = arith.constant 1 : i32
      %get3A_1149 = arith.index_cast %get3A_1148 : i32 to index
      %get3A_1150 = arith.index_cast %add3A_1119 : i32 to index
      %get3A_1151 = arith.constant 32 : index
      %get3A_1152 = tpu.vector_load %arg11[%get3A_1149, %get3A_1150, %get3A_1151] {strides = array<i32>} : memref<2x128x64xf32, #tpu.memory_space<vmem>>, vector<16xf32>,
      %mul3A_1153 = arith.mulf %get3A_1147, %get3A_1152 : vector<16xf32>
      %add3A_1154 = arith.addf %add3A_1142, %mul3A_1153 : vector<16xf32>
      %get3A_1155 = arith.constant 1 : i32
      %get3A_1156 = arith.index_cast %get3A_1155 : i32 to index
      %get3A_1157 = arith.index_cast %add3A_1119 : i32 to index
      %get3A_1158 = arith.constant 48 : index
      %get3A_1159 = tpu.vector_load %arg10[%get3A_1156, %get3A_1157, %get3A_1158] {strides = array<i32>} : memref<2x128x64xf32, #tpu.memory_space<vmem>>, vector<16xf32>,
      %get3A_1160 = arith.constant 1 : i32
      %get3A_1161 = arith.index_cast %get3A_1160 : i32 to index
      %get3A_1162 = arith.index_cast %add3A_1119 : i32 to index
      %get3A_1163 = arith.constant 48 : index
      %get3A_1164 = tpu.vector_load %arg11[%get3A_1161, %get3A_1162, %get3A_1163] {strides = array<i32>} : memref<2x128x64xf32, #tpu.memory_space<vmem>>, vector<16xf32>,
      %mul3A_1165 = arith.mulf %get3A_1159, %get3A_1164 : vector<16xf32>
      %add3A_1166 = arith.addf %add3A_1154, %mul3A_1165 : vector<16xf32>
      %eq3A_1167 = arith.constant 10 : i32
      %eq3A_1168 = vector.broadcast %eq3A_1167 : i32 to vector<16xi32>
      %eq3A_1169 = arith.cmpi eq, %iota3A, %eq3A_1168 : vector<16xi32>
      %reduce_sum3A_1170 = arith.constant true
      %reduce_sum3A_1171 = vector.broadcast %reduce_sum3A_1170 : i1 to vector<16xi1>
      %reduce_sum3A_1172 = tpu.scan <sum>, %add3A_1166 masked %reduce_sum3A_1171 : vector<16xf32>, vector<16xi1> -> vector<16xf32>
      %reduce_sum3A_1173 = vector.extract %reduce_sum3A_1172[15] : f32 from vector<16xf32>
      %broadcast_in_dim3A_1174 = vector.broadcast %reduce_sum3A_1173 : f32 to vector<16xf32>
      %select_n3A_1175 = arith.select %eq3A_1169, %broadcast_in_dim3A_1174, %select_n3A_1117 : vector<16xi1>, vector<16xf32>
      %add3A_1176 = arith.constant 11 : i32
      %add3A_1177 = arith.addi %mul3A_539, %add3A_1176 : i32
      %get3A_1178 = arith.constant 1 : i32
      %get3A_1179 = arith.index_cast %get3A_1178 : i32 to index
      %get3A_1180 = arith.index_cast %add3A_1177 : i32 to index
      %get3A_1181 = arith.constant 0 : index
      %get3A_1182 = tpu.vector_load %arg10[%get3A_1179, %get3A_1180, %get3A_1181] {strides = array<i32>} : memref<2x128x64xf32, #tpu.memory_space<vmem>>, vector<16xf32>,
      %get3A_1183 = arith.constant 1 : i32
      %get3A_1184 = arith.index_cast %get3A_1183 : i32 to index
      %get3A_1185 = arith.index_cast %add3A_1177 : i32 to index
      %get3A_1186 = arith.constant 0 : index
      %get3A_1187 = tpu.vector_load %arg11[%get3A_1184, %get3A_1185, %get3A_1186] {strides = array<i32>} : memref<2x128x64xf32, #tpu.memory_space<vmem>>, vector<16xf32>,
      %mul3A_1188 = arith.mulf %get3A_1182, %get3A_1187 : vector<16xf32>
      %get3A_1189 = arith.constant 1 : i32
      %get3A_1190 = arith.index_cast %get3A_1189 : i32 to index
      %get3A_1191 = arith.index_cast %add3A_1177 : i32 to index
      %get3A_1192 = arith.constant 16 : index
      %get3A_1193 = tpu.vector_load %arg10[%get3A_1190, %get3A_1191, %get3A_1192] {strides = array<i32>} : memref<2x128x64xf32, #tpu.memory_space<vmem>>, vector<16xf32>,
      %get3A_1194 = arith.constant 1 : i32
      %get3A_1195 = arith.index_cast %get3A_1194 : i32 to index
      %get3A_1196 = arith.index_cast %add3A_1177 : i32 to index
      %get3A_1197 = arith.constant 16 : index
      %get3A_1198 = tpu.vector_load %arg11[%get3A_1195, %get3A_1196, %get3A_1197] {strides = array<i32>} : memref<2x128x64xf32, #tpu.memory_space<vmem>>, vector<16xf32>,
      %mul3A_1199 = arith.mulf %get3A_1193, %get3A_1198 : vector<16xf32>
      %add3A_1200 = arith.addf %mul3A_1188, %mul3A_1199 : vector<16xf32>
      %get3A_1201 = arith.constant 1 : i32
      %get3A_1202 = arith.index_cast %get3A_1201 : i32 to index
      %get3A_1203 = arith.index_cast %add3A_1177 : i32 to index
      %get3A_1204 = arith.constant 32 : index
      %get3A_1205 = tpu.vector_load %arg10[%get3A_1202, %get3A_1203, %get3A_1204] {strides = array<i32>} : memref<2x128x64xf32, #tpu.memory_space<vmem>>, vector<16xf32>,
      %get3A_1206 = arith.constant 1 : i32
      %get3A_1207 = arith.index_cast %get3A_1206 : i32 to index
      %get3A_1208 = arith.index_cast %add3A_1177 : i32 to index
      %get3A_1209 = arith.constant 32 : index
      %get3A_1210 = tpu.vector_load %arg11[%get3A_1207, %get3A_1208, %get3A_1209] {strides = array<i32>} : memref<2x128x64xf32, #tpu.memory_space<vmem>>, vector<16xf32>,
      %mul3A_1211 = arith.mulf %get3A_1205, %get3A_1210 : vector<16xf32>
      %add3A_1212 = arith.addf %add3A_1200, %mul3A_1211 : vector<16xf32>
      %get3A_1213 = arith.constant 1 : i32
      %get3A_1214 = arith.index_cast %get3A_1213 : i32 to index
      %get3A_1215 = arith.index_cast %add3A_1177 : i32 to index
      %get3A_1216 = arith.constant 48 : index
      %get3A_1217 = tpu.vector_load %arg10[%get3A_1214, %get3A_1215, %get3A_1216] {strides = array<i32>} : memref<2x128x64xf32, #tpu.memory_space<vmem>>, vector<16xf32>,
      %get3A_1218 = arith.constant 1 : i32
      %get3A_1219 = arith.index_cast %get3A_1218 : i32 to index
      %get3A_1220 = arith.index_cast %add3A_1177 : i32 to index
      %get3A_1221 = arith.constant 48 : index
      %get3A_1222 = tpu.vector_load %arg11[%get3A_1219, %get3A_1220, %get3A_1221] {strides = array<i32>} : memref<2x128x64xf32, #tpu.memory_space<vmem>>, vector<16xf32>,
      %mul3A_1223 = arith.mulf %get3A_1217, %get3A_1222 : vector<16xf32>
      %add3A_1224 = arith.addf %add3A_1212, %mul3A_1223 : vector<16xf32>
      %eq3A_1225 = arith.constant 11 : i32
      %eq3A_1226 = vector.broadcast %eq3A_1225 : i32 to vector<16xi32>
      %eq3A_1227 = arith.cmpi eq, %iota3A, %eq3A_1226 : vector<16xi32>
      %reduce_sum3A_1228 = arith.constant true
      %reduce_sum3A_1229 = vector.broadcast %reduce_sum3A_1228 : i1 to vector<16xi1>
      %reduce_sum3A_1230 = tpu.scan <sum>, %add3A_1224 masked %reduce_sum3A_1229 : vector<16xf32>, vector<16xi1> -> vector<16xf32>
      %reduce_sum3A_1231 = vector.extract %reduce_sum3A_1230[15] : f32 from vector<16xf32>
      %broadcast_in_dim3A_1232 = vector.broadcast %reduce_sum3A_1231 : f32 to vector<16xf32>
      %select_n3A_1233 = arith.select %eq3A_1227, %broadcast_in_dim3A_1232, %select_n3A_1175 : vector<16xi1>, vector<16xf32>
      %add3A_1234 = arith.constant 12 : i32
      %add3A_1235 = arith.addi %mul3A_539, %add3A_1234 : i32
      %get3A_1236 = arith.constant 1 : i32
      %get3A_1237 = arith.index_cast %get3A_1236 : i32 to index
      %get3A_1238 = arith.index_cast %add3A_1235 : i32 to index
      %get3A_1239 = arith.constant 0 : index
      %get3A_1240 = tpu.vector_load %arg10[%get3A_1237, %get3A_1238, %get3A_1239] {strides = array<i32>} : memref<2x128x64xf32, #tpu.memory_space<vmem>>, vector<16xf32>,
      %get3A_1241 = arith.constant 1 : i32
      %get3A_1242 = arith.index_cast %get3A_1241 : i32 to index
      %get3A_1243 = arith.index_cast %add3A_1235 : i32 to index
      %get3A_1244 = arith.constant 0 : index
      %get3A_1245 = tpu.vector_load %arg11[%get3A_1242, %get3A_1243, %get3A_1244] {strides = array<i32>} : memref<2x128x64xf32, #tpu.memory_space<vmem>>, vector<16xf32>,
      %mul3A_1246 = arith.mulf %get3A_1240, %get3A_1245 : vector<16xf32>
      %get3A_1247 = arith.constant 1 : i32
      %get3A_1248 = arith.index_cast %get3A_1247 : i32 to index
      %get3A_1249 = arith.index_cast %add3A_1235 : i32 to index
      %get3A_1250 = arith.constant 16 : index
      %get3A_1251 = tpu.vector_load %arg10[%get3A_1248, %get3A_1249, %get3A_1250] {strides = array<i32>} : memref<2x128x64xf32, #tpu.memory_space<vmem>>, vector<16xf32>,
      %get3A_1252 = arith.constant 1 : i32
      %get3A_1253 = arith.index_cast %get3A_1252 : i32 to index
      %get3A_1254 = arith.index_cast %add3A_1235 : i32 to index
      %get3A_1255 = arith.constant 16 : index
      %get3A_1256 = tpu.vector_load %arg11[%get3A_1253, %get3A_1254, %get3A_1255] {strides = array<i32>} : memref<2x128x64xf32, #tpu.memory_space<vmem>>, vector<16xf32>,
      %mul3A_1257 = arith.mulf %get3A_1251, %get3A_1256 : vector<16xf32>
      %add3A_1258 = arith.addf %mul3A_1246, %mul3A_1257 : vector<16xf32>
      %get3A_1259 = arith.constant 1 : i32
      %get3A_1260 = arith.index_cast %get3A_1259 : i32 to index
      %get3A_1261 = arith.index_cast %add3A_1235 : i32 to index
      %get3A_1262 = arith.constant 32 : index
      %get3A_1263 = tpu.vector_load %arg10[%get3A_1260, %get3A_1261, %get3A_1262] {strides = array<i32>} : memref<2x128x64xf32, #tpu.memory_space<vmem>>, vector<16xf32>,
      %get3A_1264 = arith.constant 1 : i32
      %get3A_1265 = arith.index_cast %get3A_1264 : i32 to index
      %get3A_1266 = arith.index_cast %add3A_1235 : i32 to index
      %get3A_1267 = arith.constant 32 : index
      %get3A_1268 = tpu.vector_load %arg11[%get3A_1265, %get3A_1266, %get3A_1267] {strides = array<i32>} : memref<2x128x64xf32, #tpu.memory_space<vmem>>, vector<16xf32>,
      %mul3A_1269 = arith.mulf %get3A_1263, %get3A_1268 : vector<16xf32>
      %add3A_1270 = arith.addf %add3A_1258, %mul3A_1269 : vector<16xf32>
      %get3A_1271 = arith.constant 1 : i32
      %get3A_1272 = arith.index_cast %get3A_1271 : i32 to index
      %get3A_1273 = arith.index_cast %add3A_1235 : i32 to index
      %get3A_1274 = arith.constant 48 : index
      %get3A_1275 = tpu.vector_load %arg10[%get3A_1272, %get3A_1273, %get3A_1274] {strides = array<i32>} : memref<2x128x64xf32, #tpu.memory_space<vmem>>, vector<16xf32>,
      %get3A_1276 = arith.constant 1 : i32
      %get3A_1277 = arith.index_cast %get3A_1276 : i32 to index
      %get3A_1278 = arith.index_cast %add3A_1235 : i32 to index
      %get3A_1279 = arith.constant 48 : index
      %get3A_1280 = tpu.vector_load %arg11[%get3A_1277, %get3A_1278, %get3A_1279] {strides = array<i32>} : memref<2x128x64xf32, #tpu.memory_space<vmem>>, vector<16xf32>,
      %mul3A_1281 = arith.mulf %get3A_1275, %get3A_1280 : vector<16xf32>
      %add3A_1282 = arith.addf %add3A_1270, %mul3A_1281 : vector<16xf32>
      %eq3A_1283 = arith.constant 12 : i32
      %eq3A_1284 = vector.broadcast %eq3A_1283 : i32 to vector<16xi32>
      %eq3A_1285 = arith.cmpi eq, %iota3A, %eq3A_1284 : vector<16xi32>
      %reduce_sum3A_1286 = arith.constant true
      %reduce_sum3A_1287 = vector.broadcast %reduce_sum3A_1286 : i1 to vector<16xi1>
      %reduce_sum3A_1288 = tpu.scan <sum>, %add3A_1282 masked %reduce_sum3A_1287 : vector<16xf32>, vector<16xi1> -> vector<16xf32>
      %reduce_sum3A_1289 = vector.extract %reduce_sum3A_1288[15] : f32 from vector<16xf32>
      %broadcast_in_dim3A_1290 = vector.broadcast %reduce_sum3A_1289 : f32 to vector<16xf32>
      %select_n3A_1291 = arith.select %eq3A_1285, %broadcast_in_dim3A_1290, %select_n3A_1233 : vector<16xi1>, vector<16xf32>
      %add3A_1292 = arith.constant 13 : i32
      %add3A_1293 = arith.addi %mul3A_539, %add3A_1292 : i32
      %get3A_1294 = arith.constant 1 : i32
      %get3A_1295 = arith.index_cast %get3A_1294 : i32 to index
      %get3A_1296 = arith.index_cast %add3A_1293 : i32 to index
      %get3A_1297 = arith.constant 0 : index
      %get3A_1298 = tpu.vector_load %arg10[%get3A_1295, %get3A_1296, %get3A_1297] {strides = array<i32>} : memref<2x128x64xf32, #tpu.memory_space<vmem>>, vector<16xf32>,
      %get3A_1299 = arith.constant 1 : i32
      %get3A_1300 = arith.index_cast %get3A_1299 : i32 to index
      %get3A_1301 = arith.index_cast %add3A_1293 : i32 to index
      %get3A_1302 = arith.constant 0 : index
      %get3A_1303 = tpu.vector_load %arg11[%get3A_1300, %get3A_1301, %get3A_1302] {strides = array<i32>} : memref<2x128x64xf32, #tpu.memory_space<vmem>>, vector<16xf32>,
      %mul3A_1304 = arith.mulf %get3A_1298, %get3A_1303 : vector<16xf32>
      %get3A_1305 = arith.constant 1 : i32
      %get3A_1306 = arith.index_cast %get3A_1305 : i32 to index
      %get3A_1307 = arith.index_cast %add3A_1293 : i32 to index
      %get3A_1308 = arith.constant 16 : index
      %get3A_1309 = tpu.vector_load %arg10[%get3A_1306, %get3A_1307, %get3A_1308] {strides = array<i32>} : memref<2x128x64xf32, #tpu.memory_space<vmem>>, vector<16xf32>,
      %get3A_1310 = arith.constant 1 : i32
      %get3A_1311 = arith.index_cast %get3A_1310 : i32 to index
      %get3A_1312 = arith.index_cast %add3A_1293 : i32 to index
      %get3A_1313 = arith.constant 16 : index
      %get3A_1314 = tpu.vector_load %arg11[%get3A_1311, %get3A_1312, %get3A_1313] {strides = array<i32>} : memref<2x128x64xf32, #tpu.memory_space<vmem>>, vector<16xf32>,
      %mul3A_1315 = arith.mulf %get3A_1309, %get3A_1314 : vector<16xf32>
      %add3A_1316 = arith.addf %mul3A_1304, %mul3A_1315 : vector<16xf32>
      %get3A_1317 = arith.constant 1 : i32
      %get3A_1318 = arith.index_cast %get3A_1317 : i32 to index
      %get3A_1319 = arith.index_cast %add3A_1293 : i32 to index
      %get3A_1320 = arith.constant 32 : index
      %get3A_1321 = tpu.vector_load %arg10[%get3A_1318, %get3A_1319, %get3A_1320] {strides = array<i32>} : memref<2x128x64xf32, #tpu.memory_space<vmem>>, vector<16xf32>,
      %get3A_1322 = arith.constant 1 : i32
      %get3A_1323 = arith.index_cast %get3A_1322 : i32 to index
      %get3A_1324 = arith.index_cast %add3A_1293 : i32 to index
      %get3A_1325 = arith.constant 32 : index
      %get3A_1326 = tpu.vector_load %arg11[%get3A_1323, %get3A_1324, %get3A_1325] {strides = array<i32>} : memref<2x128x64xf32, #tpu.memory_space<vmem>>, vector<16xf32>,
      %mul3A_1327 = arith.mulf %get3A_1321, %get3A_1326 : vector<16xf32>
      %add3A_1328 = arith.addf %add3A_1316, %mul3A_1327 : vector<16xf32>
      %get3A_1329 = arith.constant 1 : i32
      %get3A_1330 = arith.index_cast %get3A_1329 : i32 to index
      %get3A_1331 = arith.index_cast %add3A_1293 : i32 to index
      %get3A_1332 = arith.constant 48 : index
      %get3A_1333 = tpu.vector_load %arg10[%get3A_1330, %get3A_1331, %get3A_1332] {strides = array<i32>} : memref<2x128x64xf32, #tpu.memory_space<vmem>>, vector<16xf32>,
      %get3A_1334 = arith.constant 1 : i32
      %get3A_1335 = arith.index_cast %get3A_1334 : i32 to index
      %get3A_1336 = arith.index_cast %add3A_1293 : i32 to index
      %get3A_1337 = arith.constant 48 : index
      %get3A_1338 = tpu.vector_load %arg11[%get3A_1335, %get3A_1336, %get3A_1337] {strides = array<i32>} : memref<2x128x64xf32, #tpu.memory_space<vmem>>, vector<16xf32>,
      %mul3A_1339 = arith.mulf %get3A_1333, %get3A_1338 : vector<16xf32>
      %add3A_1340 = arith.addf %add3A_1328, %mul3A_1339 : vector<16xf32>
      %eq3A_1341 = arith.constant 13 : i32
      %eq3A_1342 = vector.broadcast %eq3A_1341 : i32 to vector<16xi32>
      %eq3A_1343 = arith.cmpi eq, %iota3A, %eq3A_1342 : vector<16xi32>
      %reduce_sum3A_1344 = arith.constant true
      %reduce_sum3A_1345 = vector.broadcast %reduce_sum3A_1344 : i1 to vector<16xi1>
      %reduce_sum3A_1346 = tpu.scan <sum>, %add3A_1340 masked %reduce_sum3A_1345 : vector<16xf32>, vector<16xi1> -> vector<16xf32>
      %reduce_sum3A_1347 = vector.extract %reduce_sum3A_1346[15] : f32 from vector<16xf32>
      %broadcast_in_dim3A_1348 = vector.broadcast %reduce_sum3A_1347 : f32 to vector<16xf32>
      %select_n3A_1349 = arith.select %eq3A_1343, %broadcast_in_dim3A_1348, %select_n3A_1291 : vector<16xi1>, vector<16xf32>
      %add3A_1350 = arith.constant 14 : i32
      %add3A_1351 = arith.addi %mul3A_539, %add3A_1350 : i32
      %get3A_1352 = arith.constant 1 : i32
      %get3A_1353 = arith.index_cast %get3A_1352 : i32 to index
      %get3A_1354 = arith.index_cast %add3A_1351 : i32 to index
      %get3A_1355 = arith.constant 0 : index
      %get3A_1356 = tpu.vector_load %arg10[%get3A_1353, %get3A_1354, %get3A_1355] {strides = array<i32>} : memref<2x128x64xf32, #tpu.memory_space<vmem>>, vector<16xf32>,
      %get3A_1357 = arith.constant 1 : i32
      %get3A_1358 = arith.index_cast %get3A_1357 : i32 to index
      %get3A_1359 = arith.index_cast %add3A_1351 : i32 to index
      %get3A_1360 = arith.constant 0 : index
      %get3A_1361 = tpu.vector_load %arg11[%get3A_1358, %get3A_1359, %get3A_1360] {strides = array<i32>} : memref<2x128x64xf32, #tpu.memory_space<vmem>>, vector<16xf32>,
      %mul3A_1362 = arith.mulf %get3A_1356, %get3A_1361 : vector<16xf32>
      %get3A_1363 = arith.constant 1 : i32
      %get3A_1364 = arith.index_cast %get3A_1363 : i32 to index
      %get3A_1365 = arith.index_cast %add3A_1351 : i32 to index
      %get3A_1366 = arith.constant 16 : index
      %get3A_1367 = tpu.vector_load %arg10[%get3A_1364, %get3A_1365, %get3A_1366] {strides = array<i32>} : memref<2x128x64xf32, #tpu.memory_space<vmem>>, vector<16xf32>,
      %get3A_1368 = arith.constant 1 : i32
      %get3A_1369 = arith.index_cast %get3A_1368 : i32 to index
      %get3A_1370 = arith.index_cast %add3A_1351 : i32 to index
      %get3A_1371 = arith.constant 16 : index
      %get3A_1372 = tpu.vector_load %arg11[%get3A_1369, %get3A_1370, %get3A_1371] {strides = array<i32>} : memref<2x128x64xf32, #tpu.memory_space<vmem>>, vector<16xf32>,
      %mul3A_1373 = arith.mulf %get3A_1367, %get3A_1372 : vector<16xf32>
      %add3A_1374 = arith.addf %mul3A_1362, %mul3A_1373 : vector<16xf32>
      %get3A_1375 = arith.constant 1 : i32
      %get3A_1376 = arith.index_cast %get3A_1375 : i32 to index
      %get3A_1377 = arith.index_cast %add3A_1351 : i32 to index
      %get3A_1378 = arith.constant 32 : index
      %get3A_1379 = tpu.vector_load %arg10[%get3A_1376, %get3A_1377, %get3A_1378] {strides = array<i32>} : memref<2x128x64xf32, #tpu.memory_space<vmem>>, vector<16xf32>,
      %get3A_1380 = arith.constant 1 : i32
      %get3A_1381 = arith.index_cast %get3A_1380 : i32 to index
      %get3A_1382 = arith.index_cast %add3A_1351 : i32 to index
      %get3A_1383 = arith.constant 32 : index
      %get3A_1384 = tpu.vector_load %arg11[%get3A_1381, %get3A_1382, %get3A_1383] {strides = array<i32>} : memref<2x128x64xf32, #tpu.memory_space<vmem>>, vector<16xf32>,
      %mul3A_1385 = arith.mulf %get3A_1379, %get3A_1384 : vector<16xf32>
      %add3A_1386 = arith.addf %add3A_1374, %mul3A_1385 : vector<16xf32>
      %get3A_1387 = arith.constant 1 : i32
      %get3A_1388 = arith.index_cast %get3A_1387 : i32 to index
      %get3A_1389 = arith.index_cast %add3A_1351 : i32 to index
      %get3A_1390 = arith.constant 48 : index
      %get3A_1391 = tpu.vector_load %arg10[%get3A_1388, %get3A_1389, %get3A_1390] {strides = array<i32>} : memref<2x128x64xf32, #tpu.memory_space<vmem>>, vector<16xf32>,
      %get3A_1392 = arith.constant 1 : i32
      %get3A_1393 = arith.index_cast %get3A_1392 : i32 to index
      %get3A_1394 = arith.index_cast %add3A_1351 : i32 to index
      %get3A_1395 = arith.constant 48 : index
      %get3A_1396 = tpu.vector_load %arg11[%get3A_1393, %get3A_1394, %get3A_1395] {strides = array<i32>} : memref<2x128x64xf32, #tpu.memory_space<vmem>>, vector<16xf32>,
      %mul3A_1397 = arith.mulf %get3A_1391, %get3A_1396 : vector<16xf32>
      %add3A_1398 = arith.addf %add3A_1386, %mul3A_1397 : vector<16xf32>
      %eq3A_1399 = arith.constant 14 : i32
      %eq3A_1400 = vector.broadcast %eq3A_1399 : i32 to vector<16xi32>
      %eq3A_1401 = arith.cmpi eq, %iota3A, %eq3A_1400 : vector<16xi32>
      %reduce_sum3A_1402 = arith.constant true
      %reduce_sum3A_1403 = vector.broadcast %reduce_sum3A_1402 : i1 to vector<16xi1>
      %reduce_sum3A_1404 = tpu.scan <sum>, %add3A_1398 masked %reduce_sum3A_1403 : vector<16xf32>, vector<16xi1> -> vector<16xf32>
      %reduce_sum3A_1405 = vector.extract %reduce_sum3A_1404[15] : f32 from vector<16xf32>
      %broadcast_in_dim3A_1406 = vector.broadcast %reduce_sum3A_1405 : f32 to vector<16xf32>
      %select_n3A_1407 = arith.select %eq3A_1401, %broadcast_in_dim3A_1406, %select_n3A_1349 : vector<16xi1>, vector<16xf32>
      %add3A_1408 = arith.constant 15 : i32
      %add3A_1409 = arith.addi %mul3A_539, %add3A_1408 : i32
      %get3A_1410 = arith.constant 1 : i32
      %get3A_1411 = arith.index_cast %get3A_1410 : i32 to index
      %get3A_1412 = arith.index_cast %add3A_1409 : i32 to index
      %get3A_1413 = arith.constant 0 : index
      %get3A_1414 = tpu.vector_load %arg10[%get3A_1411, %get3A_1412, %get3A_1413] {strides = array<i32>} : memref<2x128x64xf32, #tpu.memory_space<vmem>>, vector<16xf32>,
      %get3A_1415 = arith.constant 1 : i32
      %get3A_1416 = arith.index_cast %get3A_1415 : i32 to index
      %get3A_1417 = arith.index_cast %add3A_1409 : i32 to index
      %get3A_1418 = arith.constant 0 : index
      %get3A_1419 = tpu.vector_load %arg11[%get3A_1416, %get3A_1417, %get3A_1418] {strides = array<i32>} : memref<2x128x64xf32, #tpu.memory_space<vmem>>, vector<16xf32>,
      %mul3A_1420 = arith.mulf %get3A_1414, %get3A_1419 : vector<16xf32>
      %get3A_1421 = arith.constant 1 : i32
      %get3A_1422 = arith.index_cast %get3A_1421 : i32 to index
      %get3A_1423 = arith.index_cast %add3A_1409 : i32 to index
      %get3A_1424 = arith.constant 16 : index
      %get3A_1425 = tpu.vector_load %arg10[%get3A_1422, %get3A_1423, %get3A_1424] {strides = array<i32>} : memref<2x128x64xf32, #tpu.memory_space<vmem>>, vector<16xf32>,
      %get3A_1426 = arith.constant 1 : i32
      %get3A_1427 = arith.index_cast %get3A_1426 : i32 to index
      %get3A_1428 = arith.index_cast %add3A_1409 : i32 to index
      %get3A_1429 = arith.constant 16 : index
      %get3A_1430 = tpu.vector_load %arg11[%get3A_1427, %get3A_1428, %get3A_1429] {strides = array<i32>} : memref<2x128x64xf32, #tpu.memory_space<vmem>>, vector<16xf32>,
      %mul3A_1431 = arith.mulf %get3A_1425, %get3A_1430 : vector<16xf32>
      %add3A_1432 = arith.addf %mul3A_1420, %mul3A_1431 : vector<16xf32>
      %get3A_1433 = arith.constant 1 : i32
      %get3A_1434 = arith.index_cast %get3A_1433 : i32 to index
      %get3A_1435 = arith.index_cast %add3A_1409 : i32 to index
      %get3A_1436 = arith.constant 32 : index
      %get3A_1437 = tpu.vector_load %arg10[%get3A_1434, %get3A_1435, %get3A_1436] {strides = array<i32>} : memref<2x128x64xf32, #tpu.memory_space<vmem>>, vector<16xf32>,
      %get3A_1438 = arith.constant 1 : i32
      %get3A_1439 = arith.index_cast %get3A_1438 : i32 to index
      %get3A_1440 = arith.index_cast %add3A_1409 : i32 to index
      %get3A_1441 = arith.constant 32 : index
      %get3A_1442 = tpu.vector_load %arg11[%get3A_1439, %get3A_1440, %get3A_1441] {strides = array<i32>} : memref<2x128x64xf32, #tpu.memory_space<vmem>>, vector<16xf32>,
      %mul3A_1443 = arith.mulf %get3A_1437, %get3A_1442 : vector<16xf32>
      %add3A_1444 = arith.addf %add3A_1432, %mul3A_1443 : vector<16xf32>
      %get3A_1445 = arith.constant 1 : i32
      %get3A_1446 = arith.index_cast %get3A_1445 : i32 to index
      %get3A_1447 = arith.index_cast %add3A_1409 : i32 to index
      %get3A_1448 = arith.constant 48 : index
      %get3A_1449 = tpu.vector_load %arg10[%get3A_1446, %get3A_1447, %get3A_1448] {strides = array<i32>} : memref<2x128x64xf32, #tpu.memory_space<vmem>>, vector<16xf32>,
      %get3A_1450 = arith.constant 1 : i32
      %get3A_1451 = arith.index_cast %get3A_1450 : i32 to index
      %get3A_1452 = arith.index_cast %add3A_1409 : i32 to index
      %get3A_1453 = arith.constant 48 : index
      %get3A_1454 = tpu.vector_load %arg11[%get3A_1451, %get3A_1452, %get3A_1453] {strides = array<i32>} : memref<2x128x64xf32, #tpu.memory_space<vmem>>, vector<16xf32>,
      %mul3A_1455 = arith.mulf %get3A_1449, %get3A_1454 : vector<16xf32>
      %add3A_1456 = arith.addf %add3A_1444, %mul3A_1455 : vector<16xf32>
      %eq3A_1457 = arith.constant 15 : i32
      %eq3A_1458 = vector.broadcast %eq3A_1457 : i32 to vector<16xi32>
      %eq3A_1459 = arith.cmpi eq, %iota3A, %eq3A_1458 : vector<16xi32>
      %reduce_sum3A_1460 = arith.constant true
      %reduce_sum3A_1461 = vector.broadcast %reduce_sum3A_1460 : i1 to vector<16xi1>
      %reduce_sum3A_1462 = tpu.scan <sum>, %add3A_1456 masked %reduce_sum3A_1461 : vector<16xf32>, vector<16xi1> -> vector<16xf32>
      %reduce_sum3A_1463 = vector.extract %reduce_sum3A_1462[15] : f32 from vector<16xf32>
      %broadcast_in_dim3A_1464 = vector.broadcast %reduce_sum3A_1463 : f32 to vector<16xf32>
      %select_n3A_1465 = arith.select %eq3A_1459, %broadcast_in_dim3A_1464, %select_n3A_1407 : vector<16xi1>, vector<16xf32>
      %get3A_1466 = arith.constant 3 : i32
      %get3A_1467 = arith.index_cast %get3A_1466 : i32 to index
      %get3A_1468 = arith.index_cast %mul3A_539 : i32 to index
      %get3A_1469 = tpu.vector_load %arg12[%get3A_1467, %get3A_1468] {strides = array<i32>} : memref<4x128xf32, #tpu.memory_space<vmem>>, vector<16xf32>,
      %get3A_1470 = arith.constant 3 : i32
      %get3A_1471 = arith.index_cast %get3A_1470 : i32 to index
      %get3A_1472 = arith.index_cast %mul3A_539 : i32 to index
      %get3A_1473 = tpu.vector_load %arg13[%get3A_1471, %get3A_1472] {strides = array<i32>} : memref<4x128xf32, #tpu.memory_space<vmem>>, vector<16xf32>,
      %add3A_1474 = arith.addf %select_n3A_1465, %get3A_1469 : vector<16xf32>
      %add3A_1475 = arith.addf %add3A_1474, %get3A_1473 : vector<16xf32>
      %add3A_1476 = arith.addf %add3A_1475, %get3A_537 : vector<16xf32>
      %neg3A = arith.constant 0.000000e+00 : f32
      %neg3A_1477 = vector.broadcast %neg3A : f32 to vector<16xf32>
      %neg3A_1478 = arith.subf %neg3A_1477, %add3A_1476 : vector<16xf32>
      %exp3A = math.exp %neg3A_1478 : vector<16xf32>
      %add3A_1479 = arith.constant 1.000000e+00 : f32
      %add3A_1480 = vector.broadcast %add3A_1479 : f32 to vector<16xf32>
      %add3A_1481 = arith.addf %add3A_1480, %exp3A : vector<16xf32>
      %div3A = arith.constant 1.000000e+00 : f32
      %div3A_1482 = vector.broadcast %div3A : f32 to vector<16xf32>
      %div3A_1483 = arith.divf %div3A_1482, %add3A_1481 : vector<16xf32>
      %add3A_1484 = arith.constant 384 : i32
      %add3A_1485 = arith.addi %add3A_1484, %mul3A_539 : i32
      %swap3A = arith.index_cast %add3A_1485 : i32 to index
      %swap3A_1486 = tpu.vector_load %arg14[%swap3A] {strides = array<i32>} : memref<512xf32, #tpu.memory_space<vmem>>, vector<16xf32>,
      tpu.vector_store %arg14[%swap3A], %div3A_1483 {strides = array<i32>} : memref<512xf32, #tpu.memory_space<vmem>>, vector<16xf32>,
    }
    %scan3A_535 = arith.constant 8 : i32
    "tpu.region"() ({
      %run_scoped3A = tpu.sem_alloc : memref<!tpu.dma_semaphore, #tpu.memory_space<semaphore_mem>>
      %dma_start3A_536 = tpu.memref_slice %arg7[%mul3A_2] : memref<16384xf32, #tpu.memory_space<hbm>> -> memref<512xf32, #tpu.memory_space<hbm>>
      %dma_start3A_537 = tpu.memref_slice %arg7[%mul3A_2] : memref<16384xf32, #tpu.memory_space<hbm>> -> memref<512xf32, #tpu.memory_space<hbm>>
      tpu.enqueue_dma source(%arg14 : memref<512xf32, #tpu.memory_space<vmem>>) target(%dma_start3A_537 : memref<512xf32, #tpu.memory_space<hbm>>) target_semaphore(%run_scoped3A : memref<!tpu.dma_semaphore, #tpu.memory_space<semaphore_mem>>)
      %dma_wait3A_538 = tpu.memref_slice %arg7[%mul3A_2] : memref<16384xf32, #tpu.memory_space<hbm>> -> memref<512xf32, #tpu.memory_space<hbm>>
      %dma_wait3A_539 = tpu.memref_slice %arg7[%mul3A_2] : memref<16384xf32, #tpu.memory_space<hbm>> -> memref<512xf32, #tpu.memory_space<hbm>>
      tpu.wait_dma2 semaphore(%run_scoped3A : memref<!tpu.dma_semaphore, #tpu.memory_space<semaphore_mem>>) src(%arg14 : memref<512xf32, #tpu.memory_space<vmem>>) dst(%dma_wait3A_539 : memref<512xf32, #tpu.memory_space<hbm>>)
      tpu.yield
    }) : () -> ()
    return
  }
}

</mosaic_0001>

<sc_bundles>
// kernel: kernel.3.cloned.1.call-start
scs
__scs_entry_jumppad:
0x0: {  	(pc) =	sbr.rel $0x88, $3  }
0x1: {  	(tag) =	ssettag $0x0;
	lr =	simm.s32 $0x1  }
0x2: {  	[smem:$0x3F9C] =	sst lr;
	_ =	strace $0xD0000000  }
0x3: {  	_ = 	snop  }
0x4: {  	_ = 	snop  }
0x5: {  	_ = 	snop  }
0x6: {  	_ = 	snop  }
0x7: {  	_ = 	snop  }
__scs_overlays_trampoline_lowered:
0x8: {  	[smem:$0x3FAB] =	sst s0  }
0x9: {  	[smem:$0x3FAC] =	sst s1  }
0xa: {  	[smem:$0x3FAD] =	sst s2  }
0xb: {  	[smem:$0x3FAE] =	sst s3  }
0xc: {  	[smem:$0x3FAF] =	sst s4  }
0xd: {  	[smem:$0x3FB0] =	sst s5  }
0xe: {  	[smem:$0x3FB1] =	sst s6  }
0xf: {  	[smem:$0x3FB2] =	sst s7  }
0x10: {  	[smem:$0x3FB3] =	sst s8  }
0x11: {  	[smem:$0x3FB4] =	sst s9;
	s0 =	simm.s32 @!p0 $0x0  }
0x12: {  	s1 =	sld [smem:$0x3F9A];
	s0 =	simm.s32 @p0 $0x1  }
0x13: {  	[smem:$0x3FB5] =	sst s0;
	s0 =	simm.s32 @!p1 $0x0  }
0x14: {  	s2 =	sld [smem:$0x3F99];
	s0 =	simm.s32 @p1 $0x1  }
0x15: {  	[smem:$0x3FB6] =	sst s0;
	s0 =	simm.s32 @!p2 $0x0  }
0x16: {  	s3 =	sld [smem:$0x3FDB];
	s0 =	simm.s32 @p2 $0x1  }
0x17: {  	s4 =	simm.s32 $0x1BF5;
	[smem:$0x3FB8] =	sst s0  }
0x18: {  	s0 =	sld [smem:$0x3F9B];
	_ =	swait.ge [sflag:s4], $0x0  }
0x19: {  	s7 =	sld [smem:$0x3F9C]  }
0x1a: {  	s8 =	sadd.s32 $0xFFFFE003, lr  }
0x1b: {  	s9 =	sadd.s32 $0xFFFFFEF7, lr;
	s5 =	simm.s32 $0xFFFFFFFF;
	p2 =	slt.u32 s8, $0xFFFFF086  }
0x1c: {  	p1 =	slt.u32 s9, $0xF7A;
	s5 =	simm.s32 @!p2 $0x0  }
0x1d: {  	s5 =	simm.s32 @p1 $0x1;
	p0 =	seq.s32 s7, s2  }
0x1e: {  	s7 =	smul.u32 @!p0 $0xF7A, s2;
	p2 =	seq.s32 @!p0 s5, $0x0  }
0x1f: {  	s9 =	smul.u32 $0xF7A, s1;
	s8 =	simm.s32 @!p0 $0x1BF5;
	p2 =	por !p2, p0  }
0x20: {  	[sflag:s8] =	ssyncset.s32 @!p0 $0xFFFFF086;
	s6 =	sadd.s32 @!p0 s3, s7;
	s7 =	simm.s32 @!p0 $0x108  }
0x21: {  	s3 =	sadd.s32 s3, s9;
	s6 =	sadd.s32 @!p0 $0x88, s6;
	s7 =	simm.s32 @p2 $0x1082  }
0x22: {  	[simem:s7], [sflag:s8] =	dma.local @!p0 [hbm:s6], $0xF7A  }
0x23: {  	s9 =	sor.u32 $0xD0000000, s2;
	s6 =	simm.s32 $0x108;
	_ =	swait.ge @!p0 [sflag:s8], $0x0  }
0x24: {  	s3 =	sadd.s32 $0x88, s3;
	s6 =	simm.s32 @!p1 $0x1082;
	[sflag:s4] =	ssyncset.s32 $0xFFFFF086  }
0x25: {  	[simem:s6], [sflag:s4] =	dma.local [hbm:s3], $0xF7A  }
0x26: {  	[smem:$0x3F9C] =	sst s1;
	(tag) =	ssettag s2;
	_ =	strace s9  }
0x27: {  	s1 =	sld [smem:$0x3FAC]  }
0x28: {  	s2 =	sld [smem:$0x3FAD]  }
0x29: {  	s4 =	sld [smem:$0x3FAF]  }
0x2a: {  	p0 =	seq.s32 s5, $0x0;
	s5 =	sld [smem:$0x3FB0]  }
0x2b: {  	s6 =	sld [smem:$0x3FB1]  }
0x2c: {  	s7 =	sld [smem:$0x3FB2]  }
0x2d: {  	s3 =	simm.s32 $0x108;
	s8 =	sld [smem:$0x3FB3]  }
0x2e: {  	s3 =	simm.s32 @!p0 $0x1082;
	s9 =	sld [smem:$0x3FB4]  }
0x2f: {  	lr =	sadd.s32 s0, s3;
	s0 =	sld [smem:$0x3FAB]  }
0x30: {  	s3 =	sld [smem:$0x3FAE]  }
0x31: {  	[smem:$0x3FB7] =	sst s10  }
0x32: {  	s10 =	sld [smem:$0x3FB5];
	_ =	sdelay $0x3  }
0x33: {  	p0 =	seq.s32 s10, $0x1;
	s10 =	sld [smem:$0x3FB7];
	_ =	sdelay $0x3  }
0x34: {  	[smem:$0x3FB7] =	sst s10  }
0x35: {  	s10 =	sld [smem:$0x3FB6];
	_ =	sdelay $0x3  }
0x36: {  	p1 =	seq.s32 s10, $0x1;
	s10 =	sld [smem:$0x3FB7];
	_ =	sdelay $0x3  }
0x37: {  	[smem:$0x3FB7] =	sst s10  }
0x38: {  	s10 =	sld [smem:$0x3FB8]  }
0x39: {  	_ = 	snop;
	(pc) =	sbr.ind lr, $3  }
0x3a: {  	_ = 	snop  }
0x3b: {  	_ = 	snop  }
0x3c: {  	p2 =	seq.s32 s10, $0x1;
	s10 =	sld [smem:$0x3FB7]  }
0x3d: {  	_ =	shalt  }
0x3e: {  	_ =	shalt  }
0x3f: {  	_ =	shalt  }
0x40: {  	_ =	shalt  }
0x41: {  	_ =	shalt  }
0x42: {  	_ =	shalt  }
0x43: {  	_ =	shalt  }
0x44: {  	_ =	shalt  }
0x45: {  	_ =	shalt  }
0x46: {  	_ =	shalt  }
0x47: {  	_ =	shalt  }
0x48: {  	_ =	shalt  }
0x49: {  	_ =	shalt  }
0x4a: {  	_ =	shalt  }
0x4b: {  	_ =	shalt  }
0x4c: {  	_ =	shalt  }
0x4d: {  	_ =	shalt  }
0x4e: {  	_ =	shalt  }
0x4f: {  	_ =	shalt  }
0x50: {  	_ =	shalt  }
0x51: {  	_ =	shalt  }
0x52: {  	_ =	shalt  }
0x53: {  	_ =	shalt  }
0x54: {  	_ =	shalt  }
0x55: {  	_ =	shalt  }
0x56: {  	_ =	shalt  }
0x57: {  	_ =	shalt  }
0x58: {  	_ =	shalt  }
0x59: {  	_ =	shalt  }
0x5a: {  	_ =	shalt  }
0x5b: {  	_ =	shalt  }
0x5c: {  	_ =	shalt  }
0x5d: {  	_ =	shalt  }
0x5e: {  	_ =	shalt  }
0x5f: {  	_ =	shalt  }
0x60: {  	_ =	shalt  }
0x61: {  	_ =	shalt  }
0x62: {  	_ =	shalt  }
0x63: {  	_ =	shalt  }
0x64: {  	_ =	shalt  }
0x65: {  	_ =	shalt  }
0x66: {  	_ =	shalt  }
0x67: {  	_ =	shalt  }
0x68: {  	_ =	shalt  }
0x69: {  	_ =	shalt  }
0x6a: {  	_ =	shalt  }
0x6b: {  	_ =	shalt  }
0x6c: {  	_ =	shalt  }
0x6d: {  	_ =	shalt  }
0x6e: {  	_ =	shalt  }
0x6f: {  	_ =	shalt  }
0x70: {  	_ =	shalt  }
0x71: {  	_ =	shalt  }
0x72: {  	_ =	shalt  }
0x73: {  	_ =	shalt  }
0x74: {  	_ =	shalt  }
0x75: {  	_ =	shalt  }
0x76: {  	_ =	shalt  }
0x77: {  	_ =	shalt  }
0x78: {  	_ =	shalt  }
0x79: {  	_ =	shalt  }
0x7a: {  	_ =	shalt  }
0x7b: {  	_ =	shalt  }
0x7c: {  	_ =	shalt  }
0x7d: {  	_ =	shalt  }
0x7e: {  	_ =	shalt  }
0x7f: {  	_ =	shalt  }
0x80: {  	_ =	shalt  }
0x81: {  	_ =	shalt  }
0x82: {  	_ =	shalt  }
0x83: {  	_ =	shalt  }
0x84: {  	_ =	shalt  }
0x85: {  	_ =	shalt  }
0x86: {  	_ =	shalt  }
0x87: {  	_ =	shalt  }
.Lfunc_end0:
.L_simem_size_0:
called_computation_lowered:
.L_overlay_start_0:
0x88: {  	s2 =	sld [smem:$0x3FD9]  }
0x89: {  	s3 =	sld [smem:$0x3FFE];
	_ =	sdelay $0x1  }
0x8a: {  	s1 =	srdreg.scid  }
0x8b: {  	s0 =	sand.u32 $0x1, s1  }
0x8c: {  	s17 =	sshll.u32 s0, $0xA;
	s2 =	sadd.s32 s3, s2  }
0x8d: {  	s2 =	sadd.s32 s2, s17  }
0x8e: {  	[smem:$0x3FC3] =	sst s2  }
0x8f: {  	_ = 	snop  }
0x90: {  	s2 =	sld [smem:$0x3FC9]  }
0x91: {  	s18 =	sld [smem:$0x3FC8]  }
0x92: {  	s4 =	sld [smem:$0x3FD0];
	(tm) =	ssettm $0x1  }
0x93: {  	s5 =	sld [smem:$0x3FFB];
	_ =	sdelay $0x3  }
0x94: {  	_ =	strace s5  }
0x95: {  	s5 =	sld [smem:$0x3FFC];
	_ =	sdelay $0x3  }
0x96: {  	_ =	strace s5  }
0x97: {  	s5 =	sld [smem:$0x3FFD];
	_ =	sdelay $0x3  }
0x98: {  	_ =	strace s5  }
0x99: {  	_ =	strace $0x8FFFFFFF  }
0x9a: {  	s19 =	sld [smem:$0x3FDB];
	_ =	sdelay $0x1  }
0x9b: {  	s6 =	simm.s32 $_scs_section_size  }
0x9c: {  	s7 =	simm.s32 $_size__tile_overlayer_lowered;
	s8 =	simm.s32 $_tile_overlayer_lowered  }
0x9d: {  	s22 =	simm.s32 $0x1BFF;
	s21 =	sshll.u32 s8, $0x1;
	s5 =	sadd.s32 s6, s19  }
0x9e: {  	s9 =	simm.s32 $0x0;
	s20 =	sshll.u32 s7, $0x1;
	s7 =	sadd.s32 s21, s5  }
0x9f: {  	[timem:s9], [sflag:s22] =	dma.local [hbm:s7], s20  }
0xa0: {  	_ =	swait.ge [sflag:s22], s20  }
0xa1: {  	s6 =	ssub.s32 $0x0, s20;
	[sflag:s22] =	ssyncset.done $0x0  }
0xa2: {  	[sflag:s22] =	ssyncadd.s32 s6;
	_ =	sdelay $0x1  }
0xa3: {  	s23 =	simm.s32 $0x1B8B  }
0xa4: {  	_ =	swait.ge [sflag:s23], $0x1  }
0xa5: {  	[sflag:s23] =	ssyncset.done $0x0  }
0xa6: {  	s25 =	simm.s32 $0x1B8E;
	s24 =	sld [smem:$0x3FFE];
	[sflag:s23] =	ssyncadd.s32 $0xFFFFFFFF  }
0xa7: {  	s26 =	simm.s32 $execute0_lowered;
	[smem:$0x3FD2] =	sst s25  }
0xa8: {  	s7 =	sshll.u32 s26, $0x1;
	_ =	strace $0x80000046;
	[dreg:$0x1] =	wrdreg $0xFFFFFFFF  }
0xa9: {  	s28 =	simm.s32 $_size_execute0_lowered;
	s5 =	sadd.s32 s5, s7;
	[dreg:$0x0] =	wrdreg $0x0  }
0xaa: {  	s7 =	sshll.u32 s28, $0x1;
	[dreg:$0x2] =	wrdreg s5  }
0xab: {  	[dreg:$0x3] =	wrdreg s7  }
0xac: {  	[dreg:$0x4] =	wrdreg $0xC0  }
0xad: {  	_ =	task [dreg:s9], $0x5FFFF  }
0xae: {  	[dreg:$0x1] =	wrdreg $0xFFFFFFFF  }
0xaf: {  	[dreg:$0x0] =	wrdreg $0x60  }
0xb0: {  	[dreg:$0x2] =	wrdreg s2  }
0xb1: {  	[dreg:$0x3] =	wrdreg s18  }
0xb2: {  	[dreg:$0x4] =	wrdreg s24  }
0xb3: {  	[dreg:$0x5] =	wrdreg s4  }
0xb4: {  	[dreg:$0x6] =	wrdreg $0x9  }
0xb5: {  	_ =	task.clear_ibuf [dreg:s9], $0x7FFFF;
	_ =	strace $0x90000046  }
0xb6: {  	s29 =	simm.s32 $0x9;
	_ =	strace $0x80000048  }
0xb7: {  	_ =	swait.ge [sflag:s29], $0x1  }
0xb8: {  	[sflag:s29] =	ssyncadd.s32 $0xFFFFFFFF  }
0xb9: {  	_ =	strace $0x90000048  }
0xba: {  	_ =	sfence  }
0xbb: {  	s30 =	sld [smem:$0x0];
	_ =	sdelay $0x2  }
0xbc: {  	s31 =	sshll.u32 s1, $0xD;
	s1 =	sshrl.u32 s1, $0x2  }
0xbd: {  	s3 =	sand.u32 $0x4000, s31;
	s1 =	sadd.s32 s1, s30  }
0xbe: {  	s0 =	sor.u32 s3, s0;
	s1 =	sshll.u32 s1, $0x11  }
0xbf: {  	s0 =	sor.u32 s1, s0  }
0xc0: {  	s0 =	sadd.s32 $0x8F2B, s0  }
0xc1: {  	[sflag:s0] =	ssyncadd.remote.s32 $0x1  }
0xc2: {  	_ =	sfence.sel $0xFFFF  }
0xc3: {  	[dreg:$0x0] =	wrdreg $0xFFFFFFFF;
	(pc) =	sbr.abs _section_cstart, $3  }
0xc4: {  	[dreg:$0x1] =	wrdreg $0xFFFFFFFF  }
0xc5: {  	_ =	task.clear_ibuf [dreg:s9], $0x2FFFF;
	_ =	strace $0x9FFFFFFF  }
0xc6: {  	(tm) =	ssettm $0x7FFFFFFF  }
0xc7: {  	_ =	shalt  }
tec
execute0_lowered:
.L_overlay_start_1:
0x0: {  	(tag) =	ssettag $0x1  }
0x1: {  	s0 =	rddreg [dreg:$0x0]  }
0x2: {  	s2 =	rddreg [dreg:$0x1]  }
0x3: {  	s5 =	rddreg [dreg:$0x2]  }
0x4: {  	s14 =	rddreg [dreg:$0x3]  }
0x5: {  	s1 =	simm.s32 $0x0;
	s4 =	srdreg.scid;
	s7 =	stileid.u32  }
0x6: {  	s17 =	simm.s32 $0x80;
	s18 =	simm.s32 $0x280;
	s19 =	simm.s32 $0x100  }
0x7: {  	s20 =	simm.s32 $0x300;
	s21 =	simm.s32 $0x180;
	s22 =	simm.s32 $0x380  }
0x8: {  	s24 =	simm.s32 $0x5;
	s25 =	simm.s32 $0x4;
	s31 =	simm.s32 $0x3  }
0x9: {  	s23 =	simm.s32 $0x0;
	[smem:$0x7FF] =	sst s1;
	s3 =	sadd.s32 $0x186C00, s5  }
0xa: {  	s4 =	sand.u32 $0x1, s4;
	s7 =	sshll.u32 s7, $0x7;
	_ =	strace $0x80000047  }
0xb: {  	s6 =	ssub.s32 $0x2, s4;
	s8 =	sshll.u32 s4, $0x6;
	s4 =	sadd.s32 $0x200, s5  }
0xc: {  	s5 =	sadd.s32 $0x3400, s5;
	s9 =	sshrl.u32 s6, $0x1;
	s15 =	sor.u32 s8, s7  }
0xd: {  	[dreg:$0x5] =	wrdreg s5;
	s16 =	ssub.s32 s6, s9;
	s30 =	sor.u32 $0x10, s15  }
0xe: {  	vm0 =	vmmov $0x1;
	vm1 =	vmmov $0x3;
	vm2 =	vmmov $0x7;
	s6 =	sadd.s32 s0, s15;
	s7 =	sadd.s32 s2, s15;
	s11 =	sor.u32 $0x20, s15  }
0xf: {  	vm3 =	vmmov $0xf;
	vm4 =	vmmov $0x1f;
	vm5 =	vmmov $0x3f;
	s13 =	sor.u32 $0x30, s15;
	s14 =	sadd.s32 s14, s15;
	s8 =	sadd.s32 s0, s30  }
0x10: {  	vm6 =	vmmov $0x7f;
	vm7 =	vmmov $0xff;
	vm8 =	vmmov $0x1ff;
	s9 =	sadd.s32 s2, s30;
	s10 =	sadd.s32 s0, s11;
	s11 =	sadd.s32 s2, s11  }
0x11: {  	vm9 =	vmmov $0x3ff;
	vm10 =	vmmov $0x7ff;
	vm11 =	vmmov $0xfff;
	s12 =	sadd.s32 s0, s13;
	s13 =	sadd.s32 s2, s13;
	s15 =	smax.u32 s16, $0x1  }
0x12: {  	vm12 =	vmmov $0x1fff;
	vm13 =	vmmov $0x3fff;
	vm14 =	vmmov $0x7fff;
	s16 =	simm.s32 $0x200;
	s0 =	simm.s32 $0x1;
	s2 =	simm.s32 $0x2  }
.LBB2_1:
0x13: {  	[tilespmem:s1], [sflag:$0x4] =	stream.linear.gather [hbm4b:s6+s1], $0x80, $0x38;
	[tilespmem:$0x8A10] =	vst v63  }
0x14: {  	_ = 	snop  }
0x15: {  	[tilespmem:s16], [sflag:$0x4] =	stream.linear.gather [hbm4b:s7+s1], $0x80, $0x38;
	[tilespmem:$0x8A10] =	vst v63  }
0x16: {  	_ = 	snop  }
0x17: {  	[tilespmem:s17], [sflag:$0x4] =	stream.linear.gather [hbm4b:s8+s1], $0x80, $0x38;
	[tilespmem:$0x8A10] =	vst v63  }
0x18: {  	_ = 	snop  }
0x19: {  	[tilespmem:s18], [sflag:$0x4] =	stream.linear.gather [hbm4b:s9+s1], $0x80, $0x38;
	[tilespmem:$0x8A10] =	vst v63  }
0x1a: {  	_ = 	snop  }
0x1b: {  	[tilespmem:s19], [sflag:$0x4] =	stream.linear.gather [hbm4b:s10+s1], $0x80, $0x38;
	[tilespmem:$0x8A10] =	vst v63  }
0x1c: {  	_ = 	snop  }
0x1d: {  	[tilespmem:s20], [sflag:$0x4] =	stream.linear.gather [hbm4b:s11+s1], $0x80, $0x38;
	[tilespmem:$0x8A10] =	vst v63  }
0x1e: {  	_ = 	snop  }
0x1f: {  	[tilespmem:s21], [sflag:$0x4] =	stream.linear.gather [hbm4b:s12+s1], $0x80, $0x38;
	[tilespmem:$0x8A10] =	vst v63  }
0x20: {  	_ = 	snop  }
0x21: {  	[tilespmem:s22], [sflag:$0x4] =	stream.linear.gather [hbm4b:s13+s1], $0x80, $0x38;
	[tilespmem:$0x8A10] =	vst v63  }
0x22: {  	s5 =	rddreg [dreg:$0x5];
	s26 =	simm.s32 $0x8A00  }
0x23: {  	[tilespmem:s26], [sflag:$0x5] =	stream.linear.gather [hbm4b:s5+s1], $0x10, $0x38;
	[tilespmem:$0x8A10] =	vst v63  }
0x24: {  	_ =	swait.ge [sflag:s24], $0x10  }
0x25: {  	[sflag:s24] =	ssyncset.done $0x0  }
0x26: {  	[sflag:s24] =	ssyncadd.s32 $0xFFFFFFF0  }
0x27: {  	_ =	swait.ge [sflag:s25], $0x80  }
0x28: {  	[sflag:s25] =	ssyncset.done $0x0  }
0x29: {  	[sflag:s25] =	ssyncadd.s32 $0xFFFFFF80  }
0x2a: {  	_ =	swait.ge [sflag:s25], $0x80  }
0x2b: {  	[sflag:s25] =	ssyncset.done $0x0  }
0x2c: {  	[sflag:s25] =	ssyncadd.s32 $0xFFFFFF80  }
0x2d: {  	_ =	swait.ge [sflag:s25], $0x80  }
0x2e: {  	[sflag:s25] =	ssyncset.done $0x0  }
0x2f: {  	[sflag:s25] =	ssyncadd.s32 $0xFFFFFF80  }
0x30: {  	_ =	swait.ge [sflag:s25], $0x80  }
0x31: {  	[sflag:s25] =	ssyncset.done $0x0  }
0x32: {  	[sflag:s25] =	ssyncadd.s32 $0xFFFFFF80  }
0x33: {  	_ =	swait.ge [sflag:s25], $0x80  }
0x34: {  	[sflag:s25] =	ssyncset.done $0x0  }
0x35: {  	[sflag:s25] =	ssyncadd.s32 $0xFFFFFF80  }
0x36: {  	_ =	swait.ge [sflag:s25], $0x80  }
0x37: {  	[sflag:s25] =	ssyncset.done $0x0  }
0x38: {  	[sflag:s25] =	ssyncadd.s32 $0xFFFFFF80  }
0x39: {  	_ =	swait.ge [sflag:s25], $0x80  }
0x3a: {  	[sflag:s25] =	ssyncset.done $0x0  }
0x3b: {  	[sflag:s25] =	ssyncadd.s32 $0xFFFFFF80  }
0x3c: {  	_ =	swait.ge [sflag:s25], $0x80  }
0x3d: {  	[sflag:s25] =	ssyncset.done $0x0  }
0x3e: {  	s26 =	simm.s32 $0x400;
	[sflag:s25] =	ssyncadd.s32 $0xFFFFFF80  }
0x3f: {  	[tilespmem:s26], [sflag:$0x1] =	stream.indirect.gather [hbm4b:s3+s17], $0x40, s1, s17, $0xb8;
	[tilespmem:$0x8A10] =	vst v63  }
0x40: {  	s26 =	simm.s32 $0x4400  }
0x41: {  	[tilespmem:s26], [sflag:$0x1] =	stream.indirect.gather [hbm4b:s3+s17], $0x40, s16, s17, $0xb8;
	[tilespmem:$0x8A10] =	vst v63  }
0x42: {  	s26 =	simm.s32 $0x2400  }
0x43: {  	[tilespmem:s26], [sflag:$0x2] =	stream.indirect.gather [hbm4b:s3+s17], $0x40, s17, s17, $0xb8;
	[tilespmem:$0x8A10] =	vst v63  }
0x44: {  	s26 =	simm.s32 $0x6400  }
0x45: {  	[tilespmem:s26], [sflag:$0x2] =	stream.indirect.gather [hbm4b:s3+s17], $0x40, s18, s17, $0xb8;
	[tilespmem:$0x8A10] =	vst v63  }
0x46: {  	s26 =	simm.s32 $0x8400  }
0x47: {  	[tilespmem:s26], [sflag:$0x3] =	stream.indirect.gather [hbm4b:s4+s17], $0x1, s1, s17, $0xb8;
	[tilespmem:$0x8A10] =	vst v63  }
0x48: {  	s26 =	simm.s32 $0x8600  }
0x49: {  	[tilespmem:s26], [sflag:$0x3] =	stream.indirect.gather [hbm4b:s4+s17], $0x1, s16, s17, $0xb8;
	[tilespmem:$0x8A10] =	vst v63  }
0x4a: {  	s26 =	simm.s32 $0x8480  }
0x4b: {  	[tilespmem:s26], [sflag:$0x3] =	stream.indirect.gather [hbm4b:s4+s17], $0x1, s17, s17, $0xb8;
	[tilespmem:$0x8A10] =	vst v63  }
0x4c: {  	s26 =	simm.s32 $0x8680  }
0x4d: {  	[tilespmem:s26], [sflag:$0x3] =	stream.indirect.gather [hbm4b:s4+s17], $0x1, s18, s17, $0xb8;
	[tilespmem:$0x8A10] =	vst v63  }
0x4e: {  	s26 =	simm.s32 $0x8500  }
0x4f: {  	[tilespmem:s26], [sflag:$0x3] =	stream.indirect.gather [hbm4b:s4+s17], $0x1, s19, s17, $0xb8;
	[tilespmem:$0x8A10] =	vst v63  }
0x50: {  	s26 =	simm.s32 $0x8700  }
0x51: {  	[tilespmem:s26], [sflag:$0x3] =	stream.indirect.gather [hbm4b:s4+s17], $0x1, s20, s17, $0xb8;
	[tilespmem:$0x8A10] =	vst v63  }
0x52: {  	s26 =	simm.s32 $0x8580  }
0x53: {  	[tilespmem:s26], [sflag:$0x3] =	stream.indirect.gather [hbm4b:s4+s17], $0x1, s21, s17, $0xb8;
	[tilespmem:$0x8A10] =	vst v63  }
0x54: {  	s26 =	simm.s32 $0x8780  }
0x55: {  	[tilespmem:s26], [sflag:$0x3] =	stream.indirect.gather [hbm4b:s4+s17], $0x1, s22, s17, $0xb8;
	[tilespmem:$0x8A10] =	vst v63  }
0x56: {  	_ =	swait.ge [sflag:s31], $0x80  }
0x57: {  	[sflag:s31] =	ssyncset.done $0x0  }
0x58: {  	[sflag:s31] =	ssyncadd.s32 $0xFFFFFF80  }
0x59: {  	_ =	swait.ge [sflag:s31], $0x80  }
0x5a: {  	[sflag:s31] =	ssyncset.done $0x0  }
0x5b: {  	[sflag:s31] =	ssyncadd.s32 $0xFFFFFF80  }
0x5c: {  	_ =	swait.ge [sflag:s0], $0x2000  }
0x5d: {  	[sflag:s0] =	ssyncset.done $0x0  }
0x5e: {  	[sflag:s0] =	ssyncadd.s32 $0xFFFFE000  }
0x5f: {  	_ =	swait.ge [sflag:s0], $0x2000  }
0x60: {  	[sflag:s0] =	ssyncset.done $0x0  }
0x61: {  	s28 =	simm.s32 $0x600;
	[sflag:s0] =	ssyncadd.s32 $0xFFFFE000  }
0x62: {  	s26 =	simm.s32 $0x4600;
	v5 =	vld [tilespmem:s28+$0x1B0]  }
0x63: {  	v7 =	vld [tilespmem:s26+$0x1B0]  }
0x64: {  	v0 =	vld [tilespmem:s28+$0x1C0]  }
0x65: {  	v49 =	vld [tilespmem:s26+$0x1C0]  }
0x66: {  	v50 =	vld [tilespmem:s28+$0x1D0]  }
0x67: {  	v51 =	vld [tilespmem:s26+$0x1D0]  }
0x68: {  	v52 =	vld [tilespmem:s28+$0x1A0]  }
0x69: {  	v63 =	vld [tilespmem:s26+$0x1A0]  }
0x6a: {  	v13 =	vld [tilespmem:s28+$0x130]  }
0x6b: {  	v14 =	vld [tilespmem:s26+$0x130]  }
0x6c: {  	v53 =	vld [tilespmem:s28+$0x160]  }
0x6d: {  	v30 =	vld [tilespmem:s28+$0x180]  }
0x6e: {  	v31 =	vld [tilespmem:s26+$0x180]  }
0x6f: {  	v32 =	vld [tilespmem:s28+$0x190]  }
0x70: {  	v29 =	vld [tilespmem:s26+$0x190]  }
0x71: {  	v20 =	vld [tilespmem:s28+$0xF0]  }
0x72: {  	v54 =	vld [tilespmem:s28+$0x120]  }
0x73: {  	v55 =	vld [tilespmem:s26+$0x120]  }
0x74: {  	v56 =	vld [tilespmem:s28+$0x140]  }
0x75: {  	v57 =	vld [tilespmem:s26+$0x140]  }
0x76: {  	v58 =	vld [tilespmem:s28+$0x150]  }
0x77: {  	v59 =	vld [tilespmem:s26+$0x150]  }
0x78: {  	v62 =	vld [tilespmem:s28+$0xE0]  }
0x79: {  	v33 =	vld [tilespmem:s26+$0xE0]  }
0x7a: {  	v42 =	vld [tilespmem:s28+$0x100]  }
0x7b: {  	v43 =	vld [tilespmem:s26+$0x100]  }
0x7c: {  	v44 =	vld [tilespmem:s28+$0x110]  }
0x7d: {  	v45 =	vld [tilespmem:s26+$0x110]  }
0x7e: {  	v6 =	vld [tilespmem:s28+$0x70]  }
0x7f: {  	v8 =	vld [tilespmem:s26+$0x70]  }
0x80: {  	v60 =	vld [tilespmem:s28+$0xA0]  }
0x81: {  	v48 =	vld [tilespmem:s28+$0xC0]  }
0x82: {  	v1 =	vld [tilespmem:s26+$0xC0]  }
0x83: {  	v2 =	vld [tilespmem:s28+$0xD0]  }
0x84: {  	v3 =	vld [tilespmem:s28+$0x30]  }
0x85: {  	v4 =	vld [tilespmem:s26+$0x30]  }
0x86: {  	v34 =	vld [tilespmem:s28+$0x60]  }
0x87: {  	v61 =	vld [tilespmem:s28+$0x80]  }
0x88: {  	v9 =	vld [tilespmem:s26+$0x80]  }
0x89: {  	v10 =	vld [tilespmem:s28+$0x90]  }
0x8a: {  	v11 =	vld [tilespmem:s26+$0x90]  }
0x8b: {  	v35 =	vld [tilespmem:s28+$0x20]  }
0x8c: {  	v36 =	vld [tilespmem:s26+$0x20]  }
0x8d: {  	v23 =	vld [tilespmem:s28+$0xFFFFFFB0]  }
0x8e: {  	v37 =	vld [tilespmem:s26+$0xFFFFFFB0]  }
0x8f: {  	v38 =	vld [tilespmem:s28+$0xFFFFFFE0]  }
0x90: {  	v46 =	vld [tilespmem:s26+$0x0]  }
0x91: {  	v47 =	vld [tilespmem:s28+$0x10]  }
0x92: {  	v41 =	vld [tilespmem:s26+$0x10]  }
0x93: {  	v15 =	vld [tilespmem:s28+$0xFFFFFFC0]  }
0x94: {  	v16 =	vld [tilespmem:s26+$0xFFFFFFC0]  }
0x95: {  	v17 =	vld [tilespmem:s28+$0xFFFFFFD0]  }
0x96: {  	v18 =	vld [tilespmem:s26+$0xFFFFFFD0]  }
0x97: {  	v39 =	vld [tilespmem:s28+$0xFFFFFF60]  }
0x98: {  	v40 =	vld [tilespmem:s26+$0xFFFFFF60]  }
0x99: {  	v22 =	vld [tilespmem:s26+$0xFFFFFF80]  }
0x9a: {  	v21 =	vld [tilespmem:s26+$0xFFFFFF90]  }
0x9b: {  	v12 =	vld [tilespmem:s26+$0xFFFFFEF0]  }
0x9c: {  	v19 =	vld [tilespmem:s28+$0xFFFFFF20]  }
0x9d: {  	v27 =	vld [tilespmem:s28+$0xFFFFFEB0]  }
0x9e: {  	v28 =	vld [tilespmem:s26+$0xFFFFFEB0]  }
0x9f: {  	v24 =	vld [tilespmem:s26+$0xFFFFFF00]  }
0xa0: {  	v25 =	vld [tilespmem:s28+$0xFFFFFF10]  }
0xa1: {  	v26 =	vld [tilespmem:s26+$0xFFFFFF10]  }
0xa2: {  	[tilespmem:$0x1FEA0] =	vst v49;
	v49 =	vld [tilespmem:s26+$0xF0]  }
0xa3: {  	[tilespmem:$0x1FEC0] =	vst v51;
	v51 =	vld [tilespmem:s26+$0xD0]  }
0xa4: {  	[tilespmem:$0x1FFA0] =	vst v55;
	v55 =	vld [tilespmem:s26+$0x60]  }
0xa5: {  	[tilespmem:$0x1FF00] =	vst v58;
	v58 =	vld [tilespmem:s28+$0x40]  }
0xa6: {  	[tilespmem:$0x1FF10] =	vst v59;
	v59 =	vld [tilespmem:s26+$0x40]  }
0xa7: {  	[tilespmem:$0x1FF20] =	vst v60;
	v60 =	vld [tilespmem:s28+$0x50]  }
0xa8: {  	[tilespmem:$0x1FF30] =	vst v61;
	v61 =	vld [tilespmem:s26+$0x50]  }
0xa9: {  	[tilespmem:$0x1FF80] =	vst v52;
	v52 =	vld [tilespmem:s28+$0x0]  }
0xaa: {  	[tilespmem:$0x1FF40] =	vst v9;
	v9 =	vld [tilespmem:s28+$0xFFFFFF70]  }
0xab: {  	[tilespmem:$0x1FF60] =	vst v11;
	v11 =	vld [tilespmem:s26+$0xFFFFFF70]  }
0xac: {  	[tilespmem:$0x1FF90] =	vst v54;
	v54 =	vld [tilespmem:s28+$0xFFFFFFA0]  }
0xad: {  	[tilespmem:$0x1FED0] =	vst v53;
	v53 =	vld [tilespmem:s26+$0xFFFFFFA0]  }
0xae: {  	[tilespmem:$0x1FFC0] =	vst v36;
	v36 =	vld [tilespmem:s28+$0xFFFFFF80]  }
0xaf: {  	[tilespmem:$0x1FFB0] =	vst v35;
	v35 =	vld [tilespmem:s28+$0xFFFFFF90]  }
0xb0: {  	[tilespmem:$0x1FF50] =	vst v10;
	v10 =	vld [tilespmem:s28+$0xFFFFFEF0]  }
0xb1: {  	[tilespmem:$0x1FFF0] =	vst v40;
	v40 =	vld [tilespmem:s28+$0xFFFFFF40]  }
0xb2: {  	[tilespmem:$0x1FF70] =	vst v38;
	v38 =	vld [tilespmem:s26+$0xFFFFFF40]  }
0xb3: {  	[tilespmem:$0x1FFE0] =	vst v39;
	v39 =	vld [tilespmem:s28+$0xFFFFFF50]  }
0xb4: {  	[tilespmem:$0x1FFD0] =	vst v37;
	v37 =	vld [tilespmem:s26+$0xFFFFFF50]  }
0xb5: {  	[tilespmem:$0x1FEF0] =	vst v57;
	v57 =	vld [tilespmem:s28+$0xFFFFFEE0]  }
0xb6: {  	[tilespmem:$0x1FEE0] =	vst v56;
	v56 =	vld [tilespmem:s26+$0xFFFFFEE0]  }
0xb7: {  	[tilespmem:$0x1FEB0] =	vst v50;
	v50 =	vld [tilespmem:s28+$0xFFFFFF00]  }
0xb8: {  	v32 =	vmul.f32 v29, v32;
	v29 =	vld [tilespmem:s28+$0xFFFFFE30]  }
0xb9: {  	v31 =	vmul.f32 v31, v30;
	v30 =	vld [tilespmem:s26+$0xFFFFFE30]  }
0xba: {  	[tilespmem:$0x1FE90] =	vst v0;
	v42 =	vmul.f32 v43, v42;
	v0 =	vld [tilespmem:$0x1FF80]  }
0xbb: {  	v43 =	vmul.f32 v45, v44;
	v44 =	vmul.f32 v1, v48;
	v48 =	vld [tilespmem:$0x1FF90]  }
0xbc: {  	v33 =	vmul.f32 v33, v62;
	v62 =	vld [tilespmem:$0x1FFB0]  }
0xbd: {  	v42 =	vadd.f32 v43, v42;
	v43 =	vld [tilespmem:s26+$0xFFFFFE80]  }
0xbe: {  	v45 =	vmul.f32 v51, v2;
	v51 =	vld [tilespmem:$0x1FFA0]  }
0xbf: {  	v2 =	vld [tilespmem:s28+$0xFFFFFED0]  }
0xc0: {  	v58 =	vmul.f32 v59, v58;
	v59 =	vmul.f32 v46, v52;
	v46 =	vld [tilespmem:s28+$0xFFFFFE80]  }
0xc1: {  	v21 =	vmul.f32 v21, v35;
	v35 =	vld [tilespmem:s28+$0xFFFFFE00]  }
0xc2: {  	v22 =	vmul.f32 v22, v36;
	v36 =	vld [tilespmem:s26+$0xFFFFFE00];
	v63 =	vmul.f32 v63, v0;
	v0 =	vadd.f32 v32, v31  }
0xc3: {  	v37 =	vmul.f32 v37, v39;
	v39 =	vld [tilespmem:s26+$0xFFFFFE10]  }
0xc4: {  	v38 =	vmul.f32 v38, v40;
	v40 =	vld [tilespmem:s26+$0xFFFFFE40];
	v0 =	vadd.f32 v63, v0;
	v63 =	vmul.f32 v51, v48  }
0xc5: {  	v31 =	vld [tilespmem:s28+$0xFFFFFEA0];
	v44 =	vadd.f32 v45, v44;
	v21 =	vadd.f32 v21, v22;
	v51 =	vmul.f32 v7, v5  }
0xc6: {  	v45 =	vld [tilespmem:s26+$0xFFFFFEC0];
	v22 =	vmul.f32 v53, v54;
	v42 =	vadd.f32 v63, v42;
	v63 =	vmul.f32 v14, v13  }
0xc7: {  	v53 =	vld [tilespmem:$0x1FFD0];
	v44 =	vadd.f32 v33, v44;
	v5 =	vmul.f32 v49, v20;
	v0 =	vadd.f32 v51, v0  }
0xc8: {  	v42 =	vadd.f32 v63, v42;
	v63 =	vld [tilespmem:$0x1FFC0]  }
0xc9: {  	v54 =	vld [tilespmem:$0x1FFE0];
	v49 =	vmul.f32 v55, v34;
	v55 =	vadd.f32 v5, v44;
	(xrf2) =	vadd.scan.msk.f32 $0xffff, v0  }
0xca: {  	v48 =	vld [tilespmem:s28+$0xFFFFFEC0];
	v7 =	vmul.f32 v61, v60;
	(xrf2) =	vadd.scan.msk.f32 $0xffff, v42  }
0xcb: {  	v41 =	vmul.f32 v41, v47;
	v51 =	vld [tilespmem:s26+$0xFFFFFED0];
	(xrf2) =	vadd.scan.msk.f32 $0xffff, v55  }
0xcc: {  	v58 =	vadd.f32 v7, v58;
	v55 =	vld [tilespmem:$0x1FFF0]  }
0xcd: {  	v32 =	vld [tilespmem:s26+$0xFFFFFEA0];
	v61 =	vadd.f32 v41, v59;
	v7 =	vmul.f32 v63, v62  }
0xce: {  	v52 =	vmul.f32 v4, v3;
	v60 =	vmul.f32 v8, v6;
	v41 =	vld [tilespmem:s28+$0xFFFFFE90];
	v0 =	vadd.f32 v49, v58  }
0xcf: {  	v21 =	vadd.f32 v22, v21;
	v8 =	vld [tilespmem:s26+$0xFFFFFE90];
	v22 =	vmul.f32 v53, v23;
	v49 =	vadd.f32 v7, v61  }
0xd0: {  	v38 =	vadd.f32 v37, v38;
	v37 =	vld [tilespmem:s28+$0xFFFFFE10];
	v0 =	vadd.f32 v60, v0;
	v60 =	vmul.f32 v45, v48  }
0xd1: {  	v33 =	vld [tilespmem:s28+$0xFFFFFE20];
	v22 =	vadd.f32 v22, v21;
	v61 =	vmul.f32 v51, v2;
	v58 =	vmul.f32 v55, v54  }
0xd2: {  	v34 =	vld [tilespmem:s26+$0xFFFFFE20];
	v44 =	vmul.f32 v43, v46;
	v62 =	vmul.f32 v11, v9;
	v59 =	vadd.f32 v52, v49  }
0xd3: {  	v43 =	vld [tilespmem:s26+$0xFFFFFE50];
	(xrf2) =	vadd.scan.msk.f32 $0xffff, v0;
	v63 =	vmul.f32 v56, v57;
	v45 =	vadd.f32 v61, v60;
	v42 =	vadd.f32 v58, v38;
	v49, _, _ =	vpop (xrf2)  }
0xd4: {  	v47 =	vmul.f32 v8, v41;
	v41 =	vld [tilespmem:s28+$0xFFFFFE50];
	(xrf2) =	vadd.scan.msk.f32 $0xffff, v59;
	v21, _, _ =	vpop (xrf2)  }
0xd5: {  	s30 =	simm.s32 $0x40;
	s29 =	simm.s32 $0x0;
	v46 =	vmul.f32 v12, v10;
	v38 =	vld [tilespmem:s28+$0xFFFFFE40];
	v45 =	vadd.f32 v63, v45;
	(xrf2) =	vadd.scan.msk.f32 $0xffff, v22;
	v42 =	vadd.f32 v62, v42;
	v22, _, _ =	vpop (xrf2)  }
.LBB2_2:
0xd6: {  	v48 =	vld [tilespmem:s28+$0xFFFFFE60]  }
0xd7: {  	v8 =	vld [tilespmem:s26+$0xFFFFFE60]  }
0xd8: {  	v10 =	vld [tilespmem:s28+$0xFFFFFE70]  }
0xd9: {  	v11 =	vld [tilespmem:s26+$0xFFFFFE70]  }
0xda: {  	v15 =	vmul.f32 v16, v15;
	v16 =	vmul.f32 v18, v17;
	v17 =	vld [tilespmem:s26+$0xA0]  }
0xdb: {  	v0 =	vld [tilespmem:$0x1FF70]  }
0xdc: {  	v1 =	vld [tilespmem:$0x1FF40]  }
0xdd: {  	v51 =	vld [tilespmem:$0x1FF60]  }
0xde: {  	v12 =	vld [tilespmem:s26+$0x160]  }
0xdf: {  	v52 =	vld [tilespmem:$0x1FF20]  }
0xe0: {  	v53 =	vld [tilespmem:s26+$0x170]  }
0xe1: {  	v54 =	vld [tilespmem:$0x1FEE0]  }
0xe2: {  	v55 =	vld [tilespmem:$0x1FEF0]  }
0xe3: {  	v56 =	vld [tilespmem:$0x1FF00]  }
0xe4: {  	v57 =	vld [tilespmem:$0x1FF10]  }
0xe5: {  	v58 =	vld [tilespmem:$0x1FED0];
	v32 =	vmul.f32 v32, v31  }
0xe6: {  	v60 =	vld [tilespmem:$0x1FE90];
	v44 =	vadd.f32 v47, v44;
	v35 =	vmul.f32 v36, v35;
	v7 =	vmul.f32 v39, v37  }
0xe7: {  	(xrf2) =	vadd.scan.msk.f32 $0xffff, v42;
	v9 =	vadd.f32 v46, v45;
	v46 =	vld [tilespmem:s26+$0xFFFFFF30];
	v27 =	vmul.f32 v28, v27;
	v33 =	vmul.f32 v34, v33  }
0xe8: {  	v40 =	vmul.f32 v40, v38;
	v41 =	vmul.f32 v43, v41;
	v43 =	vld [tilespmem:s26+$0xFFFFFF20]  }
0xe9: {  	v29 =	vmul.f32 v30, v29;
	v30 =	vld [tilespmem:s28+$0xFFFFFF30];
	v32 =	vadd.f32 v32, v44;
	v28 =	vadd.f32 v7, v35  }
0xea: {  	v23 =	vmul.f32 v24, v50;
	v24 =	vmul.f32 v26, v25;
	v25 =	vld [tilespmem:s26+$0xFFFFFFE0];
	v31, _, _ =	vpop (xrf2);
	(xrf2) =	vadd.scan.msk.f32 $0xffff, v9;
	v44 =	vadd.f32 v41, v40  }
0xeb: {  	v50 =	vld [tilespmem:$0x1FF50];
	v45 =	vmul.f32 v8, v48;
	v27 =	vadd.f32 v27, v32;
	v28 =	vadd.f32 v33, v28  }
0xec: {  	v48 =	vld [tilespmem:$0x1FF30]  }
0xed: {  	v47 =	vld [tilespmem:s28+$0xFFFFFFF0];
	v38, _, _ =	vpop (xrf2);
	(xrf2) =	vadd.scan.msk.f32 $0xffff, v27;
	v27 =	vadd.f32 v29, v28;
	v28 =	vadd.f32 v45, v44;
	v29 =	vmul.f32 v11, v10  }
0xee: {  	v23 =	vadd.f32 v24, v23;
	v24 =	vld [tilespmem:s26+$0xFFFFFFF0];
	v20 =	vmul.f32 v43, v19  }
0xef: {  	v61 =	vld [tilespmem:$0x1FEA0];
	v15 =	vadd.f32 v16, v15;
	v26, _, _ =	vpop (xrf2);
	(xrf2) =	vadd.scan.msk.f32 $0xffff, v27;
	v27 =	vadd.f32 v29, v28  }
0xf0: {  	v16 =	vld [tilespmem:s26+$0xB0];
	v14 =	vmul.f32 v25, v0;
	v20 =	vadd.f32 v20, v23;
	v23 =	vmul.f32 v46, v30  }
0xf1: {  	v10 =	vmul.f32 v1, v48;
	v11 =	vmul.f32 v51, v50;
	v18, _, _ =	vpop (xrf2);
	v28 =	vld [tilespmem:s28+$0xB0];
	(xrf2) =	vadd.scan.msk.f32 $0xffff, v27  }
0xf2: {  	v32 =	vld [tilespmem:$0x1FEC0];
	v20 =	vadd.f32 v23, v20  }
0xf3: {  	v14 =	vadd.f32 v14, v15;
	v15 =	vmul.f32 v24, v47;
	v10 =	vadd.f32 v11, v10;
	v11 =	vld [tilespmem:$0x1FEB0]  }
0xf4: {  	v9 =	vmul.f32 v17, v52;
	v23 =	vld [tilespmem:s28+$0x170];
	v13, _, _ =	vpop (xrf2);
	(xrf2) =	vadd.scan.msk.f32 $0xffff, v20  }
0xf5: {  	v5 =	vmul.f32 v55, v54;
	v6 =	vmul.f32 v57, v56;
	v7 =	vld [tilespmem:s28+$0x1E0];
	v14 =	vadd.f32 v15, v14  }
0xf6: {  	v15 =	vld [tilespmem:s26+$0x1E0];
	v9 =	vadd.f32 v9, v10;
	v16 =	vmul.f32 v16, v28  }
0xf7: {  	v59 =	vld [tilespmem:s28+$0x1F0];
	v4 =	vmul.f32 v12, v58;
	v5 =	vadd.f32 v6, v5;
	v8, _, _ =	vpop (xrf2);
	(xrf2) =	vadd.scan.msk.f32 $0xffff, v14  }
0xf8: {  	v3 =	vld [tilespmem:s26+$0x1F0];
	v2 =	vmul.f32 v61, v60;
	v9 =	vadd.f32 v16, v9  }
0xf9: {  	v12 =	vadd.f32 v4, v5;
	v0 =	vmul.f32 v32, v11;
	v63 =	vmul.f32 v53, v23  }
0xfa: {  	v62, _, _ =	vpop (xrf2);
	(xrf2) =	vadd.scan.msk.f32 $0xffff, v9  }
0xfb: {  	v34 =	vmul.f32 v15, v7;
	v0 =	vadd.f32 v0, v2;
	v33 =	vadd.f32 v63, v12;
	v35, _, _ =	vpop (xrf2)  }
0xfc: {  	v36 =	vbroadcast v62, $0xF;
	v37 =	vbroadcast v35, $0xF  }
0xfd: {  	v40 =	vmul.f32 v3, v59;
	v39 =	vbroadcast v8, $0xF;
	v0 =	vadd.f32 v34, v0;
	(xrf2) =	vadd.scan.msk.f32 $0xffff, v33  }
0xfe: {  	v42 =	vbroadcast v13, $0xF;
	v43, _, _ =	vpop (xrf2);
	v41 =	vsel vm0, v36, v37  }
0xff: {  	v0 =	vadd.f32 v40, v0;
	v44 =	vbroadcast v43, $0xF;
	v1 =	vsel vm1, v41, v39  }
0x100: {  	v45 =	vbroadcast v18, $0xF;
	v1 =	vsel vm2, v1, v42  }
0x101: {  	v46 =	vbroadcast v26, $0xF;
	v1 =	vsel vm3, v1, v44;
	v47, _, _ =	vpop (xrf2);
	(xrf2) =	vadd.scan.msk.f32 $0xffff, v0  }
0x102: {  	v48 =	vsel vm4, v1, v45;
	v50 =	vbroadcast v47, $0xF  }
0x103: {  	v51 =	vbroadcast v38, $0xF;
	v0 =	vsel vm5, v48, v46  }
0x104: {  	v52 =	vbroadcast v31, $0xF;
	v53, _, _ =	vpop (xrf2);
	v0 =	vsel vm6, v0, v50  }
0x105: {  	v54 =	vbroadcast v53, $0xF;
	v0 =	vsel vm7, v0, v51  }
0x106: {  	v55 =	vbroadcast v22, $0xF;
	v0 =	vsel vm8, v0, v52  }
0x107: {  	s5 =	sshra.s32 s29, $0x2;
	v56 =	vbroadcast v21, $0xF;
	v57, _, _ =	vpop (xrf2);
	v0 =	vsel vm9, v0, v54  }
0x108: {  	v59 =	vld [tilespmem:s5+$0x8400];
	v58 =	vbroadcast v57, $0xF;
	v0 =	vsel vm10, v0, v55  }
0x109: {  	v60 =	vbroadcast v49, $0xF;
	v0 =	vsel vm11, v0, v56  }
0x10a: {  	v61 =	vld [tilespmem:s5+$0x8600];
	v0 =	vsel vm12, v0, v58  }
0x10b: {  	v0 =	vsel vm13, v0, v60;
	v62, _, _ =	vpop (xrf2)  }
0x10c: {  	v63 =	vld [tilespmem:$0x8A00];
	v0 =	vsel vm14, v0, v62  }
0x10d: {  	v0 =	vadd.f32 v0, v59;
	_ =	sdelay $0x1  }
0x10e: {  	v0 =	vadd.f32 v0, v61;
	_ =	sdelay $0x1  }
0x10f: {  	v0 =	vadd.f32 v0, v63;
	_ =	sdelay $0x1  }
0x110: {  	v0 =	vsub.f32 $0.0e+00, v0;
	_ =	sdelay $0x1  }
0x111: {  	v0 =	vmul.f32 $1.442695020e+00, v0;
	_ =	sdelay $0x1  }
0x112: {  	(erf) = vpow2.f32 v0;
	_ =	sdelay $0x8  }
0x113: {  	v0 =	vpop (erf)  }
0x114: {  	v0 =	vadd.f32 $1.000000000e+00, v0;
	_ =	sdelay $0x1  }
0x115: {  	(erf) = vrcp.f32 v0;
	_ =	sdelay $0x8  }
0x116: {  	v0 =	vpop (erf)  }
0x117: {  	s28 =	sadd.s32 $0x400, s28;
	[tilespmem:s5+$0x8800] =	vst v0  }
0x118: {  	s26 =	sadd.s32 $0x400, s26;
	v0 =	vld [tilespmem:s28+$0x1B0]  }
0x119: {  	v21 =	vld [tilespmem:s26+$0x1B0]  }
0x11a: {  	v6 =	vld [tilespmem:s28+$0x1C0]  }
0x11b: {  	v7 =	vld [tilespmem:s26+$0x1C0]  }
0x11c: {  	v8 =	vld [tilespmem:s28+$0x1D0]  }
0x11d: {  	v9 =	vld [tilespmem:s26+$0x1D0]  }
0x11e: {  	v26 =	vld [tilespmem:s28+$0x1A0]  }
0x11f: {  	v29 =	vld [tilespmem:s26+$0x1A0]  }
0x120: {  	v33 =	vld [tilespmem:s28+$0x130]  }
0x121: {  	v35 =	vld [tilespmem:s26+$0x130]  }
0x122: {  	v10 =	vld [tilespmem:s28+$0x160]  }
0x123: {  	v24 =	vld [tilespmem:s28+$0x180]  }
0x124: {  	v25 =	vld [tilespmem:s26+$0x180]  }
0x125: {  	v30 =	vld [tilespmem:s28+$0x190]  }
0x126: {  	v47 =	vld [tilespmem:s26+$0x190]  }
0x127: {  	v22 =	vld [tilespmem:s28+$0xF0]  }
0x128: {  	v34 =	vld [tilespmem:s26+$0xF0]  }
0x129: {  	v31 =	vld [tilespmem:s28+$0x120]  }
0x12a: {  	v32 =	vld [tilespmem:s26+$0x120]  }
0x12b: {  	v11 =	vld [tilespmem:s28+$0x140]  }
0x12c: {  	v36 =	vld [tilespmem:s26+$0x140]  }
0x12d: {  	v37 =	vld [tilespmem:s28+$0x150]  }
0x12e: {  	v38 =	vld [tilespmem:s26+$0x150]  }
0x12f: {  	v41 =	vld [tilespmem:s28+$0xE0]  }
0x130: {  	v44 =	vld [tilespmem:s26+$0xE0]  }
0x131: {  	v53 =	vld [tilespmem:s28+$0x100]  }
0x132: {  	v54 =	vld [tilespmem:s26+$0x100]  }
0x133: {  	v55 =	vld [tilespmem:s28+$0x110]  }
0x134: {  	v56 =	vld [tilespmem:s26+$0x110]  }
0x135: {  	v39 =	vld [tilespmem:s28+$0x70]  }
0x136: {  	v40 =	vld [tilespmem:s28+$0xA0]  }
0x137: {  	v57 =	vld [tilespmem:s28+$0xC0]  }
0x138: {  	v58 =	vld [tilespmem:s26+$0xC0]  }
0x139: {  	v59 =	vld [tilespmem:s28+$0xD0]  }
0x13a: {  	v60 =	vld [tilespmem:s26+$0xD0]  }
0x13b: {  	v42 =	vld [tilespmem:s28+$0x30]  }
0x13c: {  	v51 =	vld [tilespmem:s28+$0x60]  }
0x13d: {  	v52 =	vld [tilespmem:s26+$0x60]  }
0x13e: {  	v43 =	vld [tilespmem:s28+$0x80]  }
0x13f: {  	v45 =	vld [tilespmem:s26+$0x80]  }
0x140: {  	v46 =	vld [tilespmem:s28+$0x90]  }
0x141: {  	v48 =	vld [tilespmem:s26+$0x90]  }
0x142: {  	v61 =	vld [tilespmem:s28+$0x40]  }
0x143: {  	v62 =	vld [tilespmem:s26+$0x40]  }
0x144: {  	v63 =	vld [tilespmem:s28+$0x50]  }
0x145: {  	v49 =	vld [tilespmem:s28+$0xFFFFFFE0]  }
0x146: {  	v1 =	vld [tilespmem:s28+$0x0]  }
0x147: {  	v2 =	vld [tilespmem:s26+$0x0]  }
0x148: {  	v3 =	vld [tilespmem:s28+$0x10]  }
0x149: {  	v4 =	vld [tilespmem:s26+$0x10]  }
0x14a: {  	v50 =	vld [tilespmem:s28+$0xFFFFFF70]  }
0x14b: {  	v5 =	vld [tilespmem:s28+$0xFFFFFFA0]  }
0x14c: {  	v23 =	vld [tilespmem:s26+$0xFFFFFFC0]  }
0x14d: {  	v12 =	vld [tilespmem:s26+$0xFFFFFF90]  }
0x14e: {  	v13 =	vld [tilespmem:s28+$0xFFFFFEF0]  }
0x14f: {  	v19 =	vld [tilespmem:s28+$0xFFFFFF20]  }
0x150: {  	v14 =	vld [tilespmem:s26+$0xFFFFFF40]  }
0x151: {  	v15 =	vld [tilespmem:s28+$0xFFFFFF50]  }
0x152: {  	v16 =	vld [tilespmem:s26+$0xFFFFFF50]  }
0x153: {  	v27 =	vld [tilespmem:s28+$0xFFFFFEB0]  }
0x154: {  	v28 =	vld [tilespmem:s26+$0xFFFFFEB0]  }
0x155: {  	v17 =	vld [tilespmem:s28+$0xFFFFFEE0]  }
0x156: {  	v18 =	vld [tilespmem:s26+$0xFFFFFEE0]  }
0x157: {  	[tilespmem:$0x1FE50] =	vst v39;
	v39 =	vld [tilespmem:s26+$0x70]  }
0x158: {  	[tilespmem:$0x1FF10] =	vst v38;
	v38 =	vld [tilespmem:s26+$0x30]  }
0x159: {  	[tilespmem:$0x1FF60] =	vst v48;
	v48 =	vld [tilespmem:s28+$0x20]  }
0x15a: {  	[tilespmem:$0x1FEF0] =	vst v36;
	v36 =	vld [tilespmem:s26+$0x20]  }
0x15b: {  	[tilespmem:$0x1FE40] =	vst v0;
	v0 =	vld [tilespmem:s26+$0x50]  }
0x15c: {  	[tilespmem:$0x1FF00] =	vst v37;
	v37 =	vld [tilespmem:s28+$0xFFFFFFB0]  }
0x15d: {  	[tilespmem:$0x1FF40] =	vst v45;
	v45 =	vld [tilespmem:s26+$0xFFFFFFB0]  }
0x15e: {  	[tilespmem:$0x1FF20] =	vst v40;
	v40 =	vld [tilespmem:s26+$0xFFFFFF70]  }
0x15f: {  	[tilespmem:$0x1FE90] =	vst v6;
	v6 =	vld [tilespmem:s26+$0xFFFFFFA0]  }
0x160: {  	[tilespmem:$0x1FF70] =	vst v49;
	v49 =	vld [tilespmem:s28+$0xFFFFFFC0]  }
0x161: {  	[tilespmem:$0x1FF30] =	vst v43;
	v43 =	vld [tilespmem:s28+$0xFFFFFFD0]  }
0x162: {  	[tilespmem:$0x1FE60] =	vst v42;
	v42 =	vld [tilespmem:s26+$0xFFFFFFD0]  }
0x163: {  	[tilespmem:$0x1FEA0] =	vst v7;
	v7 =	vld [tilespmem:s28+$0xFFFFFF60]  }
0x164: {  	[tilespmem:$0x1FEB0] =	vst v8;
	v8 =	vld [tilespmem:s26+$0xFFFFFF60]  }
0x165: {  	[tilespmem:$0x1FEC0] =	vst v9;
	v9 =	vld [tilespmem:s28+$0xFFFFFF80]  }
0x166: {  	[tilespmem:$0x1FED0] =	vst v10;
	v10 =	vld [tilespmem:s26+$0xFFFFFF80]  }
0x167: {  	[tilespmem:$0x1FEE0] =	vst v11;
	v11 =	vld [tilespmem:s28+$0xFFFFFF90]  }
0x168: {  	[tilespmem:$0x1FF50] =	vst v46;
	v46 =	vld [tilespmem:s26+$0xFFFFFEF0]  }
0x169: {  	[tilespmem:$0x1FE80] =	vst v13;
	v13 =	vld [tilespmem:s28+$0xFFFFFF40]  }
0x16a: {  	[tilespmem:$0x1FE70] =	vst v50;
	v50 =	vld [tilespmem:s28+$0xFFFFFF00]  }
0x16b: {  	v20 =	vmul.f32 v25, v24;
	v24 =	vld [tilespmem:s26+$0xFFFFFF00]  }
0x16c: {  	v30 =	vmul.f32 v47, v30;
	v25 =	vld [tilespmem:s28+$0xFFFFFF10]  }
0x16d: {  	v47 =	vmul.f32 v54, v53;
	v53 =	vmul.f32 v32, v31;
	v31 =	vld [tilespmem:s28+$0xFFFFFEA0]  }
0x16e: {  	v32 =	vld [tilespmem:s26+$0xFFFFFEA0]  }
0x16f: {  	v58 =	vmul.f32 v58, v57;
	v57 =	vmul.f32 v60, v59;
	v60 =	vld [tilespmem:s26+$0xFFFFFED0]  }
0x170: {  	v22 =	vmul.f32 v34, v22;
	v34 =	vld [tilespmem:s26+$0xFFFFFE20];
	v20 =	vadd.f32 v30, v20;
	v30 =	vmul.f32 v29, v26  }
0x171: {  	v41 =	vmul.f32 v44, v41;
	v44 =	vld [tilespmem:s26+$0xFFFFFE80]  }
0x172: {  	v20 =	vadd.f32 v30, v20;
	v30 =	vld [tilespmem:$0x1FE40]  }
0x173: {  	v59 =	vmul.f32 v62, v61;
	v61 =	vmul.f32 v52, v51;
	v52 =	vld [tilespmem:s26+$0xFFFFFE90]  }
0x174: {  	v51 =	vld [tilespmem:$0x1FE60];
	v58 =	vadd.f32 v57, v58  }
0x175: {  	v56 =	vmul.f32 v56, v55;
	v26 =	vld [tilespmem:s26+$0xFFFFFF10]  }
0x176: {  	v33 =	vmul.f32 v35, v33;
	v29 =	vld [tilespmem:s28+$0xFFFFFE30];
	v35 =	vadd.f32 v41, v58  }
0x177: {  	v47 =	vadd.f32 v56, v47;
	v41 =	vld [tilespmem:s28+$0xFFFFFE50];
	v21 =	vmul.f32 v21, v30  }
0x178: {  	v0 =	vmul.f32 v0, v63;
	v57 =	vmul.f32 v45, v37;
	v37 =	vld [tilespmem:s28+$0xFFFFFE10];
	v63 =	vadd.f32 v22, v35  }
0x179: {  	v35 =	vld [tilespmem:$0x1FE50];
	v20 =	vadd.f32 v21, v20;
	v21 =	vadd.f32 v53, v47  }
0x17a: {  	v1 =	vmul.f32 v2, v1;
	v22 =	vld [tilespmem:s28+$0xFFFFFE80]  }
0x17b: {  	v62 =	vmul.f32 v4, v3;
	v2 =	vmul.f32 v38, v51;
	v38 =	vld [tilespmem:s28+$0xFFFFFE40];
	v21 =	vadd.f32 v33, v21  }
0x17c: {  	v47 =	vld [tilespmem:s28+$0xFFFFFEC0];
	(xrf2) =	vadd.scan.msk.f32 $0xffff, v20  }
0x17d: {  	v1 =	vadd.f32 v62, v1;
	v9 =	vmul.f32 v10, v9;
	v62 =	vmul.f32 v12, v11;
	v20 =	vld [tilespmem:s26+$0xFFFFFEC0];
	(xrf2) =	vadd.scan.msk.f32 $0xffff, v21  }
0x17e: {  	v0 =	vadd.f32 v0, v59;
	(xrf2) =	vadd.scan.msk.f32 $0xffff, v63;
	v63 =	vld [tilespmem:s28+$0xFFFFFE90]  }
0x17f: {  	v55 =	vmul.f32 v16, v15;
	v9 =	vadd.f32 v62, v9;
	v62 =	vmul.f32 v18, v17;
	v53 =	vld [tilespmem:s28+$0xFFFFFED0]  }
0x180: {  	v17 =	vmovc v43;
	v43 =	vld [tilespmem:s26+$0xFFFFFE50];
	v0 =	vadd.f32 v61, v0;
	v4 =	vmul.f32 v39, v35;
	v39 =	vmul.f32 v36, v48  }
0x181: {  	v5 =	vmul.f32 v6, v5;
	v54 =	vmul.f32 v14, v13;
	v61 =	vld [tilespmem:$0x1FE70]  }
0x182: {  	v58 =	vmul.f32 v8, v7;
	v30 =	vld [tilespmem:s26+$0xFFFFFE30];
	v0 =	vadd.f32 v4, v0;
	v1 =	vadd.f32 v39, v1  }
0x183: {  	p0 =	sne.s32 s30, $0x1C0;
	v56 =	vadd.f32 v5, v9;
	v59 =	vmul.f32 v20, v47;
	v47 =	vmul.f32 v52, v63;
	v63 =	vld [tilespmem:$0x1FE80]  }
.Ltmp0:
0x184: {  	v35 =	vld [tilespmem:s28+$0xFFFFFE00];
	v1 =	vadd.f32 v2, v1;
	v60 =	vmul.f32 v60, v53;
	(xrf2) =	vadd.scan.msk.f32 $0xffff, v0;
	v0 =	vadd.f32 v55, v54;
	(pc) =	sbr.rel @p0 .LBB2_2-.Ltmp0, $4  }
0x185: {  	v15 =	vmov v49;
	v36 =	vld [tilespmem:s26+$0xFFFFFE00];
	v2 =	vadd.f32 v57, v56  }
0x186: {  	v33 =	vld [tilespmem:s28+$0xFFFFFE20];
	v5 =	vmul.f32 v40, v61;
	v0 =	vadd.f32 v58, v0;
	v49, _, _ =	vpop (xrf2);
	(xrf2) =	vadd.scan.msk.f32 $0xffff, v1;
	v1 =	vadd.f32 v60, v59  }
0x187: {  	v16 =	vmov v23;
	v18 =	vmov v42;
	v44 =	vmul.f32 v44, v22;
	v39 =	vld [tilespmem:s26+$0xFFFFFE10];
	v21, _, _ =	vpop (xrf2)  }
0x188: {  	s29 =	smov.u32 s30;
	s30 =	sadd.s32 $0x40, s30;
	v40 =	vld [tilespmem:s26+$0xFFFFFE40];
	v42 =	vadd.f32 v5, v0;
	(xrf2) =	vadd.scan.msk.f32 $0xffff, v2;
	v45 =	vadd.f32 v62, v1;
	v22, _, _ =	vpop (xrf2);
	v46 =	vmul.f32 v46, v63  }
0x189: {  	v0 =	vld [tilespmem:s28+$0xFFFFFE60]  }
0x18a: {  	v1 =	vld [tilespmem:s26+$0xFFFFFE60]  }
0x18b: {  	v4 =	vld [tilespmem:s28+$0xFFFFFE70]  }
0x18c: {  	v8 =	vld [tilespmem:s26+$0xFFFFFE70]  }
0x18d: {  	v10 =	vld [tilespmem:s26+$0xFFFFFF20]  }
0x18e: {  	v12 =	vld [tilespmem:s28+$0xFFFFFF30]  }
0x18f: {  	v48 =	vld [tilespmem:s26+$0xFFFFFF30]  }
0x190: {  	v14 =	vld [tilespmem:s26+$0xFFFFFFE0]  }
0x191: {  	v53 =	vld [tilespmem:s28+$0xFFFFFFF0]  }
0x192: {  	v55 =	vld [tilespmem:s26+$0xFFFFFFF0]  }
0x193: {  	v58 =	vld [tilespmem:s26+$0xA0]  }
0x194: {  	v60 =	vld [tilespmem:s28+$0xB0]  }
0x195: {  	v61 =	vld [tilespmem:$0x1FF70]  }
0x196: {  	v62 =	vld [tilespmem:s26+$0xB0]  }
0x197: {  	v3 =	vmul.f32 v32, v31;
	v32 =	vld [tilespmem:$0x1FF30]  }
0x198: {  	v9 =	vmul.f32 v43, v41;
	v41 =	vld [tilespmem:s26+$0x170]  }
0x199: {  	v43 =	vld [tilespmem:$0x1FEE0]  }
0x19a: {  	v2 =	vadd.f32 v47, v44;
	v11 =	vmul.f32 v28, v27;
	v44 =	vld [tilespmem:$0x1FEF0]  }
0x19b: {  	v5 =	vmul.f32 v36, v35;
	v35 =	vld [tilespmem:$0x1FF60];
	v6 =	vmul.f32 v39, v37  }
0x19c: {  	v13 =	vmul.f32 v30, v29;
	v7 =	vadd.f32 v46, v45;
	v36 =	vld [tilespmem:s26+$0x160];
	v46 =	vmul.f32 v40, v38  }
0x19d: {  	v50 =	vmul.f32 v24, v50;
	v45 =	vld [tilespmem:$0x1FF00];
	v47 =	vmul.f32 v34, v33;
	v5 =	vadd.f32 v6, v5  }
0x19e: {  	v2 =	vadd.f32 v3, v2;
	v33 =	vld [tilespmem:$0x1FF40];
	v0 =	vmul.f32 v1, v0;
	v3 =	vadd.f32 v9, v46  }
0x19f: {  	v51 =	vmul.f32 v26, v25;
	v56 =	vmul.f32 v16, v15;
	v34 =	vld [tilespmem:$0x1FF50];
	v5 =	vadd.f32 v47, v5  }
0x1a0: {  	(xrf2) =	vadd.scan.msk.f32 $0xffff, v42;
	v2 =	vadd.f32 v11, v2;
	v38 =	vld [tilespmem:s28+$0x170];
	v52 =	vmul.f32 v8, v4;
	v0 =	vadd.f32 v0, v3  }
0x1a1: {  	(xrf2) =	vadd.scan.msk.f32 $0xffff, v7;
	v40 =	vld [tilespmem:$0x1FF20];
	v6 =	vadd.f32 v51, v50;
	v54 =	vmul.f32 v10, v19;
	v5 =	vadd.f32 v13, v5  }
0x1a2: {  	v57 =	vmul.f32 v18, v17;
	v1 =	vmul.f32 v48, v12;
	v12 =	vld [tilespmem:$0x1FF10];
	(xrf2) =	vadd.scan.msk.f32 $0xffff, v2;
	v0 =	vadd.f32 v52, v0  }
0x1a3: {  	v50 =	vld [tilespmem:$0x1FED0];
	v59 =	vadd.f32 v54, v6;
	(xrf2) =	vadd.scan.msk.f32 $0xffff, v5  }
0x1a4: {  	v37 =	vmul.f32 v55, v53;
	v53 =	vld [tilespmem:$0x1FE90];
	v2 =	vadd.f32 v57, v56;
	v3 =	vmul.f32 v14, v61;
	(xrf2) =	vadd.scan.msk.f32 $0xffff, v0  }
0x1a5: {  	v55 =	vld [tilespmem:$0x1FEC0];
	v63 =	vadd.f32 v1, v59;
	v1 =	vmul.f32 v33, v32;
	v5 =	vmul.f32 v35, v34  }
0x1a6: {  	v14 =	vld [tilespmem:$0x1FEA0];
	v2 =	vadd.f32 v3, v2  }
0x1a7: {  	v39, _, _ =	vpop (xrf2);
	v54 =	vld [tilespmem:$0x1FEB0];
	v1 =	vadd.f32 v5, v1;
	v5 =	vmul.f32 v58, v40;
	(xrf2) =	vadd.scan.msk.f32 $0xffff, v63  }
0x1a8: {  	v42, _, _ =	vpop (xrf2);
	v47 =	vld [tilespmem:s26+$0x1E0];
	v3 =	vmul.f32 v44, v43;
	v11 =	vmul.f32 v12, v45;
	v2 =	vadd.f32 v37, v2  }
0x1a9: {  	v46 =	vmul.f32 v62, v60;
	v13, _, _ =	vpop (xrf2);
	v12 =	vld [tilespmem:s28+$0x1E0];
	v1 =	vadd.f32 v5, v1  }
0x1aa: {  	v51 =	vld [tilespmem:s28+$0x1F0];
	v10 =	vmul.f32 v36, v50;
	v48, _, _ =	vpop (xrf2);
	v3 =	vadd.f32 v11, v3;
	(xrf2) =	vadd.scan.msk.f32 $0xffff, v2  }
0x1ab: {  	v52, _, _ =	vpop (xrf2);
	v5 =	vmul.f32 v14, v53;
	v14 =	vld [tilespmem:s26+$0x1F0];
	v1 =	vadd.f32 v46, v1  }
0x1ac: {  	v4 =	vmul.f32 v41, v38;
	v9 =	vmul.f32 v55, v54;
	v3 =	vadd.f32 v10, v3;
	v15, _, _ =	vpop (xrf2)  }
0x1ad: {  	(xrf2) =	vadd.scan.msk.f32 $0xffff, v1;
	v56, _, _ =	vpop (xrf2)  }
0x1ae: {  	v59 =	vmul.f32 v47, v12;
	v57 =	vadd.f32 v4, v3;
	v58 =	vadd.f32 v9, v5;
	v60, _, _ =	vpop (xrf2)  }
0x1af: {  	v61 =	vbroadcast v56, $0xF;
	v5 =	vbroadcast v60, $0xF  }
0x1b0: {  	v62 =	vbroadcast v15, $0xF;
	v3 =	vadd.f32 v59, v58;
	v63 =	vmul.f32 v14, v51;
	(xrf2) =	vadd.scan.msk.f32 $0xffff, v57  }
0x1b1: {  	v2 =	vbroadcast v52, $0xF;
	v11, _, _ =	vpop (xrf2);
	v10 =	vsel vm0, v61, v5  }
0x1b2: {  	v3 =	vadd.f32 v63, v3;
	v5 =	vbroadcast v11, $0xF;
	v1 =	vsel vm1, v10, v62  }
0x1b3: {  	v32 =	vbroadcast v48, $0xF;
	v1 =	vsel vm2, v1, v2  }
0x1b4: {  	v33 =	vbroadcast v13, $0xF;
	v34, _, _ =	vpop (xrf2);
	(xrf2) =	vadd.scan.msk.f32 $0xffff, v3;
	v1 =	vsel vm3, v1, v5  }
0x1b5: {  	v35 =	vbroadcast v34, $0xF;
	v1 =	vsel vm4, v1, v32  }
0x1b6: {  	v0 =	vbroadcast v42, $0xF;
	v1 =	vsel vm5, v1, v33  }
0x1b7: {  	v36 =	vbroadcast v39, $0xF;
	v37, _, _ =	vpop (xrf2);
	v1 =	vsel vm6, v1, v35  }
0x1b8: {  	v38 =	vbroadcast v37, $0xF;
	v0 =	vsel vm7, v1, v0  }
0x1b9: {  	v39 =	vbroadcast v22, $0xF;
	v0 =	vsel vm8, v0, v36  }
0x1ba: {  	s5 =	sshra.s32 s29, $0x2;
	v40 =	vbroadcast v21, $0xF;
	v41, _, _ =	vpop (xrf2);
	v0 =	vsel vm9, v0, v38  }
0x1bb: {  	v43 =	vld [tilespmem:s5+$0x8400];
	v42 =	vbroadcast v41, $0xF;
	v0 =	vsel vm10, v0, v39  }
0x1bc: {  	v44 =	vbroadcast v49, $0xF;
	v0 =	vsel vm11, v0, v40  }
0x1bd: {  	v45 =	vld [tilespmem:s5+$0x8600];
	v0 =	vsel vm12, v0, v42  }
0x1be: {  	v46, _, _ =	vpop (xrf2);
	v0 =	vsel vm13, v0, v44  }
0x1bf: {  	v47 =	vld [tilespmem:$0x8A00];
	v0 =	vsel vm14, v0, v46  }
0x1c0: {  	v0 =	vadd.f32 v0, v43;
	_ =	sdelay $0x1  }
0x1c1: {  	v0 =	vadd.f32 v0, v45;
	_ =	sdelay $0x1  }
0x1c2: {  	v0 =	vadd.f32 v0, v47;
	_ =	sdelay $0x1  }
0x1c3: {  	v0 =	vsub.f32 $0.0e+00, v0;
	_ =	sdelay $0x1  }
0x1c4: {  	v0 =	vmul.f32 $1.442695020e+00, v0;
	_ =	sdelay $0x1  }
0x1c5: {  	(erf) = vpow2.f32 v0;
	_ =	sdelay $0x8  }
0x1c6: {  	v0 =	vpop (erf)  }
0x1c7: {  	v0 =	vadd.f32 $1.000000000e+00, v0;
	_ =	sdelay $0x1  }
0x1c8: {  	(erf) = vrcp.f32 v0;
	_ =	sdelay $0x8  }
0x1c9: {  	v0 =	vpop (erf)  }
0x1ca: {  	s26 =	simm.s32 $0x400;
	[tilespmem:s5+$0x8800] =	vst v0  }
0x1cb: {  	[tilespmem:s26], [sflag:$0x1] =	stream.indirect.gather [hbm4b:s3+s17], $0x40, s19, s17, $0xb8;
	[tilespmem:$0x8A10] =	vst v63  }
0x1cc: {  	s26 =	simm.s32 $0x4400  }
0x1cd: {  	[tilespmem:s26], [sflag:$0x1] =	stream.indirect.gather [hbm4b:s3+s17], $0x40, s20, s17, $0xb8;
	[tilespmem:$0x8A10] =	vst v63  }
0x1ce: {  	_ =	swait.ge [sflag:s31], $0x80  }
0x1cf: {  	[sflag:s31] =	ssyncset.done $0x0  }
0x1d0: {  	[sflag:s31] =	ssyncadd.s32 $0xFFFFFF80  }
0x1d1: {  	_ =	swait.ge [sflag:s31], $0x80  }
0x1d2: {  	[sflag:s31] =	ssyncset.done $0x0  }
0x1d3: {  	[sflag:s31] =	ssyncadd.s32 $0xFFFFFF80  }
0x1d4: {  	_ =	swait.ge [sflag:s2], $0x2000  }
0x1d5: {  	[sflag:s2] =	ssyncset.done $0x0  }
0x1d6: {  	[sflag:s2] =	ssyncadd.s32 $0xFFFFE000  }
0x1d7: {  	_ =	swait.ge [sflag:s2], $0x2000  }
0x1d8: {  	[sflag:s2] =	ssyncset.done $0x0  }
0x1d9: {  	s28 =	simm.s32 $0x27F0;
	[sflag:s2] =	ssyncadd.s32 $0xFFFFE000  }
0x1da: {  	s26 =	simm.s32 $0x67F0;
	v5 =	vld [tilespmem:s28+$0xFFFFFFC0]  }
0x1db: {  	v8 =	vld [tilespmem:s26+$0xFFFFFFC0]  }
0x1dc: {  	v48 =	vld [tilespmem:s28+$0xFFFFFFD0]  }
0x1dd: {  	v49 =	vld [tilespmem:s26+$0xFFFFFFD0]  }
0x1de: {  	v50 =	vld [tilespmem:s28+$0xFFFFFFE0]  }
0x1df: {  	v51 =	vld [tilespmem:s26+$0xFFFFFFE0]  }
0x1e0: {  	v52 =	vld [tilespmem:s28+$0xFFFFFFB0]  }
0x1e1: {  	v63 =	vld [tilespmem:s26+$0xFFFFFFB0]  }
0x1e2: {  	v13 =	vld [tilespmem:s28+$0xFFFFFF40]  }
0x1e3: {  	v14 =	vld [tilespmem:s26+$0xFFFFFF40]  }
0x1e4: {  	v53 =	vld [tilespmem:s28+$0xFFFFFF70]  }
0x1e5: {  	v30 =	vld [tilespmem:s28+$0xFFFFFF90]  }
0x1e6: {  	v31 =	vld [tilespmem:s26+$0xFFFFFF90]  }
0x1e7: {  	v32 =	vld [tilespmem:s28+$0xFFFFFFA0]  }
0x1e8: {  	v29 =	vld [tilespmem:s26+$0xFFFFFFA0]  }
0x1e9: {  	v20 =	vld [tilespmem:s28+$0xFFFFFF00]  }
0x1ea: {  	v54 =	vld [tilespmem:s28+$0xFFFFFF30]  }
0x1eb: {  	v55 =	vld [tilespmem:s26+$0xFFFFFF30]  }
0x1ec: {  	v56 =	vld [tilespmem:s28+$0xFFFFFF50]  }
0x1ed: {  	v57 =	vld [tilespmem:s26+$0xFFFFFF50]  }
0x1ee: {  	v58 =	vld [tilespmem:s28+$0xFFFFFF60]  }
0x1ef: {  	v59 =	vld [tilespmem:s26+$0xFFFFFF60]  }
0x1f0: {  	v62 =	vld [tilespmem:s28+$0xFFFFFEF0]  }
0x1f1: {  	v33 =	vld [tilespmem:s26+$0xFFFFFEF0]  }
0x1f2: {  	v42 =	vld [tilespmem:s28+$0xFFFFFF10]  }
0x1f3: {  	v43 =	vld [tilespmem:s26+$0xFFFFFF10]  }
0x1f4: {  	v44 =	vld [tilespmem:s28+$0xFFFFFF20]  }
0x1f5: {  	v45 =	vld [tilespmem:s26+$0xFFFFFF20]  }
0x1f6: {  	v6 =	vld [tilespmem:s28+$0xFFFFFE80]  }
0x1f7: {  	v9 =	vld [tilespmem:s26+$0xFFFFFE80]  }
0x1f8: {  	v60 =	vld [tilespmem:s28+$0xFFFFFEB0]  }
0x1f9: {  	v1 =	vld [tilespmem:s26+$0xFFFFFED0]  }
0x1fa: {  	v2 =	vld [tilespmem:s28+$0xFFFFFEE0]  }
0x1fb: {  	v3 =	vld [tilespmem:s28+$0xFFFFFE40]  }
0x1fc: {  	v4 =	vld [tilespmem:s26+$0xFFFFFE40]  }
0x1fd: {  	v34 =	vld [tilespmem:s28+$0xFFFFFE70]  }
0x1fe: {  	v61 =	vld [tilespmem:s28+$0xFFFFFE90]  }
0x1ff: {  	v7 =	vld [tilespmem:s26+$0xFFFFFE90]  }
0x200: {  	v10 =	vld [tilespmem:s28+$0xFFFFFEA0]  }
0x201: {  	v11 =	vld [tilespmem:s26+$0xFFFFFEA0]  }
0x202: {  	v35 =	vld [tilespmem:s28+$0xFFFFFE30]  }
0x203: {  	v36 =	vld [tilespmem:s26+$0xFFFFFE30]  }
0x204: {  	v23 =	vld [tilespmem:s28+$0xFFFFFDC0]  }
0x205: {  	v37 =	vld [tilespmem:s26+$0xFFFFFDC0]  }
0x206: {  	v38 =	vld [tilespmem:s28+$0xFFFFFDF0]  }
0x207: {  	v46 =	vld [tilespmem:s26+$0xFFFFFE10]  }
0x208: {  	v47 =	vld [tilespmem:s28+$0xFFFFFE20]  }
0x209: {  	v41 =	vld [tilespmem:s26+$0xFFFFFE20]  }
0x20a: {  	v12 =	vld [tilespmem:s26+$0xFFFFFD80]  }
0x20b: {  	v15 =	vld [tilespmem:s28+$0xFFFFFDD0]  }
0x20c: {  	v16 =	vld [tilespmem:s26+$0xFFFFFDD0]  }
0x20d: {  	v17 =	vld [tilespmem:s28+$0xFFFFFDE0]  }
0x20e: {  	v18 =	vld [tilespmem:s26+$0xFFFFFDE0]  }
0x20f: {  	v39 =	vld [tilespmem:s28+$0xFFFFFD70]  }
0x210: {  	v40 =	vld [tilespmem:s26+$0xFFFFFD70]  }
0x211: {  	v22 =	vld [tilespmem:s26+$0xFFFFFD90]  }
0x212: {  	v21 =	vld [tilespmem:s26+$0xFFFFFDA0]  }
0x213: {  	v19 =	vld [tilespmem:s28+$0xFFFFFD30]  }
0x214: {  	v27 =	vld [tilespmem:s28+$0xFFFFFCC0]  }
0x215: {  	v28 =	vld [tilespmem:s26+$0xFFFFFCC0]  }
0x216: {  	v24 =	vld [tilespmem:s26+$0xFFFFFD10]  }
0x217: {  	v25 =	vld [tilespmem:s28+$0xFFFFFD20]  }
0x218: {  	v26 =	vld [tilespmem:s26+$0xFFFFFD20]  }
0x219: {  	[tilespmem:$0x1FCE0] =	vst v49;
	v49 =	vld [tilespmem:s26+$0xFFFFFF00]  }
0x21a: {  	[tilespmem:$0x1FCD0] =	vst v48;
	v48 =	vld [tilespmem:s28+$0xFFFFFED0]  }
0x21b: {  	[tilespmem:$0x1FD00] =	vst v51;
	v51 =	vld [tilespmem:s26+$0xFFFFFEE0]  }
0x21c: {  	[tilespmem:$0x1FDE0] =	vst v55;
	v55 =	vld [tilespmem:s26+$0xFFFFFE70]  }
0x21d: {  	[tilespmem:$0x1FD40] =	vst v58;
	v58 =	vld [tilespmem:s28+$0xFFFFFE50]  }
0x21e: {  	[tilespmem:$0x1FD50] =	vst v59;
	v59 =	vld [tilespmem:s26+$0xFFFFFE50]  }
0x21f: {  	[tilespmem:$0x1FD60] =	vst v60;
	v60 =	vld [tilespmem:s28+$0xFFFFFE60]  }
0x220: {  	[tilespmem:$0x1FD70] =	vst v61;
	v61 =	vld [tilespmem:s26+$0xFFFFFE60]  }
0x221: {  	[tilespmem:$0x1FDC0] =	vst v52;
	v52 =	vld [tilespmem:s28+$0xFFFFFE10]  }
0x222: {  	[tilespmem:$0x1FD90] =	vst v10;
	v10 =	vld [tilespmem:s28+$0xFFFFFD80]  }
0x223: {  	[tilespmem:$0x1FDD0] =	vst v54;
	v54 =	vld [tilespmem:s28+$0xFFFFFDB0]  }
0x224: {  	[tilespmem:$0x1FD10] =	vst v53;
	v53 =	vld [tilespmem:s26+$0xFFFFFDB0]  }
0x225: {  	[tilespmem:$0x1FE00] =	vst v36;
	v36 =	vld [tilespmem:s28+$0xFFFFFD90]  }
0x226: {  	[tilespmem:$0x1FDF0] =	vst v35;
	v35 =	vld [tilespmem:s28+$0xFFFFFDA0]  }
0x227: {  	[tilespmem:$0x1FD80] =	vst v7;
	v7 =	vld [tilespmem:s28+$0xFFFFFD00]  }
0x228: {  	[tilespmem:$0x1FDA0] =	vst v11;
	v11 =	vld [tilespmem:s26+$0xFFFFFD00]  }
0x229: {  	[tilespmem:$0x1FE30] =	vst v40;
	v40 =	vld [tilespmem:s28+$0xFFFFFD50]  }
0x22a: {  	[tilespmem:$0x1FDB0] =	vst v38;
	v38 =	vld [tilespmem:s26+$0xFFFFFD50]  }
0x22b: {  	[tilespmem:$0x1FE20] =	vst v39;
	v39 =	vld [tilespmem:s28+$0xFFFFFD60]  }
0x22c: {  	[tilespmem:$0x1FE10] =	vst v37;
	v37 =	vld [tilespmem:s26+$0xFFFFFD60]  }
0x22d: {  	[tilespmem:$0x1FD30] =	vst v57;
	v57 =	vld [tilespmem:s28+$0xFFFFFCF0]  }
0x22e: {  	[tilespmem:$0x1FD20] =	vst v56;
	v56 =	vld [tilespmem:s26+$0xFFFFFCF0]  }
0x22f: {  	[tilespmem:$0x1FCF0] =	vst v50;
	v50 =	vld [tilespmem:s28+$0xFFFFFD10]  }
0x230: {  	v32 =	vmul.f32 v29, v32;
	v29 =	vld [tilespmem:s28+$0xFFFFFC40]  }
0x231: {  	v31 =	vmul.f32 v31, v30;
	v30 =	vld [tilespmem:s26+$0xFFFFFC40]  }
0x232: {  	v42 =	vmul.f32 v43, v42;
	v43 =	vmul.f32 v45, v44;
	v0 =	vld [tilespmem:$0x1FDC0]  }
0x233: {  	v33 =	vmul.f32 v33, v62;
	v62 =	vld [tilespmem:$0x1FDF0]  }
0x234: {  	v42 =	vadd.f32 v43, v42;
	v43 =	vld [tilespmem:s26+$0xFFFFFC90]  }
0x235: {  	v44 =	vmul.f32 v1, v48;
	v48 =	vld [tilespmem:$0x1FDD0]  }
0x236: {  	v45 =	vmul.f32 v51, v2;
	v51 =	vld [tilespmem:$0x1FDE0]  }
0x237: {  	v2 =	vld [tilespmem:s28+$0xFFFFFCE0]  }
0x238: {  	v58 =	vmul.f32 v59, v58;
	v59 =	vmul.f32 v46, v52;
	v46 =	vld [tilespmem:s28+$0xFFFFFC90]  }
0x239: {  	v21 =	vmul.f32 v21, v35;
	v35 =	vld [tilespmem:s28+$0xFFFFFC10]  }
0x23a: {  	v22 =	vmul.f32 v22, v36;
	v36 =	vld [tilespmem:s26+$0xFFFFFC10];
	v63 =	vmul.f32 v63, v0;
	v0 =	vadd.f32 v32, v31  }
0x23b: {  	v37 =	vmul.f32 v37, v39;
	v39 =	vld [tilespmem:s26+$0xFFFFFC20]  }
0x23c: {  	v38 =	vmul.f32 v38, v40;
	v40 =	vld [tilespmem:s26+$0xFFFFFC50];
	v0 =	vadd.f32 v63, v0;
	v63 =	vmul.f32 v51, v48  }
0x23d: {  	v31 =	vld [tilespmem:s28+$0xFFFFFCB0];
	v44 =	vadd.f32 v45, v44;
	v21 =	vadd.f32 v21, v22;
	v51 =	vmul.f32 v8, v5  }
0x23e: {  	v45 =	vld [tilespmem:s26+$0xFFFFFCD0];
	v22 =	vmul.f32 v53, v54;
	v42 =	vadd.f32 v63, v42;
	v63 =	vmul.f32 v14, v13  }
0x23f: {  	v53 =	vld [tilespmem:$0x1FE10];
	v44 =	vadd.f32 v33, v44;
	v5 =	vmul.f32 v49, v20;
	v0 =	vadd.f32 v51, v0  }
0x240: {  	v42 =	vadd.f32 v63, v42;
	v63 =	vld [tilespmem:$0x1FE00]  }
0x241: {  	v54 =	vld [tilespmem:$0x1FE20];
	v49 =	vmul.f32 v55, v34;
	v55 =	vadd.f32 v5, v44;
	(xrf2) =	vadd.scan.msk.f32 $0xffff, v0  }
0x242: {  	v48 =	vld [tilespmem:s28+$0xFFFFFCD0];
	v8 =	vmul.f32 v61, v60;
	(xrf2) =	vadd.scan.msk.f32 $0xffff, v42  }
0x243: {  	v41 =	vmul.f32 v41, v47;
	v51 =	vld [tilespmem:s26+$0xFFFFFCE0];
	(xrf2) =	vadd.scan.msk.f32 $0xffff, v55  }
0x244: {  	v58 =	vadd.f32 v8, v58;
	v55 =	vld [tilespmem:$0x1FE30]  }
0x245: {  	v32 =	vld [tilespmem:s26+$0xFFFFFCB0];
	v61 =	vadd.f32 v41, v59;
	v8 =	vmul.f32 v63, v62  }
0x246: {  	v52 =	vmul.f32 v4, v3;
	v60 =	vmul.f32 v9, v6;
	v41 =	vld [tilespmem:s28+$0xFFFFFCA0];
	v0 =	vadd.f32 v49, v58  }
0x247: {  	v21 =	vadd.f32 v22, v21;
	v9 =	vld [tilespmem:s26+$0xFFFFFCA0];
	v22 =	vmul.f32 v53, v23;
	v49 =	vadd.f32 v8, v61  }
0x248: {  	v38 =	vadd.f32 v37, v38;
	v37 =	vld [tilespmem:s28+$0xFFFFFC20];
	v0 =	vadd.f32 v60, v0;
	v60 =	vmul.f32 v45, v48  }
0x249: {  	v33 =	vld [tilespmem:s28+$0xFFFFFC30];
	v22 =	vadd.f32 v22, v21;
	v61 =	vmul.f32 v51, v2;
	v58 =	vmul.f32 v55, v54  }
0x24a: {  	v34 =	vld [tilespmem:s26+$0xFFFFFC30];
	v44 =	vmul.f32 v43, v46;
	v62 =	vmul.f32 v12, v10;
	v59 =	vadd.f32 v52, v49  }
0x24b: {  	v43 =	vld [tilespmem:s26+$0xFFFFFC60];
	(xrf2) =	vadd.scan.msk.f32 $0xffff, v0;
	v63 =	vmul.f32 v56, v57;
	v45 =	vadd.f32 v61, v60;
	v42 =	vadd.f32 v58, v38;
	v49, _, _ =	vpop (xrf2)  }
0x24c: {  	v47 =	vmul.f32 v9, v41;
	v41 =	vld [tilespmem:s28+$0xFFFFFC60];
	(xrf2) =	vadd.scan.msk.f32 $0xffff, v59;
	v21, _, _ =	vpop (xrf2)  }
0x24d: {  	s29 =	simm.s32 $0x0;
	s30 =	simm.s32 $0x40;
	v46 =	vmul.f32 v11, v7;
	v38 =	vld [tilespmem:s28+$0xFFFFFC50];
	v45 =	vadd.f32 v63, v45;
	(xrf2) =	vadd.scan.msk.f32 $0xffff, v22;
	v42 =	vadd.f32 v62, v42;
	v22, _, _ =	vpop (xrf2)  }
.LBB2_4:
0x24e: {  	v48 =	vld [tilespmem:s28+$0xFFFFFC70]  }
0x24f: {  	v8 =	vld [tilespmem:s26+$0xFFFFFC70]  }
0x250: {  	v10 =	vld [tilespmem:s28+$0xFFFFFC80]  }
0x251: {  	v11 =	vld [tilespmem:s26+$0xFFFFFC80]  }
0x252: {  	v15 =	vmul.f32 v16, v15;
	v16 =	vmul.f32 v18, v17;
	v17 =	vld [tilespmem:s26+$0xFFFFFEB0]  }
0x253: {  	v0 =	vld [tilespmem:$0x1FDB0]  }
0x254: {  	v1 =	vld [tilespmem:$0x1FD80]  }
0x255: {  	v51 =	vld [tilespmem:$0x1FDA0]  }
0x256: {  	v12 =	vld [tilespmem:s26+$0xFFFFFF70]  }
0x257: {  	v52 =	vld [tilespmem:$0x1FD60]  }
0x258: {  	v53 =	vld [tilespmem:s26+$0xFFFFFF80]  }
0x259: {  	v54 =	vld [tilespmem:$0x1FD20]  }
0x25a: {  	v55 =	vld [tilespmem:$0x1FD30]  }
0x25b: {  	v56 =	vld [tilespmem:$0x1FD40]  }
0x25c: {  	v57 =	vld [tilespmem:$0x1FD50]  }
0x25d: {  	v58 =	vld [tilespmem:$0x1FD10];
	v32 =	vmul.f32 v32, v31  }
0x25e: {  	v60 =	vld [tilespmem:$0x1FCD0];
	v44 =	vadd.f32 v47, v44;
	v35 =	vmul.f32 v36, v35;
	v7 =	vmul.f32 v39, v37  }
0x25f: {  	(xrf2) =	vadd.scan.msk.f32 $0xffff, v42;
	v9 =	vadd.f32 v46, v45;
	v46 =	vld [tilespmem:s26+$0xFFFFFD40];
	v27 =	vmul.f32 v28, v27;
	v33 =	vmul.f32 v34, v33  }
0x260: {  	v40 =	vmul.f32 v40, v38;
	v41 =	vmul.f32 v43, v41;
	v43 =	vld [tilespmem:s26+$0xFFFFFD30]  }
0x261: {  	v29 =	vmul.f32 v30, v29;
	v30 =	vld [tilespmem:s28+$0xFFFFFD40];
	v32 =	vadd.f32 v32, v44;
	v28 =	vadd.f32 v7, v35  }
0x262: {  	v23 =	vmul.f32 v24, v50;
	v24 =	vmul.f32 v26, v25;
	v25 =	vld [tilespmem:s26+$0xFFFFFDF0];
	v31, _, _ =	vpop (xrf2);
	(xrf2) =	vadd.scan.msk.f32 $0xffff, v9;
	v44 =	vadd.f32 v41, v40  }
0x263: {  	v50 =	vld [tilespmem:$0x1FD90];
	v45 =	vmul.f32 v8, v48;
	v27 =	vadd.f32 v27, v32;
	v28 =	vadd.f32 v33, v28  }
0x264: {  	v48 =	vld [tilespmem:$0x1FD70]  }
0x265: {  	v47 =	vld [tilespmem:s28+$0xFFFFFE00];
	v38, _, _ =	vpop (xrf2);
	(xrf2) =	vadd.scan.msk.f32 $0xffff, v27;
	v27 =	vadd.f32 v29, v28;
	v28 =	vadd.f32 v45, v44;
	v29 =	vmul.f32 v11, v10  }
0x266: {  	v23 =	vadd.f32 v24, v23;
	v24 =	vld [tilespmem:s26+$0xFFFFFE00];
	v20 =	vmul.f32 v43, v19  }
0x267: {  	v61 =	vld [tilespmem:$0x1FCE0];
	v15 =	vadd.f32 v16, v15;
	v26, _, _ =	vpop (xrf2);
	(xrf2) =	vadd.scan.msk.f32 $0xffff, v27;
	v27 =	vadd.f32 v29, v28  }
0x268: {  	v16 =	vld [tilespmem:s26+$0xFFFFFEC0];
	v14 =	vmul.f32 v25, v0;
	v20 =	vadd.f32 v20, v23;
	v23 =	vmul.f32 v46, v30  }
0x269: {  	v10 =	vmul.f32 v1, v48;
	v11 =	vmul.f32 v51, v50;
	v18, _, _ =	vpop (xrf2);
	v28 =	vld [tilespmem:s28+$0xFFFFFEC0];
	(xrf2) =	vadd.scan.msk.f32 $0xffff, v27  }
0x26a: {  	v32 =	vld [tilespmem:$0x1FD00];
	v20 =	vadd.f32 v23, v20  }
0x26b: {  	v14 =	vadd.f32 v14, v15;
	v15 =	vmul.f32 v24, v47;
	v10 =	vadd.f32 v11, v10;
	v11 =	vld [tilespmem:$0x1FCF0]  }
0x26c: {  	v9 =	vmul.f32 v17, v52;
	v23 =	vld [tilespmem:s28+$0xFFFFFF80];
	v13, _, _ =	vpop (xrf2);
	(xrf2) =	vadd.scan.msk.f32 $0xffff, v20  }
0x26d: {  	v5 =	vmul.f32 v55, v54;
	v6 =	vmul.f32 v57, v56;
	v7 =	vld [tilespmem:s28+$0xFFFFFFF0];
	v14 =	vadd.f32 v15, v14  }
0x26e: {  	v15 =	vld [tilespmem:s26+$0xFFFFFFF0];
	v9 =	vadd.f32 v9, v10;
	v16 =	vmul.f32 v16, v28  }
0x26f: {  	v59 =	vld [tilespmem:s28+$0x0];
	v4 =	vmul.f32 v12, v58;
	v5 =	vadd.f32 v6, v5;
	v8, _, _ =	vpop (xrf2);
	(xrf2) =	vadd.scan.msk.f32 $0xffff, v14  }
0x270: {  	v3 =	vld [tilespmem:s26+$0x0];
	v2 =	vmul.f32 v61, v60;
	v9 =	vadd.f32 v16, v9  }
0x271: {  	v12 =	vadd.f32 v4, v5;
	v0 =	vmul.f32 v32, v11;
	v63 =	vmul.f32 v53, v23  }
0x272: {  	v62, _, _ =	vpop (xrf2);
	(xrf2) =	vadd.scan.msk.f32 $0xffff, v9  }
0x273: {  	v34 =	vmul.f32 v15, v7;
	v0 =	vadd.f32 v0, v2;
	v33 =	vadd.f32 v63, v12;
	v35, _, _ =	vpop (xrf2)  }
0x274: {  	v36 =	vbroadcast v62, $0xF;
	v37 =	vbroadcast v35, $0xF  }
0x275: {  	v40 =	vmul.f32 v3, v59;
	v39 =	vbroadcast v8, $0xF;
	v0 =	vadd.f32 v34, v0;
	(xrf2) =	vadd.scan.msk.f32 $0xffff, v33  }
0x276: {  	v42 =	vbroadcast v13, $0xF;
	v43, _, _ =	vpop (xrf2);
	v41 =	vsel vm0, v36, v37  }
0x277: {  	v0 =	vadd.f32 v40, v0;
	v44 =	vbroadcast v43, $0xF;
	v1 =	vsel vm1, v41, v39  }
0x278: {  	v45 =	vbroadcast v18, $0xF;
	v1 =	vsel vm2, v1, v42  }
0x279: {  	v46 =	vbroadcast v26, $0xF;
	v1 =	vsel vm3, v1, v44;
	v47, _, _ =	vpop (xrf2);
	(xrf2) =	vadd.scan.msk.f32 $0xffff, v0  }
0x27a: {  	v48 =	vsel vm4, v1, v45;
	v50 =	vbroadcast v47, $0xF  }
0x27b: {  	v51 =	vbroadcast v38, $0xF;
	v0 =	vsel vm5, v48, v46  }
0x27c: {  	v52 =	vbroadcast v31, $0xF;
	v53, _, _ =	vpop (xrf2);
	v0 =	vsel vm6, v0, v50  }
0x27d: {  	v54 =	vbroadcast v53, $0xF;
	v0 =	vsel vm7, v0, v51  }
0x27e: {  	v55 =	vbroadcast v22, $0xF;
	v0 =	vsel vm8, v0, v52  }
0x27f: {  	s5 =	sshra.s32 s29, $0x2;
	v56 =	vbroadcast v21, $0xF;
	v57, _, _ =	vpop (xrf2);
	v0 =	vsel vm9, v0, v54  }
0x280: {  	v59 =	vld [tilespmem:s5+$0x8480];
	v58 =	vbroadcast v57, $0xF;
	v0 =	vsel vm10, v0, v55  }
0x281: {  	v60 =	vbroadcast v49, $0xF;
	v0 =	vsel vm11, v0, v56  }
0x282: {  	v61 =	vld [tilespmem:s5+$0x8680];
	v0 =	vsel vm12, v0, v58  }
0x283: {  	v0 =	vsel vm13, v0, v60;
	v62, _, _ =	vpop (xrf2)  }
0x284: {  	v63 =	vld [tilespmem:$0x8A00];
	v0 =	vsel vm14, v0, v62  }
0x285: {  	v0 =	vadd.f32 v0, v59;
	_ =	sdelay $0x1  }
0x286: {  	v0 =	vadd.f32 v0, v61;
	_ =	sdelay $0x1  }
0x287: {  	v0 =	vadd.f32 v0, v63;
	_ =	sdelay $0x1  }
0x288: {  	v0 =	vsub.f32 $0.0e+00, v0;
	_ =	sdelay $0x1  }
0x289: {  	v0 =	vmul.f32 $1.442695020e+00, v0;
	_ =	sdelay $0x1  }
0x28a: {  	(erf) = vpow2.f32 v0;
	_ =	sdelay $0x8  }
0x28b: {  	v0 =	vpop (erf)  }
0x28c: {  	v0 =	vadd.f32 $1.000000000e+00, v0;
	_ =	sdelay $0x1  }
0x28d: {  	(erf) = vrcp.f32 v0;
	_ =	sdelay $0x8  }
0x28e: {  	v0 =	vpop (erf)  }
0x28f: {  	s28 =	sadd.s32 $0x400, s28;
	[tilespmem:s5+$0x8880] =	vst v0  }
0x290: {  	s26 =	sadd.s32 $0x400, s26;
	v0 =	vld [tilespmem:s28+$0xFFFFFFC0]  }
0x291: {  	v21 =	vld [tilespmem:s26+$0xFFFFFFC0]  }
0x292: {  	v6 =	vld [tilespmem:s28+$0xFFFFFFD0]  }
0x293: {  	v7 =	vld [tilespmem:s26+$0xFFFFFFD0]  }
0x294: {  	v8 =	vld [tilespmem:s28+$0xFFFFFFE0]  }
0x295: {  	v9 =	vld [tilespmem:s26+$0xFFFFFFE0]  }
0x296: {  	v26 =	vld [tilespmem:s28+$0xFFFFFFB0]  }
0x297: {  	v29 =	vld [tilespmem:s26+$0xFFFFFFB0]  }
0x298: {  	v33 =	vld [tilespmem:s28+$0xFFFFFF40]  }
0x299: {  	v35 =	vld [tilespmem:s26+$0xFFFFFF40]  }
0x29a: {  	v10 =	vld [tilespmem:s28+$0xFFFFFF70]  }
0x29b: {  	v24 =	vld [tilespmem:s28+$0xFFFFFF90]  }
0x29c: {  	v25 =	vld [tilespmem:s26+$0xFFFFFF90]  }
0x29d: {  	v30 =	vld [tilespmem:s28+$0xFFFFFFA0]  }
0x29e: {  	v47 =	vld [tilespmem:s26+$0xFFFFFFA0]  }
0x29f: {  	v22 =	vld [tilespmem:s28+$0xFFFFFF00]  }
0x2a0: {  	v34 =	vld [tilespmem:s26+$0xFFFFFF00]  }
0x2a1: {  	v31 =	vld [tilespmem:s28+$0xFFFFFF30]  }
0x2a2: {  	v32 =	vld [tilespmem:s26+$0xFFFFFF30]  }
0x2a3: {  	v11 =	vld [tilespmem:s28+$0xFFFFFF50]  }
0x2a4: {  	v36 =	vld [tilespmem:s26+$0xFFFFFF50]  }
0x2a5: {  	v37 =	vld [tilespmem:s28+$0xFFFFFF60]  }
0x2a6: {  	v38 =	vld [tilespmem:s26+$0xFFFFFF60]  }
0x2a7: {  	v41 =	vld [tilespmem:s28+$0xFFFFFEF0]  }
0x2a8: {  	v44 =	vld [tilespmem:s26+$0xFFFFFEF0]  }
0x2a9: {  	v53 =	vld [tilespmem:s28+$0xFFFFFF10]  }
0x2aa: {  	v54 =	vld [tilespmem:s26+$0xFFFFFF10]  }
0x2ab: {  	v55 =	vld [tilespmem:s28+$0xFFFFFF20]  }
0x2ac: {  	v56 =	vld [tilespmem:s26+$0xFFFFFF20]  }
0x2ad: {  	v39 =	vld [tilespmem:s28+$0xFFFFFE80]  }
0x2ae: {  	v40 =	vld [tilespmem:s28+$0xFFFFFEB0]  }
0x2af: {  	v57 =	vld [tilespmem:s28+$0xFFFFFED0]  }
0x2b0: {  	v58 =	vld [tilespmem:s26+$0xFFFFFED0]  }
0x2b1: {  	v59 =	vld [tilespmem:s28+$0xFFFFFEE0]  }
0x2b2: {  	v60 =	vld [tilespmem:s26+$0xFFFFFEE0]  }
0x2b3: {  	v42 =	vld [tilespmem:s28+$0xFFFFFE40]  }
0x2b4: {  	v51 =	vld [tilespmem:s28+$0xFFFFFE70]  }
0x2b5: {  	v52 =	vld [tilespmem:s26+$0xFFFFFE70]  }
0x2b6: {  	v43 =	vld [tilespmem:s28+$0xFFFFFE90]  }
0x2b7: {  	v45 =	vld [tilespmem:s26+$0xFFFFFE90]  }
0x2b8: {  	v46 =	vld [tilespmem:s28+$0xFFFFFEA0]  }
0x2b9: {  	v48 =	vld [tilespmem:s26+$0xFFFFFEA0]  }
0x2ba: {  	v61 =	vld [tilespmem:s28+$0xFFFFFE50]  }
0x2bb: {  	v62 =	vld [tilespmem:s26+$0xFFFFFE50]  }
0x2bc: {  	v63 =	vld [tilespmem:s28+$0xFFFFFE60]  }
0x2bd: {  	v49 =	vld [tilespmem:s28+$0xFFFFFDF0]  }
0x2be: {  	v1 =	vld [tilespmem:s28+$0xFFFFFE10]  }
0x2bf: {  	v2 =	vld [tilespmem:s26+$0xFFFFFE10]  }
0x2c0: {  	v3 =	vld [tilespmem:s28+$0xFFFFFE20]  }
0x2c1: {  	v4 =	vld [tilespmem:s26+$0xFFFFFE20]  }
0x2c2: {  	v50 =	vld [tilespmem:s28+$0xFFFFFD80]  }
0x2c3: {  	v5 =	vld [tilespmem:s28+$0xFFFFFDB0]  }
0x2c4: {  	v23 =	vld [tilespmem:s26+$0xFFFFFDD0]  }
0x2c5: {  	v12 =	vld [tilespmem:s26+$0xFFFFFDA0]  }
0x2c6: {  	v13 =	vld [tilespmem:s28+$0xFFFFFD00]  }
0x2c7: {  	v19 =	vld [tilespmem:s28+$0xFFFFFD30]  }
0x2c8: {  	v14 =	vld [tilespmem:s26+$0xFFFFFD50]  }
0x2c9: {  	v15 =	vld [tilespmem:s28+$0xFFFFFD60]  }
0x2ca: {  	v16 =	vld [tilespmem:s26+$0xFFFFFD60]  }
0x2cb: {  	v27 =	vld [tilespmem:s28+$0xFFFFFCC0]  }
0x2cc: {  	v28 =	vld [tilespmem:s26+$0xFFFFFCC0]  }
0x2cd: {  	v17 =	vld [tilespmem:s28+$0xFFFFFCF0]  }
0x2ce: {  	v18 =	vld [tilespmem:s26+$0xFFFFFCF0]  }
0x2cf: {  	[tilespmem:$0x1FC90] =	vst v39;
	v39 =	vld [tilespmem:s26+$0xFFFFFE80]  }
0x2d0: {  	[tilespmem:$0x1FD50] =	vst v38;
	v38 =	vld [tilespmem:s26+$0xFFFFFE40]  }
0x2d1: {  	[tilespmem:$0x1FDA0] =	vst v48;
	v48 =	vld [tilespmem:s28+$0xFFFFFE30]  }
0x2d2: {  	[tilespmem:$0x1FD30] =	vst v36;
	v36 =	vld [tilespmem:s26+$0xFFFFFE30]  }
0x2d3: {  	[tilespmem:$0x1FC80] =	vst v0;
	v0 =	vld [tilespmem:s26+$0xFFFFFE60]  }
0x2d4: {  	[tilespmem:$0x1FD40] =	vst v37;
	v37 =	vld [tilespmem:s28+$0xFFFFFDC0]  }
0x2d5: {  	[tilespmem:$0x1FD80] =	vst v45;
	v45 =	vld [tilespmem:s26+$0xFFFFFDC0]  }
0x2d6: {  	[tilespmem:$0x1FD60] =	vst v40;
	v40 =	vld [tilespmem:s26+$0xFFFFFD80]  }
0x2d7: {  	[tilespmem:$0x1FCD0] =	vst v6;
	v6 =	vld [tilespmem:s26+$0xFFFFFDB0]  }
0x2d8: {  	[tilespmem:$0x1FDB0] =	vst v49;
	v49 =	vld [tilespmem:s28+$0xFFFFFDD0]  }
0x2d9: {  	[tilespmem:$0x1FD70] =	vst v43;
	v43 =	vld [tilespmem:s28+$0xFFFFFDE0]  }
0x2da: {  	[tilespmem:$0x1FCA0] =	vst v42;
	v42 =	vld [tilespmem:s26+$0xFFFFFDE0]  }
0x2db: {  	[tilespmem:$0x1FCE0] =	vst v7;
	v7 =	vld [tilespmem:s28+$0xFFFFFD70]  }
0x2dc: {  	[tilespmem:$0x1FCF0] =	vst v8;
	v8 =	vld [tilespmem:s26+$0xFFFFFD70]  }
0x2dd: {  	[tilespmem:$0x1FD00] =	vst v9;
	v9 =	vld [tilespmem:s28+$0xFFFFFD90]  }
0x2de: {  	[tilespmem:$0x1FD10] =	vst v10;
	v10 =	vld [tilespmem:s26+$0xFFFFFD90]  }
0x2df: {  	[tilespmem:$0x1FD20] =	vst v11;
	v11 =	vld [tilespmem:s28+$0xFFFFFDA0]  }
0x2e0: {  	[tilespmem:$0x1FD90] =	vst v46;
	v46 =	vld [tilespmem:s26+$0xFFFFFD00]  }
0x2e1: {  	[tilespmem:$0x1FCC0] =	vst v13;
	v13 =	vld [tilespmem:s28+$0xFFFFFD50]  }
0x2e2: {  	[tilespmem:$0x1FCB0] =	vst v50;
	v50 =	vld [tilespmem:s28+$0xFFFFFD10]  }
0x2e3: {  	v20 =	vmul.f32 v25, v24;
	v24 =	vld [tilespmem:s26+$0xFFFFFD10]  }
0x2e4: {  	v30 =	vmul.f32 v47, v30;
	v25 =	vld [tilespmem:s28+$0xFFFFFD20]  }
0x2e5: {  	v47 =	vmul.f32 v54, v53;
	v53 =	vmul.f32 v32, v31;
	v31 =	vld [tilespmem:s28+$0xFFFFFCB0]  }
0x2e6: {  	v32 =	vld [tilespmem:s26+$0xFFFFFCB0]  }
0x2e7: {  	v58 =	vmul.f32 v58, v57;
	v57 =	vmul.f32 v60, v59;
	v60 =	vld [tilespmem:s26+$0xFFFFFCE0]  }
0x2e8: {  	v22 =	vmul.f32 v34, v22;
	v34 =	vld [tilespmem:s26+$0xFFFFFC30];
	v20 =	vadd.f32 v30, v20;
	v30 =	vmul.f32 v29, v26  }
0x2e9: {  	v41 =	vmul.f32 v44, v41;
	v44 =	vld [tilespmem:s26+$0xFFFFFC90]  }
0x2ea: {  	v20 =	vadd.f32 v30, v20;
	v30 =	vld [tilespmem:$0x1FC80]  }
0x2eb: {  	v59 =	vmul.f32 v62, v61;
	v61 =	vmul.f32 v52, v51;
	v52 =	vld [tilespmem:s26+$0xFFFFFCA0]  }
0x2ec: {  	v51 =	vld [tilespmem:$0x1FCA0];
	v58 =	vadd.f32 v57, v58  }
0x2ed: {  	v56 =	vmul.f32 v56, v55;
	v26 =	vld [tilespmem:s26+$0xFFFFFD20]  }
0x2ee: {  	v33 =	vmul.f32 v35, v33;
	v29 =	vld [tilespmem:s28+$0xFFFFFC40];
	v35 =	vadd.f32 v41, v58  }
0x2ef: {  	v47 =	vadd.f32 v56, v47;
	v41 =	vld [tilespmem:s28+$0xFFFFFC60];
	v21 =	vmul.f32 v21, v30  }
0x2f0: {  	v0 =	vmul.f32 v0, v63;
	v57 =	vmul.f32 v45, v37;
	v37 =	vld [tilespmem:s28+$0xFFFFFC20];
	v63 =	vadd.f32 v22, v35  }
0x2f1: {  	v35 =	vld [tilespmem:$0x1FC90];
	v20 =	vadd.f32 v21, v20;
	v21 =	vadd.f32 v53, v47  }
0x2f2: {  	v1 =	vmul.f32 v2, v1;
	v22 =	vld [tilespmem:s28+$0xFFFFFC90]  }
0x2f3: {  	v62 =	vmul.f32 v4, v3;
	v2 =	vmul.f32 v38, v51;
	v38 =	vld [tilespmem:s28+$0xFFFFFC50];
	v21 =	vadd.f32 v33, v21  }
0x2f4: {  	v47 =	vld [tilespmem:s28+$0xFFFFFCD0];
	(xrf2) =	vadd.scan.msk.f32 $0xffff, v20  }
0x2f5: {  	v1 =	vadd.f32 v62, v1;
	v9 =	vmul.f32 v10, v9;
	v62 =	vmul.f32 v12, v11;
	v20 =	vld [tilespmem:s26+$0xFFFFFCD0];
	(xrf2) =	vadd.scan.msk.f32 $0xffff, v21  }
0x2f6: {  	v0 =	vadd.f32 v0, v59;
	(xrf2) =	vadd.scan.msk.f32 $0xffff, v63;
	v63 =	vld [tilespmem:s28+$0xFFFFFCA0]  }
0x2f7: {  	v55 =	vmul.f32 v16, v15;
	v9 =	vadd.f32 v62, v9;
	v62 =	vmul.f32 v18, v17;
	v53 =	vld [tilespmem:s28+$0xFFFFFCE0]  }
0x2f8: {  	v17 =	vmovc v43;
	v43 =	vld [tilespmem:s26+$0xFFFFFC60];
	v0 =	vadd.f32 v61, v0;
	v4 =	vmul.f32 v39, v35;
	v39 =	vmul.f32 v36, v48  }
0x2f9: {  	v5 =	vmul.f32 v6, v5;
	v54 =	vmul.f32 v14, v13;
	v61 =	vld [tilespmem:$0x1FCB0]  }
0x2fa: {  	v58 =	vmul.f32 v8, v7;
	v30 =	vld [tilespmem:s26+$0xFFFFFC40];
	v0 =	vadd.f32 v4, v0;
	v1 =	vadd.f32 v39, v1  }
0x2fb: {  	p0 =	sne.s32 s30, $0x1C0;
	v56 =	vadd.f32 v5, v9;
	v59 =	vmul.f32 v20, v47;
	v47 =	vmul.f32 v52, v63;
	v63 =	vld [tilespmem:$0x1FCC0]  }
.Ltmp1:
0x2fc: {  	v35 =	vld [tilespmem:s28+$0xFFFFFC10];
	v1 =	vadd.f32 v2, v1;
	v60 =	vmul.f32 v60, v53;
	(xrf2) =	vadd.scan.msk.f32 $0xffff, v0;
	v0 =	vadd.f32 v55, v54;
	(pc) =	sbr.rel @p0 .LBB2_4-.Ltmp1, $4  }
0x2fd: {  	v15 =	vmov v49;
	v36 =	vld [tilespmem:s26+$0xFFFFFC10];
	v2 =	vadd.f32 v57, v56  }
0x2fe: {  	v33 =	vld [tilespmem:s28+$0xFFFFFC30];
	v5 =	vmul.f32 v40, v61;
	v0 =	vadd.f32 v58, v0;
	v49, _, _ =	vpop (xrf2);
	(xrf2) =	vadd.scan.msk.f32 $0xffff, v1;
	v1 =	vadd.f32 v60, v59  }
0x2ff: {  	v16 =	vmov v23;
	v18 =	vmov v42;
	v44 =	vmul.f32 v44, v22;
	v39 =	vld [tilespmem:s26+$0xFFFFFC20];
	v21, _, _ =	vpop (xrf2)  }
0x300: {  	s29 =	smov.u32 s30;
	s30 =	sadd.s32 $0x40, s30;
	v40 =	vld [tilespmem:s26+$0xFFFFFC50];
	v42 =	vadd.f32 v5, v0;
	(xrf2) =	vadd.scan.msk.f32 $0xffff, v2;
	v45 =	vadd.f32 v62, v1;
	v22, _, _ =	vpop (xrf2);
	v46 =	vmul.f32 v46, v63  }
0x301: {  	v0 =	vld [tilespmem:s28+$0xFFFFFC70]  }
0x302: {  	v1 =	vld [tilespmem:s26+$0xFFFFFC70]  }
0x303: {  	v4 =	vld [tilespmem:s28+$0xFFFFFC80]  }
0x304: {  	v8 =	vld [tilespmem:s26+$0xFFFFFC80]  }
0x305: {  	v10 =	vld [tilespmem:s26+$0xFFFFFD30]  }
0x306: {  	v12 =	vld [tilespmem:s28+$0xFFFFFD40]  }
0x307: {  	v48 =	vld [tilespmem:s26+$0xFFFFFD40]  }
0x308: {  	v14 =	vld [tilespmem:s26+$0xFFFFFDF0]  }
0x309: {  	v53 =	vld [tilespmem:s28+$0xFFFFFE00]  }
0x30a: {  	v55 =	vld [tilespmem:s26+$0xFFFFFE00]  }
0x30b: {  	v58 =	vld [tilespmem:s26+$0xFFFFFEB0]  }
0x30c: {  	v60 =	vld [tilespmem:s28+$0xFFFFFEC0]  }
0x30d: {  	v61 =	vld [tilespmem:$0x1FDB0]  }
0x30e: {  	v62 =	vld [tilespmem:s26+$0xFFFFFEC0]  }
0x30f: {  	v3 =	vmul.f32 v32, v31;
	v32 =	vld [tilespmem:$0x1FD70]  }
0x310: {  	v9 =	vmul.f32 v43, v41;
	v41 =	vld [tilespmem:s26+$0xFFFFFF80]  }
0x311: {  	v43 =	vld [tilespmem:$0x1FD20]  }
0x312: {  	v2 =	vadd.f32 v47, v44;
	v11 =	vmul.f32 v28, v27;
	v44 =	vld [tilespmem:$0x1FD30]  }
0x313: {  	v5 =	vmul.f32 v36, v35;
	v35 =	vld [tilespmem:$0x1FDA0];
	v6 =	vmul.f32 v39, v37  }
0x314: {  	v13 =	vmul.f32 v30, v29;
	v7 =	vadd.f32 v46, v45;
	v36 =	vld [tilespmem:s26+$0xFFFFFF70];
	v46 =	vmul.f32 v40, v38  }
0x315: {  	v50 =	vmul.f32 v24, v50;
	v45 =	vld [tilespmem:$0x1FD40];
	v47 =	vmul.f32 v34, v33;
	v5 =	vadd.f32 v6, v5  }
0x316: {  	v2 =	vadd.f32 v3, v2;
	v33 =	vld [tilespmem:$0x1FD80];
	v0 =	vmul.f32 v1, v0;
	v3 =	vadd.f32 v9, v46  }
0x317: {  	v51 =	vmul.f32 v26, v25;
	v56 =	vmul.f32 v16, v15;
	v34 =	vld [tilespmem:$0x1FD90];
	v5 =	vadd.f32 v47, v5  }
0x318: {  	(xrf2) =	vadd.scan.msk.f32 $0xffff, v42;
	v2 =	vadd.f32 v11, v2;
	v38 =	vld [tilespmem:s28+$0xFFFFFF80];
	v52 =	vmul.f32 v8, v4;
	v0 =	vadd.f32 v0, v3  }
0x319: {  	(xrf2) =	vadd.scan.msk.f32 $0xffff, v7;
	v40 =	vld [tilespmem:$0x1FD60];
	v6 =	vadd.f32 v51, v50;
	v54 =	vmul.f32 v10, v19;
	v5 =	vadd.f32 v13, v5  }
0x31a: {  	v57 =	vmul.f32 v18, v17;
	v1 =	vmul.f32 v48, v12;
	v12 =	vld [tilespmem:$0x1FD50];
	(xrf2) =	vadd.scan.msk.f32 $0xffff, v2;
	v0 =	vadd.f32 v52, v0  }
0x31b: {  	v50 =	vld [tilespmem:$0x1FD10];
	v59 =	vadd.f32 v54, v6;
	(xrf2) =	vadd.scan.msk.f32 $0xffff, v5  }
0x31c: {  	v37 =	vmul.f32 v55, v53;
	v53 =	vld [tilespmem:$0x1FCD0];
	v2 =	vadd.f32 v57, v56;
	v3 =	vmul.f32 v14, v61;
	(xrf2) =	vadd.scan.msk.f32 $0xffff, v0  }
0x31d: {  	v55 =	vld [tilespmem:$0x1FD00];
	v63 =	vadd.f32 v1, v59;
	v1 =	vmul.f32 v33, v32;
	v5 =	vmul.f32 v35, v34  }
0x31e: {  	v14 =	vld [tilespmem:$0x1FCE0];
	v2 =	vadd.f32 v3, v2  }
0x31f: {  	v39, _, _ =	vpop (xrf2);
	v54 =	vld [tilespmem:$0x1FCF0];
	v1 =	vadd.f32 v5, v1;
	v5 =	vmul.f32 v58, v40;
	(xrf2) =	vadd.scan.msk.f32 $0xffff, v63  }
0x320: {  	v42, _, _ =	vpop (xrf2);
	v47 =	vld [tilespmem:s26+$0xFFFFFFF0];
	v3 =	vmul.f32 v44, v43;
	v11 =	vmul.f32 v12, v45;
	v2 =	vadd.f32 v37, v2  }
0x321: {  	v46 =	vmul.f32 v62, v60;
	v13, _, _ =	vpop (xrf2);
	v12 =	vld [tilespmem:s28+$0xFFFFFFF0];
	v1 =	vadd.f32 v5, v1  }
0x322: {  	v51 =	vld [tilespmem:s28+$0x0];
	v10 =	vmul.f32 v36, v50;
	v48, _, _ =	vpop (xrf2);
	v3 =	vadd.f32 v11, v3;
	(xrf2) =	vadd.scan.msk.f32 $0xffff, v2  }
0x323: {  	v52, _, _ =	vpop (xrf2);
	v5 =	vmul.f32 v14, v53;
	v14 =	vld [tilespmem:s26+$0x0];
	v1 =	vadd.f32 v46, v1  }
0x324: {  	v4 =	vmul.f32 v41, v38;
	v9 =	vmul.f32 v55, v54;
	v3 =	vadd.f32 v10, v3;
	v15, _, _ =	vpop (xrf2)  }
0x325: {  	(xrf2) =	vadd.scan.msk.f32 $0xffff, v1;
	v56, _, _ =	vpop (xrf2)  }
0x326: {  	v59 =	vmul.f32 v47, v12;
	v57 =	vadd.f32 v4, v3;
	v58 =	vadd.f32 v9, v5;
	v60, _, _ =	vpop (xrf2)  }
0x327: {  	v61 =	vbroadcast v56, $0xF;
	v5 =	vbroadcast v60, $0xF  }
0x328: {  	v62 =	vbroadcast v15, $0xF;
	v3 =	vadd.f32 v59, v58;
	v63 =	vmul.f32 v14, v51;
	(xrf2) =	vadd.scan.msk.f32 $0xffff, v57  }
0x329: {  	v2 =	vbroadcast v52, $0xF;
	v11, _, _ =	vpop (xrf2);
	v10 =	vsel vm0, v61, v5  }
0x32a: {  	v3 =	vadd.f32 v63, v3;
	v5 =	vbroadcast v11, $0xF;
	v1 =	vsel vm1, v10, v62  }
0x32b: {  	v32 =	vbroadcast v48, $0xF;
	v1 =	vsel vm2, v1, v2  }
0x32c: {  	v33 =	vbroadcast v13, $0xF;
	v34, _, _ =	vpop (xrf2);
	(xrf2) =	vadd.scan.msk.f32 $0xffff, v3;
	v1 =	vsel vm3, v1, v5  }
0x32d: {  	v35 =	vbroadcast v34, $0xF;
	v1 =	vsel vm4, v1, v32  }
0x32e: {  	v0 =	vbroadcast v42, $0xF;
	v1 =	vsel vm5, v1, v33  }
0x32f: {  	v36 =	vbroadcast v39, $0xF;
	v37, _, _ =	vpop (xrf2);
	v1 =	vsel vm6, v1, v35  }
0x330: {  	v38 =	vbroadcast v37, $0xF;
	v0 =	vsel vm7, v1, v0  }
0x331: {  	v39 =	vbroadcast v22, $0xF;
	v0 =	vsel vm8, v0, v36  }
0x332: {  	s5 =	sshra.s32 s29, $0x2;
	v40 =	vbroadcast v21, $0xF;
	v41, _, _ =	vpop (xrf2);
	v0 =	vsel vm9, v0, v38  }
0x333: {  	v43 =	vld [tilespmem:s5+$0x8480];
	v42 =	vbroadcast v41, $0xF;
	v0 =	vsel vm10, v0, v39  }
0x334: {  	v44 =	vbroadcast v49, $0xF;
	v0 =	vsel vm11, v0, v40  }
0x335: {  	v45 =	vld [tilespmem:s5+$0x8680];
	v0 =	vsel vm12, v0, v42  }
0x336: {  	v46, _, _ =	vpop (xrf2);
	v0 =	vsel vm13, v0, v44  }
0x337: {  	v47 =	vld [tilespmem:$0x8A00];
	v0 =	vsel vm14, v0, v46  }
0x338: {  	v0 =	vadd.f32 v0, v43;
	_ =	sdelay $0x1  }
0x339: {  	v0 =	vadd.f32 v0, v45;
	_ =	sdelay $0x1  }
0x33a: {  	v0 =	vadd.f32 v0, v47;
	_ =	sdelay $0x1  }
0x33b: {  	v0 =	vsub.f32 $0.0e+00, v0;
	_ =	sdelay $0x1  }
0x33c: {  	v0 =	vmul.f32 $1.442695020e+00, v0;
	_ =	sdelay $0x1  }
0x33d: {  	(erf) = vpow2.f32 v0;
	_ =	sdelay $0x8  }
0x33e: {  	v0 =	vpop (erf)  }
0x33f: {  	v0 =	vadd.f32 $1.000000000e+00, v0;
	_ =	sdelay $0x1  }
0x340: {  	(erf) = vrcp.f32 v0;
	_ =	sdelay $0x8  }
0x341: {  	v0 =	vpop (erf)  }
0x342: {  	s26 =	simm.s32 $0x2400;
	[tilespmem:s5+$0x8880] =	vst v0  }
0x343: {  	[tilespmem:s26], [sflag:$0x2] =	stream.indirect.gather [hbm4b:s3+s17], $0x40, s21, s17, $0xb8;
	[tilespmem:$0x8A10] =	vst v63  }
0x344: {  	s26 =	simm.s32 $0x6400  }
0x345: {  	[tilespmem:s26], [sflag:$0x2] =	stream.indirect.gather [hbm4b:s3+s17], $0x40, s22, s17, $0xb8;
	[tilespmem:$0x8A10] =	vst v63  }
0x346: {  	_ =	swait.ge [sflag:s31], $0x80  }
0x347: {  	[sflag:s31] =	ssyncset.done $0x0  }
0x348: {  	[sflag:s31] =	ssyncadd.s32 $0xFFFFFF80  }
0x349: {  	_ =	swait.ge [sflag:s31], $0x80  }
0x34a: {  	[sflag:s31] =	ssyncset.done $0x0  }
0x34b: {  	[sflag:s31] =	ssyncadd.s32 $0xFFFFFF80  }
0x34c: {  	_ =	swait.ge [sflag:s0], $0x2000  }
0x34d: {  	[sflag:s0] =	ssyncset.done $0x0  }
0x34e: {  	[sflag:s0] =	ssyncadd.s32 $0xFFFFE000  }
0x34f: {  	_ =	swait.ge [sflag:s0], $0x2000  }
0x350: {  	[sflag:s0] =	ssyncset.done $0x0  }
0x351: {  	s28 =	simm.s32 $0x600;
	[sflag:s0] =	ssyncadd.s32 $0xFFFFE000  }
0x352: {  	s26 =	simm.s32 $0x4600;
	v5 =	vld [tilespmem:s28+$0x1B0]  }
0x353: {  	v8 =	vld [tilespmem:s26+$0x1B0]  }
0x354: {  	v48 =	vld [tilespmem:s28+$0x1C0]  }
0x355: {  	v49 =	vld [tilespmem:s26+$0x1C0]  }
0x356: {  	v50 =	vld [tilespmem:s28+$0x1D0]  }
0x357: {  	v51 =	vld [tilespmem:s26+$0x1D0]  }
0x358: {  	v52 =	vld [tilespmem:s28+$0x1A0]  }
0x359: {  	v63 =	vld [tilespmem:s26+$0x1A0]  }
0x35a: {  	v13 =	vld [tilespmem:s28+$0x130]  }
0x35b: {  	v14 =	vld [tilespmem:s26+$0x130]  }
0x35c: {  	v53 =	vld [tilespmem:s28+$0x160]  }
0x35d: {  	v30 =	vld [tilespmem:s28+$0x180]  }
0x35e: {  	v31 =	vld [tilespmem:s26+$0x180]  }
0x35f: {  	v32 =	vld [tilespmem:s28+$0x190]  }
0x360: {  	v29 =	vld [tilespmem:s26+$0x190]  }
0x361: {  	v20 =	vld [tilespmem:s28+$0xF0]  }
0x362: {  	v54 =	vld [tilespmem:s28+$0x120]  }
0x363: {  	v55 =	vld [tilespmem:s26+$0x120]  }
0x364: {  	v56 =	vld [tilespmem:s28+$0x140]  }
0x365: {  	v57 =	vld [tilespmem:s26+$0x140]  }
0x366: {  	v58 =	vld [tilespmem:s28+$0x150]  }
0x367: {  	v59 =	vld [tilespmem:s26+$0x150]  }
0x368: {  	v62 =	vld [tilespmem:s28+$0xE0]  }
0x369: {  	v33 =	vld [tilespmem:s26+$0xE0]  }
0x36a: {  	v42 =	vld [tilespmem:s28+$0x100]  }
0x36b: {  	v43 =	vld [tilespmem:s26+$0x100]  }
0x36c: {  	v44 =	vld [tilespmem:s28+$0x110]  }
0x36d: {  	v45 =	vld [tilespmem:s26+$0x110]  }
0x36e: {  	v6 =	vld [tilespmem:s28+$0x70]  }
0x36f: {  	v9 =	vld [tilespmem:s26+$0x70]  }
0x370: {  	v60 =	vld [tilespmem:s28+$0xA0]  }
0x371: {  	v1 =	vld [tilespmem:s26+$0xC0]  }
0x372: {  	v2 =	vld [tilespmem:s28+$0xD0]  }
0x373: {  	v3 =	vld [tilespmem:s28+$0x30]  }
0x374: {  	v4 =	vld [tilespmem:s26+$0x30]  }
0x375: {  	v34 =	vld [tilespmem:s28+$0x60]  }
0x376: {  	v61 =	vld [tilespmem:s28+$0x80]  }
0x377: {  	v7 =	vld [tilespmem:s26+$0x80]  }
0x378: {  	v10 =	vld [tilespmem:s28+$0x90]  }
0x379: {  	v11 =	vld [tilespmem:s26+$0x90]  }
0x37a: {  	v35 =	vld [tilespmem:s28+$0x20]  }
0x37b: {  	v36 =	vld [tilespmem:s26+$0x20]  }
0x37c: {  	v23 =	vld [tilespmem:s28+$0xFFFFFFB0]  }
0x37d: {  	v37 =	vld [tilespmem:s26+$0xFFFFFFB0]  }
0x37e: {  	v38 =	vld [tilespmem:s28+$0xFFFFFFE0]  }
0x37f: {  	v46 =	vld [tilespmem:s26+$0x0]  }
0x380: {  	v47 =	vld [tilespmem:s28+$0x10]  }
0x381: {  	v41 =	vld [tilespmem:s26+$0x10]  }
0x382: {  	v12 =	vld [tilespmem:s26+$0xFFFFFF70]  }
0x383: {  	v15 =	vld [tilespmem:s28+$0xFFFFFFC0]  }
0x384: {  	v16 =	vld [tilespmem:s26+$0xFFFFFFC0]  }
0x385: {  	v17 =	vld [tilespmem:s28+$0xFFFFFFD0]  }
0x386: {  	v18 =	vld [tilespmem:s26+$0xFFFFFFD0]  }
0x387: {  	v39 =	vld [tilespmem:s28+$0xFFFFFF60]  }
0x388: {  	v40 =	vld [tilespmem:s26+$0xFFFFFF60]  }
0x389: {  	v22 =	vld [tilespmem:s26+$0xFFFFFF80]  }
0x38a: {  	v21 =	vld [tilespmem:s26+$0xFFFFFF90]  }
0x38b: {  	v19 =	vld [tilespmem:s28+$0xFFFFFF20]  }
0x38c: {  	v27 =	vld [tilespmem:s28+$0xFFFFFEB0]  }
0x38d: {  	v28 =	vld [tilespmem:s26+$0xFFFFFEB0]  }
0x38e: {  	v24 =	vld [tilespmem:s26+$0xFFFFFF00]  }
0x38f: {  	v25 =	vld [tilespmem:s28+$0xFFFFFF10]  }
0x390: {  	v26 =	vld [tilespmem:s26+$0xFFFFFF10]  }
0x391: {  	[tilespmem:$0x1FB20] =	vst v49;
	v49 =	vld [tilespmem:s26+$0xF0]  }
0x392: {  	[tilespmem:$0x1FB10] =	vst v48;
	v48 =	vld [tilespmem:s28+$0xC0]  }
0x393: {  	[tilespmem:$0x1FB40] =	vst v51;
	v51 =	vld [tilespmem:s26+$0xD0]  }
0x394: {  	[tilespmem:$0x1FC20] =	vst v55;
	v55 =	vld [tilespmem:s26+$0x60]  }
0x395: {  	[tilespmem:$0x1FB80] =	vst v58;
	v58 =	vld [tilespmem:s28+$0x40]  }
0x396: {  	[tilespmem:$0x1FB90] =	vst v59;
	v59 =	vld [tilespmem:s26+$0x40]  }
0x397: {  	[tilespmem:$0x1FBA0] =	vst v60;
	v60 =	vld [tilespmem:s28+$0x50]  }
0x398: {  	[tilespmem:$0x1FBB0] =	vst v61;
	v61 =	vld [tilespmem:s26+$0x50]  }
0x399: {  	[tilespmem:$0x1FC00] =	vst v52;
	v52 =	vld [tilespmem:s28+$0x0]  }
0x39a: {  	[tilespmem:$0x1FBD0] =	vst v10;
	v10 =	vld [tilespmem:s28+$0xFFFFFF70]  }
0x39b: {  	[tilespmem:$0x1FC10] =	vst v54;
	v54 =	vld [tilespmem:s28+$0xFFFFFFA0]  }
0x39c: {  	[tilespmem:$0x1FB50] =	vst v53;
	v53 =	vld [tilespmem:s26+$0xFFFFFFA0]  }
0x39d: {  	[tilespmem:$0x1FC40] =	vst v36;
	v36 =	vld [tilespmem:s28+$0xFFFFFF80]  }
0x39e: {  	[tilespmem:$0x1FC30] =	vst v35;
	v35 =	vld [tilespmem:s28+$0xFFFFFF90]  }
0x39f: {  	[tilespmem:$0x1FBC0] =	vst v7;
	v7 =	vld [tilespmem:s28+$0xFFFFFEF0]  }
0x3a0: {  	[tilespmem:$0x1FBE0] =	vst v11;
	v11 =	vld [tilespmem:s26+$0xFFFFFEF0]  }
0x3a1: {  	[tilespmem:$0x1FC70] =	vst v40;
	v40 =	vld [tilespmem:s28+$0xFFFFFF40]  }
0x3a2: {  	[tilespmem:$0x1FBF0] =	vst v38;
	v38 =	vld [tilespmem:s26+$0xFFFFFF40]  }
0x3a3: {  	[tilespmem:$0x1FC60] =	vst v39;
	v39 =	vld [tilespmem:s28+$0xFFFFFF50]  }
0x3a4: {  	[tilespmem:$0x1FC50] =	vst v37;
	v37 =	vld [tilespmem:s26+$0xFFFFFF50]  }
0x3a5: {  	[tilespmem:$0x1FB70] =	vst v57;
	v57 =	vld [tilespmem:s28+$0xFFFFFEE0]  }
0x3a6: {  	[tilespmem:$0x1FB60] =	vst v56;
	v56 =	vld [tilespmem:s26+$0xFFFFFEE0]  }
0x3a7: {  	[tilespmem:$0x1FB30] =	vst v50;
	v50 =	vld [tilespmem:s28+$0xFFFFFF00]  }
0x3a8: {  	v32 =	vmul.f32 v29, v32;
	v29 =	vld [tilespmem:s28+$0xFFFFFE30]  }
0x3a9: {  	v31 =	vmul.f32 v31, v30;
	v30 =	vld [tilespmem:s26+$0xFFFFFE30]  }
0x3aa: {  	v42 =	vmul.f32 v43, v42;
	v43 =	vmul.f32 v45, v44;
	v0 =	vld [tilespmem:$0x1FC00]  }
0x3ab: {  	v33 =	vmul.f32 v33, v62;
	v62 =	vld [tilespmem:$0x1FC30]  }
0x3ac: {  	v42 =	vadd.f32 v43, v42;
	v43 =	vld [tilespmem:s26+$0xFFFFFE80]  }
0x3ad: {  	v44 =	vmul.f32 v1, v48;
	v48 =	vld [tilespmem:$0x1FC10]  }
0x3ae: {  	v45 =	vmul.f32 v51, v2;
	v51 =	vld [tilespmem:$0x1FC20]  }
0x3af: {  	v2 =	vld [tilespmem:s28+$0xFFFFFED0]  }
0x3b0: {  	v58 =	vmul.f32 v59, v58;
	v59 =	vmul.f32 v46, v52;
	v46 =	vld [tilespmem:s28+$0xFFFFFE80]  }
0x3b1: {  	v21 =	vmul.f32 v21, v35;
	v35 =	vld [tilespmem:s28+$0xFFFFFE00]  }
0x3b2: {  	v22 =	vmul.f32 v22, v36;
	v36 =	vld [tilespmem:s26+$0xFFFFFE00];
	v63 =	vmul.f32 v63, v0;
	v0 =	vadd.f32 v32, v31  }
0x3b3: {  	v37 =	vmul.f32 v37, v39;
	v39 =	vld [tilespmem:s26+$0xFFFFFE10]  }
0x3b4: {  	v38 =	vmul.f32 v38, v40;
	v40 =	vld [tilespmem:s26+$0xFFFFFE40];
	v0 =	vadd.f32 v63, v0;
	v63 =	vmul.f32 v51, v48  }
0x3b5: {  	v31 =	vld [tilespmem:s28+$0xFFFFFEA0];
	v44 =	vadd.f32 v45, v44;
	v21 =	vadd.f32 v21, v22;
	v51 =	vmul.f32 v8, v5  }
0x3b6: {  	v45 =	vld [tilespmem:s26+$0xFFFFFEC0];
	v22 =	vmul.f32 v53, v54;
	v42 =	vadd.f32 v63, v42;
	v63 =	vmul.f32 v14, v13  }
0x3b7: {  	v53 =	vld [tilespmem:$0x1FC50];
	v44 =	vadd.f32 v33, v44;
	v5 =	vmul.f32 v49, v20;
	v0 =	vadd.f32 v51, v0  }
0x3b8: {  	v42 =	vadd.f32 v63, v42;
	v63 =	vld [tilespmem:$0x1FC40]  }
0x3b9: {  	v54 =	vld [tilespmem:$0x1FC60];
	v49 =	vmul.f32 v55, v34;
	v55 =	vadd.f32 v5, v44;
	(xrf2) =	vadd.scan.msk.f32 $0xffff, v0  }
0x3ba: {  	v48 =	vld [tilespmem:s28+$0xFFFFFEC0];
	v8 =	vmul.f32 v61, v60;
	(xrf2) =	vadd.scan.msk.f32 $0xffff, v42  }
0x3bb: {  	v41 =	vmul.f32 v41, v47;
	v51 =	vld [tilespmem:s26+$0xFFFFFED0];
	(xrf2) =	vadd.scan.msk.f32 $0xffff, v55  }
0x3bc: {  	v58 =	vadd.f32 v8, v58;
	v55 =	vld [tilespmem:$0x1FC70]  }
0x3bd: {  	v32 =	vld [tilespmem:s26+$0xFFFFFEA0];
	v61 =	vadd.f32 v41, v59;
	v8 =	vmul.f32 v63, v62  }
0x3be: {  	v52 =	vmul.f32 v4, v3;
	v60 =	vmul.f32 v9, v6;
	v41 =	vld [tilespmem:s28+$0xFFFFFE90];
	v0 =	vadd.f32 v49, v58  }
0x3bf: {  	v21 =	vadd.f32 v22, v21;
	v9 =	vld [tilespmem:s26+$0xFFFFFE90];
	v22 =	vmul.f32 v53, v23;
	v49 =	vadd.f32 v8, v61  }
0x3c0: {  	v38 =	vadd.f32 v37, v38;
	v37 =	vld [tilespmem:s28+$0xFFFFFE10];
	v0 =	vadd.f32 v60, v0;
	v60 =	vmul.f32 v45, v48  }
0x3c1: {  	v33 =	vld [tilespmem:s28+$0xFFFFFE20];
	v22 =	vadd.f32 v22, v21;
	v61 =	vmul.f32 v51, v2;
	v58 =	vmul.f32 v55, v54  }
0x3c2: {  	v34 =	vld [tilespmem:s26+$0xFFFFFE20];
	v44 =	vmul.f32 v43, v46;
	v62 =	vmul.f32 v12, v10;
	v59 =	vadd.f32 v52, v49  }
0x3c3: {  	v43 =	vld [tilespmem:s26+$0xFFFFFE50];
	(xrf2) =	vadd.scan.msk.f32 $0xffff, v0;
	v63 =	vmul.f32 v56, v57;
	v45 =	vadd.f32 v61, v60;
	v42 =	vadd.f32 v58, v38;
	v49, _, _ =	vpop (xrf2)  }
0x3c4: {  	v47 =	vmul.f32 v9, v41;
	v41 =	vld [tilespmem:s28+$0xFFFFFE50];
	(xrf2) =	vadd.scan.msk.f32 $0xffff, v59;
	v21, _, _ =	vpop (xrf2)  }
0x3c5: {  	s29 =	simm.s32 $0x0;
	s30 =	simm.s32 $0x40;
	v46 =	vmul.f32 v11, v7;
	v38 =	vld [tilespmem:s28+$0xFFFFFE40];
	v45 =	vadd.f32 v63, v45;
	(xrf2) =	vadd.scan.msk.f32 $0xffff, v22;
	v42 =	vadd.f32 v62, v42;
	v22, _, _ =	vpop (xrf2)  }
.LBB2_6:
0x3c6: {  	v48 =	vld [tilespmem:s28+$0xFFFFFE60]  }
0x3c7: {  	v8 =	vld [tilespmem:s26+$0xFFFFFE60]  }
0x3c8: {  	v10 =	vld [tilespmem:s28+$0xFFFFFE70]  }
0x3c9: {  	v11 =	vld [tilespmem:s26+$0xFFFFFE70]  }
0x3ca: {  	v15 =	vmul.f32 v16, v15;
	v16 =	vmul.f32 v18, v17;
	v17 =	vld [tilespmem:s26+$0xA0]  }
0x3cb: {  	v0 =	vld [tilespmem:$0x1FBF0]  }
0x3cc: {  	v1 =	vld [tilespmem:$0x1FBC0]  }
0x3cd: {  	v51 =	vld [tilespmem:$0x1FBE0]  }
0x3ce: {  	v12 =	vld [tilespmem:s26+$0x160]  }
0x3cf: {  	v52 =	vld [tilespmem:$0x1FBA0]  }
0x3d0: {  	v53 =	vld [tilespmem:s26+$0x170]  }
0x3d1: {  	v54 =	vld [tilespmem:$0x1FB60]  }
0x3d2: {  	v55 =	vld [tilespmem:$0x1FB70]  }
0x3d3: {  	v56 =	vld [tilespmem:$0x1FB80]  }
0x3d4: {  	v57 =	vld [tilespmem:$0x1FB90]  }
0x3d5: {  	v58 =	vld [tilespmem:$0x1FB50];
	v32 =	vmul.f32 v32, v31  }
0x3d6: {  	v60 =	vld [tilespmem:$0x1FB10];
	v44 =	vadd.f32 v47, v44;
	v35 =	vmul.f32 v36, v35;
	v7 =	vmul.f32 v39, v37  }
0x3d7: {  	(xrf2) =	vadd.scan.msk.f32 $0xffff, v42;
	v9 =	vadd.f32 v46, v45;
	v46 =	vld [tilespmem:s26+$0xFFFFFF30];
	v27 =	vmul.f32 v28, v27;
	v33 =	vmul.f32 v34, v33  }
0x3d8: {  	v40 =	vmul.f32 v40, v38;
	v41 =	vmul.f32 v43, v41;
	v43 =	vld [tilespmem:s26+$0xFFFFFF20]  }
0x3d9: {  	v29 =	vmul.f32 v30, v29;
	v30 =	vld [tilespmem:s28+$0xFFFFFF30];
	v32 =	vadd.f32 v32, v44;
	v28 =	vadd.f32 v7, v35  }
0x3da: {  	v23 =	vmul.f32 v24, v50;
	v24 =	vmul.f32 v26, v25;
	v25 =	vld [tilespmem:s26+$0xFFFFFFE0];
	v31, _, _ =	vpop (xrf2);
	(xrf2) =	vadd.scan.msk.f32 $0xffff, v9;
	v44 =	vadd.f32 v41, v40  }
0x3db: {  	v50 =	vld [tilespmem:$0x1FBD0];
	v45 =	vmul.f32 v8, v48;
	v27 =	vadd.f32 v27, v32;
	v28 =	vadd.f32 v33, v28  }
0x3dc: {  	v48 =	vld [tilespmem:$0x1FBB0]  }
0x3dd: {  	v47 =	vld [tilespmem:s28+$0xFFFFFFF0];
	v38, _, _ =	vpop (xrf2);
	(xrf2) =	vadd.scan.msk.f32 $0xffff, v27;
	v27 =	vadd.f32 v29, v28;
	v28 =	vadd.f32 v45, v44;
	v29 =	vmul.f32 v11, v10  }
0x3de: {  	v23 =	vadd.f32 v24, v23;
	v24 =	vld [tilespmem:s26+$0xFFFFFFF0];
	v20 =	vmul.f32 v43, v19  }
0x3df: {  	v61 =	vld [tilespmem:$0x1FB20];
	v15 =	vadd.f32 v16, v15;
	v26, _, _ =	vpop (xrf2);
	(xrf2) =	vadd.scan.msk.f32 $0xffff, v27;
	v27 =	vadd.f32 v29, v28  }
0x3e0: {  	v16 =	vld [tilespmem:s26+$0xB0];
	v14 =	vmul.f32 v25, v0;
	v20 =	vadd.f32 v20, v23;
	v23 =	vmul.f32 v46, v30  }
0x3e1: {  	v10 =	vmul.f32 v1, v48;
	v11 =	vmul.f32 v51, v50;
	v18, _, _ =	vpop (xrf2);
	v28 =	vld [tilespmem:s28+$0xB0];
	(xrf2) =	vadd.scan.msk.f32 $0xffff, v27  }
0x3e2: {  	v32 =	vld [tilespmem:$0x1FB40];
	v20 =	vadd.f32 v23, v20  }
0x3e3: {  	v14 =	vadd.f32 v14, v15;
	v15 =	vmul.f32 v24, v47;
	v10 =	vadd.f32 v11, v10;
	v11 =	vld [tilespmem:$0x1FB30]  }
0x3e4: {  	v9 =	vmul.f32 v17, v52;
	v23 =	vld [tilespmem:s28+$0x170];
	v13, _, _ =	vpop (xrf2);
	(xrf2) =	vadd.scan.msk.f32 $0xffff, v20  }
0x3e5: {  	v5 =	vmul.f32 v55, v54;
	v6 =	vmul.f32 v57, v56;
	v7 =	vld [tilespmem:s28+$0x1E0];
	v14 =	vadd.f32 v15, v14  }
0x3e6: {  	v15 =	vld [tilespmem:s26+$0x1E0];
	v9 =	vadd.f32 v9, v10;
	v16 =	vmul.f32 v16, v28  }
0x3e7: {  	v59 =	vld [tilespmem:s28+$0x1F0];
	v4 =	vmul.f32 v12, v58;
	v5 =	vadd.f32 v6, v5;
	v8, _, _ =	vpop (xrf2);
	(xrf2) =	vadd.scan.msk.f32 $0xffff, v14  }
0x3e8: {  	v3 =	vld [tilespmem:s26+$0x1F0];
	v2 =	vmul.f32 v61, v60;
	v9 =	vadd.f32 v16, v9  }
0x3e9: {  	v12 =	vadd.f32 v4, v5;
	v0 =	vmul.f32 v32, v11;
	v63 =	vmul.f32 v53, v23  }
0x3ea: {  	v62, _, _ =	vpop (xrf2);
	(xrf2) =	vadd.scan.msk.f32 $0xffff, v9  }
0x3eb: {  	v34 =	vmul.f32 v15, v7;
	v0 =	vadd.f32 v0, v2;
	v33 =	vadd.f32 v63, v12;
	v35, _, _ =	vpop (xrf2)  }
0x3ec: {  	v36 =	vbroadcast v62, $0xF;
	v37 =	vbroadcast v35, $0xF  }
0x3ed: {  	v40 =	vmul.f32 v3, v59;
	v39 =	vbroadcast v8, $0xF;
	v0 =	vadd.f32 v34, v0;
	(xrf2) =	vadd.scan.msk.f32 $0xffff, v33  }
0x3ee: {  	v42 =	vbroadcast v13, $0xF;
	v43, _, _ =	vpop (xrf2);
	v41 =	vsel vm0, v36, v37  }
0x3ef: {  	v0 =	vadd.f32 v40, v0;
	v44 =	vbroadcast v43, $0xF;
	v1 =	vsel vm1, v41, v39  }
0x3f0: {  	v45 =	vbroadcast v18, $0xF;
	v1 =	vsel vm2, v1, v42  }
0x3f1: {  	v46 =	vbroadcast v26, $0xF;
	v1 =	vsel vm3, v1, v44;
	v47, _, _ =	vpop (xrf2);
	(xrf2) =	vadd.scan.msk.f32 $0xffff, v0  }
0x3f2: {  	v48 =	vsel vm4, v1, v45;
	v50 =	vbroadcast v47, $0xF  }
0x3f3: {  	v51 =	vbroadcast v38, $0xF;
	v0 =	vsel vm5, v48, v46  }
0x3f4: {  	v52 =	vbroadcast v31, $0xF;
	v53, _, _ =	vpop (xrf2);
	v0 =	vsel vm6, v0, v50  }
0x3f5: {  	v54 =	vbroadcast v53, $0xF;
	v0 =	vsel vm7, v0, v51  }
0x3f6: {  	v55 =	vbroadcast v22, $0xF;
	v0 =	vsel vm8, v0, v52  }
0x3f7: {  	s5 =	sshra.s32 s29, $0x2;
	v56 =	vbroadcast v21, $0xF;
	v57, _, _ =	vpop (xrf2);
	v0 =	vsel vm9, v0, v54  }
0x3f8: {  	v59 =	vld [tilespmem:s5+$0x8500];
	v58 =	vbroadcast v57, $0xF;
	v0 =	vsel vm10, v0, v55  }
0x3f9: {  	v60 =	vbroadcast v49, $0xF;
	v0 =	vsel vm11, v0, v56  }
0x3fa: {  	v61 =	vld [tilespmem:s5+$0x8700];
	v0 =	vsel vm12, v0, v58  }
0x3fb: {  	v0 =	vsel vm13, v0, v60;
	v62, _, _ =	vpop (xrf2)  }
0x3fc: {  	v63 =	vld [tilespmem:$0x8A00];
	v0 =	vsel vm14, v0, v62  }
0x3fd: {  	v0 =	vadd.f32 v0, v59;
	_ =	sdelay $0x1  }
0x3fe: {  	v0 =	vadd.f32 v0, v61;
	_ =	sdelay $0x1  }
0x3ff: {  	v0 =	vadd.f32 v0, v63;
	_ =	sdelay $0x1  }
0x400: {  	v0 =	vsub.f32 $0.0e+00, v0;
	_ =	sdelay $0x1  }
0x401: {  	v0 =	vmul.f32 $1.442695020e+00, v0;
	_ =	sdelay $0x1  }
0x402: {  	(erf) = vpow2.f32 v0;
	_ =	sdelay $0x8  }
0x403: {  	v0 =	vpop (erf)  }
0x404: {  	v0 =	vadd.f32 $1.000000000e+00, v0;
	_ =	sdelay $0x1  }
0x405: {  	(erf) = vrcp.f32 v0;
	_ =	sdelay $0x8  }
0x406: {  	v0 =	vpop (erf)  }
0x407: {  	s28 =	sadd.s32 $0x400, s28;
	[tilespmem:s5+$0x8900] =	vst v0  }
0x408: {  	s26 =	sadd.s32 $0x400, s26;
	v0 =	vld [tilespmem:s28+$0x1B0]  }
0x409: {  	v21 =	vld [tilespmem:s26+$0x1B0]  }
0x40a: {  	v6 =	vld [tilespmem:s28+$0x1C0]  }
0x40b: {  	v7 =	vld [tilespmem:s26+$0x1C0]  }
0x40c: {  	v8 =	vld [tilespmem:s28+$0x1D0]  }
0x40d: {  	v9 =	vld [tilespmem:s26+$0x1D0]  }
0x40e: {  	v26 =	vld [tilespmem:s28+$0x1A0]  }
0x40f: {  	v29 =	vld [tilespmem:s26+$0x1A0]  }
0x410: {  	v33 =	vld [tilespmem:s28+$0x130]  }
0x411: {  	v35 =	vld [tilespmem:s26+$0x130]  }
0x412: {  	v10 =	vld [tilespmem:s28+$0x160]  }
0x413: {  	v24 =	vld [tilespmem:s28+$0x180]  }
0x414: {  	v25 =	vld [tilespmem:s26+$0x180]  }
0x415: {  	v30 =	vld [tilespmem:s28+$0x190]  }
0x416: {  	v47 =	vld [tilespmem:s26+$0x190]  }
0x417: {  	v22 =	vld [tilespmem:s28+$0xF0]  }
0x418: {  	v34 =	vld [tilespmem:s26+$0xF0]  }
0x419: {  	v31 =	vld [tilespmem:s28+$0x120]  }
0x41a: {  	v32 =	vld [tilespmem:s26+$0x120]  }
0x41b: {  	v11 =	vld [tilespmem:s28+$0x140]  }
0x41c: {  	v36 =	vld [tilespmem:s26+$0x140]  }
0x41d: {  	v37 =	vld [tilespmem:s28+$0x150]  }
0x41e: {  	v38 =	vld [tilespmem:s26+$0x150]  }
0x41f: {  	v41 =	vld [tilespmem:s28+$0xE0]  }
0x420: {  	v44 =	vld [tilespmem:s26+$0xE0]  }
0x421: {  	v53 =	vld [tilespmem:s28+$0x100]  }
0x422: {  	v54 =	vld [tilespmem:s26+$0x100]  }
0x423: {  	v55 =	vld [tilespmem:s28+$0x110]  }
0x424: {  	v56 =	vld [tilespmem:s26+$0x110]  }
0x425: {  	v39 =	vld [tilespmem:s28+$0x70]  }
0x426: {  	v40 =	vld [tilespmem:s28+$0xA0]  }
0x427: {  	v57 =	vld [tilespmem:s28+$0xC0]  }
0x428: {  	v58 =	vld [tilespmem:s26+$0xC0]  }
0x429: {  	v59 =	vld [tilespmem:s28+$0xD0]  }
0x42a: {  	v60 =	vld [tilespmem:s26+$0xD0]  }
0x42b: {  	v42 =	vld [tilespmem:s28+$0x30]  }
0x42c: {  	v51 =	vld [tilespmem:s28+$0x60]  }
0x42d: {  	v52 =	vld [tilespmem:s26+$0x60]  }
0x42e: {  	v43 =	vld [tilespmem:s28+$0x80]  }
0x42f: {  	v45 =	vld [tilespmem:s26+$0x80]  }
0x430: {  	v46 =	vld [tilespmem:s28+$0x90]  }
0x431: {  	v48 =	vld [tilespmem:s26+$0x90]  }
0x432: {  	v61 =	vld [tilespmem:s28+$0x40]  }
0x433: {  	v62 =	vld [tilespmem:s26+$0x40]  }
0x434: {  	v63 =	vld [tilespmem:s28+$0x50]  }
0x435: {  	v49 =	vld [tilespmem:s28+$0xFFFFFFE0]  }
0x436: {  	v1 =	vld [tilespmem:s28+$0x0]  }
0x437: {  	v2 =	vld [tilespmem:s26+$0x0]  }
0x438: {  	v3 =	vld [tilespmem:s28+$0x10]  }
0x439: {  	v4 =	vld [tilespmem:s26+$0x10]  }
0x43a: {  	v50 =	vld [tilespmem:s28+$0xFFFFFF70]  }
0x43b: {  	v5 =	vld [tilespmem:s28+$0xFFFFFFA0]  }
0x43c: {  	v23 =	vld [tilespmem:s26+$0xFFFFFFC0]  }
0x43d: {  	v12 =	vld [tilespmem:s26+$0xFFFFFF90]  }
0x43e: {  	v13 =	vld [tilespmem:s28+$0xFFFFFEF0]  }
0x43f: {  	v19 =	vld [tilespmem:s28+$0xFFFFFF20]  }
0x440: {  	v14 =	vld [tilespmem:s26+$0xFFFFFF40]  }
0x441: {  	v15 =	vld [tilespmem:s28+$0xFFFFFF50]  }
0x442: {  	v16 =	vld [tilespmem:s26+$0xFFFFFF50]  }
0x443: {  	v27 =	vld [tilespmem:s28+$0xFFFFFEB0]  }
0x444: {  	v28 =	vld [tilespmem:s26+$0xFFFFFEB0]  }
0x445: {  	v17 =	vld [tilespmem:s28+$0xFFFFFEE0]  }
0x446: {  	v18 =	vld [tilespmem:s26+$0xFFFFFEE0]  }
0x447: {  	[tilespmem:$0x1FAD0] =	vst v39;
	v39 =	vld [tilespmem:s26+$0x70]  }
0x448: {  	[tilespmem:$0x1FB90] =	vst v38;
	v38 =	vld [tilespmem:s26+$0x30]  }
0x449: {  	[tilespmem:$0x1FBE0] =	vst v48;
	v48 =	vld [tilespmem:s28+$0x20]  }
0x44a: {  	[tilespmem:$0x1FB70] =	vst v36;
	v36 =	vld [tilespmem:s26+$0x20]  }
0x44b: {  	[tilespmem:$0x1FAC0] =	vst v0;
	v0 =	vld [tilespmem:s26+$0x50]  }
0x44c: {  	[tilespmem:$0x1FB80] =	vst v37;
	v37 =	vld [tilespmem:s28+$0xFFFFFFB0]  }
0x44d: {  	[tilespmem:$0x1FBC0] =	vst v45;
	v45 =	vld [tilespmem:s26+$0xFFFFFFB0]  }
0x44e: {  	[tilespmem:$0x1FBA0] =	vst v40;
	v40 =	vld [tilespmem:s26+$0xFFFFFF70]  }
0x44f: {  	[tilespmem:$0x1FB10] =	vst v6;
	v6 =	vld [tilespmem:s26+$0xFFFFFFA0]  }
0x450: {  	[tilespmem:$0x1FBF0] =	vst v49;
	v49 =	vld [tilespmem:s28+$0xFFFFFFC0]  }
0x451: {  	[tilespmem:$0x1FBB0] =	vst v43;
	v43 =	vld [tilespmem:s28+$0xFFFFFFD0]  }
0x452: {  	[tilespmem:$0x1FAE0] =	vst v42;
	v42 =	vld [tilespmem:s26+$0xFFFFFFD0]  }
0x453: {  	[tilespmem:$0x1FB20] =	vst v7;
	v7 =	vld [tilespmem:s28+$0xFFFFFF60]  }
0x454: {  	[tilespmem:$0x1FB30] =	vst v8;
	v8 =	vld [tilespmem:s26+$0xFFFFFF60]  }
0x455: {  	[tilespmem:$0x1FB40] =	vst v9;
	v9 =	vld [tilespmem:s28+$0xFFFFFF80]  }
0x456: {  	[tilespmem:$0x1FB50] =	vst v10;
	v10 =	vld [tilespmem:s26+$0xFFFFFF80]  }
0x457: {  	[tilespmem:$0x1FB60] =	vst v11;
	v11 =	vld [tilespmem:s28+$0xFFFFFF90]  }
0x458: {  	[tilespmem:$0x1FBD0] =	vst v46;
	v46 =	vld [tilespmem:s26+$0xFFFFFEF0]  }
0x459: {  	[tilespmem:$0x1FB00] =	vst v13;
	v13 =	vld [tilespmem:s28+$0xFFFFFF40]  }
0x45a: {  	[tilespmem:$0x1FAF0] =	vst v50;
	v50 =	vld [tilespmem:s28+$0xFFFFFF00]  }
0x45b: {  	v20 =	vmul.f32 v25, v24;
	v24 =	vld [tilespmem:s26+$0xFFFFFF00]  }
0x45c: {  	v30 =	vmul.f32 v47, v30;
	v25 =	vld [tilespmem:s28+$0xFFFFFF10]  }
0x45d: {  	v47 =	vmul.f32 v54, v53;
	v53 =	vmul.f32 v32, v31;
	v31 =	vld [tilespmem:s28+$0xFFFFFEA0]  }
0x45e: {  	v32 =	vld [tilespmem:s26+$0xFFFFFEA0]  }
0x45f: {  	v58 =	vmul.f32 v58, v57;
	v57 =	vmul.f32 v60, v59;
	v60 =	vld [tilespmem:s26+$0xFFFFFED0]  }
0x460: {  	v22 =	vmul.f32 v34, v22;
	v34 =	vld [tilespmem:s26+$0xFFFFFE20];
	v20 =	vadd.f32 v30, v20;
	v30 =	vmul.f32 v29, v26  }
0x461: {  	v41 =	vmul.f32 v44, v41;
	v44 =	vld [tilespmem:s26+$0xFFFFFE80]  }
0x462: {  	v20 =	vadd.f32 v30, v20;
	v30 =	vld [tilespmem:$0x1FAC0]  }
0x463: {  	v59 =	vmul.f32 v62, v61;
	v61 =	vmul.f32 v52, v51;
	v52 =	vld [tilespmem:s26+$0xFFFFFE90]  }
0x464: {  	v51 =	vld [tilespmem:$0x1FAE0];
	v58 =	vadd.f32 v57, v58  }
0x465: {  	v56 =	vmul.f32 v56, v55;
	v26 =	vld [tilespmem:s26+$0xFFFFFF10]  }
0x466: {  	v33 =	vmul.f32 v35, v33;
	v29 =	vld [tilespmem:s28+$0xFFFFFE30];
	v35 =	vadd.f32 v41, v58  }
0x467: {  	v47 =	vadd.f32 v56, v47;
	v41 =	vld [tilespmem:s28+$0xFFFFFE50];
	v21 =	vmul.f32 v21, v30  }
0x468: {  	v0 =	vmul.f32 v0, v63;
	v57 =	vmul.f32 v45, v37;
	v37 =	vld [tilespmem:s28+$0xFFFFFE10];
	v63 =	vadd.f32 v22, v35  }
0x469: {  	v35 =	vld [tilespmem:$0x1FAD0];
	v20 =	vadd.f32 v21, v20;
	v21 =	vadd.f32 v53, v47  }
0x46a: {  	v1 =	vmul.f32 v2, v1;
	v22 =	vld [tilespmem:s28+$0xFFFFFE80]  }
0x46b: {  	v62 =	vmul.f32 v4, v3;
	v2 =	vmul.f32 v38, v51;
	v38 =	vld [tilespmem:s28+$0xFFFFFE40];
	v21 =	vadd.f32 v33, v21  }
0x46c: {  	v47 =	vld [tilespmem:s28+$0xFFFFFEC0];
	(xrf2) =	vadd.scan.msk.f32 $0xffff, v20  }
0x46d: {  	v1 =	vadd.f32 v62, v1;
	v9 =	vmul.f32 v10, v9;
	v62 =	vmul.f32 v12, v11;
	v20 =	vld [tilespmem:s26+$0xFFFFFEC0];
	(xrf2) =	vadd.scan.msk.f32 $0xffff, v21  }
0x46e: {  	v0 =	vadd.f32 v0, v59;
	(xrf2) =	vadd.scan.msk.f32 $0xffff, v63;
	v63 =	vld [tilespmem:s28+$0xFFFFFE90]  }
0x46f: {  	v55 =	vmul.f32 v16, v15;
	v9 =	vadd.f32 v62, v9;
	v62 =	vmul.f32 v18, v17;
	v53 =	vld [tilespmem:s28+$0xFFFFFED0]  }
0x470: {  	v17 =	vmovc v43;
	v43 =	vld [tilespmem:s26+$0xFFFFFE50];
	v0 =	vadd.f32 v61, v0;
	v4 =	vmul.f32 v39, v35;
	v39 =	vmul.f32 v36, v48  }
0x471: {  	v5 =	vmul.f32 v6, v5;
	v54 =	vmul.f32 v14, v13;
	v61 =	vld [tilespmem:$0x1FAF0]  }
0x472: {  	v58 =	vmul.f32 v8, v7;
	v30 =	vld [tilespmem:s26+$0xFFFFFE30];
	v0 =	vadd.f32 v4, v0;
	v1 =	vadd.f32 v39, v1  }
0x473: {  	p0 =	sne.s32 s30, $0x1C0;
	v56 =	vadd.f32 v5, v9;
	v59 =	vmul.f32 v20, v47;
	v47 =	vmul.f32 v52, v63;
	v63 =	vld [tilespmem:$0x1FB00]  }
.Ltmp2:
0x474: {  	v35 =	vld [tilespmem:s28+$0xFFFFFE00];
	v1 =	vadd.f32 v2, v1;
	v60 =	vmul.f32 v60, v53;
	(xrf2) =	vadd.scan.msk.f32 $0xffff, v0;
	v0 =	vadd.f32 v55, v54;
	(pc) =	sbr.rel @p0 .LBB2_6-.Ltmp2, $4  }
0x475: {  	v15 =	vmov v49;
	v36 =	vld [tilespmem:s26+$0xFFFFFE00];
	v2 =	vadd.f32 v57, v56  }
0x476: {  	v33 =	vld [tilespmem:s28+$0xFFFFFE20];
	v5 =	vmul.f32 v40, v61;
	v0 =	vadd.f32 v58, v0;
	v49, _, _ =	vpop (xrf2);
	(xrf2) =	vadd.scan.msk.f32 $0xffff, v1;
	v1 =	vadd.f32 v60, v59  }
0x477: {  	v16 =	vmov v23;
	v18 =	vmov v42;
	v44 =	vmul.f32 v44, v22;
	v39 =	vld [tilespmem:s26+$0xFFFFFE10];
	v21, _, _ =	vpop (xrf2)  }
0x478: {  	s29 =	smov.u32 s30;
	s30 =	sadd.s32 $0x40, s30;
	v40 =	vld [tilespmem:s26+$0xFFFFFE40];
	v42 =	vadd.f32 v5, v0;
	(xrf2) =	vadd.scan.msk.f32 $0xffff, v2;
	v45 =	vadd.f32 v62, v1;
	v22, _, _ =	vpop (xrf2);
	v46 =	vmul.f32 v46, v63  }
0x479: {  	v0 =	vld [tilespmem:s28+$0xFFFFFE60]  }
0x47a: {  	v1 =	vld [tilespmem:s26+$0xFFFFFE60]  }
0x47b: {  	v4 =	vld [tilespmem:s28+$0xFFFFFE70]  }
0x47c: {  	v8 =	vld [tilespmem:s26+$0xFFFFFE70]  }
0x47d: {  	v10 =	vld [tilespmem:s26+$0xFFFFFF20]  }
0x47e: {  	v12 =	vld [tilespmem:s28+$0xFFFFFF30]  }
0x47f: {  	v48 =	vld [tilespmem:s26+$0xFFFFFF30]  }
0x480: {  	v14 =	vld [tilespmem:s26+$0xFFFFFFE0]  }
0x481: {  	v53 =	vld [tilespmem:s28+$0xFFFFFFF0]  }
0x482: {  	v55 =	vld [tilespmem:s26+$0xFFFFFFF0]  }
0x483: {  	v58 =	vld [tilespmem:s26+$0xA0]  }
0x484: {  	v60 =	vld [tilespmem:s28+$0xB0]  }
0x485: {  	v61 =	vld [tilespmem:$0x1FBF0]  }
0x486: {  	v62 =	vld [tilespmem:s26+$0xB0]  }
0x487: {  	v3 =	vmul.f32 v32, v31;
	v32 =	vld [tilespmem:$0x1FBB0]  }
0x488: {  	v9 =	vmul.f32 v43, v41;
	v41 =	vld [tilespmem:s26+$0x170]  }
0x489: {  	v43 =	vld [tilespmem:$0x1FB60]  }
0x48a: {  	v2 =	vadd.f32 v47, v44;
	v11 =	vmul.f32 v28, v27;
	v44 =	vld [tilespmem:$0x1FB70]  }
0x48b: {  	v5 =	vmul.f32 v36, v35;
	v35 =	vld [tilespmem:$0x1FBE0];
	v6 =	vmul.f32 v39, v37  }
0x48c: {  	v13 =	vmul.f32 v30, v29;
	v7 =	vadd.f32 v46, v45;
	v36 =	vld [tilespmem:s26+$0x160];
	v46 =	vmul.f32 v40, v38  }
0x48d: {  	v50 =	vmul.f32 v24, v50;
	v45 =	vld [tilespmem:$0x1FB80];
	v47 =	vmul.f32 v34, v33;
	v5 =	vadd.f32 v6, v5  }
0x48e: {  	v2 =	vadd.f32 v3, v2;
	v33 =	vld [tilespmem:$0x1FBC0];
	v0 =	vmul.f32 v1, v0;
	v3 =	vadd.f32 v9, v46  }
0x48f: {  	v51 =	vmul.f32 v26, v25;
	v56 =	vmul.f32 v16, v15;
	v34 =	vld [tilespmem:$0x1FBD0];
	v5 =	vadd.f32 v47, v5  }
0x490: {  	(xrf2) =	vadd.scan.msk.f32 $0xffff, v42;
	v2 =	vadd.f32 v11, v2;
	v38 =	vld [tilespmem:s28+$0x170];
	v52 =	vmul.f32 v8, v4;
	v0 =	vadd.f32 v0, v3  }
0x491: {  	(xrf2) =	vadd.scan.msk.f32 $0xffff, v7;
	v40 =	vld [tilespmem:$0x1FBA0];
	v6 =	vadd.f32 v51, v50;
	v54 =	vmul.f32 v10, v19;
	v5 =	vadd.f32 v13, v5  }
0x492: {  	v57 =	vmul.f32 v18, v17;
	v1 =	vmul.f32 v48, v12;
	v12 =	vld [tilespmem:$0x1FB90];
	(xrf2) =	vadd.scan.msk.f32 $0xffff, v2;
	v0 =	vadd.f32 v52, v0  }
0x493: {  	v50 =	vld [tilespmem:$0x1FB50];
	v59 =	vadd.f32 v54, v6;
	(xrf2) =	vadd.scan.msk.f32 $0xffff, v5  }
0x494: {  	v37 =	vmul.f32 v55, v53;
	v53 =	vld [tilespmem:$0x1FB10];
	v2 =	vadd.f32 v57, v56;
	v3 =	vmul.f32 v14, v61;
	(xrf2) =	vadd.scan.msk.f32 $0xffff, v0  }
0x495: {  	v55 =	vld [tilespmem:$0x1FB40];
	v63 =	vadd.f32 v1, v59;
	v1 =	vmul.f32 v33, v32;
	v5 =	vmul.f32 v35, v34  }
0x496: {  	v14 =	vld [tilespmem:$0x1FB20];
	v2 =	vadd.f32 v3, v2  }
0x497: {  	v39, _, _ =	vpop (xrf2);
	v54 =	vld [tilespmem:$0x1FB30];
	v1 =	vadd.f32 v5, v1;
	v5 =	vmul.f32 v58, v40;
	(xrf2) =	vadd.scan.msk.f32 $0xffff, v63  }
0x498: {  	v42, _, _ =	vpop (xrf2);
	v47 =	vld [tilespmem:s26+$0x1E0];
	v3 =	vmul.f32 v44, v43;
	v11 =	vmul.f32 v12, v45;
	v2 =	vadd.f32 v37, v2  }
0x499: {  	v46 =	vmul.f32 v62, v60;
	v13, _, _ =	vpop (xrf2);
	v12 =	vld [tilespmem:s28+$0x1E0];
	v1 =	vadd.f32 v5, v1  }
0x49a: {  	v51 =	vld [tilespmem:s28+$0x1F0];
	v10 =	vmul.f32 v36, v50;
	v48, _, _ =	vpop (xrf2);
	v3 =	vadd.f32 v11, v3;
	(xrf2) =	vadd.scan.msk.f32 $0xffff, v2  }
0x49b: {  	v52, _, _ =	vpop (xrf2);
	v5 =	vmul.f32 v14, v53;
	v14 =	vld [tilespmem:s26+$0x1F0];
	v1 =	vadd.f32 v46, v1  }
0x49c: {  	v4 =	vmul.f32 v41, v38;
	v9 =	vmul.f32 v55, v54;
	v3 =	vadd.f32 v10, v3;
	v15, _, _ =	vpop (xrf2)  }
0x49d: {  	(xrf2) =	vadd.scan.msk.f32 $0xffff, v1;
	v56, _, _ =	vpop (xrf2)  }
0x49e: {  	v59 =	vmul.f32 v47, v12;
	v57 =	vadd.f32 v4, v3;
	v58 =	vadd.f32 v9, v5;
	v60, _, _ =	vpop (xrf2)  }
0x49f: {  	v61 =	vbroadcast v56, $0xF;
	v5 =	vbroadcast v60, $0xF  }
0x4a0: {  	v62 =	vbroadcast v15, $0xF;
	v3 =	vadd.f32 v59, v58;
	v63 =	vmul.f32 v14, v51;
	(xrf2) =	vadd.scan.msk.f32 $0xffff, v57  }
0x4a1: {  	v2 =	vbroadcast v52, $0xF;
	v11, _, _ =	vpop (xrf2);
	v10 =	vsel vm0, v61, v5  }
0x4a2: {  	v3 =	vadd.f32 v63, v3;
	v5 =	vbroadcast v11, $0xF;
	v1 =	vsel vm1, v10, v62  }
0x4a3: {  	v32 =	vbroadcast v48, $0xF;
	v1 =	vsel vm2, v1, v2  }
0x4a4: {  	v33 =	vbroadcast v13, $0xF;
	v34, _, _ =	vpop (xrf2);
	(xrf2) =	vadd.scan.msk.f32 $0xffff, v3;
	v1 =	vsel vm3, v1, v5  }
0x4a5: {  	v35 =	vbroadcast v34, $0xF;
	v1 =	vsel vm4, v1, v32  }
0x4a6: {  	v0 =	vbroadcast v42, $0xF;
	v1 =	vsel vm5, v1, v33  }
0x4a7: {  	v36 =	vbroadcast v39, $0xF;
	v37, _, _ =	vpop (xrf2);
	v1 =	vsel vm6, v1, v35  }
0x4a8: {  	v38 =	vbroadcast v37, $0xF;
	v0 =	vsel vm7, v1, v0  }
0x4a9: {  	v39 =	vbroadcast v22, $0xF;
	v0 =	vsel vm8, v0, v36  }
0x4aa: {  	s5 =	sshra.s32 s29, $0x2;
	v40 =	vbroadcast v21, $0xF;
	v41, _, _ =	vpop (xrf2);
	v0 =	vsel vm9, v0, v38  }
0x4ab: {  	v43 =	vld [tilespmem:s5+$0x8500];
	v42 =	vbroadcast v41, $0xF;
	v0 =	vsel vm10, v0, v39  }
0x4ac: {  	v44 =	vbroadcast v49, $0xF;
	v0 =	vsel vm11, v0, v40  }
0x4ad: {  	v45 =	vld [tilespmem:s5+$0x8700];
	v0 =	vsel vm12, v0, v42  }
0x4ae: {  	v46, _, _ =	vpop (xrf2);
	v0 =	vsel vm13, v0, v44  }
0x4af: {  	v47 =	vld [tilespmem:$0x8A00];
	v0 =	vsel vm14, v0, v46  }
0x4b0: {  	v0 =	vadd.f32 v0, v43;
	_ =	sdelay $0x1  }
0x4b1: {  	v0 =	vadd.f32 v0, v45;
	_ =	sdelay $0x1  }
0x4b2: {  	v0 =	vadd.f32 v0, v47;
	_ =	sdelay $0x1  }
0x4b3: {  	v0 =	vsub.f32 $0.0e+00, v0;
	_ =	sdelay $0x1  }
0x4b4: {  	v0 =	vmul.f32 $1.442695020e+00, v0;
	_ =	sdelay $0x1  }
0x4b5: {  	(erf) = vpow2.f32 v0;
	_ =	sdelay $0x8  }
0x4b6: {  	v0 =	vpop (erf)  }
0x4b7: {  	v0 =	vadd.f32 $1.000000000e+00, v0;
	_ =	sdelay $0x1  }
0x4b8: {  	(erf) = vrcp.f32 v0;
	_ =	sdelay $0x8  }
0x4b9: {  	v0 =	vpop (erf)  }
0x4ba: {  	[tilespmem:s5+$0x8900] =	vst v0  }
0x4bb: {  	_ =	swait.ge [sflag:s31], $0x80  }
0x4bc: {  	[sflag:s31] =	ssyncset.done $0x0  }
0x4bd: {  	[sflag:s31] =	ssyncadd.s32 $0xFFFFFF80  }
0x4be: {  	_ =	swait.ge [sflag:s31], $0x80  }
0x4bf: {  	[sflag:s31] =	ssyncset.done $0x0  }
0x4c0: {  	[sflag:s31] =	ssyncadd.s32 $0xFFFFFF80  }
0x4c1: {  	_ =	swait.ge [sflag:s2], $0x2000  }
0x4c2: {  	[sflag:s2] =	ssyncset.done $0x0  }
0x4c3: {  	[sflag:s2] =	ssyncadd.s32 $0xFFFFE000  }
0x4c4: {  	_ =	swait.ge [sflag:s2], $0x2000  }
0x4c5: {  	[sflag:s2] =	ssyncset.done $0x0  }
0x4c6: {  	s28 =	simm.s32 $0x27F0;
	[sflag:s2] =	ssyncadd.s32 $0xFFFFE000  }
0x4c7: {  	s26 =	simm.s32 $0x67F0;
	v5 =	vld [tilespmem:s28+$0xFFFFFFC0]  }
0x4c8: {  	v8 =	vld [tilespmem:s26+$0xFFFFFFC0]  }
0x4c9: {  	v48 =	vld [tilespmem:s28+$0xFFFFFFD0]  }
0x4ca: {  	v49 =	vld [tilespmem:s26+$0xFFFFFFD0]  }
0x4cb: {  	v50 =	vld [tilespmem:s28+$0xFFFFFFE0]  }
0x4cc: {  	v51 =	vld [tilespmem:s26+$0xFFFFFFE0]  }
0x4cd: {  	v52 =	vld [tilespmem:s28+$0xFFFFFFB0]  }
0x4ce: {  	v63 =	vld [tilespmem:s26+$0xFFFFFFB0]  }
0x4cf: {  	v13 =	vld [tilespmem:s28+$0xFFFFFF40]  }
0x4d0: {  	v14 =	vld [tilespmem:s26+$0xFFFFFF40]  }
0x4d1: {  	v53 =	vld [tilespmem:s28+$0xFFFFFF70]  }
0x4d2: {  	v30 =	vld [tilespmem:s28+$0xFFFFFF90]  }
0x4d3: {  	v31 =	vld [tilespmem:s26+$0xFFFFFF90]  }
0x4d4: {  	v32 =	vld [tilespmem:s28+$0xFFFFFFA0]  }
0x4d5: {  	v29 =	vld [tilespmem:s26+$0xFFFFFFA0]  }
0x4d6: {  	v20 =	vld [tilespmem:s28+$0xFFFFFF00]  }
0x4d7: {  	v54 =	vld [tilespmem:s28+$0xFFFFFF30]  }
0x4d8: {  	v55 =	vld [tilespmem:s26+$0xFFFFFF30]  }
0x4d9: {  	v56 =	vld [tilespmem:s28+$0xFFFFFF50]  }
0x4da: {  	v57 =	vld [tilespmem:s26+$0xFFFFFF50]  }
0x4db: {  	v58 =	vld [tilespmem:s28+$0xFFFFFF60]  }
0x4dc: {  	v59 =	vld [tilespmem:s26+$0xFFFFFF60]  }
0x4dd: {  	v62 =	vld [tilespmem:s28+$0xFFFFFEF0]  }
0x4de: {  	v33 =	vld [tilespmem:s26+$0xFFFFFEF0]  }
0x4df: {  	v42 =	vld [tilespmem:s28+$0xFFFFFF10]  }
0x4e0: {  	v43 =	vld [tilespmem:s26+$0xFFFFFF10]  }
0x4e1: {  	v44 =	vld [tilespmem:s28+$0xFFFFFF20]  }
0x4e2: {  	v45 =	vld [tilespmem:s26+$0xFFFFFF20]  }
0x4e3: {  	v6 =	vld [tilespmem:s28+$0xFFFFFE80]  }
0x4e4: {  	v9 =	vld [tilespmem:s26+$0xFFFFFE80]  }
0x4e5: {  	v60 =	vld [tilespmem:s28+$0xFFFFFEB0]  }
0x4e6: {  	v1 =	vld [tilespmem:s26+$0xFFFFFED0]  }
0x4e7: {  	v2 =	vld [tilespmem:s28+$0xFFFFFEE0]  }
0x4e8: {  	v3 =	vld [tilespmem:s28+$0xFFFFFE40]  }
0x4e9: {  	v4 =	vld [tilespmem:s26+$0xFFFFFE40]  }
0x4ea: {  	v34 =	vld [tilespmem:s28+$0xFFFFFE70]  }
0x4eb: {  	v61 =	vld [tilespmem:s28+$0xFFFFFE90]  }
0x4ec: {  	v7 =	vld [tilespmem:s26+$0xFFFFFE90]  }
0x4ed: {  	v10 =	vld [tilespmem:s28+$0xFFFFFEA0]  }
0x4ee: {  	v11 =	vld [tilespmem:s26+$0xFFFFFEA0]  }
0x4ef: {  	v35 =	vld [tilespmem:s28+$0xFFFFFE30]  }
0x4f0: {  	v36 =	vld [tilespmem:s26+$0xFFFFFE30]  }
0x4f1: {  	v23 =	vld [tilespmem:s28+$0xFFFFFDC0]  }
0x4f2: {  	v37 =	vld [tilespmem:s26+$0xFFFFFDC0]  }
0x4f3: {  	v38 =	vld [tilespmem:s28+$0xFFFFFDF0]  }
0x4f4: {  	v46 =	vld [tilespmem:s26+$0xFFFFFE10]  }
0x4f5: {  	v47 =	vld [tilespmem:s28+$0xFFFFFE20]  }
0x4f6: {  	v41 =	vld [tilespmem:s26+$0xFFFFFE20]  }
0x4f7: {  	v12 =	vld [tilespmem:s26+$0xFFFFFD80]  }
0x4f8: {  	v15 =	vld [tilespmem:s28+$0xFFFFFDD0]  }
0x4f9: {  	v16 =	vld [tilespmem:s26+$0xFFFFFDD0]  }
0x4fa: {  	v17 =	vld [tilespmem:s28+$0xFFFFFDE0]  }
0x4fb: {  	v18 =	vld [tilespmem:s26+$0xFFFFFDE0]  }
0x4fc: {  	v39 =	vld [tilespmem:s28+$0xFFFFFD70]  }
0x4fd: {  	v40 =	vld [tilespmem:s26+$0xFFFFFD70]  }
0x4fe: {  	v22 =	vld [tilespmem:s26+$0xFFFFFD90]  }
0x4ff: {  	v21 =	vld [tilespmem:s26+$0xFFFFFDA0]  }
0x500: {  	v19 =	vld [tilespmem:s28+$0xFFFFFD30]  }
0x501: {  	v27 =	vld [tilespmem:s28+$0xFFFFFCC0]  }
0x502: {  	v28 =	vld [tilespmem:s26+$0xFFFFFCC0]  }
0x503: {  	v24 =	vld [tilespmem:s26+$0xFFFFFD10]  }
0x504: {  	v25 =	vld [tilespmem:s28+$0xFFFFFD20]  }
0x505: {  	v26 =	vld [tilespmem:s26+$0xFFFFFD20]  }
0x506: {  	[tilespmem:$0x1F960] =	vst v49;
	v49 =	vld [tilespmem:s26+$0xFFFFFF00]  }
0x507: {  	[tilespmem:$0x1F950] =	vst v48;
	v48 =	vld [tilespmem:s28+$0xFFFFFED0]  }
0x508: {  	[tilespmem:$0x1F980] =	vst v51;
	v51 =	vld [tilespmem:s26+$0xFFFFFEE0]  }
0x509: {  	[tilespmem:$0x1FA60] =	vst v55;
	v55 =	vld [tilespmem:s26+$0xFFFFFE70]  }
0x50a: {  	[tilespmem:$0x1F9C0] =	vst v58;
	v58 =	vld [tilespmem:s28+$0xFFFFFE50]  }
0x50b: {  	[tilespmem:$0x1F9D0] =	vst v59;
	v59 =	vld [tilespmem:s26+$0xFFFFFE50]  }
0x50c: {  	[tilespmem:$0x1F9E0] =	vst v60;
	v60 =	vld [tilespmem:s28+$0xFFFFFE60]  }
0x50d: {  	[tilespmem:$0x1F9F0] =	vst v61;
	v61 =	vld [tilespmem:s26+$0xFFFFFE60]  }
0x50e: {  	[tilespmem:$0x1FA40] =	vst v52;
	v52 =	vld [tilespmem:s28+$0xFFFFFE10]  }
0x50f: {  	[tilespmem:$0x1FA10] =	vst v10;
	v10 =	vld [tilespmem:s28+$0xFFFFFD80]  }
0x510: {  	[tilespmem:$0x1FA50] =	vst v54;
	v54 =	vld [tilespmem:s28+$0xFFFFFDB0]  }
0x511: {  	[tilespmem:$0x1F990] =	vst v53;
	v53 =	vld [tilespmem:s26+$0xFFFFFDB0]  }
0x512: {  	[tilespmem:$0x1FA80] =	vst v36;
	v36 =	vld [tilespmem:s28+$0xFFFFFD90]  }
0x513: {  	[tilespmem:$0x1FA70] =	vst v35;
	v35 =	vld [tilespmem:s28+$0xFFFFFDA0]  }
0x514: {  	[tilespmem:$0x1FA00] =	vst v7;
	v7 =	vld [tilespmem:s28+$0xFFFFFD00]  }
0x515: {  	[tilespmem:$0x1FA20] =	vst v11;
	v11 =	vld [tilespmem:s26+$0xFFFFFD00]  }
0x516: {  	[tilespmem:$0x1FAB0] =	vst v40;
	v40 =	vld [tilespmem:s28+$0xFFFFFD50]  }
0x517: {  	[tilespmem:$0x1FA30] =	vst v38;
	v38 =	vld [tilespmem:s26+$0xFFFFFD50]  }
0x518: {  	[tilespmem:$0x1FAA0] =	vst v39;
	v39 =	vld [tilespmem:s28+$0xFFFFFD60]  }
0x519: {  	[tilespmem:$0x1FA90] =	vst v37;
	v37 =	vld [tilespmem:s26+$0xFFFFFD60]  }
0x51a: {  	[tilespmem:$0x1F9B0] =	vst v57;
	v57 =	vld [tilespmem:s28+$0xFFFFFCF0]  }
0x51b: {  	[tilespmem:$0x1F9A0] =	vst v56;
	v56 =	vld [tilespmem:s26+$0xFFFFFCF0]  }
0x51c: {  	[tilespmem:$0x1F970] =	vst v50;
	v50 =	vld [tilespmem:s28+$0xFFFFFD10]  }
0x51d: {  	v32 =	vmul.f32 v29, v32;
	v29 =	vld [tilespmem:s28+$0xFFFFFC40]  }
0x51e: {  	v31 =	vmul.f32 v31, v30;
	v30 =	vld [tilespmem:s26+$0xFFFFFC40]  }
0x51f: {  	v42 =	vmul.f32 v43, v42;
	v43 =	vmul.f32 v45, v44;
	v0 =	vld [tilespmem:$0x1FA40]  }
0x520: {  	v33 =	vmul.f32 v33, v62;
	v62 =	vld [tilespmem:$0x1FA70]  }
0x521: {  	v42 =	vadd.f32 v43, v42;
	v43 =	vld [tilespmem:s26+$0xFFFFFC90]  }
0x522: {  	v44 =	vmul.f32 v1, v48;
	v48 =	vld [tilespmem:$0x1FA50]  }
0x523: {  	v45 =	vmul.f32 v51, v2;
	v51 =	vld [tilespmem:$0x1FA60]  }
0x524: {  	v2 =	vld [tilespmem:s28+$0xFFFFFCE0]  }
0x525: {  	v58 =	vmul.f32 v59, v58;
	v59 =	vmul.f32 v46, v52;
	v46 =	vld [tilespmem:s28+$0xFFFFFC90]  }
0x526: {  	v21 =	vmul.f32 v21, v35;
	v35 =	vld [tilespmem:s28+$0xFFFFFC10]  }
0x527: {  	v22 =	vmul.f32 v22, v36;
	v36 =	vld [tilespmem:s26+$0xFFFFFC10];
	v63 =	vmul.f32 v63, v0;
	v0 =	vadd.f32 v32, v31  }
0x528: {  	v37 =	vmul.f32 v37, v39;
	v39 =	vld [tilespmem:s26+$0xFFFFFC20]  }
0x529: {  	v38 =	vmul.f32 v38, v40;
	v40 =	vld [tilespmem:s26+$0xFFFFFC50];
	v0 =	vadd.f32 v63, v0;
	v63 =	vmul.f32 v51, v48  }
0x52a: {  	v31 =	vld [tilespmem:s28+$0xFFFFFCB0];
	v44 =	vadd.f32 v45, v44;
	v21 =	vadd.f32 v21, v22;
	v51 =	vmul.f32 v8, v5  }
0x52b: {  	v45 =	vld [tilespmem:s26+$0xFFFFFCD0];
	v22 =	vmul.f32 v53, v54;
	v42 =	vadd.f32 v63, v42;
	v63 =	vmul.f32 v14, v13  }
0x52c: {  	v53 =	vld [tilespmem:$0x1FA90];
	v44 =	vadd.f32 v33, v44;
	v5 =	vmul.f32 v49, v20;
	v0 =	vadd.f32 v51, v0  }
0x52d: {  	v42 =	vadd.f32 v63, v42;
	v63 =	vld [tilespmem:$0x1FA80]  }
0x52e: {  	v54 =	vld [tilespmem:$0x1FAA0];
	v49 =	vmul.f32 v55, v34;
	v55 =	vadd.f32 v5, v44;
	(xrf2) =	vadd.scan.msk.f32 $0xffff, v0  }
0x52f: {  	v48 =	vld [tilespmem:s28+$0xFFFFFCD0];
	v8 =	vmul.f32 v61, v60;
	(xrf2) =	vadd.scan.msk.f32 $0xffff, v42  }
0x530: {  	v41 =	vmul.f32 v41, v47;
	v51 =	vld [tilespmem:s26+$0xFFFFFCE0];
	(xrf2) =	vadd.scan.msk.f32 $0xffff, v55  }
0x531: {  	v58 =	vadd.f32 v8, v58;
	v55 =	vld [tilespmem:$0x1FAB0]  }
0x532: {  	v32 =	vld [tilespmem:s26+$0xFFFFFCB0];
	v61 =	vadd.f32 v41, v59;
	v8 =	vmul.f32 v63, v62  }
0x533: {  	v52 =	vmul.f32 v4, v3;
	v60 =	vmul.f32 v9, v6;
	v41 =	vld [tilespmem:s28+$0xFFFFFCA0];
	v0 =	vadd.f32 v49, v58  }
0x534: {  	v21 =	vadd.f32 v22, v21;
	v9 =	vld [tilespmem:s26+$0xFFFFFCA0];
	v22 =	vmul.f32 v53, v23;
	v49 =	vadd.f32 v8, v61  }
0x535: {  	v38 =	vadd.f32 v37, v38;
	v37 =	vld [tilespmem:s28+$0xFFFFFC20];
	v0 =	vadd.f32 v60, v0;
	v60 =	vmul.f32 v45, v48  }
0x536: {  	v33 =	vld [tilespmem:s28+$0xFFFFFC30];
	v22 =	vadd.f32 v22, v21;
	v61 =	vmul.f32 v51, v2;
	v58 =	vmul.f32 v55, v54  }
0x537: {  	v34 =	vld [tilespmem:s26+$0xFFFFFC30];
	v44 =	vmul.f32 v43, v46;
	v62 =	vmul.f32 v12, v10;
	v59 =	vadd.f32 v52, v49  }
0x538: {  	v43 =	vld [tilespmem:s26+$0xFFFFFC60];
	(xrf2) =	vadd.scan.msk.f32 $0xffff, v0;
	v63 =	vmul.f32 v56, v57;
	v45 =	vadd.f32 v61, v60;
	v42 =	vadd.f32 v58, v38;
	v49, _, _ =	vpop (xrf2)  }
0x539: {  	v47 =	vmul.f32 v9, v41;
	v41 =	vld [tilespmem:s28+$0xFFFFFC60];
	(xrf2) =	vadd.scan.msk.f32 $0xffff, v59;
	v21, _, _ =	vpop (xrf2)  }
0x53a: {  	s29 =	simm.s32 $0x0;
	s30 =	simm.s32 $0x40;
	v46 =	vmul.f32 v11, v7;
	v38 =	vld [tilespmem:s28+$0xFFFFFC50];
	v45 =	vadd.f32 v63, v45;
	(xrf2) =	vadd.scan.msk.f32 $0xffff, v22;
	v42 =	vadd.f32 v62, v42;
	v22, _, _ =	vpop (xrf2)  }
.LBB2_8:
0x53b: {  	v48 =	vld [tilespmem:s28+$0xFFFFFC70]  }
0x53c: {  	v8 =	vld [tilespmem:s26+$0xFFFFFC70]  }
0x53d: {  	v10 =	vld [tilespmem:s28+$0xFFFFFC80]  }
0x53e: {  	v11 =	vld [tilespmem:s26+$0xFFFFFC80]  }
0x53f: {  	v15 =	vmul.f32 v16, v15;
	v16 =	vmul.f32 v18, v17;
	v17 =	vld [tilespmem:s26+$0xFFFFFEB0]  }
0x540: {  	v0 =	vld [tilespmem:$0x1FA30]  }
0x541: {  	v1 =	vld [tilespmem:$0x1FA00]  }
0x542: {  	v51 =	vld [tilespmem:$0x1FA20]  }
0x543: {  	v12 =	vld [tilespmem:s26+$0xFFFFFF70]  }
0x544: {  	v52 =	vld [tilespmem:$0x1F9E0]  }
0x545: {  	v53 =	vld [tilespmem:s26+$0xFFFFFF80]  }
0x546: {  	v54 =	vld [tilespmem:$0x1F9A0]  }
0x547: {  	v55 =	vld [tilespmem:$0x1F9B0]  }
0x548: {  	v56 =	vld [tilespmem:$0x1F9C0]  }
0x549: {  	v57 =	vld [tilespmem:$0x1F9D0]  }
0x54a: {  	v58 =	vld [tilespmem:$0x1F990];
	v32 =	vmul.f32 v32, v31  }
0x54b: {  	v60 =	vld [tilespmem:$0x1F950];
	v44 =	vadd.f32 v47, v44;
	v35 =	vmul.f32 v36, v35;
	v7 =	vmul.f32 v39, v37  }
0x54c: {  	(xrf2) =	vadd.scan.msk.f32 $0xffff, v42;
	v9 =	vadd.f32 v46, v45;
	v46 =	vld [tilespmem:s26+$0xFFFFFD40];
	v27 =	vmul.f32 v28, v27;
	v33 =	vmul.f32 v34, v33  }
0x54d: {  	v40 =	vmul.f32 v40, v38;
	v41 =	vmul.f32 v43, v41;
	v43 =	vld [tilespmem:s26+$0xFFFFFD30]  }
0x54e: {  	v29 =	vmul.f32 v30, v29;
	v30 =	vld [tilespmem:s28+$0xFFFFFD40];
	v32 =	vadd.f32 v32, v44;
	v28 =	vadd.f32 v7, v35  }
0x54f: {  	v23 =	vmul.f32 v24, v50;
	v24 =	vmul.f32 v26, v25;
	v25 =	vld [tilespmem:s26+$0xFFFFFDF0];
	v31, _, _ =	vpop (xrf2);
	(xrf2) =	vadd.scan.msk.f32 $0xffff, v9;
	v44 =	vadd.f32 v41, v40  }
0x550: {  	v50 =	vld [tilespmem:$0x1FA10];
	v45 =	vmul.f32 v8, v48;
	v27 =	vadd.f32 v27, v32;
	v28 =	vadd.f32 v33, v28  }
0x551: {  	v48 =	vld [tilespmem:$0x1F9F0]  }
0x552: {  	v47 =	vld [tilespmem:s28+$0xFFFFFE00];
	v38, _, _ =	vpop (xrf2);
	(xrf2) =	vadd.scan.msk.f32 $0xffff, v27;
	v27 =	vadd.f32 v29, v28;
	v28 =	vadd.f32 v45, v44;
	v29 =	vmul.f32 v11, v10  }
0x553: {  	v23 =	vadd.f32 v24, v23;
	v24 =	vld [tilespmem:s26+$0xFFFFFE00];
	v20 =	vmul.f32 v43, v19  }
0x554: {  	v61 =	vld [tilespmem:$0x1F960];
	v15 =	vadd.f32 v16, v15;
	v26, _, _ =	vpop (xrf2);
	(xrf2) =	vadd.scan.msk.f32 $0xffff, v27;
	v27 =	vadd.f32 v29, v28  }
0x555: {  	v16 =	vld [tilespmem:s26+$0xFFFFFEC0];
	v14 =	vmul.f32 v25, v0;
	v20 =	vadd.f32 v20, v23;
	v23 =	vmul.f32 v46, v30  }
0x556: {  	v10 =	vmul.f32 v1, v48;
	v11 =	vmul.f32 v51, v50;
	v18, _, _ =	vpop (xrf2);
	v28 =	vld [tilespmem:s28+$0xFFFFFEC0];
	(xrf2) =	vadd.scan.msk.f32 $0xffff, v27  }
0x557: {  	v32 =	vld [tilespmem:$0x1F980];
	v20 =	vadd.f32 v23, v20  }
0x558: {  	v14 =	vadd.f32 v14, v15;
	v15 =	vmul.f32 v24, v47;
	v10 =	vadd.f32 v11, v10;
	v11 =	vld [tilespmem:$0x1F970]  }
0x559: {  	v9 =	vmul.f32 v17, v52;
	v23 =	vld [tilespmem:s28+$0xFFFFFF80];
	v13, _, _ =	vpop (xrf2);
	(xrf2) =	vadd.scan.msk.f32 $0xffff, v20  }
0x55a: {  	v5 =	vmul.f32 v55, v54;
	v6 =	vmul.f32 v57, v56;
	v7 =	vld [tilespmem:s28+$0xFFFFFFF0];
	v14 =	vadd.f32 v15, v14  }
0x55b: {  	v15 =	vld [tilespmem:s26+$0xFFFFFFF0];
	v9 =	vadd.f32 v9, v10;
	v16 =	vmul.f32 v16, v28  }
0x55c: {  	v59 =	vld [tilespmem:s28+$0x0];
	v4 =	vmul.f32 v12, v58;
	v5 =	vadd.f32 v6, v5;
	v8, _, _ =	vpop (xrf2);
	(xrf2) =	vadd.scan.msk.f32 $0xffff, v14  }
0x55d: {  	v3 =	vld [tilespmem:s26+$0x0];
	v2 =	vmul.f32 v61, v60;
	v9 =	vadd.f32 v16, v9  }
0x55e: {  	v12 =	vadd.f32 v4, v5;
	v0 =	vmul.f32 v32, v11;
	v63 =	vmul.f32 v53, v23  }
0x55f: {  	v62, _, _ =	vpop (xrf2);
	(xrf2) =	vadd.scan.msk.f32 $0xffff, v9  }
0x560: {  	v34 =	vmul.f32 v15, v7;
	v0 =	vadd.f32 v0, v2;
	v33 =	vadd.f32 v63, v12;
	v35, _, _ =	vpop (xrf2)  }
0x561: {  	v36 =	vbroadcast v62, $0xF;
	v37 =	vbroadcast v35, $0xF  }
0x562: {  	v40 =	vmul.f32 v3, v59;
	v39 =	vbroadcast v8, $0xF;
	v0 =	vadd.f32 v34, v0;
	(xrf2) =	vadd.scan.msk.f32 $0xffff, v33  }
0x563: {  	v42 =	vbroadcast v13, $0xF;
	v43, _, _ =	vpop (xrf2);
	v41 =	vsel vm0, v36, v37  }
0x564: {  	v0 =	vadd.f32 v40, v0;
	v44 =	vbroadcast v43, $0xF;
	v1 =	vsel vm1, v41, v39  }
0x565: {  	v45 =	vbroadcast v18, $0xF;
	v1 =	vsel vm2, v1, v42  }
0x566: {  	v46 =	vbroadcast v26, $0xF;
	v1 =	vsel vm3, v1, v44;
	v47, _, _ =	vpop (xrf2);
	(xrf2) =	vadd.scan.msk.f32 $0xffff, v0  }
0x567: {  	v48 =	vsel vm4, v1, v45;
	v50 =	vbroadcast v47, $0xF  }
0x568: {  	v51 =	vbroadcast v38, $0xF;
	v0 =	vsel vm5, v48, v46  }
0x569: {  	v52 =	vbroadcast v31, $0xF;
	v53, _, _ =	vpop (xrf2);
	v0 =	vsel vm6, v0, v50  }
0x56a: {  	v54 =	vbroadcast v53, $0xF;
	v0 =	vsel vm7, v0, v51  }
0x56b: {  	v55 =	vbroadcast v22, $0xF;
	v0 =	vsel vm8, v0, v52  }
0x56c: {  	s5 =	sshra.s32 s29, $0x2;
	v56 =	vbroadcast v21, $0xF;
	v57, _, _ =	vpop (xrf2);
	v0 =	vsel vm9, v0, v54  }
0x56d: {  	v59 =	vld [tilespmem:s5+$0x8580];
	v58 =	vbroadcast v57, $0xF;
	v0 =	vsel vm10, v0, v55  }
0x56e: {  	v60 =	vbroadcast v49, $0xF;
	v0 =	vsel vm11, v0, v56  }
0x56f: {  	v61 =	vld [tilespmem:s5+$0x8780];
	v0 =	vsel vm12, v0, v58  }
0x570: {  	v0 =	vsel vm13, v0, v60;
	v62, _, _ =	vpop (xrf2)  }
0x571: {  	v63 =	vld [tilespmem:$0x8A00];
	v0 =	vsel vm14, v0, v62  }
0x572: {  	v0 =	vadd.f32 v0, v59;
	_ =	sdelay $0x1  }
0x573: {  	v0 =	vadd.f32 v0, v61;
	_ =	sdelay $0x1  }
0x574: {  	v0 =	vadd.f32 v0, v63;
	_ =	sdelay $0x1  }
0x575: {  	v0 =	vsub.f32 $0.0e+00, v0;
	_ =	sdelay $0x1  }
0x576: {  	v0 =	vmul.f32 $1.442695020e+00, v0;
	_ =	sdelay $0x1  }
0x577: {  	(erf) = vpow2.f32 v0;
	_ =	sdelay $0x8  }
0x578: {  	v0 =	vpop (erf)  }
0x579: {  	v0 =	vadd.f32 $1.000000000e+00, v0;
	_ =	sdelay $0x1  }
0x57a: {  	(erf) = vrcp.f32 v0;
	_ =	sdelay $0x8  }
0x57b: {  	v0 =	vpop (erf)  }
0x57c: {  	s28 =	sadd.s32 $0x400, s28;
	[tilespmem:s5+$0x8980] =	vst v0  }
0x57d: {  	s26 =	sadd.s32 $0x400, s26;
	v0 =	vld [tilespmem:s28+$0xFFFFFFC0]  }
0x57e: {  	v21 =	vld [tilespmem:s26+$0xFFFFFFC0]  }
0x57f: {  	v6 =	vld [tilespmem:s28+$0xFFFFFFD0]  }
0x580: {  	v7 =	vld [tilespmem:s26+$0xFFFFFFD0]  }
0x581: {  	v8 =	vld [tilespmem:s28+$0xFFFFFFE0]  }
0x582: {  	v9 =	vld [tilespmem:s26+$0xFFFFFFE0]  }
0x583: {  	v26 =	vld [tilespmem:s28+$0xFFFFFFB0]  }
0x584: {  	v29 =	vld [tilespmem:s26+$0xFFFFFFB0]  }
0x585: {  	v33 =	vld [tilespmem:s28+$0xFFFFFF40]  }
0x586: {  	v35 =	vld [tilespmem:s26+$0xFFFFFF40]  }
0x587: {  	v10 =	vld [tilespmem:s28+$0xFFFFFF70]  }
0x588: {  	v24 =	vld [tilespmem:s28+$0xFFFFFF90]  }
0x589: {  	v25 =	vld [tilespmem:s26+$0xFFFFFF90]  }
0x58a: {  	v30 =	vld [tilespmem:s28+$0xFFFFFFA0]  }
0x58b: {  	v47 =	vld [tilespmem:s26+$0xFFFFFFA0]  }
0x58c: {  	v22 =	vld [tilespmem:s28+$0xFFFFFF00]  }
0x58d: {  	v34 =	vld [tilespmem:s26+$0xFFFFFF00]  }
0x58e: {  	v31 =	vld [tilespmem:s28+$0xFFFFFF30]  }
0x58f: {  	v32 =	vld [tilespmem:s26+$0xFFFFFF30]  }
0x590: {  	v11 =	vld [tilespmem:s28+$0xFFFFFF50]  }
0x591: {  	v36 =	vld [tilespmem:s26+$0xFFFFFF50]  }
0x592: {  	v37 =	vld [tilespmem:s28+$0xFFFFFF60]  }
0x593: {  	v38 =	vld [tilespmem:s26+$0xFFFFFF60]  }
0x594: {  	v41 =	vld [tilespmem:s28+$0xFFFFFEF0]  }
0x595: {  	v44 =	vld [tilespmem:s26+$0xFFFFFEF0]  }
0x596: {  	v53 =	vld [tilespmem:s28+$0xFFFFFF10]  }
0x597: {  	v54 =	vld [tilespmem:s26+$0xFFFFFF10]  }
0x598: {  	v55 =	vld [tilespmem:s28+$0xFFFFFF20]  }
0x599: {  	v56 =	vld [tilespmem:s26+$0xFFFFFF20]  }
0x59a: {  	v39 =	vld [tilespmem:s28+$0xFFFFFE80]  }
0x59b: {  	v40 =	vld [tilespmem:s28+$0xFFFFFEB0]  }
0x59c: {  	v57 =	vld [tilespmem:s28+$0xFFFFFED0]  }
0x59d: {  	v58 =	vld [tilespmem:s26+$0xFFFFFED0]  }
0x59e: {  	v59 =	vld [tilespmem:s28+$0xFFFFFEE0]  }
0x59f: {  	v60 =	vld [tilespmem:s26+$0xFFFFFEE0]  }
0x5a0: {  	v42 =	vld [tilespmem:s28+$0xFFFFFE40]  }
0x5a1: {  	v51 =	vld [tilespmem:s28+$0xFFFFFE70]  }
0x5a2: {  	v52 =	vld [tilespmem:s26+$0xFFFFFE70]  }
0x5a3: {  	v43 =	vld [tilespmem:s28+$0xFFFFFE90]  }
0x5a4: {  	v45 =	vld [tilespmem:s26+$0xFFFFFE90]  }
0x5a5: {  	v46 =	vld [tilespmem:s28+$0xFFFFFEA0]  }
0x5a6: {  	v48 =	vld [tilespmem:s26+$0xFFFFFEA0]  }
0x5a7: {  	v61 =	vld [tilespmem:s28+$0xFFFFFE50]  }
0x5a8: {  	v62 =	vld [tilespmem:s26+$0xFFFFFE50]  }
0x5a9: {  	v63 =	vld [tilespmem:s28+$0xFFFFFE60]  }
0x5aa: {  	v49 =	vld [tilespmem:s28+$0xFFFFFDF0]  }
0x5ab: {  	v1 =	vld [tilespmem:s28+$0xFFFFFE10]  }
0x5ac: {  	v2 =	vld [tilespmem:s26+$0xFFFFFE10]  }
0x5ad: {  	v3 =	vld [tilespmem:s28+$0xFFFFFE20]  }
0x5ae: {  	v4 =	vld [tilespmem:s26+$0xFFFFFE20]  }
0x5af: {  	v50 =	vld [tilespmem:s28+$0xFFFFFD80]  }
0x5b0: {  	v5 =	vld [tilespmem:s28+$0xFFFFFDB0]  }
0x5b1: {  	v23 =	vld [tilespmem:s26+$0xFFFFFDD0]  }
0x5b2: {  	v12 =	vld [tilespmem:s26+$0xFFFFFDA0]  }
0x5b3: {  	v13 =	vld [tilespmem:s28+$0xFFFFFD00]  }
0x5b4: {  	v19 =	vld [tilespmem:s28+$0xFFFFFD30]  }
0x5b5: {  	v14 =	vld [tilespmem:s26+$0xFFFFFD50]  }
0x5b6: {  	v15 =	vld [tilespmem:s28+$0xFFFFFD60]  }
0x5b7: {  	v16 =	vld [tilespmem:s26+$0xFFFFFD60]  }
0x5b8: {  	v27 =	vld [tilespmem:s28+$0xFFFFFCC0]  }
0x5b9: {  	v28 =	vld [tilespmem:s26+$0xFFFFFCC0]  }
0x5ba: {  	v17 =	vld [tilespmem:s28+$0xFFFFFCF0]  }
0x5bb: {  	v18 =	vld [tilespmem:s26+$0xFFFFFCF0]  }
0x5bc: {  	[tilespmem:$0x1F910] =	vst v39;
	v39 =	vld [tilespmem:s26+$0xFFFFFE80]  }
0x5bd: {  	[tilespmem:$0x1F9D0] =	vst v38;
	v38 =	vld [tilespmem:s26+$0xFFFFFE40]  }
0x5be: {  	[tilespmem:$0x1FA20] =	vst v48;
	v48 =	vld [tilespmem:s28+$0xFFFFFE30]  }
0x5bf: {  	[tilespmem:$0x1F9B0] =	vst v36;
	v36 =	vld [tilespmem:s26+$0xFFFFFE30]  }
0x5c0: {  	[tilespmem:$0x1F900] =	vst v0;
	v0 =	vld [tilespmem:s26+$0xFFFFFE60]  }
0x5c1: {  	[tilespmem:$0x1F9C0] =	vst v37;
	v37 =	vld [tilespmem:s28+$0xFFFFFDC0]  }
0x5c2: {  	[tilespmem:$0x1FA00] =	vst v45;
	v45 =	vld [tilespmem:s26+$0xFFFFFDC0]  }
0x5c3: {  	[tilespmem:$0x1F9E0] =	vst v40;
	v40 =	vld [tilespmem:s26+$0xFFFFFD80]  }
0x5c4: {  	[tilespmem:$0x1F950] =	vst v6;
	v6 =	vld [tilespmem:s26+$0xFFFFFDB0]  }
0x5c5: {  	[tilespmem:$0x1FA30] =	vst v49;
	v49 =	vld [tilespmem:s28+$0xFFFFFDD0]  }
0x5c6: {  	[tilespmem:$0x1F9F0] =	vst v43;
	v43 =	vld [tilespmem:s28+$0xFFFFFDE0]  }
0x5c7: {  	[tilespmem:$0x1F920] =	vst v42;
	v42 =	vld [tilespmem:s26+$0xFFFFFDE0]  }
0x5c8: {  	[tilespmem:$0x1F960] =	vst v7;
	v7 =	vld [tilespmem:s28+$0xFFFFFD70]  }
0x5c9: {  	[tilespmem:$0x1F970] =	vst v8;
	v8 =	vld [tilespmem:s26+$0xFFFFFD70]  }
0x5ca: {  	[tilespmem:$0x1F980] =	vst v9;
	v9 =	vld [tilespmem:s28+$0xFFFFFD90]  }
0x5cb: {  	[tilespmem:$0x1F990] =	vst v10;
	v10 =	vld [tilespmem:s26+$0xFFFFFD90]  }
0x5cc: {  	[tilespmem:$0x1F9A0] =	vst v11;
	v11 =	vld [tilespmem:s28+$0xFFFFFDA0]  }
0x5cd: {  	[tilespmem:$0x1FA10] =	vst v46;
	v46 =	vld [tilespmem:s26+$0xFFFFFD00]  }
0x5ce: {  	[tilespmem:$0x1F940] =	vst v13;
	v13 =	vld [tilespmem:s28+$0xFFFFFD50]  }
0x5cf: {  	[tilespmem:$0x1F930] =	vst v50;
	v50 =	vld [tilespmem:s28+$0xFFFFFD10]  }
0x5d0: {  	v20 =	vmul.f32 v25, v24;
	v24 =	vld [tilespmem:s26+$0xFFFFFD10]  }
0x5d1: {  	v30 =	vmul.f32 v47, v30;
	v25 =	vld [tilespmem:s28+$0xFFFFFD20]  }
0x5d2: {  	v47 =	vmul.f32 v54, v53;
	v53 =	vmul.f32 v32, v31;
	v31 =	vld [tilespmem:s28+$0xFFFFFCB0]  }
0x5d3: {  	v32 =	vld [tilespmem:s26+$0xFFFFFCB0]  }
0x5d4: {  	v58 =	vmul.f32 v58, v57;
	v57 =	vmul.f32 v60, v59;
	v60 =	vld [tilespmem:s26+$0xFFFFFCE0]  }
0x5d5: {  	v22 =	vmul.f32 v34, v22;
	v34 =	vld [tilespmem:s26+$0xFFFFFC30];
	v20 =	vadd.f32 v30, v20;
	v30 =	vmul.f32 v29, v26  }
0x5d6: {  	v41 =	vmul.f32 v44, v41;
	v44 =	vld [tilespmem:s26+$0xFFFFFC90]  }
0x5d7: {  	v20 =	vadd.f32 v30, v20;
	v30 =	vld [tilespmem:$0x1F900]  }
0x5d8: {  	v59 =	vmul.f32 v62, v61;
	v61 =	vmul.f32 v52, v51;
	v52 =	vld [tilespmem:s26+$0xFFFFFCA0]  }
0x5d9: {  	v51 =	vld [tilespmem:$0x1F920];
	v58 =	vadd.f32 v57, v58  }
0x5da: {  	v56 =	vmul.f32 v56, v55;
	v26 =	vld [tilespmem:s26+$0xFFFFFD20]  }
0x5db: {  	v33 =	vmul.f32 v35, v33;
	v29 =	vld [tilespmem:s28+$0xFFFFFC40];
	v35 =	vadd.f32 v41, v58  }
0x5dc: {  	v47 =	vadd.f32 v56, v47;
	v41 =	vld [tilespmem:s28+$0xFFFFFC60];
	v21 =	vmul.f32 v21, v30  }
0x5dd: {  	v0 =	vmul.f32 v0, v63;
	v57 =	vmul.f32 v45, v37;
	v37 =	vld [tilespmem:s28+$0xFFFFFC20];
	v63 =	vadd.f32 v22, v35  }
0x5de: {  	v35 =	vld [tilespmem:$0x1F910];
	v20 =	vadd.f32 v21, v20;
	v21 =	vadd.f32 v53, v47  }
0x5df: {  	v1 =	vmul.f32 v2, v1;
	v22 =	vld [tilespmem:s28+$0xFFFFFC90]  }
0x5e0: {  	v62 =	vmul.f32 v4, v3;
	v2 =	vmul.f32 v38, v51;
	v38 =	vld [tilespmem:s28+$0xFFFFFC50];
	v21 =	vadd.f32 v33, v21  }
0x5e1: {  	v47 =	vld [tilespmem:s28+$0xFFFFFCD0];
	(xrf2) =	vadd.scan.msk.f32 $0xffff, v20  }
0x5e2: {  	v1 =	vadd.f32 v62, v1;
	v9 =	vmul.f32 v10, v9;
	v62 =	vmul.f32 v12, v11;
	v20 =	vld [tilespmem:s26+$0xFFFFFCD0];
	(xrf2) =	vadd.scan.msk.f32 $0xffff, v21  }
0x5e3: {  	v0 =	vadd.f32 v0, v59;
	(xrf2) =	vadd.scan.msk.f32 $0xffff, v63;
	v63 =	vld [tilespmem:s28+$0xFFFFFCA0]  }
0x5e4: {  	v55 =	vmul.f32 v16, v15;
	v9 =	vadd.f32 v62, v9;
	v62 =	vmul.f32 v18, v17;
	v53 =	vld [tilespmem:s28+$0xFFFFFCE0]  }
0x5e5: {  	v17 =	vmovc v43;
	v43 =	vld [tilespmem:s26+$0xFFFFFC60];
	v0 =	vadd.f32 v61, v0;
	v4 =	vmul.f32 v39, v35;
	v39 =	vmul.f32 v36, v48  }
0x5e6: {  	v5 =	vmul.f32 v6, v5;
	v54 =	vmul.f32 v14, v13;
	v61 =	vld [tilespmem:$0x1F930]  }
0x5e7: {  	v58 =	vmul.f32 v8, v7;
	v30 =	vld [tilespmem:s26+$0xFFFFFC40];
	v0 =	vadd.f32 v4, v0;
	v1 =	vadd.f32 v39, v1  }
0x5e8: {  	p0 =	sne.s32 s30, $0x1C0;
	v56 =	vadd.f32 v5, v9;
	v59 =	vmul.f32 v20, v47;
	v47 =	vmul.f32 v52, v63;
	v63 =	vld [tilespmem:$0x1F940]  }
.Ltmp3:
0x5e9: {  	v35 =	vld [tilespmem:s28+$0xFFFFFC10];
	v1 =	vadd.f32 v2, v1;
	v60 =	vmul.f32 v60, v53;
	(xrf2) =	vadd.scan.msk.f32 $0xffff, v0;
	v0 =	vadd.f32 v55, v54;
	(pc) =	sbr.rel @p0 .LBB2_8-.Ltmp3, $4  }
0x5ea: {  	v15 =	vmov v49;
	v36 =	vld [tilespmem:s26+$0xFFFFFC10];
	v2 =	vadd.f32 v57, v56  }
0x5eb: {  	v33 =	vld [tilespmem:s28+$0xFFFFFC30];
	v5 =	vmul.f32 v40, v61;
	v0 =	vadd.f32 v58, v0;
	v49, _, _ =	vpop (xrf2);
	(xrf2) =	vadd.scan.msk.f32 $0xffff, v1;
	v1 =	vadd.f32 v60, v59  }
0x5ec: {  	v16 =	vmov v23;
	v18 =	vmov v42;
	v44 =	vmul.f32 v44, v22;
	v39 =	vld [tilespmem:s26+$0xFFFFFC20];
	v21, _, _ =	vpop (xrf2)  }
0x5ed: {  	s29 =	smov.u32 s30;
	s30 =	sadd.s32 $0x40, s30;
	v40 =	vld [tilespmem:s26+$0xFFFFFC50];
	v42 =	vadd.f32 v5, v0;
	(xrf2) =	vadd.scan.msk.f32 $0xffff, v2;
	v45 =	vadd.f32 v62, v1;
	v22, _, _ =	vpop (xrf2);
	v46 =	vmul.f32 v46, v63  }
0x5ee: {  	v0 =	vld [tilespmem:s28+$0xFFFFFC70]  }
0x5ef: {  	v1 =	vld [tilespmem:s26+$0xFFFFFC70]  }
0x5f0: {  	v4 =	vld [tilespmem:s28+$0xFFFFFC80]  }
0x5f1: {  	v8 =	vld [tilespmem:s26+$0xFFFFFC80]  }
0x5f2: {  	v10 =	vld [tilespmem:s26+$0xFFFFFD30]  }
0x5f3: {  	v12 =	vld [tilespmem:s28+$0xFFFFFD40]  }
0x5f4: {  	v14 =	vld [tilespmem:s26+$0xFFFFFDF0]  }
0x5f5: {  	v9 =	vmul.f32 v43, v41;
	v41 =	vld [tilespmem:s28+$0xFFFFFE00]  }
0x5f6: {  	v43 =	vld [tilespmem:s26+$0xFFFFFE00]  }
0x5f7: {  	v48 =	vld [tilespmem:s28+$0xFFFFFEC0]  }
0x5f8: {  	v51 =	vld [tilespmem:s26+$0xFFFFFEC0]  }
0x5f9: {  	v53 =	vld [tilespmem:$0x1F9F0]  }
0x5fa: {  	v54 =	vld [tilespmem:$0x1FA00]  }
0x5fb: {  	v55 =	vld [tilespmem:$0x1FA10]  }
0x5fc: {  	v56 =	vld [tilespmem:$0x1FA20]  }
0x5fd: {  	v57 =	vld [tilespmem:s26+$0xFFFFFF70]  }
0x5fe: {  	v59 =	vld [tilespmem:s28+$0xFFFFFF80]  }
0x5ff: {  	v3 =	vmul.f32 v32, v31;
	v11 =	vmul.f32 v28, v27;
	v61 =	vld [tilespmem:$0x1F9E0]  }
0x600: {  	v2 =	vadd.f32 v47, v44;
	v62 =	vld [tilespmem:s26+$0xFFFFFF80];
	v5 =	vmul.f32 v36, v35;
	v6 =	vmul.f32 v39, v37  }
0x601: {  	v13 =	vmul.f32 v30, v29;
	v20 =	vld [tilespmem:$0x1F9D0];
	v7 =	vadd.f32 v46, v45;
	v35 =	vmul.f32 v40, v38  }
0x602: {  	v28 =	vld [tilespmem:$0x1F990];
	v45 =	vmul.f32 v18, v17;
	v36 =	vmul.f32 v34, v33;
	v5 =	vadd.f32 v6, v5  }
0x603: {  	v2 =	vadd.f32 v3, v2;
	v37 =	vld [tilespmem:s26+$0xFFFFFD40];
	v0 =	vmul.f32 v1, v0;
	v3 =	vadd.f32 v9, v35  }
0x604: {  	v39 =	vmul.f32 v26, v25;
	v38 =	vmul.f32 v24, v50;
	v50 =	vld [tilespmem:$0x1FA30];
	v5 =	vadd.f32 v36, v5  }
0x605: {  	(xrf2) =	vadd.scan.msk.f32 $0xffff, v42;
	v46 =	vld [tilespmem:s26+$0xFFFFFEB0];
	v2 =	vadd.f32 v11, v2;
	v40 =	vmul.f32 v8, v4;
	v0 =	vadd.f32 v0, v3  }
0x606: {  	v17 =	vld [tilespmem:$0x1F9A0];
	(xrf2) =	vadd.scan.msk.f32 $0xffff, v7;
	v42 =	vmul.f32 v10, v19;
	v6 =	vadd.f32 v39, v38;
	v5 =	vadd.f32 v13, v5  }
0x607: {  	v44 =	vmul.f32 v16, v15;
	v18 =	vld [tilespmem:$0x1F9B0];
	(xrf2) =	vadd.scan.msk.f32 $0xffff, v2;
	v0 =	vadd.f32 v40, v0  }
0x608: {  	v19 =	vld [tilespmem:$0x1F9C0];
	v47 =	vadd.f32 v42, v6;
	v1 =	vmul.f32 v37, v12;
	(xrf2) =	vadd.scan.msk.f32 $0xffff, v5  }
0x609: {  	v31 =	vld [tilespmem:$0x1F950];
	v2 =	vadd.f32 v45, v44;
	v3 =	vmul.f32 v14, v50;
	(xrf2) =	vadd.scan.msk.f32 $0xffff, v0  }
0x60a: {  	v32 =	vld [tilespmem:$0x1F960];
	v52 =	vadd.f32 v1, v47;
	v1 =	vmul.f32 v54, v53;
	v5 =	vmul.f32 v56, v55  }
0x60b: {  	v58 =	vmul.f32 v43, v41;
	v35 =	vld [tilespmem:$0x1F970];
	v2 =	vadd.f32 v3, v2  }
0x60c: {  	v60, _, _ =	vpop (xrf2);
	v36 =	vld [tilespmem:$0x1F980];
	v1 =	vadd.f32 v5, v1;
	v5 =	vmul.f32 v46, v61;
	(xrf2) =	vadd.scan.msk.f32 $0xffff, v52  }
0x60d: {  	v23 =	vld [tilespmem:s28+$0xFFFFFFF0];
	v63, _, _ =	vpop (xrf2);
	v11 =	vmul.f32 v20, v19;
	v3 =	vmul.f32 v18, v17;
	v2 =	vadd.f32 v58, v2  }
0x60e: {  	v26 =	vld [tilespmem:s26+$0xFFFFFFF0];
	v25 =	vmul.f32 v51, v48;
	v24, _, _ =	vpop (xrf2);
	v1 =	vadd.f32 v5, v1  }
0x60f: {  	v29 =	vld [tilespmem:s28+$0x0];
	v10 =	vmul.f32 v57, v28;
	v27, _, _ =	vpop (xrf2);
	v3 =	vadd.f32 v11, v3;
	(xrf2) =	vadd.scan.msk.f32 $0xffff, v2  }
0x610: {  	v33 =	vld [tilespmem:s26+$0x0];
	v4 =	vmul.f32 v62, v59;
	v30, _, _ =	vpop (xrf2);
	v1 =	vadd.f32 v25, v1  }
0x611: {  	v9 =	vmul.f32 v36, v35;
	v5 =	vmul.f32 v32, v31;
	v3 =	vadd.f32 v10, v3;
	v34, _, _ =	vpop (xrf2)  }
0x612: {  	(xrf2) =	vadd.scan.msk.f32 $0xffff, v1;
	v37, _, _ =	vpop (xrf2)  }
0x613: {  	v40 =	vmul.f32 v26, v23;
	v38 =	vadd.f32 v4, v3;
	v39 =	vadd.f32 v9, v5;
	v41, _, _ =	vpop (xrf2)  }
0x614: {  	v42 =	vbroadcast v37, $0xF;
	v5 =	vbroadcast v41, $0xF  }
0x615: {  	v44 =	vmul.f32 v33, v29;
	v43 =	vbroadcast v34, $0xF;
	v3 =	vadd.f32 v40, v39;
	(xrf2) =	vadd.scan.msk.f32 $0xffff, v38  }
0x616: {  	v2 =	vbroadcast v30, $0xF;
	v46, _, _ =	vpop (xrf2);
	v45 =	vsel vm0, v42, v5  }
0x617: {  	v3 =	vadd.f32 v44, v3;
	v5 =	vbroadcast v46, $0xF;
	v1 =	vsel vm1, v45, v43  }
0x618: {  	v47 =	vbroadcast v27, $0xF;
	v1 =	vsel vm2, v1, v2  }
0x619: {  	v48 =	vbroadcast v24, $0xF;
	(xrf2) =	vadd.scan.msk.f32 $0xffff, v3;
	v50, _, _ =	vpop (xrf2);
	v1 =	vsel vm3, v1, v5  }
0x61a: {  	v51 =	vbroadcast v50, $0xF;
	v1 =	vsel vm4, v1, v47  }
0x61b: {  	v0 =	vbroadcast v63, $0xF;
	v1 =	vsel vm5, v1, v48  }
0x61c: {  	v52 =	vbroadcast v60, $0xF;
	v53, _, _ =	vpop (xrf2);
	v1 =	vsel vm6, v1, v51  }
0x61d: {  	v54 =	vbroadcast v53, $0xF;
	v0 =	vsel vm7, v1, v0  }
0x61e: {  	v55 =	vbroadcast v22, $0xF;
	v0 =	vsel vm8, v0, v52  }
0x61f: {  	s5 =	sshra.s32 s29, $0x2;
	v56 =	vbroadcast v21, $0xF;
	v57, _, _ =	vpop (xrf2);
	v0 =	vsel vm9, v0, v54  }
0x620: {  	v59 =	vld [tilespmem:s5+$0x8580];
	v58 =	vbroadcast v57, $0xF;
	v0 =	vsel vm10, v0, v55  }
0x621: {  	v60 =	vbroadcast v49, $0xF;
	v0 =	vsel vm11, v0, v56  }
0x622: {  	v61 =	vld [tilespmem:s5+$0x8780];
	v0 =	vsel vm12, v0, v58  }
0x623: {  	v62, _, _ =	vpop (xrf2);
	v0 =	vsel vm13, v0, v60  }
0x624: {  	v63 =	vld [tilespmem:$0x8A00];
	v0 =	vsel vm14, v0, v62  }
0x625: {  	v0 =	vadd.f32 v0, v59;
	_ =	sdelay $0x1  }
0x626: {  	v0 =	vadd.f32 v0, v61;
	_ =	sdelay $0x1  }
0x627: {  	v0 =	vadd.f32 v0, v63;
	_ =	sdelay $0x1  }
0x628: {  	v0 =	vsub.f32 $0.0e+00, v0;
	_ =	sdelay $0x1  }
0x629: {  	v0 =	vmul.f32 $1.442695020e+00, v0;
	_ =	sdelay $0x1  }
0x62a: {  	(erf) = vpow2.f32 v0;
	_ =	sdelay $0x8  }
0x62b: {  	v0 =	vpop (erf)  }
0x62c: {  	v0 =	vadd.f32 $1.000000000e+00, v0;
	_ =	sdelay $0x1  }
0x62d: {  	(erf) = vrcp.f32 v0;
	_ =	sdelay $0x7  }
0x62e: {  	s23 =	sadd.s32 $0x1, s23  }
0x62f: {  	p0 =	sne.s32 s23, s15;
	v0 =	vpop (erf)  }
.Ltmp4:
0x630: {  	s30 =	simm.s32 $0x8800;
	[tilespmem:s5+$0x8980] =	vst v0;
	(pc) =	sbr.rel @p0 .LBB2_1-.Ltmp4, $4  }
0x631: {  	[hbm4b:s14+s1] =	stream.linear.scatter [tilespmem:s30], [sflag:$0x5], $0x200, $0x38;
	[tilespmem:$0x8A10] =	vst v63  }
0x632: {  	_ =	swait.ge [sflag:s24], $0x200  }
0x633: {  	[sflag:s24] =	ssyncset.done $0x0  }
0x634: {  	[sflag:s24] =	ssyncadd.s32 $0xFFFFFE00  }
0x635: {  	_ =	sfence.sel $0x180000  }
0x636: {  	[bflag:$0x0] =	sbarrier.arrive $0xFFFF  }
0x637: {  	_ =	strace $0x90000047  }
0x638: {  	s0 =	stileid.u32;
	[bflag:$0x2] =	sbarrier.arrive $0xFFFF  }
0x639: {  	p0 =	sne.s32 s0, $0x0;
	s0 =	rddreg [dreg:$0x4]  }
0x63a: {  	s0 =	sadd.s32 @!p0 $0x100000, s0  }
0x63b: {  	[sflag:s0] =	ssyncadd.tile.s32 @!p0 $0x1;
	_ =	shalt  }
.Lfunc_end2:
_tile_overlayer_lowered:
.L_overlay_start_2:
0x63c: {  	(tag) =	ssettag $0x2  }
0x63d: {  	s0 =	rddreg [dreg:$0x0];
	s2 =	stileid.u32  }
0x63e: {  	s1 =	rddreg [dreg:$0x1];
	p0 =	sne.s32 s2, $0x0  }
0x63f: {  	s3 =	rddreg [dreg:$0x2];
	[bflag:$0x3] =	sbarrier.arrive $0xFFFF;
	s2 =	simm.s32 @!p0 $0x1C05  }
0x640: {  	[timem:s3], [sflag:s2] =	dma.local @!p0 [hbm:s0], s1  }
0x641: {  	s0 =	simm.s32 @!p0 $0x5  }
0x642: {  	_ =	swait.ge @!p0 [sflag:s0], s1  }
0x643: {  	s1 =	ssub.s32 @!p0 $0x0, s1;
	[sflag:s0] =	ssyncset.done @!p0 $0x0  }
0x644: {  	[sflag:s0] =	ssyncadd.s32 @!p0 s1  }
0x645: {  	[bflag:$0x3] =	sbarrier.arrive $0xFFFF  }
0x646: {  	_ =	shalt  }

</sc_bundles>
